<compile_context>
chip_gen: v7x
topology: tpu7x:2x2x1
jax: 0.10.2.dev20260603
libtpu: 0.0.44.dev20260713+nightly
codegen_flags: <defaults>
</compile_context>

<pallas_src>
import functools

import jax
import jax.numpy as jnp
from jax import lax
from jax.experimental import pallas as pl
from jax.experimental.pallas import tpu as pltpu
from jax.experimental.pallas import tpu_sc as plsc

NAT = 10000
E = 320000
D = 128
NUM_RBF = 64

N_CORES = 2
N_SUB = 16
C = 128
TOTAL_CHUNKS = 2500
E_PAD = TOTAL_CHUNKS * C
CH_MAX = 184
STAGE_ROWS = 2504
NAT_PAD = 10752
N_PHASE = 3
QUARTER = NAT_PAD // (N_CORES * N_PHASE)
ACC_ROWS = QUARTER + 128
ZERO_PER_TILE = ACC_ROWS // N_SUB
FLUSH_PER_TILE = QUARTER // N_SUB
TAIL_ROWS = NAT - NAT // FLUSH_PER_TILE * FLUSH_PER_TILE
LANES = 16
VPR = D // LANES
SEG_VPC = C // LANES


BF = 2560

_LN2 = 0.6931471805599453


def _ssp(x):
    return jnp.maximum(x, 0.0) + jnp.log1p(jnp.exp(-jnp.abs(x))) - _LN2


def _filter_body(d_ref, c_ref, g_ref, w1_ref, b1_ref, w2_ref, b2_ref, f_ref):
    d = d_ref[0]
    cen = c_ref[:]
    gam = g_ref[:]
    diff = d - cen
    ex = jnp.exp(-gam * diff * diff)
    h = lax.dot_general(ex, w1_ref[:], (((0,), (0,)), ((), ())),
                        preferred_element_type=jnp.float32)
    h = _ssp(h + b1_ref[:])
    h = jnp.dot(h, w2_ref[:], preferred_element_type=jnp.float32)
    f_ref[:] = _ssp(h + b2_ref[:])


def _filter(distances, centers, gamma, W1, b1, W2, b2):
    grid = E_PAD // BF
    return pl.pallas_call(
        _filter_body,
        grid=(grid,),
        in_specs=[
            pl.BlockSpec((1, 1, BF), lambda i: (i, 0, 0)),
            pl.BlockSpec((NUM_RBF, 1), lambda i: (0, 0)),
            pl.BlockSpec((NUM_RBF, 1), lambda i: (0, 0)),
            pl.BlockSpec((NUM_RBF, D), lambda i: (0, 0)),
            pl.BlockSpec((1, D), lambda i: (0, 0)),
            pl.BlockSpec((D, D), lambda i: (0, 0)),
            pl.BlockSpec((1, D), lambda i: (0, 0)),
        ],
        out_specs=pl.BlockSpec((BF, D), lambda i: (i, 0)),
        out_shape=jax.ShapeDtypeStruct((E_PAD, D), jnp.float32),
    )(distances.reshape(grid, 1, BF), centers.reshape(NUM_RBF, 1),
      gamma.reshape(NUM_RBF, 1), W1, b1.reshape(1, D), W2, b2.reshape(1, D))


def _sc_body(af, f, idx2d, seg2d, ranges, zeros, out,
             idx_v, seg_v, f_v, rows_v, seg_adj, acc, rng, gsem, fsem):
    cid = lax.axis_index("c")
    sid = lax.axis_index("s")

    for p in range(N_PHASE):
        if p:
            plsc.subcore_barrier()
        pltpu.sync_copy(ranges.at[cid * N_PHASE * N_SUB + p * N_SUB + sid], rng)
        rngv = rng[...]
        base = pl.multiple_of(rngv[0], 8)
        c_lo = rngv[1]
        c_hi = rngv[2]
        seg_off = (N_CORES * p + cid) * QUARTER

        pltpu.sync_copy(zeros,
                        acc.at[pl.ds(sid * ZERO_PER_TILE, ZERO_PER_TILE)])
        pltpu.sync_copy(idx2d.at[pl.ds(base, CH_MAX)], idx_v)
        pltpu.sync_copy(seg2d.at[pl.ds(base, CH_MAX)], seg_v)
        plsc.subcore_barrier()

        def _stage(t, bi, bp):
            @pl.when(t < c_hi)
            def _issue():
                jr = t - base
                pltpu.async_copy(af.at[idx_v.at[jr]], rows_v[bi], gsem[bi])
                ebase = pl.multiple_of(t * C, 8)
                pltpu.async_copy(f.at[pl.ds(ebase, C)], f_v[bi], fsem[bi])

            @pl.when(t - 1 >= c_lo)
            def _process():
                jr = t - 1 - base
                for k in range(SEG_VPC):
                    sl = pl.ds(k * LANES, LANES)
                    s = seg_v[jr, sl] - seg_off
                    ok = (s >= 0) & (s < QUARTER)
                    seg_adj[bp][0, sl] = jnp.where(ok, s, QUARTER)
                ebase = pl.multiple_of((t - 1) * C, 8)
                pltpu.make_async_copy(
                    af.at[idx_v.at[jr]], rows_v[bp], gsem[bp]).wait()
                pltpu.make_async_copy(
                    f.at[pl.ds(ebase, C)], f_v[bp], fsem[bp]).wait()

                @pl.loop(0, C)
                def _row(i):
                    for k in range(VPR):
                        sl = pl.ds(k * LANES, LANES)
                        rows_v[bp][i, sl] = rows_v[bp][i, sl] * f_v[bp][i, sl]

                pltpu.sync_copy(rows_v[bp], acc.at[seg_adj[bp].at[0]],
                                add=True)

        @pl.loop(c_lo, c_hi + 1)
        def _step(t):
            even = (t % 2) == 0

            @pl.when(even)
            def _():
                _stage(t, 0, 1)

            @pl.when(jnp.logical_not(even))
            def _():
                _stage(t, 1, 0)

        plsc.subcore_barrier()
        row_base = pl.multiple_of(sid * FLUSH_PER_TILE, 8)
        out_base = pl.multiple_of(seg_off + sid * FLUSH_PER_TILE, 8)
        left = NAT - out_base

        @pl.when(left >= FLUSH_PER_TILE)
        def _flush_full():
            pltpu.sync_copy(acc.at[pl.ds(row_base, FLUSH_PER_TILE)],
                            out.at[pl.ds(out_base, FLUSH_PER_TILE)])

        @pl.when((left > 0) & (left < FLUSH_PER_TILE))
        def _flush_tail():
            pltpu.sync_copy(acc.at[pl.ds(row_base, TAIL_ROWS)],
                            out.at[pl.ds(out_base, TAIL_ROWS)])


_sc_scatter = functools.partial(
    pl.kernel,
    out_type=jax.ShapeDtypeStruct((NAT, D), jnp.float32),
    mesh=plsc.VectorSubcoreMesh(core_axis_name="c", subcore_axis_name="s"),
    scratch_types=[
        pltpu.VMEM((CH_MAX, C), jnp.int32),
        pltpu.VMEM((CH_MAX, C), jnp.int32),
        [pltpu.VMEM((C, D), jnp.float32)] * 2,
        [pltpu.VMEM((C, D), jnp.float32)] * 2,
        [pltpu.VMEM((8, C), jnp.int32)] * 2,
        pltpu.VMEM_SHARED((ACC_ROWS, D), jnp.float32),
        pltpu.VMEM((16,), jnp.int32),
        [pltpu.SemaphoreType.DMA] * 2,
        [pltpu.SemaphoreType.DMA] * 2,
    ],
)(_sc_body)


def _tile_ranges(seg):
    qb = (jnp.arange(1, N_CORES * N_PHASE, dtype=jnp.int32) * QUARTER)
    bounds = jnp.sum(seg[None, :] < qb[:, None], axis=1).astype(jnp.int32)
    b = jnp.concatenate([jnp.zeros((1,), jnp.int32), bounds,
                         jnp.full((1,), E, jnp.int32)])
    q_idx = (jnp.arange(N_PHASE, dtype=jnp.int32)[None, :] * N_CORES
             + jnp.arange(N_CORES, dtype=jnp.int32)[:, None])
    lo = b[q_idx] // C
    hi = (b[q_idx + 1] + C - 1) // C
    n = (hi - lo)[..., None]
    t = jnp.arange(N_SUB, dtype=jnp.int32)
    b_lo = lo[..., None] + (n * t // N_SUB) // 8 * 8
    b_hi = jnp.where(t == N_SUB - 1, hi[..., None],
                     lo[..., None] + (n * (t + 1) // N_SUB) // 8 * 8)
    base = jnp.clip(b_lo // 8 * 8, 0, (STAGE_ROWS - CH_MAX) // 8 * 8)
    z = jnp.zeros_like(base)
    rows = jnp.stack([base, b_lo, b_hi] + [z] * 13, axis=-1)
    return rows.reshape(N_CORES * N_PHASE * N_SUB, 16).astype(jnp.int32)


def kernel(atom_features, distances, idx_j, seg_i, centers, gamma, W1, b1, W2, b2):
    idx32 = idx_j.astype(jnp.int32)
    seg32 = seg_i.astype(jnp.int32)
    f = _filter(distances, centers, gamma, W1, b1, W2, b2)
    ranges = _tile_ranges(seg32)
    pad = jnp.zeros((STAGE_ROWS - TOTAL_CHUNKS, C), jnp.int32)
    idx2d = jnp.concatenate([idx32.reshape(TOTAL_CHUNKS, C), pad])
    seg2d = jnp.concatenate([seg32.reshape(TOTAL_CHUNKS, C), pad])
    zeros = jnp.zeros((ZERO_PER_TILE, D), jnp.float32)
    return _sc_scatter(atom_features, f, idx2d, seg2d, ranges, zeros)

# --- scband reference (transcript-rebuilt; emitter-appended) ---
"""Pipeline reference for scband-continuous-filter-convolution-20332375179746 (READ-ONLY COPY).

The authoritative reference and input builder live on the scoring server;
editing this copy changes nothing except your own understanding.
"""

import jax, jax.numpy as jnp
import numpy as np

NAT = 10000
E = 320000
D = 128
NUM_RBF = 64
CUTOFF = 15.0

def setup_inputs(seed: int = 0) -> dict:
    key = jax.random.key(seed)
    k1, k2, k3, k4, k5, k6 = jax.random.split(key, 6)
    atom_features = jax.random.normal(k1, (NAT, D), dtype=jnp.float32)
    distances = jax.random.uniform(k2, (E,), dtype=jnp.float32) * CUTOFF
    idx_j = jax.random.randint(k3, (E,), 0, NAT, dtype=jnp.int64)
    seg_i = jnp.sort(jax.random.randint(k4, (E,), 0, NAT, dtype=jnp.int64))
    # RBF params (rbf_trainable=True)
    centers = jnp.linspace(0.0, CUTOFF, NUM_RBF).astype(jnp.float32)
    gamma = jnp.ones((NUM_RBF,), dtype=jnp.float32) * 10.0
    # Linear layers (flax Linear: kernel shape (in, out))
    W1 = jax.random.normal(k5, (NUM_RBF, D), dtype=jnp.float32) / np.sqrt(NUM_RBF)
    b1 = jnp.zeros((D,), dtype=jnp.float32)
    W2 = jax.random.normal(k6, (D, D), dtype=jnp.float32) / np.sqrt(D)
    b2 = jnp.zeros((D,), dtype=jnp.float32)
    return {"atom_features": atom_features, "distances": distances, "idx_j": idx_j,
            "seg_i": seg_i, "centers": centers, "gamma": gamma,
            "W1": W1, "b1": b1, "W2": W2, "b2": b2}

def _ssp(x):
    return jax.nn.softplus(x) - jnp.log(2.0)

def reference(atom_features, distances, idx_j, seg_i, centers, gamma, W1, b1, W2, b2):
    # RBF expansion
    d = jnp.expand_dims(distances, -1)
    expanded = jnp.exp(-gamma * (d - centers) ** 2)
    # filter network
    f = expanded @ W1 + b1
    f = _ssp(f)
    f = f @ W2 + b2
    f = _ssp(f)
    # gather neighbor features, modulate, scatter-add
    gathered = atom_features[idx_j]
    x = gathered * f
    out = jax.ops.segment_sum(x, seg_i, num_segments=NAT)
    return out

if __name__ == "__main__":
    import jax
    _d = setup_inputs()
    print(jax.jit(kernel)(*tuple(_d.values())))

</pallas_src>

<mosaic_0001>
#map = affine_map<(d0, d1) -> (0, 0)>
module attributes {stable_mosaic.version = 14 : i64} {
  func.func @_sc_body(%arg0: i32, %arg1: i32, %arg2: memref<10000x128xf32, #tpu.memory_space<hbm>>, %arg3: memref<320000x128xf32, #tpu.memory_space<hbm>>, %arg4: memref<2504x128xi32, #tpu.memory_space<hbm>>, %arg5: memref<2504x128xi32, #tpu.memory_space<hbm>>, %arg6: memref<96x16xi32, #tpu.memory_space<hbm>>, %arg7: memref<120x128xf32, #tpu.memory_space<hbm>>, %arg8: memref<10000x128xf32, #tpu.memory_space<hbm>>, %arg9: memref<184x128xi32, #tpu.memory_space<vmem>>, %arg10: memref<184x128xi32, #tpu.memory_space<vmem>>, %arg11: memref<128x128xf32, #tpu.memory_space<vmem>>, %arg12: memref<128x128xf32, #tpu.memory_space<vmem>>, %arg13: memref<128x128xf32, #tpu.memory_space<vmem>>, %arg14: memref<128x128xf32, #tpu.memory_space<vmem>>, %arg15: memref<8x128xi32, #tpu.memory_space<vmem>>, %arg16: memref<8x128xi32, #tpu.memory_space<vmem>>, %arg17: memref<1920x128xf32, #tpu.memory_space<vmem_shared>>, %arg18: memref<16xi32, #tpu.memory_space<vmem>>, %arg19: memref<!tpu.dma_semaphore, #tpu.memory_space<semaphore_mem>>, %arg20: memref<!tpu.dma_semaphore, #tpu.memory_space<semaphore_mem>>, %arg21: memref<!tpu.dma_semaphore, #tpu.memory_space<semaphore_mem>>, %arg22: memref<!tpu.dma_semaphore, #tpu.memory_space<semaphore_mem>>) attributes {dimension_semantics = [#tpu.dimension_semantics<core_parallel>, #tpu.dimension_semantics<subcore_parallel>], iteration_bounds = array<i64: 2, 16>, scalar_prefetch = 0 : i64, scratch_operands = 14 : i64, tpu.core_type = #tpu.core_type<sc_vector_subcore>, window_params = [{transform_indices = #map}, {transform_indices = #map}, {transform_indices = #map}, {transform_indices = #map}, {transform_indices = #map}, {transform_indices = #map}, {transform_indices = #map}]} {
    %mul3A = arith.constant 3 : i32
    %mul3A_0 = arith.muli %arg0, %mul3A : i32
    %mul3A_1 = arith.constant 16 : i32
    %mul3A_2 = arith.muli %mul3A_0, %mul3A_1 : i32
    %add3A = arith.constant 0 : i32
    %add3A_3 = arith.addi %mul3A_2, %add3A : i32
    %add3A_4 = arith.addi %add3A_3, %arg1 : i32
    "tpu.region"() ({
      %run_scoped3A = tpu.sem_alloc : memref<!tpu.dma_semaphore, #tpu.memory_space<semaphore_mem>>
      %dma_start3A = arith.constant 0 : i32
      %dma_start3A_184 = tpu.memref_slice %arg6[%add3A_4, %dma_start3A] : memref<96x16xi32, #tpu.memory_space<hbm>> -> memref<1x16xi32, #tpu.memory_space<hbm>>
      %dma_start3A_185 = tpu.memref_squeeze %dma_start3A_184 : memref<1x16xi32, #tpu.memory_space<hbm>> -> memref<16xi32, #tpu.memory_space<hbm>>
      %dma_start3A_186 = arith.constant 0 : i32
      %dma_start3A_187 = tpu.memref_slice %arg6[%add3A_4, %dma_start3A_186] : memref<96x16xi32, #tpu.memory_space<hbm>> -> memref<1x16xi32, #tpu.memory_space<hbm>>
      %dma_start3A_188 = tpu.memref_squeeze %dma_start3A_187 : memref<1x16xi32, #tpu.memory_space<hbm>> -> memref<16xi32, #tpu.memory_space<hbm>>
      tpu.enqueue_dma source(%dma_start3A_188 : memref<16xi32, #tpu.memory_space<hbm>>) target(%arg18 : memref<16xi32, #tpu.memory_space<vmem>>) target_semaphore(%run_scoped3A : memref<!tpu.dma_semaphore, #tpu.memory_space<semaphore_mem>>)
      %dma_wait3A = arith.constant 0 : i32
      %dma_wait3A_189 = tpu.memref_slice %arg6[%add3A_4, %dma_wait3A] : memref<96x16xi32, #tpu.memory_space<hbm>> -> memref<1x16xi32, #tpu.memory_space<hbm>>
      %dma_wait3A_190 = tpu.memref_squeeze %dma_wait3A_189 : memref<1x16xi32, #tpu.memory_space<hbm>> -> memref<16xi32, #tpu.memory_space<hbm>>
      %dma_wait3A_191 = arith.constant 0 : i32
      %dma_wait3A_192 = tpu.memref_slice %arg6[%add3A_4, %dma_wait3A_191] : memref<96x16xi32, #tpu.memory_space<hbm>> -> memref<1x16xi32, #tpu.memory_space<hbm>>
      %dma_wait3A_193 = tpu.memref_squeeze %dma_wait3A_192 : memref<1x16xi32, #tpu.memory_space<hbm>> -> memref<16xi32, #tpu.memory_space<hbm>>
      tpu.wait_dma2 semaphore(%run_scoped3A : memref<!tpu.dma_semaphore, #tpu.memory_space<semaphore_mem>>) src(%dma_wait3A_193 : memref<16xi32, #tpu.memory_space<hbm>>) dst(%arg18 : memref<16xi32, #tpu.memory_space<vmem>>)
      tpu.yield
    }) : () -> ()
    %get3A = arith.constant 0 : index
    %get3A_5 = tpu.vector_load %arg18[%get3A] {strides = array<i32>} : memref<16xi32, #tpu.memory_space<vmem>>, vector<16xi32>,
    %get3A_6 = vector.shape_cast %get3A_5 : vector<16xi32> to vector<16xi32>
    %slice3A = vector.extract_strided_slice %get3A_6 {offsets = [0], sizes = [1], strides = [1]} : vector<16xi32> to vector<1xi32>
    %squeeze3A = vector.extract %slice3A[0] : i32 from vector<1xi32>
    %multiple_of3A = tpu.assume_multiple %squeeze3A, 8 : i32
    %slice3A_7 = vector.extract_strided_slice %get3A_6 {offsets = [1], sizes = [1], strides = [1]} : vector<16xi32> to vector<1xi32>
    %squeeze3A_8 = vector.extract %slice3A_7[0] : i32 from vector<1xi32>
    %slice3A_9 = vector.extract_strided_slice %get3A_6 {offsets = [2], sizes = [1], strides = [1]} : vector<16xi32> to vector<1xi32>
    %squeeze3A_10 = vector.extract %slice3A_9[0] : i32 from vector<1xi32>
    %add3A_11 = arith.constant 0 : i32
    %add3A_12 = arith.addi %add3A_11, %arg0 : i32
    %mul3A_13 = arith.constant 1792 : i32
    %mul3A_14 = arith.muli %add3A_12, %mul3A_13 : i32
    %mul3A_15 = arith.constant 120 : i32
    %mul3A_16 = arith.muli %arg1, %mul3A_15 : i32
    "tpu.region"() ({
      %run_scoped3A = tpu.sem_alloc : memref<!tpu.dma_semaphore, #tpu.memory_space<semaphore_mem>>
      %dma_start3A = arith.constant 0 : i32
      %dma_start3A_184 = tpu.memref_slice %arg17[%mul3A_16, %dma_start3A] : memref<1920x128xf32, #tpu.memory_space<vmem_shared>> -> memref<120x128xf32, #tpu.memory_space<vmem_shared>>
      tpu.enqueue_dma source(%arg7 : memref<120x128xf32, #tpu.memory_space<hbm>>) target(%dma_start3A_184 : memref<120x128xf32, #tpu.memory_space<vmem_shared>>) target_semaphore(%run_scoped3A : memref<!tpu.dma_semaphore, #tpu.memory_space<semaphore_mem>>)
      %dma_wait3A = arith.constant 0 : i32
      %dma_wait3A_185 = tpu.memref_slice %arg17[%mul3A_16, %dma_wait3A] : memref<1920x128xf32, #tpu.memory_space<vmem_shared>> -> memref<120x128xf32, #tpu.memory_space<vmem_shared>>
      tpu.wait_dma2 semaphore(%run_scoped3A : memref<!tpu.dma_semaphore, #tpu.memory_space<semaphore_mem>>) src(%arg7 : memref<120x128xf32, #tpu.memory_space<hbm>>) dst(%dma_wait3A_185 : memref<120x128xf32, #tpu.memory_space<vmem_shared>>)
      tpu.yield
    }) : () -> ()
    "tpu.region"() ({
      %run_scoped3A = tpu.sem_alloc : memref<!tpu.dma_semaphore, #tpu.memory_space<semaphore_mem>>
      %dma_start3A = arith.constant 0 : i32
      %dma_start3A_184 = tpu.memref_slice %arg4[%multiple_of3A, %dma_start3A] : memref<2504x128xi32, #tpu.memory_space<hbm>> -> memref<184x128xi32, #tpu.memory_space<hbm>>
      %dma_start3A_185 = arith.constant 0 : i32
      %dma_start3A_186 = tpu.memref_slice %arg4[%multiple_of3A, %dma_start3A_185] : memref<2504x128xi32, #tpu.memory_space<hbm>> -> memref<184x128xi32, #tpu.memory_space<hbm>>
      tpu.enqueue_dma source(%dma_start3A_186 : memref<184x128xi32, #tpu.memory_space<hbm>>) target(%arg9 : memref<184x128xi32, #tpu.memory_space<vmem>>) target_semaphore(%run_scoped3A : memref<!tpu.dma_semaphore, #tpu.memory_space<semaphore_mem>>)
      %dma_wait3A = arith.constant 0 : i32
      %dma_wait3A_187 = tpu.memref_slice %arg4[%multiple_of3A, %dma_wait3A] : memref<2504x128xi32, #tpu.memory_space<hbm>> -> memref<184x128xi32, #tpu.memory_space<hbm>>
      %dma_wait3A_188 = arith.constant 0 : i32
      %dma_wait3A_189 = tpu.memref_slice %arg4[%multiple_of3A, %dma_wait3A_188] : memref<2504x128xi32, #tpu.memory_space<hbm>> -> memref<184x128xi32, #tpu.memory_space<hbm>>
      tpu.wait_dma2 semaphore(%run_scoped3A : memref<!tpu.dma_semaphore, #tpu.memory_space<semaphore_mem>>) src(%dma_wait3A_189 : memref<184x128xi32, #tpu.memory_space<hbm>>) dst(%arg9 : memref<184x128xi32, #tpu.memory_space<vmem>>)
      tpu.yield
    }) : () -> ()
    "tpu.region"() ({
      %run_scoped3A = tpu.sem_alloc : memref<!tpu.dma_semaphore, #tpu.memory_space<semaphore_mem>>
      %dma_start3A = arith.constant 0 : i32
      %dma_start3A_184 = tpu.memref_slice %arg5[%multiple_of3A, %dma_start3A] : memref<2504x128xi32, #tpu.memory_space<hbm>> -> memref<184x128xi32, #tpu.memory_space<hbm>>
      %dma_start3A_185 = arith.constant 0 : i32
      %dma_start3A_186 = tpu.memref_slice %arg5[%multiple_of3A, %dma_start3A_185] : memref<2504x128xi32, #tpu.memory_space<hbm>> -> memref<184x128xi32, #tpu.memory_space<hbm>>
      tpu.enqueue_dma source(%dma_start3A_186 : memref<184x128xi32, #tpu.memory_space<hbm>>) target(%arg10 : memref<184x128xi32, #tpu.memory_space<vmem>>) target_semaphore(%run_scoped3A : memref<!tpu.dma_semaphore, #tpu.memory_space<semaphore_mem>>)
      %dma_wait3A = arith.constant 0 : i32
      %dma_wait3A_187 = tpu.memref_slice %arg5[%multiple_of3A, %dma_wait3A] : memref<2504x128xi32, #tpu.memory_space<hbm>> -> memref<184x128xi32, #tpu.memory_space<hbm>>
      %dma_wait3A_188 = arith.constant 0 : i32
      %dma_wait3A_189 = tpu.memref_slice %arg5[%multiple_of3A, %dma_wait3A_188] : memref<2504x128xi32, #tpu.memory_space<hbm>> -> memref<184x128xi32, #tpu.memory_space<hbm>>
      tpu.wait_dma2 semaphore(%run_scoped3A : memref<!tpu.dma_semaphore, #tpu.memory_space<semaphore_mem>>) src(%dma_wait3A_189 : memref<184x128xi32, #tpu.memory_space<hbm>>) dst(%arg10 : memref<184x128xi32, #tpu.memory_space<vmem>>)
      tpu.yield
    }) : () -> ()
    %barrier3A = arith.constant 0 : index
    tpu.barrier barrier_id(%barrier3A)
    %add3A_17 = arith.constant 1 : i32
    %add3A_18 = arith.addi %squeeze3A_10, %add3A_17 : i32
    %sub3A = arith.subi %add3A_18, %squeeze3A_8 : i32
    %sub3A_19 = arith.constant 1 : i32
    %sub3A_20 = arith.constant 1 : i32
    %sub3A_21 = arith.subi %sub3A_19, %sub3A_20 : i32
    %add3A_22 = arith.addi %sub3A, %sub3A_21 : i32
    %div3A = arith.constant 1 : i32
    %div3A_23 = arith.divsi %add3A_22, %div3A : i32
    %while3A = arith.constant 1 : i32
    %while3A_24 = arith.constant 0 : i32
    %while3A_25 = arith.subi %div3A_23, %while3A_24 : i32
    %while3A_26 = arith.addi %while3A_24, %while3A_25 : i32
    %while3A_27 = arith.constant 1 : i32
    %while3A_28 = arith.divsi %while3A_25, %while3A_27 : i32
    %while3A_29 = arith.muli %while3A_28, %while3A_27 : i32
    %while3A_30 = arith.addi %while3A_24, %while3A_29 : i32
    %while3A_31 = arith.constant 1 : i32
    scf.for %while3A_184 = %while3A_24 to %while3A_30 step %while3A_31  : i32 {
      %mul3A_185 = arith.muli %while3A_184, %while3A : i32
      %add3A_186 = arith.addi %squeeze3A_8, %mul3A_185 : i32
      %jit3A = arith.constant 2 : i32
      %eq3A = arith.constant 0 : i32
      %eq3A_187 = arith.cmpi eq, %jit3A, %eq3A : i32
      %jit3A_188 = arith.constant 1 : i32
      %select_n3A = arith.select %eq3A_187, %jit3A_188, %jit3A : i32
      %rem3A = arith.remsi %add3A_186, %select_n3A : i32
      %ne3A = arith.constant 0 : i32
      %ne3A_189 = arith.cmpi ne, %rem3A, %ne3A : i32
      %lt3A_190 = arith.constant 0 : i32
      %lt3A_191 = arith.cmpi slt, %rem3A, %lt3A_190 : i32
      %lt3A_192 = arith.constant 0 : i32
      %lt3A_193 = arith.cmpi slt, %select_n3A, %lt3A_192 : i32
      %ne3A_194 = arith.xori %lt3A_191, %lt3A_193 : i1
      %and3A_195 = arith.andi %ne3A_194, %ne3A_189 : i1
      %add3A_196 = arith.addi %rem3A, %select_n3A : i32
      %select_n3A_197 = arith.select %and3A_195, %add3A_196, %rem3A : i32
      %eq3A_198 = arith.constant 0 : i32
      %eq3A_199 = arith.cmpi eq, %select_n3A_197, %eq3A_198 : i32
      %convert_element_type3A_200 = arith.extui %eq3A_199 : i1 to i32
      %cond3A_201 = arith.constant 0 : i32
      %cond3A_202 = arith.cmpi ne, %convert_element_type3A_200, %cond3A_201 : i32
      scf.if %cond3A_202 {
        %lt3A_207 = arith.cmpi slt, %add3A_186, %squeeze3A_10 : i32
        %convert_element_type3A_208 = arith.extui %lt3A_207 : i1 to i32
        %cond3A_209 = arith.constant 0 : i32
        %cond3A_210 = arith.cmpi ne, %convert_element_type3A_208, %cond3A_209 : i32
        scf.if %cond3A_210 {
          %sub3A_217 = arith.subi %add3A_186, %multiple_of3A : i32
          %dma_start3A = arith.constant 0 : i32
          %dma_start3A_218 = tpu.memref_slice %arg9[%sub3A_217, %dma_start3A] : memref<184x128xi32, #tpu.memory_space<vmem>> -> memref<1x128xi32, #tpu.memory_space<vmem>>
          %dma_start3A_219 = tpu.memref_squeeze %dma_start3A_218 : memref<1x128xi32, #tpu.memory_space<vmem>> -> memref<128xi32, #tpu.memory_space<vmem>>
          %dma_start3A_220 = arith.constant 0 : i32
          %dma_start3A_221 = arith.constant 0 : i32
          %dma_start3A_222 = tpu.memref_slice %arg2[%dma_start3A_220, %dma_start3A_221] : memref<10000x128xf32, #tpu.memory_space<hbm>> -> memref<10000x128xf32, #tpu.memory_space<hbm>>
          tpu.enqueue_indirect_dma source(%dma_start3A_222 : memref<10000x128xf32, #tpu.memory_space<hbm>>) target(%arg13 : memref<128x128xf32, #tpu.memory_space<vmem>>) offsets(%dma_start3A_219 : memref<128xi32, #tpu.memory_space<vmem>>) semaphore(%arg19 : memref<!tpu.dma_semaphore, #tpu.memory_space<semaphore_mem>>)
          %mul3A_223 = arith.constant 128 : i32
          %mul3A_224 = arith.muli %add3A_186, %mul3A_223 : i32
          %multiple_of3A_225 = tpu.assume_multiple %mul3A_224, 8 : i32
          %dma_start3A_226 = arith.constant 0 : i32
          %dma_start3A_227 = tpu.memref_slice %arg3[%multiple_of3A_225, %dma_start3A_226] : memref<320000x128xf32, #tpu.memory_space<hbm>> -> memref<128x128xf32, #tpu.memory_space<hbm>>
          %dma_start3A_228 = arith.constant 0 : i32
          %dma_start3A_229 = tpu.memref_slice %arg3[%multiple_of3A_225, %dma_start3A_228] : memref<320000x128xf32, #tpu.memory_space<hbm>> -> memref<128x128xf32, #tpu.memory_space<hbm>>
          tpu.enqueue_dma source(%dma_start3A_229 : memref<128x128xf32, #tpu.memory_space<hbm>>) target(%arg11 : memref<128x128xf32, #tpu.memory_space<vmem>>) target_semaphore(%arg21 : memref<!tpu.dma_semaphore, #tpu.memory_space<semaphore_mem>>)
        } else {
        }
        %sub3A_211 = arith.constant 1 : i32
        %sub3A_212 = arith.subi %add3A_186, %sub3A_211 : i32
        %ge3A_213 = arith.cmpi sge, %sub3A_212, %squeeze3A_8 : i32
        %convert_element_type3A_214 = arith.extui %ge3A_213 : i1 to i32
        %cond3A_215 = arith.constant 0 : i32
        %cond3A_216 = arith.cmpi ne, %convert_element_type3A_214, %cond3A_215 : i32
        scf.if %cond3A_216 {
          %sub3A_217 = arith.constant 1 : i32
          %sub3A_218 = arith.subi %add3A_186, %sub3A_217 : i32
          %sub3A_219 = arith.subi %sub3A_218, %multiple_of3A : i32
          %get3A_220 = arith.index_cast %sub3A_219 : i32 to index
          %get3A_221 = arith.constant 0 : index
          %get3A_222 = tpu.vector_load %arg10[%get3A_220, %get3A_221] {strides = array<i32>} : memref<184x128xi32, #tpu.memory_space<vmem>>, vector<1x16xi32>,
          %get3A_223 = vector.shape_cast %get3A_222 : vector<1x16xi32> to vector<16xi32>
          %sub3A_224 = vector.broadcast %mul3A_14 : i32 to vector<16xi32>
          %sub3A_225 = arith.subi %get3A_223, %sub3A_224 : vector<16xi32>
          %ge3A_226 = arith.constant 0 : i32
          %ge3A_227 = vector.broadcast %ge3A_226 : i32 to vector<16xi32>
          %ge3A_228 = arith.cmpi sge, %sub3A_225, %ge3A_227 : vector<16xi32>
          %lt3A_229 = arith.constant 1792 : i32
          %lt3A_230 = vector.broadcast %lt3A_229 : i32 to vector<16xi32>
          %lt3A_231 = arith.cmpi slt, %sub3A_225, %lt3A_230 : vector<16xi32>
          %and3A_232 = arith.andi %ge3A_228, %lt3A_231 : vector<16xi1>
          %jit3A_233 = arith.constant 1792 : i32
          %broadcast_in_dim3A = vector.broadcast %jit3A_233 : i32 to vector<16xi32>
          %select_n3A_234 = arith.select %and3A_232, %sub3A_225, %broadcast_in_dim3A : vector<16xi1>, vector<16xi32>
          %swap3A = arith.constant 0 : i32
          %swap3A_235 = arith.index_cast %swap3A : i32 to index
          %swap3A_236 = arith.constant 0 : index
          %swap3A_237 = tpu.vector_load %arg16[%swap3A_235, %swap3A_236] {strides = array<i32>} : memref<8x128xi32, #tpu.memory_space<vmem>>, vector<1x16xi32>,
          %swap3A_238 = vector.shape_cast %swap3A_237 : vector<1x16xi32> to vector<16xi32>
          %swap3A_239 = vector.shape_cast %select_n3A_234 : vector<16xi32> to vector<1x16xi32>
          tpu.vector_store %arg16[%swap3A_235, %swap3A_236], %swap3A_239 {strides = array<i32>} : memref<8x128xi32, #tpu.memory_space<vmem>>, vector<1x16xi32>,
          %get3A_240 = arith.index_cast %sub3A_219 : i32 to index
          %get3A_241 = arith.constant 16 : index
          %get3A_242 = tpu.vector_load %arg10[%get3A_240, %get3A_241] {strides = array<i32>} : memref<184x128xi32, #tpu.memory_space<vmem>>, vector<1x16xi32>,
          %get3A_243 = vector.shape_cast %get3A_242 : vector<1x16xi32> to vector<16xi32>
          %sub3A_244 = vector.broadcast %mul3A_14 : i32 to vector<16xi32>
          %sub3A_245 = arith.subi %get3A_243, %sub3A_244 : vector<16xi32>
          %ge3A_246 = arith.constant 0 : i32
          %ge3A_247 = vector.broadcast %ge3A_246 : i32 to vector<16xi32>
          %ge3A_248 = arith.cmpi sge, %sub3A_245, %ge3A_247 : vector<16xi32>
          %lt3A_249 = arith.constant 1792 : i32
          %lt3A_250 = vector.broadcast %lt3A_249 : i32 to vector<16xi32>
          %lt3A_251 = arith.cmpi slt, %sub3A_245, %lt3A_250 : vector<16xi32>
          %and3A_252 = arith.andi %ge3A_248, %lt3A_251 : vector<16xi1>
          %jit3A_253 = arith.constant 1792 : i32
          %broadcast_in_dim3A_254 = vector.broadcast %jit3A_253 : i32 to vector<16xi32>
          %select_n3A_255 = arith.select %and3A_252, %sub3A_245, %broadcast_in_dim3A_254 : vector<16xi1>, vector<16xi32>
          %swap3A_256 = arith.constant 0 : i32
          %swap3A_257 = arith.index_cast %swap3A_256 : i32 to index
          %swap3A_258 = arith.constant 16 : index
          %swap3A_259 = tpu.vector_load %arg16[%swap3A_257, %swap3A_258] {strides = array<i32>} : memref<8x128xi32, #tpu.memory_space<vmem>>, vector<1x16xi32>,
          %swap3A_260 = vector.shape_cast %swap3A_259 : vector<1x16xi32> to vector<16xi32>
          %swap3A_261 = vector.shape_cast %select_n3A_255 : vector<16xi32> to vector<1x16xi32>
          tpu.vector_store %arg16[%swap3A_257, %swap3A_258], %swap3A_261 {strides = array<i32>} : memref<8x128xi32, #tpu.memory_space<vmem>>, vector<1x16xi32>,
          %get3A_262 = arith.index_cast %sub3A_219 : i32 to index
          %get3A_263 = arith.constant 32 : index
          %get3A_264 = tpu.vector_load %arg10[%get3A_262, %get3A_263] {strides = array<i32>} : memref<184x128xi32, #tpu.memory_space<vmem>>, vector<1x16xi32>,
          %get3A_265 = vector.shape_cast %get3A_264 : vector<1x16xi32> to vector<16xi32>
          %sub3A_266 = vector.broadcast %mul3A_14 : i32 to vector<16xi32>
          %sub3A_267 = arith.subi %get3A_265, %sub3A_266 : vector<16xi32>
          %ge3A_268 = arith.constant 0 : i32
          %ge3A_269 = vector.broadcast %ge3A_268 : i32 to vector<16xi32>
          %ge3A_270 = arith.cmpi sge, %sub3A_267, %ge3A_269 : vector<16xi32>
          %lt3A_271 = arith.constant 1792 : i32
          %lt3A_272 = vector.broadcast %lt3A_271 : i32 to vector<16xi32>
          %lt3A_273 = arith.cmpi slt, %sub3A_267, %lt3A_272 : vector<16xi32>
          %and3A_274 = arith.andi %ge3A_270, %lt3A_273 : vector<16xi1>
          %jit3A_275 = arith.constant 1792 : i32
          %broadcast_in_dim3A_276 = vector.broadcast %jit3A_275 : i32 to vector<16xi32>
          %select_n3A_277 = arith.select %and3A_274, %sub3A_267, %broadcast_in_dim3A_276 : vector<16xi1>, vector<16xi32>
          %swap3A_278 = arith.constant 0 : i32
          %swap3A_279 = arith.index_cast %swap3A_278 : i32 to index
          %swap3A_280 = arith.constant 32 : index
          %swap3A_281 = tpu.vector_load %arg16[%swap3A_279, %swap3A_280] {strides = array<i32>} : memref<8x128xi32, #tpu.memory_space<vmem>>, vector<1x16xi32>,
          %swap3A_282 = vector.shape_cast %swap3A_281 : vector<1x16xi32> to vector<16xi32>
          %swap3A_283 = vector.shape_cast %select_n3A_277 : vector<16xi32> to vector<1x16xi32>
          tpu.vector_store %arg16[%swap3A_279, %swap3A_280], %swap3A_283 {strides = array<i32>} : memref<8x128xi32, #tpu.memory_space<vmem>>, vector<1x16xi32>,
          %get3A_284 = arith.index_cast %sub3A_219 : i32 to index
          %get3A_285 = arith.constant 48 : index
          %get3A_286 = tpu.vector_load %arg10[%get3A_284, %get3A_285] {strides = array<i32>} : memref<184x128xi32, #tpu.memory_space<vmem>>, vector<1x16xi32>,
          %get3A_287 = vector.shape_cast %get3A_286 : vector<1x16xi32> to vector<16xi32>
          %sub3A_288 = vector.broadcast %mul3A_14 : i32 to vector<16xi32>
          %sub3A_289 = arith.subi %get3A_287, %sub3A_288 : vector<16xi32>
          %ge3A_290 = arith.constant 0 : i32
          %ge3A_291 = vector.broadcast %ge3A_290 : i32 to vector<16xi32>
          %ge3A_292 = arith.cmpi sge, %sub3A_289, %ge3A_291 : vector<16xi32>
          %lt3A_293 = arith.constant 1792 : i32
          %lt3A_294 = vector.broadcast %lt3A_293 : i32 to vector<16xi32>
          %lt3A_295 = arith.cmpi slt, %sub3A_289, %lt3A_294 : vector<16xi32>
          %and3A_296 = arith.andi %ge3A_292, %lt3A_295 : vector<16xi1>
          %jit3A_297 = arith.constant 1792 : i32
          %broadcast_in_dim3A_298 = vector.broadcast %jit3A_297 : i32 to vector<16xi32>
          %select_n3A_299 = arith.select %and3A_296, %sub3A_289, %broadcast_in_dim3A_298 : vector<16xi1>, vector<16xi32>
          %swap3A_300 = arith.constant 0 : i32
          %swap3A_301 = arith.index_cast %swap3A_300 : i32 to index
          %swap3A_302 = arith.constant 48 : index
          %swap3A_303 = tpu.vector_load %arg16[%swap3A_301, %swap3A_302] {strides = array<i32>} : memref<8x128xi32, #tpu.memory_space<vmem>>, vector<1x16xi32>,
          %swap3A_304 = vector.shape_cast %swap3A_303 : vector<1x16xi32> to vector<16xi32>
          %swap3A_305 = vector.shape_cast %select_n3A_299 : vector<16xi32> to vector<1x16xi32>
          tpu.vector_store %arg16[%swap3A_301, %swap3A_302], %swap3A_305 {strides = array<i32>} : memref<8x128xi32, #tpu.memory_space<vmem>>, vector<1x16xi32>,
          %get3A_306 = arith.index_cast %sub3A_219 : i32 to index
          %get3A_307 = arith.constant 64 : index
          %get3A_308 = tpu.vector_load %arg10[%get3A_306, %get3A_307] {strides = array<i32>} : memref<184x128xi32, #tpu.memory_space<vmem>>, vector<1x16xi32>,
          %get3A_309 = vector.shape_cast %get3A_308 : vector<1x16xi32> to vector<16xi32>
          %sub3A_310 = vector.broadcast %mul3A_14 : i32 to vector<16xi32>
          %sub3A_311 = arith.subi %get3A_309, %sub3A_310 : vector<16xi32>
          %ge3A_312 = arith.constant 0 : i32
          %ge3A_313 = vector.broadcast %ge3A_312 : i32 to vector<16xi32>
          %ge3A_314 = arith.cmpi sge, %sub3A_311, %ge3A_313 : vector<16xi32>
          %lt3A_315 = arith.constant 1792 : i32
          %lt3A_316 = vector.broadcast %lt3A_315 : i32 to vector<16xi32>
          %lt3A_317 = arith.cmpi slt, %sub3A_311, %lt3A_316 : vector<16xi32>
          %and3A_318 = arith.andi %ge3A_314, %lt3A_317 : vector<16xi1>
          %jit3A_319 = arith.constant 1792 : i32
          %broadcast_in_dim3A_320 = vector.broadcast %jit3A_319 : i32 to vector<16xi32>
          %select_n3A_321 = arith.select %and3A_318, %sub3A_311, %broadcast_in_dim3A_320 : vector<16xi1>, vector<16xi32>
          %swap3A_322 = arith.constant 0 : i32
          %swap3A_323 = arith.index_cast %swap3A_322 : i32 to index
          %swap3A_324 = arith.constant 64 : index
          %swap3A_325 = tpu.vector_load %arg16[%swap3A_323, %swap3A_324] {strides = array<i32>} : memref<8x128xi32, #tpu.memory_space<vmem>>, vector<1x16xi32>,
          %swap3A_326 = vector.shape_cast %swap3A_325 : vector<1x16xi32> to vector<16xi32>
          %swap3A_327 = vector.shape_cast %select_n3A_321 : vector<16xi32> to vector<1x16xi32>
          tpu.vector_store %arg16[%swap3A_323, %swap3A_324], %swap3A_327 {strides = array<i32>} : memref<8x128xi32, #tpu.memory_space<vmem>>, vector<1x16xi32>,
          %get3A_328 = arith.index_cast %sub3A_219 : i32 to index
          %get3A_329 = arith.constant 80 : index
          %get3A_330 = tpu.vector_load %arg10[%get3A_328, %get3A_329] {strides = array<i32>} : memref<184x128xi32, #tpu.memory_space<vmem>>, vector<1x16xi32>,
          %get3A_331 = vector.shape_cast %get3A_330 : vector<1x16xi32> to vector<16xi32>
          %sub3A_332 = vector.broadcast %mul3A_14 : i32 to vector<16xi32>
          %sub3A_333 = arith.subi %get3A_331, %sub3A_332 : vector<16xi32>
          %ge3A_334 = arith.constant 0 : i32
          %ge3A_335 = vector.broadcast %ge3A_334 : i32 to vector<16xi32>
          %ge3A_336 = arith.cmpi sge, %sub3A_333, %ge3A_335 : vector<16xi32>
          %lt3A_337 = arith.constant 1792 : i32
          %lt3A_338 = vector.broadcast %lt3A_337 : i32 to vector<16xi32>
          %lt3A_339 = arith.cmpi slt, %sub3A_333, %lt3A_338 : vector<16xi32>
          %and3A_340 = arith.andi %ge3A_336, %lt3A_339 : vector<16xi1>
          %jit3A_341 = arith.constant 1792 : i32
          %broadcast_in_dim3A_342 = vector.broadcast %jit3A_341 : i32 to vector<16xi32>
          %select_n3A_343 = arith.select %and3A_340, %sub3A_333, %broadcast_in_dim3A_342 : vector<16xi1>, vector<16xi32>
          %swap3A_344 = arith.constant 0 : i32
          %swap3A_345 = arith.index_cast %swap3A_344 : i32 to index
          %swap3A_346 = arith.constant 80 : index
          %swap3A_347 = tpu.vector_load %arg16[%swap3A_345, %swap3A_346] {strides = array<i32>} : memref<8x128xi32, #tpu.memory_space<vmem>>, vector<1x16xi32>,
          %swap3A_348 = vector.shape_cast %swap3A_347 : vector<1x16xi32> to vector<16xi32>
          %swap3A_349 = vector.shape_cast %select_n3A_343 : vector<16xi32> to vector<1x16xi32>
          tpu.vector_store %arg16[%swap3A_345, %swap3A_346], %swap3A_349 {strides = array<i32>} : memref<8x128xi32, #tpu.memory_space<vmem>>, vector<1x16xi32>,
          %get3A_350 = arith.index_cast %sub3A_219 : i32 to index
          %get3A_351 = arith.constant 96 : index
          %get3A_352 = tpu.vector_load %arg10[%get3A_350, %get3A_351] {strides = array<i32>} : memref<184x128xi32, #tpu.memory_space<vmem>>, vector<1x16xi32>,
          %get3A_353 = vector.shape_cast %get3A_352 : vector<1x16xi32> to vector<16xi32>
          %sub3A_354 = vector.broadcast %mul3A_14 : i32 to vector<16xi32>
          %sub3A_355 = arith.subi %get3A_353, %sub3A_354 : vector<16xi32>
          %ge3A_356 = arith.constant 0 : i32
          %ge3A_357 = vector.broadcast %ge3A_356 : i32 to vector<16xi32>
          %ge3A_358 = arith.cmpi sge, %sub3A_355, %ge3A_357 : vector<16xi32>
          %lt3A_359 = arith.constant 1792 : i32
          %lt3A_360 = vector.broadcast %lt3A_359 : i32 to vector<16xi32>
          %lt3A_361 = arith.cmpi slt, %sub3A_355, %lt3A_360 : vector<16xi32>
          %and3A_362 = arith.andi %ge3A_358, %lt3A_361 : vector<16xi1>
          %jit3A_363 = arith.constant 1792 : i32
          %broadcast_in_dim3A_364 = vector.broadcast %jit3A_363 : i32 to vector<16xi32>
          %select_n3A_365 = arith.select %and3A_362, %sub3A_355, %broadcast_in_dim3A_364 : vector<16xi1>, vector<16xi32>
          %swap3A_366 = arith.constant 0 : i32
          %swap3A_367 = arith.index_cast %swap3A_366 : i32 to index
          %swap3A_368 = arith.constant 96 : index
          %swap3A_369 = tpu.vector_load %arg16[%swap3A_367, %swap3A_368] {strides = array<i32>} : memref<8x128xi32, #tpu.memory_space<vmem>>, vector<1x16xi32>,
          %swap3A_370 = vector.shape_cast %swap3A_369 : vector<1x16xi32> to vector<16xi32>
          %swap3A_371 = vector.shape_cast %select_n3A_365 : vector<16xi32> to vector<1x16xi32>
          tpu.vector_store %arg16[%swap3A_367, %swap3A_368], %swap3A_371 {strides = array<i32>} : memref<8x128xi32, #tpu.memory_space<vmem>>, vector<1x16xi32>,
          %get3A_372 = arith.index_cast %sub3A_219 : i32 to index
          %get3A_373 = arith.constant 112 : index
          %get3A_374 = tpu.vector_load %arg10[%get3A_372, %get3A_373] {strides = array<i32>} : memref<184x128xi32, #tpu.memory_space<vmem>>, vector<1x16xi32>,
          %get3A_375 = vector.shape_cast %get3A_374 : vector<1x16xi32> to vector<16xi32>
          %sub3A_376 = vector.broadcast %mul3A_14 : i32 to vector<16xi32>
          %sub3A_377 = arith.subi %get3A_375, %sub3A_376 : vector<16xi32>
          %ge3A_378 = arith.constant 0 : i32
          %ge3A_379 = vector.broadcast %ge3A_378 : i32 to vector<16xi32>
          %ge3A_380 = arith.cmpi sge, %sub3A_377, %ge3A_379 : vector<16xi32>
          %lt3A_381 = arith.constant 1792 : i32
          %lt3A_382 = vector.broadcast %lt3A_381 : i32 to vector<16xi32>
          %lt3A_383 = arith.cmpi slt, %sub3A_377, %lt3A_382 : vector<16xi32>
          %and3A_384 = arith.andi %ge3A_380, %lt3A_383 : vector<16xi1>
          %jit3A_385 = arith.constant 1792 : i32
          %broadcast_in_dim3A_386 = vector.broadcast %jit3A_385 : i32 to vector<16xi32>
          %select_n3A_387 = arith.select %and3A_384, %sub3A_377, %broadcast_in_dim3A_386 : vector<16xi1>, vector<16xi32>
          %swap3A_388 = arith.constant 0 : i32
          %swap3A_389 = arith.index_cast %swap3A_388 : i32 to index
          %swap3A_390 = arith.constant 112 : index
          %swap3A_391 = tpu.vector_load %arg16[%swap3A_389, %swap3A_390] {strides = array<i32>} : memref<8x128xi32, #tpu.memory_space<vmem>>, vector<1x16xi32>,
          %swap3A_392 = vector.shape_cast %swap3A_391 : vector<1x16xi32> to vector<16xi32>
          %swap3A_393 = vector.shape_cast %select_n3A_387 : vector<16xi32> to vector<1x16xi32>
          tpu.vector_store %arg16[%swap3A_389, %swap3A_390], %swap3A_393 {strides = array<i32>} : memref<8x128xi32, #tpu.memory_space<vmem>>, vector<1x16xi32>,
          %sub3A_394 = arith.constant 1 : i32
          %sub3A_395 = arith.subi %add3A_186, %sub3A_394 : i32
          %mul3A_396 = arith.constant 128 : i32
          %mul3A_397 = arith.muli %sub3A_395, %mul3A_396 : i32
          %multiple_of3A_398 = tpu.assume_multiple %mul3A_397, 8 : i32
          %dma_wait3A = arith.constant 0 : i32
          %dma_wait3A_399 = tpu.memref_slice %arg9[%sub3A_219, %dma_wait3A] : memref<184x128xi32, #tpu.memory_space<vmem>> -> memref<1x128xi32, #tpu.memory_space<vmem>>
          %dma_wait3A_400 = tpu.memref_squeeze %dma_wait3A_399 : memref<1x128xi32, #tpu.memory_space<vmem>> -> memref<128xi32, #tpu.memory_space<vmem>>
          %dma_wait3A_401 = arith.constant 0 : i32
          %dma_wait3A_402 = arith.constant 0 : i32
          %dma_wait3A_403 = tpu.memref_slice %arg2[%dma_wait3A_401, %dma_wait3A_402] : memref<10000x128xf32, #tpu.memory_space<hbm>> -> memref<10000x128xf32, #tpu.memory_space<hbm>>
          tpu.wait_indirect_dma semaphore(%arg20 : memref<!tpu.dma_semaphore, #tpu.memory_space<semaphore_mem>>) src(%dma_wait3A_403 : memref<10000x128xf32, #tpu.memory_space<hbm>>) dst(%arg14 : memref<128x128xf32, #tpu.memory_space<vmem>>)
          %dma_wait3A_404 = arith.constant 0 : i32
          %dma_wait3A_405 = tpu.memref_slice %arg3[%multiple_of3A_398, %dma_wait3A_404] : memref<320000x128xf32, #tpu.memory_space<hbm>> -> memref<128x128xf32, #tpu.memory_space<hbm>>
          %dma_wait3A_406 = arith.constant 0 : i32
          %dma_wait3A_407 = tpu.memref_slice %arg3[%multiple_of3A_398, %dma_wait3A_406] : memref<320000x128xf32, #tpu.memory_space<hbm>> -> memref<128x128xf32, #tpu.memory_space<hbm>>
          tpu.wait_dma2 semaphore(%arg22 : memref<!tpu.dma_semaphore, #tpu.memory_space<semaphore_mem>>) src(%dma_wait3A_407 : memref<128x128xf32, #tpu.memory_space<hbm>>) dst(%arg12 : memref<128x128xf32, #tpu.memory_space<vmem>>)
          %scan3A = arith.constant 0 : i32
          %scan3A_408 = arith.constant 128 : i32
          %scan3A_409 = arith.addi %scan3A, %scan3A_408 : i32
          %scan3A_410 = arith.constant 1 : i32
          scf.for %scan3A_412 = %scan3A to %scan3A_409 step %scan3A_410  : i32 {
            %mul3A_413 = arith.constant 1 : i32
            %mul3A_414 = arith.muli %scan3A_412, %mul3A_413 : i32
            %add3A_415 = arith.constant 0 : i32
            %add3A_416 = arith.addi %add3A_415, %mul3A_414 : i32
            %get3A_417 = arith.index_cast %add3A_416 : i32 to index
            %get3A_418 = arith.constant 0 : index
            %get3A_419 = tpu.vector_load %arg14[%get3A_417, %get3A_418] {strides = array<i32>} : memref<128x128xf32, #tpu.memory_space<vmem>>, vector<1x16xf32>,
            %get3A_420 = vector.shape_cast %get3A_419 : vector<1x16xf32> to vector<16xf32>
            %get3A_421 = arith.index_cast %add3A_416 : i32 to index
            %get3A_422 = arith.constant 0 : index
            %get3A_423 = tpu.vector_load %arg12[%get3A_421, %get3A_422] {strides = array<i32>} : memref<128x128xf32, #tpu.memory_space<vmem>>, vector<1x16xf32>,
            %get3A_424 = vector.shape_cast %get3A_423 : vector<1x16xf32> to vector<16xf32>
            %mul3A_425 = arith.mulf %get3A_420, %get3A_424 : vector<16xf32>
            %swap3A_426 = arith.index_cast %add3A_416 : i32 to index
            %swap3A_427 = arith.constant 0 : index
            %swap3A_428 = tpu.vector_load %arg14[%swap3A_426, %swap3A_427] {strides = array<i32>} : memref<128x128xf32, #tpu.memory_space<vmem>>, vector<1x16xf32>,
            %swap3A_429 = vector.shape_cast %swap3A_428 : vector<1x16xf32> to vector<16xf32>
            %swap3A_430 = vector.shape_cast %mul3A_425 : vector<16xf32> to vector<1x16xf32>
            tpu.vector_store %arg14[%swap3A_426, %swap3A_427], %swap3A_430 {strides = array<i32>} : memref<128x128xf32, #tpu.memory_space<vmem>>, vector<1x16xf32>,
            %get3A_431 = arith.index_cast %add3A_416 : i32 to index
            %get3A_432 = arith.constant 16 : index
            %get3A_433 = tpu.vector_load %arg14[%get3A_431, %get3A_432] {strides = array<i32>} : memref<128x128xf32, #tpu.memory_space<vmem>>, vector<1x16xf32>,
            %get3A_434 = vector.shape_cast %get3A_433 : vector<1x16xf32> to vector<16xf32>
            %get3A_435 = arith.index_cast %add3A_416 : i32 to index
            %get3A_436 = arith.constant 16 : index
            %get3A_437 = tpu.vector_load %arg12[%get3A_435, %get3A_436] {strides = array<i32>} : memref<128x128xf32, #tpu.memory_space<vmem>>, vector<1x16xf32>,
            %get3A_438 = vector.shape_cast %get3A_437 : vector<1x16xf32> to vector<16xf32>
            %mul3A_439 = arith.mulf %get3A_434, %get3A_438 : vector<16xf32>
            %swap3A_440 = arith.index_cast %add3A_416 : i32 to index
            %swap3A_441 = arith.constant 16 : index
            %swap3A_442 = tpu.vector_load %arg14[%swap3A_440, %swap3A_441] {strides = array<i32>} : memref<128x128xf32, #tpu.memory_space<vmem>>, vector<1x16xf32>,
            %swap3A_443 = vector.shape_cast %swap3A_442 : vector<1x16xf32> to vector<16xf32>
            %swap3A_444 = vector.shape_cast %mul3A_439 : vector<16xf32> to vector<1x16xf32>
            tpu.vector_store %arg14[%swap3A_440, %swap3A_441], %swap3A_444 {strides = array<i32>} : memref<128x128xf32, #tpu.memory_space<vmem>>, vector<1x16xf32>,
            %get3A_445 = arith.index_cast %add3A_416 : i32 to index
            %get3A_446 = arith.constant 32 : index
            %get3A_447 = tpu.vector_load %arg14[%get3A_445, %get3A_446] {strides = array<i32>} : memref<128x128xf32, #tpu.memory_space<vmem>>, vector<1x16xf32>,
            %get3A_448 = vector.shape_cast %get3A_447 : vector<1x16xf32> to vector<16xf32>
            %get3A_449 = arith.index_cast %add3A_416 : i32 to index
            %get3A_450 = arith.constant 32 : index
            %get3A_451 = tpu.vector_load %arg12[%get3A_449, %get3A_450] {strides = array<i32>} : memref<128x128xf32, #tpu.memory_space<vmem>>, vector<1x16xf32>,
            %get3A_452 = vector.shape_cast %get3A_451 : vector<1x16xf32> to vector<16xf32>
            %mul3A_453 = arith.mulf %get3A_448, %get3A_452 : vector<16xf32>
            %swap3A_454 = arith.index_cast %add3A_416 : i32 to index
            %swap3A_455 = arith.constant 32 : index
            %swap3A_456 = tpu.vector_load %arg14[%swap3A_454, %swap3A_455] {strides = array<i32>} : memref<128x128xf32, #tpu.memory_space<vmem>>, vector<1x16xf32>,
            %swap3A_457 = vector.shape_cast %swap3A_456 : vector<1x16xf32> to vector<16xf32>
            %swap3A_458 = vector.shape_cast %mul3A_453 : vector<16xf32> to vector<1x16xf32>
            tpu.vector_store %arg14[%swap3A_454, %swap3A_455], %swap3A_458 {strides = array<i32>} : memref<128x128xf32, #tpu.memory_space<vmem>>, vector<1x16xf32>,
            %get3A_459 = arith.index_cast %add3A_416 : i32 to index
            %get3A_460 = arith.constant 48 : index
            %get3A_461 = tpu.vector_load %arg14[%get3A_459, %get3A_460] {strides = array<i32>} : memref<128x128xf32, #tpu.memory_space<vmem>>, vector<1x16xf32>,
            %get3A_462 = vector.shape_cast %get3A_461 : vector<1x16xf32> to vector<16xf32>
            %get3A_463 = arith.index_cast %add3A_416 : i32 to index
            %get3A_464 = arith.constant 48 : index
            %get3A_465 = tpu.vector_load %arg12[%get3A_463, %get3A_464] {strides = array<i32>} : memref<128x128xf32, #tpu.memory_space<vmem>>, vector<1x16xf32>,
            %get3A_466 = vector.shape_cast %get3A_465 : vector<1x16xf32> to vector<16xf32>
            %mul3A_467 = arith.mulf %get3A_462, %get3A_466 : vector<16xf32>
            %swap3A_468 = arith.index_cast %add3A_416 : i32 to index
            %swap3A_469 = arith.constant 48 : index
            %swap3A_470 = tpu.vector_load %arg14[%swap3A_468, %swap3A_469] {strides = array<i32>} : memref<128x128xf32, #tpu.memory_space<vmem>>, vector<1x16xf32>,
            %swap3A_471 = vector.shape_cast %swap3A_470 : vector<1x16xf32> to vector<16xf32>
            %swap3A_472 = vector.shape_cast %mul3A_467 : vector<16xf32> to vector<1x16xf32>
            tpu.vector_store %arg14[%swap3A_468, %swap3A_469], %swap3A_472 {strides = array<i32>} : memref<128x128xf32, #tpu.memory_space<vmem>>, vector<1x16xf32>,
            %get3A_473 = arith.index_cast %add3A_416 : i32 to index
            %get3A_474 = arith.constant 64 : index
            %get3A_475 = tpu.vector_load %arg14[%get3A_473, %get3A_474] {strides = array<i32>} : memref<128x128xf32, #tpu.memory_space<vmem>>, vector<1x16xf32>,
            %get3A_476 = vector.shape_cast %get3A_475 : vector<1x16xf32> to vector<16xf32>
            %get3A_477 = arith.index_cast %add3A_416 : i32 to index
            %get3A_478 = arith.constant 64 : index
            %get3A_479 = tpu.vector_load %arg12[%get3A_477, %get3A_478] {strides = array<i32>} : memref<128x128xf32, #tpu.memory_space<vmem>>, vector<1x16xf32>,
            %get3A_480 = vector.shape_cast %get3A_479 : vector<1x16xf32> to vector<16xf32>
            %mul3A_481 = arith.mulf %get3A_476, %get3A_480 : vector<16xf32>
            %swap3A_482 = arith.index_cast %add3A_416 : i32 to index
            %swap3A_483 = arith.constant 64 : index
            %swap3A_484 = tpu.vector_load %arg14[%swap3A_482, %swap3A_483] {strides = array<i32>} : memref<128x128xf32, #tpu.memory_space<vmem>>, vector<1x16xf32>,
            %swap3A_485 = vector.shape_cast %swap3A_484 : vector<1x16xf32> to vector<16xf32>
            %swap3A_486 = vector.shape_cast %mul3A_481 : vector<16xf32> to vector<1x16xf32>
            tpu.vector_store %arg14[%swap3A_482, %swap3A_483], %swap3A_486 {strides = array<i32>} : memref<128x128xf32, #tpu.memory_space<vmem>>, vector<1x16xf32>,
            %get3A_487 = arith.index_cast %add3A_416 : i32 to index
            %get3A_488 = arith.constant 80 : index
            %get3A_489 = tpu.vector_load %arg14[%get3A_487, %get3A_488] {strides = array<i32>} : memref<128x128xf32, #tpu.memory_space<vmem>>, vector<1x16xf32>,
            %get3A_490 = vector.shape_cast %get3A_489 : vector<1x16xf32> to vector<16xf32>
            %get3A_491 = arith.index_cast %add3A_416 : i32 to index
            %get3A_492 = arith.constant 80 : index
            %get3A_493 = tpu.vector_load %arg12[%get3A_491, %get3A_492] {strides = array<i32>} : memref<128x128xf32, #tpu.memory_space<vmem>>, vector<1x16xf32>,
            %get3A_494 = vector.shape_cast %get3A_493 : vector<1x16xf32> to vector<16xf32>
            %mul3A_495 = arith.mulf %get3A_490, %get3A_494 : vector<16xf32>
            %swap3A_496 = arith.index_cast %add3A_416 : i32 to index
            %swap3A_497 = arith.constant 80 : index
            %swap3A_498 = tpu.vector_load %arg14[%swap3A_496, %swap3A_497] {strides = array<i32>} : memref<128x128xf32, #tpu.memory_space<vmem>>, vector<1x16xf32>,
            %swap3A_499 = vector.shape_cast %swap3A_498 : vector<1x16xf32> to vector<16xf32>
            %swap3A_500 = vector.shape_cast %mul3A_495 : vector<16xf32> to vector<1x16xf32>
            tpu.vector_store %arg14[%swap3A_496, %swap3A_497], %swap3A_500 {strides = array<i32>} : memref<128x128xf32, #tpu.memory_space<vmem>>, vector<1x16xf32>,
            %get3A_501 = arith.index_cast %add3A_416 : i32 to index
            %get3A_502 = arith.constant 96 : index
            %get3A_503 = tpu.vector_load %arg14[%get3A_501, %get3A_502] {strides = array<i32>} : memref<128x128xf32, #tpu.memory_space<vmem>>, vector<1x16xf32>,
            %get3A_504 = vector.shape_cast %get3A_503 : vector<1x16xf32> to vector<16xf32>
            %get3A_505 = arith.index_cast %add3A_416 : i32 to index
            %get3A_506 = arith.constant 96 : index
            %get3A_507 = tpu.vector_load %arg12[%get3A_505, %get3A_506] {strides = array<i32>} : memref<128x128xf32, #tpu.memory_space<vmem>>, vector<1x16xf32>,
            %get3A_508 = vector.shape_cast %get3A_507 : vector<1x16xf32> to vector<16xf32>
            %mul3A_509 = arith.mulf %get3A_504, %get3A_508 : vector<16xf32>
            %swap3A_510 = arith.index_cast %add3A_416 : i32 to index
            %swap3A_511 = arith.constant 96 : index
            %swap3A_512 = tpu.vector_load %arg14[%swap3A_510, %swap3A_511] {strides = array<i32>} : memref<128x128xf32, #tpu.memory_space<vmem>>, vector<1x16xf32>,
            %swap3A_513 = vector.shape_cast %swap3A_512 : vector<1x16xf32> to vector<16xf32>
            %swap3A_514 = vector.shape_cast %mul3A_509 : vector<16xf32> to vector<1x16xf32>
            tpu.vector_store %arg14[%swap3A_510, %swap3A_511], %swap3A_514 {strides = array<i32>} : memref<128x128xf32, #tpu.memory_space<vmem>>, vector<1x16xf32>,
            %get3A_515 = arith.index_cast %add3A_416 : i32 to index
            %get3A_516 = arith.constant 112 : index
            %get3A_517 = tpu.vector_load %arg14[%get3A_515, %get3A_516] {strides = array<i32>} : memref<128x128xf32, #tpu.memory_space<vmem>>, vector<1x16xf32>,
            %get3A_518 = vector.shape_cast %get3A_517 : vector<1x16xf32> to vector<16xf32>
            %get3A_519 = arith.index_cast %add3A_416 : i32 to index
            %get3A_520 = arith.constant 112 : index
            %get3A_521 = tpu.vector_load %arg12[%get3A_519, %get3A_520] {strides = array<i32>} : memref<128x128xf32, #tpu.memory_space<vmem>>, vector<1x16xf32>,
            %get3A_522 = vector.shape_cast %get3A_521 : vector<1x16xf32> to vector<16xf32>
            %mul3A_523 = arith.mulf %get3A_518, %get3A_522 : vector<16xf32>
            %swap3A_524 = arith.index_cast %add3A_416 : i32 to index
            %swap3A_525 = arith.constant 112 : index
            %swap3A_526 = tpu.vector_load %arg14[%swap3A_524, %swap3A_525] {strides = array<i32>} : memref<128x128xf32, #tpu.memory_space<vmem>>, vector<1x16xf32>,
            %swap3A_527 = vector.shape_cast %swap3A_526 : vector<1x16xf32> to vector<16xf32>
            %swap3A_528 = vector.shape_cast %mul3A_523 : vector<16xf32> to vector<1x16xf32>
            tpu.vector_store %arg14[%swap3A_524, %swap3A_525], %swap3A_528 {strides = array<i32>} : memref<128x128xf32, #tpu.memory_space<vmem>>, vector<1x16xf32>,
          }
          %scan3A_411 = arith.constant 128 : i32
          %run_scoped3A = arith.constant 0 : i32
          "tpu.region"() ({
            %run_scoped3A_412 = tpu.sem_alloc : memref<!tpu.dma_semaphore, #tpu.memory_space<semaphore_mem>>
            %dma_start3A = arith.constant 0 : i32
            %dma_start3A_413 = tpu.memref_slice %arg16[%run_scoped3A, %dma_start3A] : memref<8x128xi32, #tpu.memory_space<vmem>> -> memref<1x128xi32, #tpu.memory_space<vmem>>
            %dma_start3A_414 = tpu.memref_squeeze %dma_start3A_413 : memref<1x128xi32, #tpu.memory_space<vmem>> -> memref<128xi32, #tpu.memory_space<vmem>>
            %dma_start3A_415 = arith.constant 0 : i32
            %dma_start3A_416 = arith.constant 0 : i32
            %dma_start3A_417 = tpu.memref_slice %arg17[%dma_start3A_415, %dma_start3A_416] : memref<1920x128xf32, #tpu.memory_space<vmem_shared>> -> memref<1920x128xf32, #tpu.memory_space<vmem_shared>>
            tpu.enqueue_indirect_dma source(%arg14 : memref<128x128xf32, #tpu.memory_space<vmem>>) target(%dma_start3A_417 : memref<1920x128xf32, #tpu.memory_space<vmem_shared>>) offsets(%dma_start3A_414 : memref<128xi32, #tpu.memory_space<vmem>>) semaphore(%run_scoped3A_412 : memref<!tpu.dma_semaphore, #tpu.memory_space<semaphore_mem>>) {add = true}
            %dma_wait3A_418 = arith.constant 0 : i32
            %dma_wait3A_419 = tpu.memref_slice %arg16[%run_scoped3A, %dma_wait3A_418] : memref<8x128xi32, #tpu.memory_space<vmem>> -> memref<1x128xi32, #tpu.memory_space<vmem>>
            %dma_wait3A_420 = tpu.memref_squeeze %dma_wait3A_419 : memref<1x128xi32, #tpu.memory_space<vmem>> -> memref<128xi32, #tpu.memory_space<vmem>>
            %dma_wait3A_421 = arith.constant 0 : i32
            %dma_wait3A_422 = arith.constant 0 : i32
            %dma_wait3A_423 = tpu.memref_slice %arg17[%dma_wait3A_421, %dma_wait3A_422] : memref<1920x128xf32, #tpu.memory_space<vmem_shared>> -> memref<1920x128xf32, #tpu.memory_space<vmem_shared>>
            tpu.wait_indirect_dma semaphore(%run_scoped3A_412 : memref<!tpu.dma_semaphore, #tpu.memory_space<semaphore_mem>>) src(%arg14 : memref<128x128xf32, #tpu.memory_space<vmem>>) dst(%dma_wait3A_423 : memref<1920x128xf32, #tpu.memory_space<vmem_shared>>)
            tpu.yield
          }) : () -> ()
        } else {
        }
      } else {
      }
      %not3A = arith.constant true
      %not3A_203 = arith.xori %eq3A_199, %not3A : i1
      %convert_element_type3A_204 = arith.extui %not3A_203 : i1 to i32
      %cond3A_205 = arith.constant 0 : i32
      %cond3A_206 = arith.cmpi ne, %convert_element_type3A_204, %cond3A_205 : i32
      scf.if %cond3A_206 {
        %lt3A_207 = arith.cmpi slt, %add3A_186, %squeeze3A_10 : i32
        %convert_element_type3A_208 = arith.extui %lt3A_207 : i1 to i32
        %cond3A_209 = arith.constant 0 : i32
        %cond3A_210 = arith.cmpi ne, %convert_element_type3A_208, %cond3A_209 : i32
        scf.if %cond3A_210 {
          %sub3A_217 = arith.subi %add3A_186, %multiple_of3A : i32
          %dma_start3A = arith.constant 0 : i32
          %dma_start3A_218 = tpu.memref_slice %arg9[%sub3A_217, %dma_start3A] : memref<184x128xi32, #tpu.memory_space<vmem>> -> memref<1x128xi32, #tpu.memory_space<vmem>>
          %dma_start3A_219 = tpu.memref_squeeze %dma_start3A_218 : memref<1x128xi32, #tpu.memory_space<vmem>> -> memref<128xi32, #tpu.memory_space<vmem>>
          %dma_start3A_220 = arith.constant 0 : i32
          %dma_start3A_221 = arith.constant 0 : i32
          %dma_start3A_222 = tpu.memref_slice %arg2[%dma_start3A_220, %dma_start3A_221] : memref<10000x128xf32, #tpu.memory_space<hbm>> -> memref<10000x128xf32, #tpu.memory_space<hbm>>
          tpu.enqueue_indirect_dma source(%dma_start3A_222 : memref<10000x128xf32, #tpu.memory_space<hbm>>) target(%arg14 : memref<128x128xf32, #tpu.memory_space<vmem>>) offsets(%dma_start3A_219 : memref<128xi32, #tpu.memory_space<vmem>>) semaphore(%arg20 : memref<!tpu.dma_semaphore, #tpu.memory_space<semaphore_mem>>)
          %mul3A_223 = arith.constant 128 : i32
          %mul3A_224 = arith.muli %add3A_186, %mul3A_223 : i32
          %multiple_of3A_225 = tpu.assume_multiple %mul3A_224, 8 : i32
          %dma_start3A_226 = arith.constant 0 : i32
          %dma_start3A_227 = tpu.memref_slice %arg3[%multiple_of3A_225, %dma_start3A_226] : memref<320000x128xf32, #tpu.memory_space<hbm>> -> memref<128x128xf32, #tpu.memory_space<hbm>>
          %dma_start3A_228 = arith.constant 0 : i32
          %dma_start3A_229 = tpu.memref_slice %arg3[%multiple_of3A_225, %dma_start3A_228] : memref<320000x128xf32, #tpu.memory_space<hbm>> -> memref<128x128xf32, #tpu.memory_space<hbm>>
          tpu.enqueue_dma source(%dma_start3A_229 : memref<128x128xf32, #tpu.memory_space<hbm>>) target(%arg12 : memref<128x128xf32, #tpu.memory_space<vmem>>) target_semaphore(%arg22 : memref<!tpu.dma_semaphore, #tpu.memory_space<semaphore_mem>>)
        } else {
        }
        %sub3A_211 = arith.constant 1 : i32
        %sub3A_212 = arith.subi %add3A_186, %sub3A_211 : i32
        %ge3A_213 = arith.cmpi sge, %sub3A_212, %squeeze3A_8 : i32
        %convert_element_type3A_214 = arith.extui %ge3A_213 : i1 to i32
        %cond3A_215 = arith.constant 0 : i32
        %cond3A_216 = arith.cmpi ne, %convert_element_type3A_214, %cond3A_215 : i32
        scf.if %cond3A_216 {
          %sub3A_217 = arith.constant 1 : i32
          %sub3A_218 = arith.subi %add3A_186, %sub3A_217 : i32
          %sub3A_219 = arith.subi %sub3A_218, %multiple_of3A : i32
          %get3A_220 = arith.index_cast %sub3A_219 : i32 to index
          %get3A_221 = arith.constant 0 : index
          %get3A_222 = tpu.vector_load %arg10[%get3A_220, %get3A_221] {strides = array<i32>} : memref<184x128xi32, #tpu.memory_space<vmem>>, vector<1x16xi32>,
          %get3A_223 = vector.shape_cast %get3A_222 : vector<1x16xi32> to vector<16xi32>
          %sub3A_224 = vector.broadcast %mul3A_14 : i32 to vector<16xi32>
          %sub3A_225 = arith.subi %get3A_223, %sub3A_224 : vector<16xi32>
          %ge3A_226 = arith.constant 0 : i32
          %ge3A_227 = vector.broadcast %ge3A_226 : i32 to vector<16xi32>
          %ge3A_228 = arith.cmpi sge, %sub3A_225, %ge3A_227 : vector<16xi32>
          %lt3A_229 = arith.constant 1792 : i32
          %lt3A_230 = vector.broadcast %lt3A_229 : i32 to vector<16xi32>
          %lt3A_231 = arith.cmpi slt, %sub3A_225, %lt3A_230 : vector<16xi32>
          %and3A_232 = arith.andi %ge3A_228, %lt3A_231 : vector<16xi1>
          %jit3A_233 = arith.constant 1792 : i32
          %broadcast_in_dim3A = vector.broadcast %jit3A_233 : i32 to vector<16xi32>
          %select_n3A_234 = arith.select %and3A_232, %sub3A_225, %broadcast_in_dim3A : vector<16xi1>, vector<16xi32>
          %swap3A = arith.constant 0 : i32
          %swap3A_235 = arith.index_cast %swap3A : i32 to index
          %swap3A_236 = arith.constant 0 : index
          %swap3A_237 = tpu.vector_load %arg15[%swap3A_235, %swap3A_236] {strides = array<i32>} : memref<8x128xi32, #tpu.memory_space<vmem>>, vector<1x16xi32>,
          %swap3A_238 = vector.shape_cast %swap3A_237 : vector<1x16xi32> to vector<16xi32>
          %swap3A_239 = vector.shape_cast %select_n3A_234 : vector<16xi32> to vector<1x16xi32>
          tpu.vector_store %arg15[%swap3A_235, %swap3A_236], %swap3A_239 {strides = array<i32>} : memref<8x128xi32, #tpu.memory_space<vmem>>, vector<1x16xi32>,
          %get3A_240 = arith.index_cast %sub3A_219 : i32 to index
          %get3A_241 = arith.constant 16 : index
          %get3A_242 = tpu.vector_load %arg10[%get3A_240, %get3A_241] {strides = array<i32>} : memref<184x128xi32, #tpu.memory_space<vmem>>, vector<1x16xi32>,
          %get3A_243 = vector.shape_cast %get3A_242 : vector<1x16xi32> to vector<16xi32>
          %sub3A_244 = vector.broadcast %mul3A_14 : i32 to vector<16xi32>
          %sub3A_245 = arith.subi %get3A_243, %sub3A_244 : vector<16xi32>
          %ge3A_246 = arith.constant 0 : i32
          %ge3A_247 = vector.broadcast %ge3A_246 : i32 to vector<16xi32>
          %ge3A_248 = arith.cmpi sge, %sub3A_245, %ge3A_247 : vector<16xi32>
          %lt3A_249 = arith.constant 1792 : i32
          %lt3A_250 = vector.broadcast %lt3A_249 : i32 to vector<16xi32>
          %lt3A_251 = arith.cmpi slt, %sub3A_245, %lt3A_250 : vector<16xi32>
          %and3A_252 = arith.andi %ge3A_248, %lt3A_251 : vector<16xi1>
          %jit3A_253 = arith.constant 1792 : i32
          %broadcast_in_dim3A_254 = vector.broadcast %jit3A_253 : i32 to vector<16xi32>
          %select_n3A_255 = arith.select %and3A_252, %sub3A_245, %broadcast_in_dim3A_254 : vector<16xi1>, vector<16xi32>
          %swap3A_256 = arith.constant 0 : i32
          %swap3A_257 = arith.index_cast %swap3A_256 : i32 to index
          %swap3A_258 = arith.constant 16 : index
          %swap3A_259 = tpu.vector_load %arg15[%swap3A_257, %swap3A_258] {strides = array<i32>} : memref<8x128xi32, #tpu.memory_space<vmem>>, vector<1x16xi32>,
          %swap3A_260 = vector.shape_cast %swap3A_259 : vector<1x16xi32> to vector<16xi32>
          %swap3A_261 = vector.shape_cast %select_n3A_255 : vector<16xi32> to vector<1x16xi32>
          tpu.vector_store %arg15[%swap3A_257, %swap3A_258], %swap3A_261 {strides = array<i32>} : memref<8x128xi32, #tpu.memory_space<vmem>>, vector<1x16xi32>,
          %get3A_262 = arith.index_cast %sub3A_219 : i32 to index
          %get3A_263 = arith.constant 32 : index
          %get3A_264 = tpu.vector_load %arg10[%get3A_262, %get3A_263] {strides = array<i32>} : memref<184x128xi32, #tpu.memory_space<vmem>>, vector<1x16xi32>,
          %get3A_265 = vector.shape_cast %get3A_264 : vector<1x16xi32> to vector<16xi32>
          %sub3A_266 = vector.broadcast %mul3A_14 : i32 to vector<16xi32>
          %sub3A_267 = arith.subi %get3A_265, %sub3A_266 : vector<16xi32>
          %ge3A_268 = arith.constant 0 : i32
          %ge3A_269 = vector.broadcast %ge3A_268 : i32 to vector<16xi32>
          %ge3A_270 = arith.cmpi sge, %sub3A_267, %ge3A_269 : vector<16xi32>
          %lt3A_271 = arith.constant 1792 : i32
          %lt3A_272 = vector.broadcast %lt3A_271 : i32 to vector<16xi32>
          %lt3A_273 = arith.cmpi slt, %sub3A_267, %lt3A_272 : vector<16xi32>
          %and3A_274 = arith.andi %ge3A_270, %lt3A_273 : vector<16xi1>
          %jit3A_275 = arith.constant 1792 : i32
          %broadcast_in_dim3A_276 = vector.broadcast %jit3A_275 : i32 to vector<16xi32>
          %select_n3A_277 = arith.select %and3A_274, %sub3A_267, %broadcast_in_dim3A_276 : vector<16xi1>, vector<16xi32>
          %swap3A_278 = arith.constant 0 : i32
          %swap3A_279 = arith.index_cast %swap3A_278 : i32 to index
          %swap3A_280 = arith.constant 32 : index
          %swap3A_281 = tpu.vector_load %arg15[%swap3A_279, %swap3A_280] {strides = array<i32>} : memref<8x128xi32, #tpu.memory_space<vmem>>, vector<1x16xi32>,
          %swap3A_282 = vector.shape_cast %swap3A_281 : vector<1x16xi32> to vector<16xi32>
          %swap3A_283 = vector.shape_cast %select_n3A_277 : vector<16xi32> to vector<1x16xi32>
          tpu.vector_store %arg15[%swap3A_279, %swap3A_280], %swap3A_283 {strides = array<i32>} : memref<8x128xi32, #tpu.memory_space<vmem>>, vector<1x16xi32>,
          %get3A_284 = arith.index_cast %sub3A_219 : i32 to index
          %get3A_285 = arith.constant 48 : index
          %get3A_286 = tpu.vector_load %arg10[%get3A_284, %get3A_285] {strides = array<i32>} : memref<184x128xi32, #tpu.memory_space<vmem>>, vector<1x16xi32>,
          %get3A_287 = vector.shape_cast %get3A_286 : vector<1x16xi32> to vector<16xi32>
          %sub3A_288 = vector.broadcast %mul3A_14 : i32 to vector<16xi32>
          %sub3A_289 = arith.subi %get3A_287, %sub3A_288 : vector<16xi32>
          %ge3A_290 = arith.constant 0 : i32
          %ge3A_291 = vector.broadcast %ge3A_290 : i32 to vector<16xi32>
          %ge3A_292 = arith.cmpi sge, %sub3A_289, %ge3A_291 : vector<16xi32>
          %lt3A_293 = arith.constant 1792 : i32
          %lt3A_294 = vector.broadcast %lt3A_293 : i32 to vector<16xi32>
          %lt3A_295 = arith.cmpi slt, %sub3A_289, %lt3A_294 : vector<16xi32>
          %and3A_296 = arith.andi %ge3A_292, %lt3A_295 : vector<16xi1>
          %jit3A_297 = arith.constant 1792 : i32
          %broadcast_in_dim3A_298 = vector.broadcast %jit3A_297 : i32 to vector<16xi32>
          %select_n3A_299 = arith.select %and3A_296, %sub3A_289, %broadcast_in_dim3A_298 : vector<16xi1>, vector<16xi32>
          %swap3A_300 = arith.constant 0 : i32
          %swap3A_301 = arith.index_cast %swap3A_300 : i32 to index
          %swap3A_302 = arith.constant 48 : index
          %swap3A_303 = tpu.vector_load %arg15[%swap3A_301, %swap3A_302] {strides = array<i32>} : memref<8x128xi32, #tpu.memory_space<vmem>>, vector<1x16xi32>,
          %swap3A_304 = vector.shape_cast %swap3A_303 : vector<1x16xi32> to vector<16xi32>
          %swap3A_305 = vector.shape_cast %select_n3A_299 : vector<16xi32> to vector<1x16xi32>
          tpu.vector_store %arg15[%swap3A_301, %swap3A_302], %swap3A_305 {strides = array<i32>} : memref<8x128xi32, #tpu.memory_space<vmem>>, vector<1x16xi32>,
          %get3A_306 = arith.index_cast %sub3A_219 : i32 to index
          %get3A_307 = arith.constant 64 : index
          %get3A_308 = tpu.vector_load %arg10[%get3A_306, %get3A_307] {strides = array<i32>} : memref<184x128xi32, #tpu.memory_space<vmem>>, vector<1x16xi32>,
          %get3A_309 = vector.shape_cast %get3A_308 : vector<1x16xi32> to vector<16xi32>
          %sub3A_310 = vector.broadcast %mul3A_14 : i32 to vector<16xi32>
          %sub3A_311 = arith.subi %get3A_309, %sub3A_310 : vector<16xi32>
          %ge3A_312 = arith.constant 0 : i32
          %ge3A_313 = vector.broadcast %ge3A_312 : i32 to vector<16xi32>
          %ge3A_314 = arith.cmpi sge, %sub3A_311, %ge3A_313 : vector<16xi32>
          %lt3A_315 = arith.constant 1792 : i32
          %lt3A_316 = vector.broadcast %lt3A_315 : i32 to vector<16xi32>
          %lt3A_317 = arith.cmpi slt, %sub3A_311, %lt3A_316 : vector<16xi32>
          %and3A_318 = arith.andi %ge3A_314, %lt3A_317 : vector<16xi1>
          %jit3A_319 = arith.constant 1792 : i32
          %broadcast_in_dim3A_320 = vector.broadcast %jit3A_319 : i32 to vector<16xi32>
          %select_n3A_321 = arith.select %and3A_318, %sub3A_311, %broadcast_in_dim3A_320 : vector<16xi1>, vector<16xi32>
          %swap3A_322 = arith.constant 0 : i32
          %swap3A_323 = arith.index_cast %swap3A_322 : i32 to index
          %swap3A_324 = arith.constant 64 : index
          %swap3A_325 = tpu.vector_load %arg15[%swap3A_323, %swap3A_324] {strides = array<i32>} : memref<8x128xi32, #tpu.memory_space<vmem>>, vector<1x16xi32>,
          %swap3A_326 = vector.shape_cast %swap3A_325 : vector<1x16xi32> to vector<16xi32>
          %swap3A_327 = vector.shape_cast %select_n3A_321 : vector<16xi32> to vector<1x16xi32>
          tpu.vector_store %arg15[%swap3A_323, %swap3A_324], %swap3A_327 {strides = array<i32>} : memref<8x128xi32, #tpu.memory_space<vmem>>, vector<1x16xi32>,
          %get3A_328 = arith.index_cast %sub3A_219 : i32 to index
          %get3A_329 = arith.constant 80 : index
          %get3A_330 = tpu.vector_load %arg10[%get3A_328, %get3A_329] {strides = array<i32>} : memref<184x128xi32, #tpu.memory_space<vmem>>, vector<1x16xi32>,
          %get3A_331 = vector.shape_cast %get3A_330 : vector<1x16xi32> to vector<16xi32>
          %sub3A_332 = vector.broadcast %mul3A_14 : i32 to vector<16xi32>
          %sub3A_333 = arith.subi %get3A_331, %sub3A_332 : vector<16xi32>
          %ge3A_334 = arith.constant 0 : i32
          %ge3A_335 = vector.broadcast %ge3A_334 : i32 to vector<16xi32>
          %ge3A_336 = arith.cmpi sge, %sub3A_333, %ge3A_335 : vector<16xi32>
          %lt3A_337 = arith.constant 1792 : i32
          %lt3A_338 = vector.broadcast %lt3A_337 : i32 to vector<16xi32>
          %lt3A_339 = arith.cmpi slt, %sub3A_333, %lt3A_338 : vector<16xi32>
          %and3A_340 = arith.andi %ge3A_336, %lt3A_339 : vector<16xi1>
          %jit3A_341 = arith.constant 1792 : i32
          %broadcast_in_dim3A_342 = vector.broadcast %jit3A_341 : i32 to vector<16xi32>
          %select_n3A_343 = arith.select %and3A_340, %sub3A_333, %broadcast_in_dim3A_342 : vector<16xi1>, vector<16xi32>
          %swap3A_344 = arith.constant 0 : i32
          %swap3A_345 = arith.index_cast %swap3A_344 : i32 to index
          %swap3A_346 = arith.constant 80 : index
          %swap3A_347 = tpu.vector_load %arg15[%swap3A_345, %swap3A_346] {strides = array<i32>} : memref<8x128xi32, #tpu.memory_space<vmem>>, vector<1x16xi32>,
          %swap3A_348 = vector.shape_cast %swap3A_347 : vector<1x16xi32> to vector<16xi32>
          %swap3A_349 = vector.shape_cast %select_n3A_343 : vector<16xi32> to vector<1x16xi32>
          tpu.vector_store %arg15[%swap3A_345, %swap3A_346], %swap3A_349 {strides = array<i32>} : memref<8x128xi32, #tpu.memory_space<vmem>>, vector<1x16xi32>,
          %get3A_350 = arith.index_cast %sub3A_219 : i32 to index
          %get3A_351 = arith.constant 96 : index
          %get3A_352 = tpu.vector_load %arg10[%get3A_350, %get3A_351] {strides = array<i32>} : memref<184x128xi32, #tpu.memory_space<vmem>>, vector<1x16xi32>,
          %get3A_353 = vector.shape_cast %get3A_352 : vector<1x16xi32> to vector<16xi32>
          %sub3A_354 = vector.broadcast %mul3A_14 : i32 to vector<16xi32>
          %sub3A_355 = arith.subi %get3A_353, %sub3A_354 : vector<16xi32>
          %ge3A_356 = arith.constant 0 : i32
          %ge3A_357 = vector.broadcast %ge3A_356 : i32 to vector<16xi32>
          %ge3A_358 = arith.cmpi sge, %sub3A_355, %ge3A_357 : vector<16xi32>
          %lt3A_359 = arith.constant 1792 : i32
          %lt3A_360 = vector.broadcast %lt3A_359 : i32 to vector<16xi32>
          %lt3A_361 = arith.cmpi slt, %sub3A_355, %lt3A_360 : vector<16xi32>
          %and3A_362 = arith.andi %ge3A_358, %lt3A_361 : vector<16xi1>
          %jit3A_363 = arith.constant 1792 : i32
          %broadcast_in_dim3A_364 = vector.broadcast %jit3A_363 : i32 to vector<16xi32>
          %select_n3A_365 = arith.select %and3A_362, %sub3A_355, %broadcast_in_dim3A_364 : vector<16xi1>, vector<16xi32>
          %swap3A_366 = arith.constant 0 : i32
          %swap3A_367 = arith.index_cast %swap3A_366 : i32 to index
          %swap3A_368 = arith.constant 96 : index
          %swap3A_369 = tpu.vector_load %arg15[%swap3A_367, %swap3A_368] {strides = array<i32>} : memref<8x128xi32, #tpu.memory_space<vmem>>, vector<1x16xi32>,
          %swap3A_370 = vector.shape_cast %swap3A_369 : vector<1x16xi32> to vector<16xi32>
          %swap3A_371 = vector.shape_cast %select_n3A_365 : vector<16xi32> to vector<1x16xi32>
          tpu.vector_store %arg15[%swap3A_367, %swap3A_368], %swap3A_371 {strides = array<i32>} : memref<8x128xi32, #tpu.memory_space<vmem>>, vector<1x16xi32>,
          %get3A_372 = arith.index_cast %sub3A_219 : i32 to index
          %get3A_373 = arith.constant 112 : index
          %get3A_374 = tpu.vector_load %arg10[%get3A_372, %get3A_373] {strides = array<i32>} : memref<184x128xi32, #tpu.memory_space<vmem>>, vector<1x16xi32>,
          %get3A_375 = vector.shape_cast %get3A_374 : vector<1x16xi32> to vector<16xi32>
          %sub3A_376 = vector.broadcast %mul3A_14 : i32 to vector<16xi32>
          %sub3A_377 = arith.subi %get3A_375, %sub3A_376 : vector<16xi32>
          %ge3A_378 = arith.constant 0 : i32
          %ge3A_379 = vector.broadcast %ge3A_378 : i32 to vector<16xi32>
          %ge3A_380 = arith.cmpi sge, %sub3A_377, %ge3A_379 : vector<16xi32>
          %lt3A_381 = arith.constant 1792 : i32
          %lt3A_382 = vector.broadcast %lt3A_381 : i32 to vector<16xi32>
          %lt3A_383 = arith.cmpi slt, %sub3A_377, %lt3A_382 : vector<16xi32>
          %and3A_384 = arith.andi %ge3A_380, %lt3A_383 : vector<16xi1>
          %jit3A_385 = arith.constant 1792 : i32
          %broadcast_in_dim3A_386 = vector.broadcast %jit3A_385 : i32 to vector<16xi32>
          %select_n3A_387 = arith.select %and3A_384, %sub3A_377, %broadcast_in_dim3A_386 : vector<16xi1>, vector<16xi32>
          %swap3A_388 = arith.constant 0 : i32
          %swap3A_389 = arith.index_cast %swap3A_388 : i32 to index
          %swap3A_390 = arith.constant 112 : index
          %swap3A_391 = tpu.vector_load %arg15[%swap3A_389, %swap3A_390] {strides = array<i32>} : memref<8x128xi32, #tpu.memory_space<vmem>>, vector<1x16xi32>,
          %swap3A_392 = vector.shape_cast %swap3A_391 : vector<1x16xi32> to vector<16xi32>
          %swap3A_393 = vector.shape_cast %select_n3A_387 : vector<16xi32> to vector<1x16xi32>
          tpu.vector_store %arg15[%swap3A_389, %swap3A_390], %swap3A_393 {strides = array<i32>} : memref<8x128xi32, #tpu.memory_space<vmem>>, vector<1x16xi32>,
          %sub3A_394 = arith.constant 1 : i32
          %sub3A_395 = arith.subi %add3A_186, %sub3A_394 : i32
          %mul3A_396 = arith.constant 128 : i32
          %mul3A_397 = arith.muli %sub3A_395, %mul3A_396 : i32
          %multiple_of3A_398 = tpu.assume_multiple %mul3A_397, 8 : i32
          %dma_wait3A = arith.constant 0 : i32
          %dma_wait3A_399 = tpu.memref_slice %arg9[%sub3A_219, %dma_wait3A] : memref<184x128xi32, #tpu.memory_space<vmem>> -> memref<1x128xi32, #tpu.memory_space<vmem>>
          %dma_wait3A_400 = tpu.memref_squeeze %dma_wait3A_399 : memref<1x128xi32, #tpu.memory_space<vmem>> -> memref<128xi32, #tpu.memory_space<vmem>>
          %dma_wait3A_401 = arith.constant 0 : i32
          %dma_wait3A_402 = arith.constant 0 : i32
          %dma_wait3A_403 = tpu.memref_slice %arg2[%dma_wait3A_401, %dma_wait3A_402] : memref<10000x128xf32, #tpu.memory_space<hbm>> -> memref<10000x128xf32, #tpu.memory_space<hbm>>
          tpu.wait_indirect_dma semaphore(%arg19 : memref<!tpu.dma_semaphore, #tpu.memory_space<semaphore_mem>>) src(%dma_wait3A_403 : memref<10000x128xf32, #tpu.memory_space<hbm>>) dst(%arg13 : memref<128x128xf32, #tpu.memory_space<vmem>>)
          %dma_wait3A_404 = arith.constant 0 : i32
          %dma_wait3A_405 = tpu.memref_slice %arg3[%multiple_of3A_398, %dma_wait3A_404] : memref<320000x128xf32, #tpu.memory_space<hbm>> -> memref<128x128xf32, #tpu.memory_space<hbm>>
          %dma_wait3A_406 = arith.constant 0 : i32
          %dma_wait3A_407 = tpu.memref_slice %arg3[%multiple_of3A_398, %dma_wait3A_406] : memref<320000x128xf32, #tpu.memory_space<hbm>> -> memref<128x128xf32, #tpu.memory_space<hbm>>
          tpu.wait_dma2 semaphore(%arg21 : memref<!tpu.dma_semaphore, #tpu.memory_space<semaphore_mem>>) src(%dma_wait3A_407 : memref<128x128xf32, #tpu.memory_space<hbm>>) dst(%arg11 : memref<128x128xf32, #tpu.memory_space<vmem>>)
          %scan3A = arith.constant 0 : i32
          %scan3A_408 = arith.constant 128 : i32
          %scan3A_409 = arith.addi %scan3A, %scan3A_408 : i32
          %scan3A_410 = arith.constant 1 : i32
          scf.for %scan3A_412 = %scan3A to %scan3A_409 step %scan3A_410  : i32 {
            %mul3A_413 = arith.constant 1 : i32
            %mul3A_414 = arith.muli %scan3A_412, %mul3A_413 : i32
            %add3A_415 = arith.constant 0 : i32
            %add3A_416 = arith.addi %add3A_415, %mul3A_414 : i32
            %get3A_417 = arith.index_cast %add3A_416 : i32 to index
            %get3A_418 = arith.constant 0 : index
            %get3A_419 = tpu.vector_load %arg13[%get3A_417, %get3A_418] {strides = array<i32>} : memref<128x128xf32, #tpu.memory_space<vmem>>, vector<1x16xf32>,
            %get3A_420 = vector.shape_cast %get3A_419 : vector<1x16xf32> to vector<16xf32>
            %get3A_421 = arith.index_cast %add3A_416 : i32 to index
            %get3A_422 = arith.constant 0 : index
            %get3A_423 = tpu.vector_load %arg11[%get3A_421, %get3A_422] {strides = array<i32>} : memref<128x128xf32, #tpu.memory_space<vmem>>, vector<1x16xf32>,
            %get3A_424 = vector.shape_cast %get3A_423 : vector<1x16xf32> to vector<16xf32>
            %mul3A_425 = arith.mulf %get3A_420, %get3A_424 : vector<16xf32>
            %swap3A_426 = arith.index_cast %add3A_416 : i32 to index
            %swap3A_427 = arith.constant 0 : index
            %swap3A_428 = tpu.vector_load %arg13[%swap3A_426, %swap3A_427] {strides = array<i32>} : memref<128x128xf32, #tpu.memory_space<vmem>>, vector<1x16xf32>,
            %swap3A_429 = vector.shape_cast %swap3A_428 : vector<1x16xf32> to vector<16xf32>
            %swap3A_430 = vector.shape_cast %mul3A_425 : vector<16xf32> to vector<1x16xf32>
            tpu.vector_store %arg13[%swap3A_426, %swap3A_427], %swap3A_430 {strides = array<i32>} : memref<128x128xf32, #tpu.memory_space<vmem>>, vector<1x16xf32>,
            %get3A_431 = arith.index_cast %add3A_416 : i32 to index
            %get3A_432 = arith.constant 16 : index
            %get3A_433 = tpu.vector_load %arg13[%get3A_431, %get3A_432] {strides = array<i32>} : memref<128x128xf32, #tpu.memory_space<vmem>>, vector<1x16xf32>,
            %get3A_434 = vector.shape_cast %get3A_433 : vector<1x16xf32> to vector<16xf32>
            %get3A_435 = arith.index_cast %add3A_416 : i32 to index
            %get3A_436 = arith.constant 16 : index
            %get3A_437 = tpu.vector_load %arg11[%get3A_435, %get3A_436] {strides = array<i32>} : memref<128x128xf32, #tpu.memory_space<vmem>>, vector<1x16xf32>,
            %get3A_438 = vector.shape_cast %get3A_437 : vector<1x16xf32> to vector<16xf32>
            %mul3A_439 = arith.mulf %get3A_434, %get3A_438 : vector<16xf32>
            %swap3A_440 = arith.index_cast %add3A_416 : i32 to index
            %swap3A_441 = arith.constant 16 : index
            %swap3A_442 = tpu.vector_load %arg13[%swap3A_440, %swap3A_441] {strides = array<i32>} : memref<128x128xf32, #tpu.memory_space<vmem>>, vector<1x16xf32>,
            %swap3A_443 = vector.shape_cast %swap3A_442 : vector<1x16xf32> to vector<16xf32>
            %swap3A_444 = vector.shape_cast %mul3A_439 : vector<16xf32> to vector<1x16xf32>
            tpu.vector_store %arg13[%swap3A_440, %swap3A_441], %swap3A_444 {strides = array<i32>} : memref<128x128xf32, #tpu.memory_space<vmem>>, vector<1x16xf32>,
            %get3A_445 = arith.index_cast %add3A_416 : i32 to index
            %get3A_446 = arith.constant 32 : index
            %get3A_447 = tpu.vector_load %arg13[%get3A_445, %get3A_446] {strides = array<i32>} : memref<128x128xf32, #tpu.memory_space<vmem>>, vector<1x16xf32>,
            %get3A_448 = vector.shape_cast %get3A_447 : vector<1x16xf32> to vector<16xf32>
            %get3A_449 = arith.index_cast %add3A_416 : i32 to index
            %get3A_450 = arith.constant 32 : index
            %get3A_451 = tpu.vector_load %arg11[%get3A_449, %get3A_450] {strides = array<i32>} : memref<128x128xf32, #tpu.memory_space<vmem>>, vector<1x16xf32>,
            %get3A_452 = vector.shape_cast %get3A_451 : vector<1x16xf32> to vector<16xf32>
            %mul3A_453 = arith.mulf %get3A_448, %get3A_452 : vector<16xf32>
            %swap3A_454 = arith.index_cast %add3A_416 : i32 to index
            %swap3A_455 = arith.constant 32 : index
            %swap3A_456 = tpu.vector_load %arg13[%swap3A_454, %swap3A_455] {strides = array<i32>} : memref<128x128xf32, #tpu.memory_space<vmem>>, vector<1x16xf32>,
            %swap3A_457 = vector.shape_cast %swap3A_456 : vector<1x16xf32> to vector<16xf32>
            %swap3A_458 = vector.shape_cast %mul3A_453 : vector<16xf32> to vector<1x16xf32>
            tpu.vector_store %arg13[%swap3A_454, %swap3A_455], %swap3A_458 {strides = array<i32>} : memref<128x128xf32, #tpu.memory_space<vmem>>, vector<1x16xf32>,
            %get3A_459 = arith.index_cast %add3A_416 : i32 to index
            %get3A_460 = arith.constant 48 : index
            %get3A_461 = tpu.vector_load %arg13[%get3A_459, %get3A_460] {strides = array<i32>} : memref<128x128xf32, #tpu.memory_space<vmem>>, vector<1x16xf32>,
            %get3A_462 = vector.shape_cast %get3A_461 : vector<1x16xf32> to vector<16xf32>
            %get3A_463 = arith.index_cast %add3A_416 : i32 to index
            %get3A_464 = arith.constant 48 : index
            %get3A_465 = tpu.vector_load %arg11[%get3A_463, %get3A_464] {strides = array<i32>} : memref<128x128xf32, #tpu.memory_space<vmem>>, vector<1x16xf32>,
            %get3A_466 = vector.shape_cast %get3A_465 : vector<1x16xf32> to vector<16xf32>
            %mul3A_467 = arith.mulf %get3A_462, %get3A_466 : vector<16xf32>
            %swap3A_468 = arith.index_cast %add3A_416 : i32 to index
            %swap3A_469 = arith.constant 48 : index
            %swap3A_470 = tpu.vector_load %arg13[%swap3A_468, %swap3A_469] {strides = array<i32>} : memref<128x128xf32, #tpu.memory_space<vmem>>, vector<1x16xf32>,
            %swap3A_471 = vector.shape_cast %swap3A_470 : vector<1x16xf32> to vector<16xf32>
            %swap3A_472 = vector.shape_cast %mul3A_467 : vector<16xf32> to vector<1x16xf32>
            tpu.vector_store %arg13[%swap3A_468, %swap3A_469], %swap3A_472 {strides = array<i32>} : memref<128x128xf32, #tpu.memory_space<vmem>>, vector<1x16xf32>,
            %get3A_473 = arith.index_cast %add3A_416 : i32 to index
            %get3A_474 = arith.constant 64 : index
            %get3A_475 = tpu.vector_load %arg13[%get3A_473, %get3A_474] {strides = array<i32>} : memref<128x128xf32, #tpu.memory_space<vmem>>, vector<1x16xf32>,
            %get3A_476 = vector.shape_cast %get3A_475 : vector<1x16xf32> to vector<16xf32>
            %get3A_477 = arith.index_cast %add3A_416 : i32 to index
            %get3A_478 = arith.constant 64 : index
            %get3A_479 = tpu.vector_load %arg11[%get3A_477, %get3A_478] {strides = array<i32>} : memref<128x128xf32, #tpu.memory_space<vmem>>, vector<1x16xf32>,
            %get3A_480 = vector.shape_cast %get3A_479 : vector<1x16xf32> to vector<16xf32>
            %mul3A_481 = arith.mulf %get3A_476, %get3A_480 : vector<16xf32>
            %swap3A_482 = arith.index_cast %add3A_416 : i32 to index
            %swap3A_483 = arith.constant 64 : index
            %swap3A_484 = tpu.vector_load %arg13[%swap3A_482, %swap3A_483] {strides = array<i32>} : memref<128x128xf32, #tpu.memory_space<vmem>>, vector<1x16xf32>,
            %swap3A_485 = vector.shape_cast %swap3A_484 : vector<1x16xf32> to vector<16xf32>
            %swap3A_486 = vector.shape_cast %mul3A_481 : vector<16xf32> to vector<1x16xf32>
            tpu.vector_store %arg13[%swap3A_482, %swap3A_483], %swap3A_486 {strides = array<i32>} : memref<128x128xf32, #tpu.memory_space<vmem>>, vector<1x16xf32>,
            %get3A_487 = arith.index_cast %add3A_416 : i32 to index
            %get3A_488 = arith.constant 80 : index
            %get3A_489 = tpu.vector_load %arg13[%get3A_487, %get3A_488] {strides = array<i32>} : memref<128x128xf32, #tpu.memory_space<vmem>>, vector<1x16xf32>,
            %get3A_490 = vector.shape_cast %get3A_489 : vector<1x16xf32> to vector<16xf32>
            %get3A_491 = arith.index_cast %add3A_416 : i32 to index
            %get3A_492 = arith.constant 80 : index
            %get3A_493 = tpu.vector_load %arg11[%get3A_491, %get3A_492] {strides = array<i32>} : memref<128x128xf32, #tpu.memory_space<vmem>>, vector<1x16xf32>,
            %get3A_494 = vector.shape_cast %get3A_493 : vector<1x16xf32> to vector<16xf32>
            %mul3A_495 = arith.mulf %get3A_490, %get3A_494 : vector<16xf32>
            %swap3A_496 = arith.index_cast %add3A_416 : i32 to index
            %swap3A_497 = arith.constant 80 : index
            %swap3A_498 = tpu.vector_load %arg13[%swap3A_496, %swap3A_497] {strides = array<i32>} : memref<128x128xf32, #tpu.memory_space<vmem>>, vector<1x16xf32>,
            %swap3A_499 = vector.shape_cast %swap3A_498 : vector<1x16xf32> to vector<16xf32>
            %swap3A_500 = vector.shape_cast %mul3A_495 : vector<16xf32> to vector<1x16xf32>
            tpu.vector_store %arg13[%swap3A_496, %swap3A_497], %swap3A_500 {strides = array<i32>} : memref<128x128xf32, #tpu.memory_space<vmem>>, vector<1x16xf32>,
            %get3A_501 = arith.index_cast %add3A_416 : i32 to index
            %get3A_502 = arith.constant 96 : index
            %get3A_503 = tpu.vector_load %arg13[%get3A_501, %get3A_502] {strides = array<i32>} : memref<128x128xf32, #tpu.memory_space<vmem>>, vector<1x16xf32>,
            %get3A_504 = vector.shape_cast %get3A_503 : vector<1x16xf32> to vector<16xf32>
            %get3A_505 = arith.index_cast %add3A_416 : i32 to index
            %get3A_506 = arith.constant 96 : index
            %get3A_507 = tpu.vector_load %arg11[%get3A_505, %get3A_506] {strides = array<i32>} : memref<128x128xf32, #tpu.memory_space<vmem>>, vector<1x16xf32>,
            %get3A_508 = vector.shape_cast %get3A_507 : vector<1x16xf32> to vector<16xf32>
            %mul3A_509 = arith.mulf %get3A_504, %get3A_508 : vector<16xf32>
            %swap3A_510 = arith.index_cast %add3A_416 : i32 to index
            %swap3A_511 = arith.constant 96 : index
            %swap3A_512 = tpu.vector_load %arg13[%swap3A_510, %swap3A_511] {strides = array<i32>} : memref<128x128xf32, #tpu.memory_space<vmem>>, vector<1x16xf32>,
            %swap3A_513 = vector.shape_cast %swap3A_512 : vector<1x16xf32> to vector<16xf32>
            %swap3A_514 = vector.shape_cast %mul3A_509 : vector<16xf32> to vector<1x16xf32>
            tpu.vector_store %arg13[%swap3A_510, %swap3A_511], %swap3A_514 {strides = array<i32>} : memref<128x128xf32, #tpu.memory_space<vmem>>, vector<1x16xf32>,
            %get3A_515 = arith.index_cast %add3A_416 : i32 to index
            %get3A_516 = arith.constant 112 : index
            %get3A_517 = tpu.vector_load %arg13[%get3A_515, %get3A_516] {strides = array<i32>} : memref<128x128xf32, #tpu.memory_space<vmem>>, vector<1x16xf32>,
            %get3A_518 = vector.shape_cast %get3A_517 : vector<1x16xf32> to vector<16xf32>
            %get3A_519 = arith.index_cast %add3A_416 : i32 to index
            %get3A_520 = arith.constant 112 : index
            %get3A_521 = tpu.vector_load %arg11[%get3A_519, %get3A_520] {strides = array<i32>} : memref<128x128xf32, #tpu.memory_space<vmem>>, vector<1x16xf32>,
            %get3A_522 = vector.shape_cast %get3A_521 : vector<1x16xf32> to vector<16xf32>
            %mul3A_523 = arith.mulf %get3A_518, %get3A_522 : vector<16xf32>
            %swap3A_524 = arith.index_cast %add3A_416 : i32 to index
            %swap3A_525 = arith.constant 112 : index
            %swap3A_526 = tpu.vector_load %arg13[%swap3A_524, %swap3A_525] {strides = array<i32>} : memref<128x128xf32, #tpu.memory_space<vmem>>, vector<1x16xf32>,
            %swap3A_527 = vector.shape_cast %swap3A_526 : vector<1x16xf32> to vector<16xf32>
            %swap3A_528 = vector.shape_cast %mul3A_523 : vector<16xf32> to vector<1x16xf32>
            tpu.vector_store %arg13[%swap3A_524, %swap3A_525], %swap3A_528 {strides = array<i32>} : memref<128x128xf32, #tpu.memory_space<vmem>>, vector<1x16xf32>,
          }
          %scan3A_411 = arith.constant 128 : i32
          %run_scoped3A = arith.constant 0 : i32
          "tpu.region"() ({
            %run_scoped3A_412 = tpu.sem_alloc : memref<!tpu.dma_semaphore, #tpu.memory_space<semaphore_mem>>
            %dma_start3A = arith.constant 0 : i32
            %dma_start3A_413 = tpu.memref_slice %arg15[%run_scoped3A, %dma_start3A] : memref<8x128xi32, #tpu.memory_space<vmem>> -> memref<1x128xi32, #tpu.memory_space<vmem>>
            %dma_start3A_414 = tpu.memref_squeeze %dma_start3A_413 : memref<1x128xi32, #tpu.memory_space<vmem>> -> memref<128xi32, #tpu.memory_space<vmem>>
            %dma_start3A_415 = arith.constant 0 : i32
            %dma_start3A_416 = arith.constant 0 : i32
            %dma_start3A_417 = tpu.memref_slice %arg17[%dma_start3A_415, %dma_start3A_416] : memref<1920x128xf32, #tpu.memory_space<vmem_shared>> -> memref<1920x128xf32, #tpu.memory_space<vmem_shared>>
            tpu.enqueue_indirect_dma source(%arg13 : memref<128x128xf32, #tpu.memory_space<vmem>>) target(%dma_start3A_417 : memref<1920x128xf32, #tpu.memory_space<vmem_shared>>) offsets(%dma_start3A_414 : memref<128xi32, #tpu.memory_space<vmem>>) semaphore(%run_scoped3A_412 : memref<!tpu.dma_semaphore, #tpu.memory_space<semaphore_mem>>) {add = true}
            %dma_wait3A_418 = arith.constant 0 : i32
            %dma_wait3A_419 = tpu.memref_slice %arg15[%run_scoped3A, %dma_wait3A_418] : memref<8x128xi32, #tpu.memory_space<vmem>> -> memref<1x128xi32, #tpu.memory_space<vmem>>
            %dma_wait3A_420 = tpu.memref_squeeze %dma_wait3A_419 : memref<1x128xi32, #tpu.memory_space<vmem>> -> memref<128xi32, #tpu.memory_space<vmem>>
            %dma_wait3A_421 = arith.constant 0 : i32
            %dma_wait3A_422 = arith.constant 0 : i32
            %dma_wait3A_423 = tpu.memref_slice %arg17[%dma_wait3A_421, %dma_wait3A_422] : memref<1920x128xf32, #tpu.memory_space<vmem_shared>> -> memref<1920x128xf32, #tpu.memory_space<vmem_shared>>
            tpu.wait_indirect_dma semaphore(%run_scoped3A_412 : memref<!tpu.dma_semaphore, #tpu.memory_space<semaphore_mem>>) src(%arg13 : memref<128x128xf32, #tpu.memory_space<vmem>>) dst(%dma_wait3A_423 : memref<1920x128xf32, #tpu.memory_space<vmem_shared>>)
            tpu.yield
          }) : () -> ()
        } else {
        }
      } else {
      }
    }
    %while3A_32 = arith.constant 1 : i32
    scf.for %while3A_184 = %while3A_30 to %while3A_26 step %while3A_32  : i32 {
      %mul3A_185 = arith.muli %while3A_184, %while3A : i32
      %add3A_186 = arith.addi %squeeze3A_8, %mul3A_185 : i32
      %jit3A = arith.constant 2 : i32
      %eq3A = arith.constant 0 : i32
      %eq3A_187 = arith.cmpi eq, %jit3A, %eq3A : i32
      %jit3A_188 = arith.constant 1 : i32
      %select_n3A = arith.select %eq3A_187, %jit3A_188, %jit3A : i32
      %rem3A = arith.remsi %add3A_186, %select_n3A : i32
      %ne3A = arith.constant 0 : i32
      %ne3A_189 = arith.cmpi ne, %rem3A, %ne3A : i32
      %lt3A_190 = arith.constant 0 : i32
      %lt3A_191 = arith.cmpi slt, %rem3A, %lt3A_190 : i32
      %lt3A_192 = arith.constant 0 : i32
      %lt3A_193 = arith.cmpi slt, %select_n3A, %lt3A_192 : i32
      %ne3A_194 = arith.xori %lt3A_191, %lt3A_193 : i1
      %and3A_195 = arith.andi %ne3A_194, %ne3A_189 : i1
      %add3A_196 = arith.addi %rem3A, %select_n3A : i32
      %select_n3A_197 = arith.select %and3A_195, %add3A_196, %rem3A : i32
      %eq3A_198 = arith.constant 0 : i32
      %eq3A_199 = arith.cmpi eq, %select_n3A_197, %eq3A_198 : i32
      %convert_element_type3A_200 = arith.extui %eq3A_199 : i1 to i32
      %cond3A_201 = arith.constant 0 : i32
      %cond3A_202 = arith.cmpi ne, %convert_element_type3A_200, %cond3A_201 : i32
      scf.if %cond3A_202 {
        %lt3A_207 = arith.cmpi slt, %add3A_186, %squeeze3A_10 : i32
        %convert_element_type3A_208 = arith.extui %lt3A_207 : i1 to i32
        %cond3A_209 = arith.constant 0 : i32
        %cond3A_210 = arith.cmpi ne, %convert_element_type3A_208, %cond3A_209 : i32
        scf.if %cond3A_210 {
          %sub3A_217 = arith.subi %add3A_186, %multiple_of3A : i32
          %dma_start3A = arith.constant 0 : i32
          %dma_start3A_218 = tpu.memref_slice %arg9[%sub3A_217, %dma_start3A] : memref<184x128xi32, #tpu.memory_space<vmem>> -> memref<1x128xi32, #tpu.memory_space<vmem>>
          %dma_start3A_219 = tpu.memref_squeeze %dma_start3A_218 : memref<1x128xi32, #tpu.memory_space<vmem>> -> memref<128xi32, #tpu.memory_space<vmem>>
          %dma_start3A_220 = arith.constant 0 : i32
          %dma_start3A_221 = arith.constant 0 : i32
          %dma_start3A_222 = tpu.memref_slice %arg2[%dma_start3A_220, %dma_start3A_221] : memref<10000x128xf32, #tpu.memory_space<hbm>> -> memref<10000x128xf32, #tpu.memory_space<hbm>>
          tpu.enqueue_indirect_dma source(%dma_start3A_222 : memref<10000x128xf32, #tpu.memory_space<hbm>>) target(%arg13 : memref<128x128xf32, #tpu.memory_space<vmem>>) offsets(%dma_start3A_219 : memref<128xi32, #tpu.memory_space<vmem>>) semaphore(%arg19 : memref<!tpu.dma_semaphore, #tpu.memory_space<semaphore_mem>>)
          %mul3A_223 = arith.constant 128 : i32
          %mul3A_224 = arith.muli %add3A_186, %mul3A_223 : i32
          %multiple_of3A_225 = tpu.assume_multiple %mul3A_224, 8 : i32
          %dma_start3A_226 = arith.constant 0 : i32
          %dma_start3A_227 = tpu.memref_slice %arg3[%multiple_of3A_225, %dma_start3A_226] : memref<320000x128xf32, #tpu.memory_space<hbm>> -> memref<128x128xf32, #tpu.memory_space<hbm>>
          %dma_start3A_228 = arith.constant 0 : i32
          %dma_start3A_229 = tpu.memref_slice %arg3[%multiple_of3A_225, %dma_start3A_228] : memref<320000x128xf32, #tpu.memory_space<hbm>> -> memref<128x128xf32, #tpu.memory_space<hbm>>
          tpu.enqueue_dma source(%dma_start3A_229 : memref<128x128xf32, #tpu.memory_space<hbm>>) target(%arg11 : memref<128x128xf32, #tpu.memory_space<vmem>>) target_semaphore(%arg21 : memref<!tpu.dma_semaphore, #tpu.memory_space<semaphore_mem>>)
        } else {
        }
        %sub3A_211 = arith.constant 1 : i32
        %sub3A_212 = arith.subi %add3A_186, %sub3A_211 : i32
        %ge3A_213 = arith.cmpi sge, %sub3A_212, %squeeze3A_8 : i32
        %convert_element_type3A_214 = arith.extui %ge3A_213 : i1 to i32
        %cond3A_215 = arith.constant 0 : i32
        %cond3A_216 = arith.cmpi ne, %convert_element_type3A_214, %cond3A_215 : i32
        scf.if %cond3A_216 {
          %sub3A_217 = arith.constant 1 : i32
          %sub3A_218 = arith.subi %add3A_186, %sub3A_217 : i32
          %sub3A_219 = arith.subi %sub3A_218, %multiple_of3A : i32
          %get3A_220 = arith.index_cast %sub3A_219 : i32 to index
          %get3A_221 = arith.constant 0 : index
          %get3A_222 = tpu.vector_load %arg10[%get3A_220, %get3A_221] {strides = array<i32>} : memref<184x128xi32, #tpu.memory_space<vmem>>, vector<1x16xi32>,
          %get3A_223 = vector.shape_cast %get3A_222 : vector<1x16xi32> to vector<16xi32>
          %sub3A_224 = vector.broadcast %mul3A_14 : i32 to vector<16xi32>
          %sub3A_225 = arith.subi %get3A_223, %sub3A_224 : vector<16xi32>
          %ge3A_226 = arith.constant 0 : i32
          %ge3A_227 = vector.broadcast %ge3A_226 : i32 to vector<16xi32>
          %ge3A_228 = arith.cmpi sge, %sub3A_225, %ge3A_227 : vector<16xi32>
          %lt3A_229 = arith.constant 1792 : i32
          %lt3A_230 = vector.broadcast %lt3A_229 : i32 to vector<16xi32>
          %lt3A_231 = arith.cmpi slt, %sub3A_225, %lt3A_230 : vector<16xi32>
          %and3A_232 = arith.andi %ge3A_228, %lt3A_231 : vector<16xi1>
          %jit3A_233 = arith.constant 1792 : i32
          %broadcast_in_dim3A = vector.broadcast %jit3A_233 : i32 to vector<16xi32>
          %select_n3A_234 = arith.select %and3A_232, %sub3A_225, %broadcast_in_dim3A : vector<16xi1>, vector<16xi32>
          %swap3A = arith.constant 0 : i32
          %swap3A_235 = arith.index_cast %swap3A : i32 to index
          %swap3A_236 = arith.constant 0 : index
          %swap3A_237 = tpu.vector_load %arg16[%swap3A_235, %swap3A_236] {strides = array<i32>} : memref<8x128xi32, #tpu.memory_space<vmem>>, vector<1x16xi32>,
          %swap3A_238 = vector.shape_cast %swap3A_237 : vector<1x16xi32> to vector<16xi32>
          %swap3A_239 = vector.shape_cast %select_n3A_234 : vector<16xi32> to vector<1x16xi32>
          tpu.vector_store %arg16[%swap3A_235, %swap3A_236], %swap3A_239 {strides = array<i32>} : memref<8x128xi32, #tpu.memory_space<vmem>>, vector<1x16xi32>,
          %get3A_240 = arith.index_cast %sub3A_219 : i32 to index
          %get3A_241 = arith.constant 16 : index
          %get3A_242 = tpu.vector_load %arg10[%get3A_240, %get3A_241] {strides = array<i32>} : memref<184x128xi32, #tpu.memory_space<vmem>>, vector<1x16xi32>,
          %get3A_243 = vector.shape_cast %get3A_242 : vector<1x16xi32> to vector<16xi32>
          %sub3A_244 = vector.broadcast %mul3A_14 : i32 to vector<16xi32>
          %sub3A_245 = arith.subi %get3A_243, %sub3A_244 : vector<16xi32>
          %ge3A_246 = arith.constant 0 : i32
          %ge3A_247 = vector.broadcast %ge3A_246 : i32 to vector<16xi32>
          %ge3A_248 = arith.cmpi sge, %sub3A_245, %ge3A_247 : vector<16xi32>
          %lt3A_249 = arith.constant 1792 : i32
          %lt3A_250 = vector.broadcast %lt3A_249 : i32 to vector<16xi32>
          %lt3A_251 = arith.cmpi slt, %sub3A_245, %lt3A_250 : vector<16xi32>
          %and3A_252 = arith.andi %ge3A_248, %lt3A_251 : vector<16xi1>
          %jit3A_253 = arith.constant 1792 : i32
          %broadcast_in_dim3A_254 = vector.broadcast %jit3A_253 : i32 to vector<16xi32>
          %select_n3A_255 = arith.select %and3A_252, %sub3A_245, %broadcast_in_dim3A_254 : vector<16xi1>, vector<16xi32>
          %swap3A_256 = arith.constant 0 : i32
          %swap3A_257 = arith.index_cast %swap3A_256 : i32 to index
          %swap3A_258 = arith.constant 16 : index
          %swap3A_259 = tpu.vector_load %arg16[%swap3A_257, %swap3A_258] {strides = array<i32>} : memref<8x128xi32, #tpu.memory_space<vmem>>, vector<1x16xi32>,
          %swap3A_260 = vector.shape_cast %swap3A_259 : vector<1x16xi32> to vector<16xi32>
          %swap3A_261 = vector.shape_cast %select_n3A_255 : vector<16xi32> to vector<1x16xi32>
          tpu.vector_store %arg16[%swap3A_257, %swap3A_258], %swap3A_261 {strides = array<i32>} : memref<8x128xi32, #tpu.memory_space<vmem>>, vector<1x16xi32>,
          %get3A_262 = arith.index_cast %sub3A_219 : i32 to index
          %get3A_263 = arith.constant 32 : index
          %get3A_264 = tpu.vector_load %arg10[%get3A_262, %get3A_263] {strides = array<i32>} : memref<184x128xi32, #tpu.memory_space<vmem>>, vector<1x16xi32>,
          %get3A_265 = vector.shape_cast %get3A_264 : vector<1x16xi32> to vector<16xi32>
          %sub3A_266 = vector.broadcast %mul3A_14 : i32 to vector<16xi32>
          %sub3A_267 = arith.subi %get3A_265, %sub3A_266 : vector<16xi32>
          %ge3A_268 = arith.constant 0 : i32
          %ge3A_269 = vector.broadcast %ge3A_268 : i32 to vector<16xi32>
          %ge3A_270 = arith.cmpi sge, %sub3A_267, %ge3A_269 : vector<16xi32>
          %lt3A_271 = arith.constant 1792 : i32
          %lt3A_272 = vector.broadcast %lt3A_271 : i32 to vector<16xi32>
          %lt3A_273 = arith.cmpi slt, %sub3A_267, %lt3A_272 : vector<16xi32>
          %and3A_274 = arith.andi %ge3A_270, %lt3A_273 : vector<16xi1>
          %jit3A_275 = arith.constant 1792 : i32
          %broadcast_in_dim3A_276 = vector.broadcast %jit3A_275 : i32 to vector<16xi32>
          %select_n3A_277 = arith.select %and3A_274, %sub3A_267, %broadcast_in_dim3A_276 : vector<16xi1>, vector<16xi32>
          %swap3A_278 = arith.constant 0 : i32
          %swap3A_279 = arith.index_cast %swap3A_278 : i32 to index
          %swap3A_280 = arith.constant 32 : index
          %swap3A_281 = tpu.vector_load %arg16[%swap3A_279, %swap3A_280] {strides = array<i32>} : memref<8x128xi32, #tpu.memory_space<vmem>>, vector<1x16xi32>,
          %swap3A_282 = vector.shape_cast %swap3A_281 : vector<1x16xi32> to vector<16xi32>
          %swap3A_283 = vector.shape_cast %select_n3A_277 : vector<16xi32> to vector<1x16xi32>
          tpu.vector_store %arg16[%swap3A_279, %swap3A_280], %swap3A_283 {strides = array<i32>} : memref<8x128xi32, #tpu.memory_space<vmem>>, vector<1x16xi32>,
          %get3A_284 = arith.index_cast %sub3A_219 : i32 to index
          %get3A_285 = arith.constant 48 : index
          %get3A_286 = tpu.vector_load %arg10[%get3A_284, %get3A_285] {strides = array<i32>} : memref<184x128xi32, #tpu.memory_space<vmem>>, vector<1x16xi32>,
          %get3A_287 = vector.shape_cast %get3A_286 : vector<1x16xi32> to vector<16xi32>
          %sub3A_288 = vector.broadcast %mul3A_14 : i32 to vector<16xi32>
          %sub3A_289 = arith.subi %get3A_287, %sub3A_288 : vector<16xi32>
          %ge3A_290 = arith.constant 0 : i32
          %ge3A_291 = vector.broadcast %ge3A_290 : i32 to vector<16xi32>
          %ge3A_292 = arith.cmpi sge, %sub3A_289, %ge3A_291 : vector<16xi32>
          %lt3A_293 = arith.constant 1792 : i32
          %lt3A_294 = vector.broadcast %lt3A_293 : i32 to vector<16xi32>
          %lt3A_295 = arith.cmpi slt, %sub3A_289, %lt3A_294 : vector<16xi32>
          %and3A_296 = arith.andi %ge3A_292, %lt3A_295 : vector<16xi1>
          %jit3A_297 = arith.constant 1792 : i32
          %broadcast_in_dim3A_298 = vector.broadcast %jit3A_297 : i32 to vector<16xi32>
          %select_n3A_299 = arith.select %and3A_296, %sub3A_289, %broadcast_in_dim3A_298 : vector<16xi1>, vector<16xi32>
          %swap3A_300 = arith.constant 0 : i32
          %swap3A_301 = arith.index_cast %swap3A_300 : i32 to index
          %swap3A_302 = arith.constant 48 : index
          %swap3A_303 = tpu.vector_load %arg16[%swap3A_301, %swap3A_302] {strides = array<i32>} : memref<8x128xi32, #tpu.memory_space<vmem>>, vector<1x16xi32>,
          %swap3A_304 = vector.shape_cast %swap3A_303 : vector<1x16xi32> to vector<16xi32>
          %swap3A_305 = vector.shape_cast %select_n3A_299 : vector<16xi32> to vector<1x16xi32>
          tpu.vector_store %arg16[%swap3A_301, %swap3A_302], %swap3A_305 {strides = array<i32>} : memref<8x128xi32, #tpu.memory_space<vmem>>, vector<1x16xi32>,
          %get3A_306 = arith.index_cast %sub3A_219 : i32 to index
          %get3A_307 = arith.constant 64 : index
          %get3A_308 = tpu.vector_load %arg10[%get3A_306, %get3A_307] {strides = array<i32>} : memref<184x128xi32, #tpu.memory_space<vmem>>, vector<1x16xi32>,
          %get3A_309 = vector.shape_cast %get3A_308 : vector<1x16xi32> to vector<16xi32>
          %sub3A_310 = vector.broadcast %mul3A_14 : i32 to vector<16xi32>
          %sub3A_311 = arith.subi %get3A_309, %sub3A_310 : vector<16xi32>
          %ge3A_312 = arith.constant 0 : i32
          %ge3A_313 = vector.broadcast %ge3A_312 : i32 to vector<16xi32>
          %ge3A_314 = arith.cmpi sge, %sub3A_311, %ge3A_313 : vector<16xi32>
          %lt3A_315 = arith.constant 1792 : i32
          %lt3A_316 = vector.broadcast %lt3A_315 : i32 to vector<16xi32>
          %lt3A_317 = arith.cmpi slt, %sub3A_311, %lt3A_316 : vector<16xi32>
          %and3A_318 = arith.andi %ge3A_314, %lt3A_317 : vector<16xi1>
          %jit3A_319 = arith.constant 1792 : i32
          %broadcast_in_dim3A_320 = vector.broadcast %jit3A_319 : i32 to vector<16xi32>
          %select_n3A_321 = arith.select %and3A_318, %sub3A_311, %broadcast_in_dim3A_320 : vector<16xi1>, vector<16xi32>
          %swap3A_322 = arith.constant 0 : i32
          %swap3A_323 = arith.index_cast %swap3A_322 : i32 to index
          %swap3A_324 = arith.constant 64 : index
          %swap3A_325 = tpu.vector_load %arg16[%swap3A_323, %swap3A_324] {strides = array<i32>} : memref<8x128xi32, #tpu.memory_space<vmem>>, vector<1x16xi32>,
          %swap3A_326 = vector.shape_cast %swap3A_325 : vector<1x16xi32> to vector<16xi32>
          %swap3A_327 = vector.shape_cast %select_n3A_321 : vector<16xi32> to vector<1x16xi32>
          tpu.vector_store %arg16[%swap3A_323, %swap3A_324], %swap3A_327 {strides = array<i32>} : memref<8x128xi32, #tpu.memory_space<vmem>>, vector<1x16xi32>,
          %get3A_328 = arith.index_cast %sub3A_219 : i32 to index
          %get3A_329 = arith.constant 80 : index
          %get3A_330 = tpu.vector_load %arg10[%get3A_328, %get3A_329] {strides = array<i32>} : memref<184x128xi32, #tpu.memory_space<vmem>>, vector<1x16xi32>,
          %get3A_331 = vector.shape_cast %get3A_330 : vector<1x16xi32> to vector<16xi32>
          %sub3A_332 = vector.broadcast %mul3A_14 : i32 to vector<16xi32>
          %sub3A_333 = arith.subi %get3A_331, %sub3A_332 : vector<16xi32>
          %ge3A_334 = arith.constant 0 : i32
          %ge3A_335 = vector.broadcast %ge3A_334 : i32 to vector<16xi32>
          %ge3A_336 = arith.cmpi sge, %sub3A_333, %ge3A_335 : vector<16xi32>
          %lt3A_337 = arith.constant 1792 : i32
          %lt3A_338 = vector.broadcast %lt3A_337 : i32 to vector<16xi32>
          %lt3A_339 = arith.cmpi slt, %sub3A_333, %lt3A_338 : vector<16xi32>
          %and3A_340 = arith.andi %ge3A_336, %lt3A_339 : vector<16xi1>
          %jit3A_341 = arith.constant 1792 : i32
          %broadcast_in_dim3A_342 = vector.broadcast %jit3A_341 : i32 to vector<16xi32>
          %select_n3A_343 = arith.select %and3A_340, %sub3A_333, %broadcast_in_dim3A_342 : vector<16xi1>, vector<16xi32>
          %swap3A_344 = arith.constant 0 : i32
          %swap3A_345 = arith.index_cast %swap3A_344 : i32 to index
          %swap3A_346 = arith.constant 80 : index
          %swap3A_347 = tpu.vector_load %arg16[%swap3A_345, %swap3A_346] {strides = array<i32>} : memref<8x128xi32, #tpu.memory_space<vmem>>, vector<1x16xi32>,
          %swap3A_348 = vector.shape_cast %swap3A_347 : vector<1x16xi32> to vector<16xi32>
          %swap3A_349 = vector.shape_cast %select_n3A_343 : vector<16xi32> to vector<1x16xi32>
          tpu.vector_store %arg16[%swap3A_345, %swap3A_346], %swap3A_349 {strides = array<i32>} : memref<8x128xi32, #tpu.memory_space<vmem>>, vector<1x16xi32>,
          %get3A_350 = arith.index_cast %sub3A_219 : i32 to index
          %get3A_351 = arith.constant 96 : index
          %get3A_352 = tpu.vector_load %arg10[%get3A_350, %get3A_351] {strides = array<i32>} : memref<184x128xi32, #tpu.memory_space<vmem>>, vector<1x16xi32>,
          %get3A_353 = vector.shape_cast %get3A_352 : vector<1x16xi32> to vector<16xi32>
          %sub3A_354 = vector.broadcast %mul3A_14 : i32 to vector<16xi32>
          %sub3A_355 = arith.subi %get3A_353, %sub3A_354 : vector<16xi32>
          %ge3A_356 = arith.constant 0 : i32
          %ge3A_357 = vector.broadcast %ge3A_356 : i32 to vector<16xi32>
          %ge3A_358 = arith.cmpi sge, %sub3A_355, %ge3A_357 : vector<16xi32>
          %lt3A_359 = arith.constant 1792 : i32
          %lt3A_360 = vector.broadcast %lt3A_359 : i32 to vector<16xi32>
          %lt3A_361 = arith.cmpi slt, %sub3A_355, %lt3A_360 : vector<16xi32>
          %and3A_362 = arith.andi %ge3A_358, %lt3A_361 : vector<16xi1>
          %jit3A_363 = arith.constant 1792 : i32
          %broadcast_in_dim3A_364 = vector.broadcast %jit3A_363 : i32 to vector<16xi32>
          %select_n3A_365 = arith.select %and3A_362, %sub3A_355, %broadcast_in_dim3A_364 : vector<16xi1>, vector<16xi32>
          %swap3A_366 = arith.constant 0 : i32
          %swap3A_367 = arith.index_cast %swap3A_366 : i32 to index
          %swap3A_368 = arith.constant 96 : index
          %swap3A_369 = tpu.vector_load %arg16[%swap3A_367, %swap3A_368] {strides = array<i32>} : memref<8x128xi32, #tpu.memory_space<vmem>>, vector<1x16xi32>,
          %swap3A_370 = vector.shape_cast %swap3A_369 : vector<1x16xi32> to vector<16xi32>
          %swap3A_371 = vector.shape_cast %select_n3A_365 : vector<16xi32> to vector<1x16xi32>
          tpu.vector_store %arg16[%swap3A_367, %swap3A_368], %swap3A_371 {strides = array<i32>} : memref<8x128xi32, #tpu.memory_space<vmem>>, vector<1x16xi32>,
          %get3A_372 = arith.index_cast %sub3A_219 : i32 to index
          %get3A_373 = arith.constant 112 : index
          %get3A_374 = tpu.vector_load %arg10[%get3A_372, %get3A_373] {strides = array<i32>} : memref<184x128xi32, #tpu.memory_space<vmem>>, vector<1x16xi32>,
          %get3A_375 = vector.shape_cast %get3A_374 : vector<1x16xi32> to vector<16xi32>
          %sub3A_376 = vector.broadcast %mul3A_14 : i32 to vector<16xi32>
          %sub3A_377 = arith.subi %get3A_375, %sub3A_376 : vector<16xi32>
          %ge3A_378 = arith.constant 0 : i32
          %ge3A_379 = vector.broadcast %ge3A_378 : i32 to vector<16xi32>
          %ge3A_380 = arith.cmpi sge, %sub3A_377, %ge3A_379 : vector<16xi32>
          %lt3A_381 = arith.constant 1792 : i32
          %lt3A_382 = vector.broadcast %lt3A_381 : i32 to vector<16xi32>
          %lt3A_383 = arith.cmpi slt, %sub3A_377, %lt3A_382 : vector<16xi32>
          %and3A_384 = arith.andi %ge3A_380, %lt3A_383 : vector<16xi1>
          %jit3A_385 = arith.constant 1792 : i32
          %broadcast_in_dim3A_386 = vector.broadcast %jit3A_385 : i32 to vector<16xi32>
          %select_n3A_387 = arith.select %and3A_384, %sub3A_377, %broadcast_in_dim3A_386 : vector<16xi1>, vector<16xi32>
          %swap3A_388 = arith.constant 0 : i32
          %swap3A_389 = arith.index_cast %swap3A_388 : i32 to index
          %swap3A_390 = arith.constant 112 : index
          %swap3A_391 = tpu.vector_load %arg16[%swap3A_389, %swap3A_390] {strides = array<i32>} : memref<8x128xi32, #tpu.memory_space<vmem>>, vector<1x16xi32>,
          %swap3A_392 = vector.shape_cast %swap3A_391 : vector<1x16xi32> to vector<16xi32>
          %swap3A_393 = vector.shape_cast %select_n3A_387 : vector<16xi32> to vector<1x16xi32>
          tpu.vector_store %arg16[%swap3A_389, %swap3A_390], %swap3A_393 {strides = array<i32>} : memref<8x128xi32, #tpu.memory_space<vmem>>, vector<1x16xi32>,
          %sub3A_394 = arith.constant 1 : i32
          %sub3A_395 = arith.subi %add3A_186, %sub3A_394 : i32
          %mul3A_396 = arith.constant 128 : i32
          %mul3A_397 = arith.muli %sub3A_395, %mul3A_396 : i32
          %multiple_of3A_398 = tpu.assume_multiple %mul3A_397, 8 : i32
          %dma_wait3A = arith.constant 0 : i32
          %dma_wait3A_399 = tpu.memref_slice %arg9[%sub3A_219, %dma_wait3A] : memref<184x128xi32, #tpu.memory_space<vmem>> -> memref<1x128xi32, #tpu.memory_space<vmem>>
          %dma_wait3A_400 = tpu.memref_squeeze %dma_wait3A_399 : memref<1x128xi32, #tpu.memory_space<vmem>> -> memref<128xi32, #tpu.memory_space<vmem>>
          %dma_wait3A_401 = arith.constant 0 : i32
          %dma_wait3A_402 = arith.constant 0 : i32
          %dma_wait3A_403 = tpu.memref_slice %arg2[%dma_wait3A_401, %dma_wait3A_402] : memref<10000x128xf32, #tpu.memory_space<hbm>> -> memref<10000x128xf32, #tpu.memory_space<hbm>>
          tpu.wait_indirect_dma semaphore(%arg20 : memref<!tpu.dma_semaphore, #tpu.memory_space<semaphore_mem>>) src(%dma_wait3A_403 : memref<10000x128xf32, #tpu.memory_space<hbm>>) dst(%arg14 : memref<128x128xf32, #tpu.memory_space<vmem>>)
          %dma_wait3A_404 = arith.constant 0 : i32
          %dma_wait3A_405 = tpu.memref_slice %arg3[%multiple_of3A_398, %dma_wait3A_404] : memref<320000x128xf32, #tpu.memory_space<hbm>> -> memref<128x128xf32, #tpu.memory_space<hbm>>
          %dma_wait3A_406 = arith.constant 0 : i32
          %dma_wait3A_407 = tpu.memref_slice %arg3[%multiple_of3A_398, %dma_wait3A_406] : memref<320000x128xf32, #tpu.memory_space<hbm>> -> memref<128x128xf32, #tpu.memory_space<hbm>>
          tpu.wait_dma2 semaphore(%arg22 : memref<!tpu.dma_semaphore, #tpu.memory_space<semaphore_mem>>) src(%dma_wait3A_407 : memref<128x128xf32, #tpu.memory_space<hbm>>) dst(%arg12 : memref<128x128xf32, #tpu.memory_space<vmem>>)
          %scan3A = arith.constant 0 : i32
          %scan3A_408 = arith.constant 128 : i32
          %scan3A_409 = arith.addi %scan3A, %scan3A_408 : i32
          %scan3A_410 = arith.constant 1 : i32
          scf.for %scan3A_412 = %scan3A to %scan3A_409 step %scan3A_410  : i32 {
            %mul3A_413 = arith.constant 1 : i32
            %mul3A_414 = arith.muli %scan3A_412, %mul3A_413 : i32
            %add3A_415 = arith.constant 0 : i32
            %add3A_416 = arith.addi %add3A_415, %mul3A_414 : i32
            %get3A_417 = arith.index_cast %add3A_416 : i32 to index
            %get3A_418 = arith.constant 0 : index
            %get3A_419 = tpu.vector_load %arg14[%get3A_417, %get3A_418] {strides = array<i32>} : memref<128x128xf32, #tpu.memory_space<vmem>>, vector<1x16xf32>,
            %get3A_420 = vector.shape_cast %get3A_419 : vector<1x16xf32> to vector<16xf32>
            %get3A_421 = arith.index_cast %add3A_416 : i32 to index
            %get3A_422 = arith.constant 0 : index
            %get3A_423 = tpu.vector_load %arg12[%get3A_421, %get3A_422] {strides = array<i32>} : memref<128x128xf32, #tpu.memory_space<vmem>>, vector<1x16xf32>,
            %get3A_424 = vector.shape_cast %get3A_423 : vector<1x16xf32> to vector<16xf32>
            %mul3A_425 = arith.mulf %get3A_420, %get3A_424 : vector<16xf32>
            %swap3A_426 = arith.index_cast %add3A_416 : i32 to index
            %swap3A_427 = arith.constant 0 : index
            %swap3A_428 = tpu.vector_load %arg14[%swap3A_426, %swap3A_427] {strides = array<i32>} : memref<128x128xf32, #tpu.memory_space<vmem>>, vector<1x16xf32>,
            %swap3A_429 = vector.shape_cast %swap3A_428 : vector<1x16xf32> to vector<16xf32>
            %swap3A_430 = vector.shape_cast %mul3A_425 : vector<16xf32> to vector<1x16xf32>
            tpu.vector_store %arg14[%swap3A_426, %swap3A_427], %swap3A_430 {strides = array<i32>} : memref<128x128xf32, #tpu.memory_space<vmem>>, vector<1x16xf32>,
            %get3A_431 = arith.index_cast %add3A_416 : i32 to index
            %get3A_432 = arith.constant 16 : index
            %get3A_433 = tpu.vector_load %arg14[%get3A_431, %get3A_432] {strides = array<i32>} : memref<128x128xf32, #tpu.memory_space<vmem>>, vector<1x16xf32>,
            %get3A_434 = vector.shape_cast %get3A_433 : vector<1x16xf32> to vector<16xf32>
            %get3A_435 = arith.index_cast %add3A_416 : i32 to index
            %get3A_436 = arith.constant 16 : index
            %get3A_437 = tpu.vector_load %arg12[%get3A_435, %get3A_436] {strides = array<i32>} : memref<128x128xf32, #tpu.memory_space<vmem>>, vector<1x16xf32>,
            %get3A_438 = vector.shape_cast %get3A_437 : vector<1x16xf32> to vector<16xf32>
            %mul3A_439 = arith.mulf %get3A_434, %get3A_438 : vector<16xf32>
            %swap3A_440 = arith.index_cast %add3A_416 : i32 to index
            %swap3A_441 = arith.constant 16 : index
            %swap3A_442 = tpu.vector_load %arg14[%swap3A_440, %swap3A_441] {strides = array<i32>} : memref<128x128xf32, #tpu.memory_space<vmem>>, vector<1x16xf32>,
            %swap3A_443 = vector.shape_cast %swap3A_442 : vector<1x16xf32> to vector<16xf32>
            %swap3A_444 = vector.shape_cast %mul3A_439 : vector<16xf32> to vector<1x16xf32>
            tpu.vector_store %arg14[%swap3A_440, %swap3A_441], %swap3A_444 {strides = array<i32>} : memref<128x128xf32, #tpu.memory_space<vmem>>, vector<1x16xf32>,
            %get3A_445 = arith.index_cast %add3A_416 : i32 to index
            %get3A_446 = arith.constant 32 : index
            %get3A_447 = tpu.vector_load %arg14[%get3A_445, %get3A_446] {strides = array<i32>} : memref<128x128xf32, #tpu.memory_space<vmem>>, vector<1x16xf32>,
            %get3A_448 = vector.shape_cast %get3A_447 : vector<1x16xf32> to vector<16xf32>
            %get3A_449 = arith.index_cast %add3A_416 : i32 to index
            %get3A_450 = arith.constant 32 : index
            %get3A_451 = tpu.vector_load %arg12[%get3A_449, %get3A_450] {strides = array<i32>} : memref<128x128xf32, #tpu.memory_space<vmem>>, vector<1x16xf32>,
            %get3A_452 = vector.shape_cast %get3A_451 : vector<1x16xf32> to vector<16xf32>
            %mul3A_453 = arith.mulf %get3A_448, %get3A_452 : vector<16xf32>
            %swap3A_454 = arith.index_cast %add3A_416 : i32 to index
            %swap3A_455 = arith.constant 32 : index
            %swap3A_456 = tpu.vector_load %arg14[%swap3A_454, %swap3A_455] {strides = array<i32>} : memref<128x128xf32, #tpu.memory_space<vmem>>, vector<1x16xf32>,
            %swap3A_457 = vector.shape_cast %swap3A_456 : vector<1x16xf32> to vector<16xf32>
            %swap3A_458 = vector.shape_cast %mul3A_453 : vector<16xf32> to vector<1x16xf32>
            tpu.vector_store %arg14[%swap3A_454, %swap3A_455], %swap3A_458 {strides = array<i32>} : memref<128x128xf32, #tpu.memory_space<vmem>>, vector<1x16xf32>,
            %get3A_459 = arith.index_cast %add3A_416 : i32 to index
            %get3A_460 = arith.constant 48 : index
            %get3A_461 = tpu.vector_load %arg14[%get3A_459, %get3A_460] {strides = array<i32>} : memref<128x128xf32, #tpu.memory_space<vmem>>, vector<1x16xf32>,
            %get3A_462 = vector.shape_cast %get3A_461 : vector<1x16xf32> to vector<16xf32>
            %get3A_463 = arith.index_cast %add3A_416 : i32 to index
            %get3A_464 = arith.constant 48 : index
            %get3A_465 = tpu.vector_load %arg12[%get3A_463, %get3A_464] {strides = array<i32>} : memref<128x128xf32, #tpu.memory_space<vmem>>, vector<1x16xf32>,
            %get3A_466 = vector.shape_cast %get3A_465 : vector<1x16xf32> to vector<16xf32>
            %mul3A_467 = arith.mulf %get3A_462, %get3A_466 : vector<16xf32>
            %swap3A_468 = arith.index_cast %add3A_416 : i32 to index
            %swap3A_469 = arith.constant 48 : index
            %swap3A_470 = tpu.vector_load %arg14[%swap3A_468, %swap3A_469] {strides = array<i32>} : memref<128x128xf32, #tpu.memory_space<vmem>>, vector<1x16xf32>,
            %swap3A_471 = vector.shape_cast %swap3A_470 : vector<1x16xf32> to vector<16xf32>
            %swap3A_472 = vector.shape_cast %mul3A_467 : vector<16xf32> to vector<1x16xf32>
            tpu.vector_store %arg14[%swap3A_468, %swap3A_469], %swap3A_472 {strides = array<i32>} : memref<128x128xf32, #tpu.memory_space<vmem>>, vector<1x16xf32>,
            %get3A_473 = arith.index_cast %add3A_416 : i32 to index
            %get3A_474 = arith.constant 64 : index
            %get3A_475 = tpu.vector_load %arg14[%get3A_473, %get3A_474] {strides = array<i32>} : memref<128x128xf32, #tpu.memory_space<vmem>>, vector<1x16xf32>,
            %get3A_476 = vector.shape_cast %get3A_475 : vector<1x16xf32> to vector<16xf32>
            %get3A_477 = arith.index_cast %add3A_416 : i32 to index
            %get3A_478 = arith.constant 64 : index
            %get3A_479 = tpu.vector_load %arg12[%get3A_477, %get3A_478] {strides = array<i32>} : memref<128x128xf32, #tpu.memory_space<vmem>>, vector<1x16xf32>,
            %get3A_480 = vector.shape_cast %get3A_479 : vector<1x16xf32> to vector<16xf32>
            %mul3A_481 = arith.mulf %get3A_476, %get3A_480 : vector<16xf32>
            %swap3A_482 = arith.index_cast %add3A_416 : i32 to index
            %swap3A_483 = arith.constant 64 : index
            %swap3A_484 = tpu.vector_load %arg14[%swap3A_482, %swap3A_483] {strides = array<i32>} : memref<128x128xf32, #tpu.memory_space<vmem>>, vector<1x16xf32>,
            %swap3A_485 = vector.shape_cast %swap3A_484 : vector<1x16xf32> to vector<16xf32>
            %swap3A_486 = vector.shape_cast %mul3A_481 : vector<16xf32> to vector<1x16xf32>
            tpu.vector_store %arg14[%swap3A_482, %swap3A_483], %swap3A_486 {strides = array<i32>} : memref<128x128xf32, #tpu.memory_space<vmem>>, vector<1x16xf32>,
            %get3A_487 = arith.index_cast %add3A_416 : i32 to index
            %get3A_488 = arith.constant 80 : index
            %get3A_489 = tpu.vector_load %arg14[%get3A_487, %get3A_488] {strides = array<i32>} : memref<128x128xf32, #tpu.memory_space<vmem>>, vector<1x16xf32>,
            %get3A_490 = vector.shape_cast %get3A_489 : vector<1x16xf32> to vector<16xf32>
            %get3A_491 = arith.index_cast %add3A_416 : i32 to index
            %get3A_492 = arith.constant 80 : index
            %get3A_493 = tpu.vector_load %arg12[%get3A_491, %get3A_492] {strides = array<i32>} : memref<128x128xf32, #tpu.memory_space<vmem>>, vector<1x16xf32>,
            %get3A_494 = vector.shape_cast %get3A_493 : vector<1x16xf32> to vector<16xf32>
            %mul3A_495 = arith.mulf %get3A_490, %get3A_494 : vector<16xf32>
            %swap3A_496 = arith.index_cast %add3A_416 : i32 to index
            %swap3A_497 = arith.constant 80 : index
            %swap3A_498 = tpu.vector_load %arg14[%swap3A_496, %swap3A_497] {strides = array<i32>} : memref<128x128xf32, #tpu.memory_space<vmem>>, vector<1x16xf32>,
            %swap3A_499 = vector.shape_cast %swap3A_498 : vector<1x16xf32> to vector<16xf32>
            %swap3A_500 = vector.shape_cast %mul3A_495 : vector<16xf32> to vector<1x16xf32>
            tpu.vector_store %arg14[%swap3A_496, %swap3A_497], %swap3A_500 {strides = array<i32>} : memref<128x128xf32, #tpu.memory_space<vmem>>, vector<1x16xf32>,
            %get3A_501 = arith.index_cast %add3A_416 : i32 to index
            %get3A_502 = arith.constant 96 : index
            %get3A_503 = tpu.vector_load %arg14[%get3A_501, %get3A_502] {strides = array<i32>} : memref<128x128xf32, #tpu.memory_space<vmem>>, vector<1x16xf32>,
            %get3A_504 = vector.shape_cast %get3A_503 : vector<1x16xf32> to vector<16xf32>
            %get3A_505 = arith.index_cast %add3A_416 : i32 to index
            %get3A_506 = arith.constant 96 : index
            %get3A_507 = tpu.vector_load %arg12[%get3A_505, %get3A_506] {strides = array<i32>} : memref<128x128xf32, #tpu.memory_space<vmem>>, vector<1x16xf32>,
            %get3A_508 = vector.shape_cast %get3A_507 : vector<1x16xf32> to vector<16xf32>
            %mul3A_509 = arith.mulf %get3A_504, %get3A_508 : vector<16xf32>
            %swap3A_510 = arith.index_cast %add3A_416 : i32 to index
            %swap3A_511 = arith.constant 96 : index
            %swap3A_512 = tpu.vector_load %arg14[%swap3A_510, %swap3A_511] {strides = array<i32>} : memref<128x128xf32, #tpu.memory_space<vmem>>, vector<1x16xf32>,
            %swap3A_513 = vector.shape_cast %swap3A_512 : vector<1x16xf32> to vector<16xf32>
            %swap3A_514 = vector.shape_cast %mul3A_509 : vector<16xf32> to vector<1x16xf32>
            tpu.vector_store %arg14[%swap3A_510, %swap3A_511], %swap3A_514 {strides = array<i32>} : memref<128x128xf32, #tpu.memory_space<vmem>>, vector<1x16xf32>,
            %get3A_515 = arith.index_cast %add3A_416 : i32 to index
            %get3A_516 = arith.constant 112 : index
            %get3A_517 = tpu.vector_load %arg14[%get3A_515, %get3A_516] {strides = array<i32>} : memref<128x128xf32, #tpu.memory_space<vmem>>, vector<1x16xf32>,
            %get3A_518 = vector.shape_cast %get3A_517 : vector<1x16xf32> to vector<16xf32>
            %get3A_519 = arith.index_cast %add3A_416 : i32 to index
            %get3A_520 = arith.constant 112 : index
            %get3A_521 = tpu.vector_load %arg12[%get3A_519, %get3A_520] {strides = array<i32>} : memref<128x128xf32, #tpu.memory_space<vmem>>, vector<1x16xf32>,
            %get3A_522 = vector.shape_cast %get3A_521 : vector<1x16xf32> to vector<16xf32>
            %mul3A_523 = arith.mulf %get3A_518, %get3A_522 : vector<16xf32>
            %swap3A_524 = arith.index_cast %add3A_416 : i32 to index
            %swap3A_525 = arith.constant 112 : index
            %swap3A_526 = tpu.vector_load %arg14[%swap3A_524, %swap3A_525] {strides = array<i32>} : memref<128x128xf32, #tpu.memory_space<vmem>>, vector<1x16xf32>,
            %swap3A_527 = vector.shape_cast %swap3A_526 : vector<1x16xf32> to vector<16xf32>
            %swap3A_528 = vector.shape_cast %mul3A_523 : vector<16xf32> to vector<1x16xf32>
            tpu.vector_store %arg14[%swap3A_524, %swap3A_525], %swap3A_528 {strides = array<i32>} : memref<128x128xf32, #tpu.memory_space<vmem>>, vector<1x16xf32>,
          }
          %scan3A_411 = arith.constant 128 : i32
          %run_scoped3A = arith.constant 0 : i32
          "tpu.region"() ({
            %run_scoped3A_412 = tpu.sem_alloc : memref<!tpu.dma_semaphore, #tpu.memory_space<semaphore_mem>>
            %dma_start3A = arith.constant 0 : i32
            %dma_start3A_413 = tpu.memref_slice %arg16[%run_scoped3A, %dma_start3A] : memref<8x128xi32, #tpu.memory_space<vmem>> -> memref<1x128xi32, #tpu.memory_space<vmem>>
            %dma_start3A_414 = tpu.memref_squeeze %dma_start3A_413 : memref<1x128xi32, #tpu.memory_space<vmem>> -> memref<128xi32, #tpu.memory_space<vmem>>
            %dma_start3A_415 = arith.constant 0 : i32
            %dma_start3A_416 = arith.constant 0 : i32
            %dma_start3A_417 = tpu.memref_slice %arg17[%dma_start3A_415, %dma_start3A_416] : memref<1920x128xf32, #tpu.memory_space<vmem_shared>> -> memref<1920x128xf32, #tpu.memory_space<vmem_shared>>
            tpu.enqueue_indirect_dma source(%arg14 : memref<128x128xf32, #tpu.memory_space<vmem>>) target(%dma_start3A_417 : memref<1920x128xf32, #tpu.memory_space<vmem_shared>>) offsets(%dma_start3A_414 : memref<128xi32, #tpu.memory_space<vmem>>) semaphore(%run_scoped3A_412 : memref<!tpu.dma_semaphore, #tpu.memory_space<semaphore_mem>>) {add = true}
            %dma_wait3A_418 = arith.constant 0 : i32
            %dma_wait3A_419 = tpu.memref_slice %arg16[%run_scoped3A, %dma_wait3A_418] : memref<8x128xi32, #tpu.memory_space<vmem>> -> memref<1x128xi32, #tpu.memory_space<vmem>>
            %dma_wait3A_420 = tpu.memref_squeeze %dma_wait3A_419 : memref<1x128xi32, #tpu.memory_space<vmem>> -> memref<128xi32, #tpu.memory_space<vmem>>
            %dma_wait3A_421 = arith.constant 0 : i32
            %dma_wait3A_422 = arith.constant 0 : i32
            %dma_wait3A_423 = tpu.memref_slice %arg17[%dma_wait3A_421, %dma_wait3A_422] : memref<1920x128xf32, #tpu.memory_space<vmem_shared>> -> memref<1920x128xf32, #tpu.memory_space<vmem_shared>>
            tpu.wait_indirect_dma semaphore(%run_scoped3A_412 : memref<!tpu.dma_semaphore, #tpu.memory_space<semaphore_mem>>) src(%arg14 : memref<128x128xf32, #tpu.memory_space<vmem>>) dst(%dma_wait3A_423 : memref<1920x128xf32, #tpu.memory_space<vmem_shared>>)
            tpu.yield
          }) : () -> ()
        } else {
        }
      } else {
      }
      %not3A = arith.constant true
      %not3A_203 = arith.xori %eq3A_199, %not3A : i1
      %convert_element_type3A_204 = arith.extui %not3A_203 : i1 to i32
      %cond3A_205 = arith.constant 0 : i32
      %cond3A_206 = arith.cmpi ne, %convert_element_type3A_204, %cond3A_205 : i32
      scf.if %cond3A_206 {
        %lt3A_207 = arith.cmpi slt, %add3A_186, %squeeze3A_10 : i32
        %convert_element_type3A_208 = arith.extui %lt3A_207 : i1 to i32
        %cond3A_209 = arith.constant 0 : i32
        %cond3A_210 = arith.cmpi ne, %convert_element_type3A_208, %cond3A_209 : i32
        scf.if %cond3A_210 {
          %sub3A_217 = arith.subi %add3A_186, %multiple_of3A : i32
          %dma_start3A = arith.constant 0 : i32
          %dma_start3A_218 = tpu.memref_slice %arg9[%sub3A_217, %dma_start3A] : memref<184x128xi32, #tpu.memory_space<vmem>> -> memref<1x128xi32, #tpu.memory_space<vmem>>
          %dma_start3A_219 = tpu.memref_squeeze %dma_start3A_218 : memref<1x128xi32, #tpu.memory_space<vmem>> -> memref<128xi32, #tpu.memory_space<vmem>>
          %dma_start3A_220 = arith.constant 0 : i32
          %dma_start3A_221 = arith.constant 0 : i32
          %dma_start3A_222 = tpu.memref_slice %arg2[%dma_start3A_220, %dma_start3A_221] : memref<10000x128xf32, #tpu.memory_space<hbm>> -> memref<10000x128xf32, #tpu.memory_space<hbm>>
          tpu.enqueue_indirect_dma source(%dma_start3A_222 : memref<10000x128xf32, #tpu.memory_space<hbm>>) target(%arg14 : memref<128x128xf32, #tpu.memory_space<vmem>>) offsets(%dma_start3A_219 : memref<128xi32, #tpu.memory_space<vmem>>) semaphore(%arg20 : memref<!tpu.dma_semaphore, #tpu.memory_space<semaphore_mem>>)
          %mul3A_223 = arith.constant 128 : i32
          %mul3A_224 = arith.muli %add3A_186, %mul3A_223 : i32
          %multiple_of3A_225 = tpu.assume_multiple %mul3A_224, 8 : i32
          %dma_start3A_226 = arith.constant 0 : i32
          %dma_start3A_227 = tpu.memref_slice %arg3[%multiple_of3A_225, %dma_start3A_226] : memref<320000x128xf32, #tpu.memory_space<hbm>> -> memref<128x128xf32, #tpu.memory_space<hbm>>
          %dma_start3A_228 = arith.constant 0 : i32
          %dma_start3A_229 = tpu.memref_slice %arg3[%multiple_of3A_225, %dma_start3A_228] : memref<320000x128xf32, #tpu.memory_space<hbm>> -> memref<128x128xf32, #tpu.memory_space<hbm>>
          tpu.enqueue_dma source(%dma_start3A_229 : memref<128x128xf32, #tpu.memory_space<hbm>>) target(%arg12 : memref<128x128xf32, #tpu.memory_space<vmem>>) target_semaphore(%arg22 : memref<!tpu.dma_semaphore, #tpu.memory_space<semaphore_mem>>)
        } else {
        }
        %sub3A_211 = arith.constant 1 : i32
        %sub3A_212 = arith.subi %add3A_186, %sub3A_211 : i32
        %ge3A_213 = arith.cmpi sge, %sub3A_212, %squeeze3A_8 : i32
        %convert_element_type3A_214 = arith.extui %ge3A_213 : i1 to i32
        %cond3A_215 = arith.constant 0 : i32
        %cond3A_216 = arith.cmpi ne, %convert_element_type3A_214, %cond3A_215 : i32
        scf.if %cond3A_216 {
          %sub3A_217 = arith.constant 1 : i32
          %sub3A_218 = arith.subi %add3A_186, %sub3A_217 : i32
          %sub3A_219 = arith.subi %sub3A_218, %multiple_of3A : i32
          %get3A_220 = arith.index_cast %sub3A_219 : i32 to index
          %get3A_221 = arith.constant 0 : index
          %get3A_222 = tpu.vector_load %arg10[%get3A_220, %get3A_221] {strides = array<i32>} : memref<184x128xi32, #tpu.memory_space<vmem>>, vector<1x16xi32>,
          %get3A_223 = vector.shape_cast %get3A_222 : vector<1x16xi32> to vector<16xi32>
          %sub3A_224 = vector.broadcast %mul3A_14 : i32 to vector<16xi32>
          %sub3A_225 = arith.subi %get3A_223, %sub3A_224 : vector<16xi32>
          %ge3A_226 = arith.constant 0 : i32
          %ge3A_227 = vector.broadcast %ge3A_226 : i32 to vector<16xi32>
          %ge3A_228 = arith.cmpi sge, %sub3A_225, %ge3A_227 : vector<16xi32>
          %lt3A_229 = arith.constant 1792 : i32
          %lt3A_230 = vector.broadcast %lt3A_229 : i32 to vector<16xi32>
          %lt3A_231 = arith.cmpi slt, %sub3A_225, %lt3A_230 : vector<16xi32>
          %and3A_232 = arith.andi %ge3A_228, %lt3A_231 : vector<16xi1>
          %jit3A_233 = arith.constant 1792 : i32
          %broadcast_in_dim3A = vector.broadcast %jit3A_233 : i32 to vector<16xi32>
          %select_n3A_234 = arith.select %and3A_232, %sub3A_225, %broadcast_in_dim3A : vector<16xi1>, vector<16xi32>
          %swap3A = arith.constant 0 : i32
          %swap3A_235 = arith.index_cast %swap3A : i32 to index
          %swap3A_236 = arith.constant 0 : index
          %swap3A_237 = tpu.vector_load %arg15[%swap3A_235, %swap3A_236] {strides = array<i32>} : memref<8x128xi32, #tpu.memory_space<vmem>>, vector<1x16xi32>,
          %swap3A_238 = vector.shape_cast %swap3A_237 : vector<1x16xi32> to vector<16xi32>
          %swap3A_239 = vector.shape_cast %select_n3A_234 : vector<16xi32> to vector<1x16xi32>
          tpu.vector_store %arg15[%swap3A_235, %swap3A_236], %swap3A_239 {strides = array<i32>} : memref<8x128xi32, #tpu.memory_space<vmem>>, vector<1x16xi32>,
          %get3A_240 = arith.index_cast %sub3A_219 : i32 to index
          %get3A_241 = arith.constant 16 : index
          %get3A_242 = tpu.vector_load %arg10[%get3A_240, %get3A_241] {strides = array<i32>} : memref<184x128xi32, #tpu.memory_space<vmem>>, vector<1x16xi32>,
          %get3A_243 = vector.shape_cast %get3A_242 : vector<1x16xi32> to vector<16xi32>
          %sub3A_244 = vector.broadcast %mul3A_14 : i32 to vector<16xi32>
          %sub3A_245 = arith.subi %get3A_243, %sub3A_244 : vector<16xi32>
          %ge3A_246 = arith.constant 0 : i32
          %ge3A_247 = vector.broadcast %ge3A_246 : i32 to vector<16xi32>
          %ge3A_248 = arith.cmpi sge, %sub3A_245, %ge3A_247 : vector<16xi32>
          %lt3A_249 = arith.constant 1792 : i32
          %lt3A_250 = vector.broadcast %lt3A_249 : i32 to vector<16xi32>
          %lt3A_251 = arith.cmpi slt, %sub3A_245, %lt3A_250 : vector<16xi32>
          %and3A_252 = arith.andi %ge3A_248, %lt3A_251 : vector<16xi1>
          %jit3A_253 = arith.constant 1792 : i32
          %broadcast_in_dim3A_254 = vector.broadcast %jit3A_253 : i32 to vector<16xi32>
          %select_n3A_255 = arith.select %and3A_252, %sub3A_245, %broadcast_in_dim3A_254 : vector<16xi1>, vector<16xi32>
          %swap3A_256 = arith.constant 0 : i32
          %swap3A_257 = arith.index_cast %swap3A_256 : i32 to index
          %swap3A_258 = arith.constant 16 : index
          %swap3A_259 = tpu.vector_load %arg15[%swap3A_257, %swap3A_258] {strides = array<i32>} : memref<8x128xi32, #tpu.memory_space<vmem>>, vector<1x16xi32>,
          %swap3A_260 = vector.shape_cast %swap3A_259 : vector<1x16xi32> to vector<16xi32>
          %swap3A_261 = vector.shape_cast %select_n3A_255 : vector<16xi32> to vector<1x16xi32>
          tpu.vector_store %arg15[%swap3A_257, %swap3A_258], %swap3A_261 {strides = array<i32>} : memref<8x128xi32, #tpu.memory_space<vmem>>, vector<1x16xi32>,
          %get3A_262 = arith.index_cast %sub3A_219 : i32 to index
          %get3A_263 = arith.constant 32 : index
          %get3A_264 = tpu.vector_load %arg10[%get3A_262, %get3A_263] {strides = array<i32>} : memref<184x128xi32, #tpu.memory_space<vmem>>, vector<1x16xi32>,
          %get3A_265 = vector.shape_cast %get3A_264 : vector<1x16xi32> to vector<16xi32>
          %sub3A_266 = vector.broadcast %mul3A_14 : i32 to vector<16xi32>
          %sub3A_267 = arith.subi %get3A_265, %sub3A_266 : vector<16xi32>
          %ge3A_268 = arith.constant 0 : i32
          %ge3A_269 = vector.broadcast %ge3A_268 : i32 to vector<16xi32>
          %ge3A_270 = arith.cmpi sge, %sub3A_267, %ge3A_269 : vector<16xi32>
          %lt3A_271 = arith.constant 1792 : i32
          %lt3A_272 = vector.broadcast %lt3A_271 : i32 to vector<16xi32>
          %lt3A_273 = arith.cmpi slt, %sub3A_267, %lt3A_272 : vector<16xi32>
          %and3A_274 = arith.andi %ge3A_270, %lt3A_273 : vector<16xi1>
          %jit3A_275 = arith.constant 1792 : i32
          %broadcast_in_dim3A_276 = vector.broadcast %jit3A_275 : i32 to vector<16xi32>
          %select_n3A_277 = arith.select %and3A_274, %sub3A_267, %broadcast_in_dim3A_276 : vector<16xi1>, vector<16xi32>
          %swap3A_278 = arith.constant 0 : i32
          %swap3A_279 = arith.index_cast %swap3A_278 : i32 to index
          %swap3A_280 = arith.constant 32 : index
          %swap3A_281 = tpu.vector_load %arg15[%swap3A_279, %swap3A_280] {strides = array<i32>} : memref<8x128xi32, #tpu.memory_space<vmem>>, vector<1x16xi32>,
          %swap3A_282 = vector.shape_cast %swap3A_281 : vector<1x16xi32> to vector<16xi32>
          %swap3A_283 = vector.shape_cast %select_n3A_277 : vector<16xi32> to vector<1x16xi32>
          tpu.vector_store %arg15[%swap3A_279, %swap3A_280], %swap3A_283 {strides = array<i32>} : memref<8x128xi32, #tpu.memory_space<vmem>>, vector<1x16xi32>,
          %get3A_284 = arith.index_cast %sub3A_219 : i32 to index
          %get3A_285 = arith.constant 48 : index
          %get3A_286 = tpu.vector_load %arg10[%get3A_284, %get3A_285] {strides = array<i32>} : memref<184x128xi32, #tpu.memory_space<vmem>>, vector<1x16xi32>,
          %get3A_287 = vector.shape_cast %get3A_286 : vector<1x16xi32> to vector<16xi32>
          %sub3A_288 = vector.broadcast %mul3A_14 : i32 to vector<16xi32>
          %sub3A_289 = arith.subi %get3A_287, %sub3A_288 : vector<16xi32>
          %ge3A_290 = arith.constant 0 : i32
          %ge3A_291 = vector.broadcast %ge3A_290 : i32 to vector<16xi32>
          %ge3A_292 = arith.cmpi sge, %sub3A_289, %ge3A_291 : vector<16xi32>
          %lt3A_293 = arith.constant 1792 : i32
          %lt3A_294 = vector.broadcast %lt3A_293 : i32 to vector<16xi32>
          %lt3A_295 = arith.cmpi slt, %sub3A_289, %lt3A_294 : vector<16xi32>
          %and3A_296 = arith.andi %ge3A_292, %lt3A_295 : vector<16xi1>
          %jit3A_297 = arith.constant 1792 : i32
          %broadcast_in_dim3A_298 = vector.broadcast %jit3A_297 : i32 to vector<16xi32>
          %select_n3A_299 = arith.select %and3A_296, %sub3A_289, %broadcast_in_dim3A_298 : vector<16xi1>, vector<16xi32>
          %swap3A_300 = arith.constant 0 : i32
          %swap3A_301 = arith.index_cast %swap3A_300 : i32 to index
          %swap3A_302 = arith.constant 48 : index
          %swap3A_303 = tpu.vector_load %arg15[%swap3A_301, %swap3A_302] {strides = array<i32>} : memref<8x128xi32, #tpu.memory_space<vmem>>, vector<1x16xi32>,
          %swap3A_304 = vector.shape_cast %swap3A_303 : vector<1x16xi32> to vector<16xi32>
          %swap3A_305 = vector.shape_cast %select_n3A_299 : vector<16xi32> to vector<1x16xi32>
          tpu.vector_store %arg15[%swap3A_301, %swap3A_302], %swap3A_305 {strides = array<i32>} : memref<8x128xi32, #tpu.memory_space<vmem>>, vector<1x16xi32>,
          %get3A_306 = arith.index_cast %sub3A_219 : i32 to index
          %get3A_307 = arith.constant 64 : index
          %get3A_308 = tpu.vector_load %arg10[%get3A_306, %get3A_307] {strides = array<i32>} : memref<184x128xi32, #tpu.memory_space<vmem>>, vector<1x16xi32>,
          %get3A_309 = vector.shape_cast %get3A_308 : vector<1x16xi32> to vector<16xi32>
          %sub3A_310 = vector.broadcast %mul3A_14 : i32 to vector<16xi32>
          %sub3A_311 = arith.subi %get3A_309, %sub3A_310 : vector<16xi32>
          %ge3A_312 = arith.constant 0 : i32
          %ge3A_313 = vector.broadcast %ge3A_312 : i32 to vector<16xi32>
          %ge3A_314 = arith.cmpi sge, %sub3A_311, %ge3A_313 : vector<16xi32>
          %lt3A_315 = arith.constant 1792 : i32
          %lt3A_316 = vector.broadcast %lt3A_315 : i32 to vector<16xi32>
          %lt3A_317 = arith.cmpi slt, %sub3A_311, %lt3A_316 : vector<16xi32>
          %and3A_318 = arith.andi %ge3A_314, %lt3A_317 : vector<16xi1>
          %jit3A_319 = arith.constant 1792 : i32
          %broadcast_in_dim3A_320 = vector.broadcast %jit3A_319 : i32 to vector<16xi32>
          %select_n3A_321 = arith.select %and3A_318, %sub3A_311, %broadcast_in_dim3A_320 : vector<16xi1>, vector<16xi32>
          %swap3A_322 = arith.constant 0 : i32
          %swap3A_323 = arith.index_cast %swap3A_322 : i32 to index
          %swap3A_324 = arith.constant 64 : index
          %swap3A_325 = tpu.vector_load %arg15[%swap3A_323, %swap3A_324] {strides = array<i32>} : memref<8x128xi32, #tpu.memory_space<vmem>>, vector<1x16xi32>,
          %swap3A_326 = vector.shape_cast %swap3A_325 : vector<1x16xi32> to vector<16xi32>
          %swap3A_327 = vector.shape_cast %select_n3A_321 : vector<16xi32> to vector<1x16xi32>
          tpu.vector_store %arg15[%swap3A_323, %swap3A_324], %swap3A_327 {strides = array<i32>} : memref<8x128xi32, #tpu.memory_space<vmem>>, vector<1x16xi32>,
          %get3A_328 = arith.index_cast %sub3A_219 : i32 to index
          %get3A_329 = arith.constant 80 : index
          %get3A_330 = tpu.vector_load %arg10[%get3A_328, %get3A_329] {strides = array<i32>} : memref<184x128xi32, #tpu.memory_space<vmem>>, vector<1x16xi32>,
          %get3A_331 = vector.shape_cast %get3A_330 : vector<1x16xi32> to vector<16xi32>
          %sub3A_332 = vector.broadcast %mul3A_14 : i32 to vector<16xi32>
          %sub3A_333 = arith.subi %get3A_331, %sub3A_332 : vector<16xi32>
          %ge3A_334 = arith.constant 0 : i32
          %ge3A_335 = vector.broadcast %ge3A_334 : i32 to vector<16xi32>
          %ge3A_336 = arith.cmpi sge, %sub3A_333, %ge3A_335 : vector<16xi32>
          %lt3A_337 = arith.constant 1792 : i32
          %lt3A_338 = vector.broadcast %lt3A_337 : i32 to vector<16xi32>
          %lt3A_339 = arith.cmpi slt, %sub3A_333, %lt3A_338 : vector<16xi32>
          %and3A_340 = arith.andi %ge3A_336, %lt3A_339 : vector<16xi1>
          %jit3A_341 = arith.constant 1792 : i32
          %broadcast_in_dim3A_342 = vector.broadcast %jit3A_341 : i32 to vector<16xi32>
          %select_n3A_343 = arith.select %and3A_340, %sub3A_333, %broadcast_in_dim3A_342 : vector<16xi1>, vector<16xi32>
          %swap3A_344 = arith.constant 0 : i32
          %swap3A_345 = arith.index_cast %swap3A_344 : i32 to index
          %swap3A_346 = arith.constant 80 : index
          %swap3A_347 = tpu.vector_load %arg15[%swap3A_345, %swap3A_346] {strides = array<i32>} : memref<8x128xi32, #tpu.memory_space<vmem>>, vector<1x16xi32>,
          %swap3A_348 = vector.shape_cast %swap3A_347 : vector<1x16xi32> to vector<16xi32>
          %swap3A_349 = vector.shape_cast %select_n3A_343 : vector<16xi32> to vector<1x16xi32>
          tpu.vector_store %arg15[%swap3A_345, %swap3A_346], %swap3A_349 {strides = array<i32>} : memref<8x128xi32, #tpu.memory_space<vmem>>, vector<1x16xi32>,
          %get3A_350 = arith.index_cast %sub3A_219 : i32 to index
          %get3A_351 = arith.constant 96 : index
          %get3A_352 = tpu.vector_load %arg10[%get3A_350, %get3A_351] {strides = array<i32>} : memref<184x128xi32, #tpu.memory_space<vmem>>, vector<1x16xi32>,
          %get3A_353 = vector.shape_cast %get3A_352 : vector<1x16xi32> to vector<16xi32>
          %sub3A_354 = vector.broadcast %mul3A_14 : i32 to vector<16xi32>
          %sub3A_355 = arith.subi %get3A_353, %sub3A_354 : vector<16xi32>
          %ge3A_356 = arith.constant 0 : i32
          %ge3A_357 = vector.broadcast %ge3A_356 : i32 to vector<16xi32>
          %ge3A_358 = arith.cmpi sge, %sub3A_355, %ge3A_357 : vector<16xi32>
          %lt3A_359 = arith.constant 1792 : i32
          %lt3A_360 = vector.broadcast %lt3A_359 : i32 to vector<16xi32>
          %lt3A_361 = arith.cmpi slt, %sub3A_355, %lt3A_360 : vector<16xi32>
          %and3A_362 = arith.andi %ge3A_358, %lt3A_361 : vector<16xi1>
          %jit3A_363 = arith.constant 1792 : i32
          %broadcast_in_dim3A_364 = vector.broadcast %jit3A_363 : i32 to vector<16xi32>
          %select_n3A_365 = arith.select %and3A_362, %sub3A_355, %broadcast_in_dim3A_364 : vector<16xi1>, vector<16xi32>
          %swap3A_366 = arith.constant 0 : i32
          %swap3A_367 = arith.index_cast %swap3A_366 : i32 to index
          %swap3A_368 = arith.constant 96 : index
          %swap3A_369 = tpu.vector_load %arg15[%swap3A_367, %swap3A_368] {strides = array<i32>} : memref<8x128xi32, #tpu.memory_space<vmem>>, vector<1x16xi32>,
          %swap3A_370 = vector.shape_cast %swap3A_369 : vector<1x16xi32> to vector<16xi32>
          %swap3A_371 = vector.shape_cast %select_n3A_365 : vector<16xi32> to vector<1x16xi32>
          tpu.vector_store %arg15[%swap3A_367, %swap3A_368], %swap3A_371 {strides = array<i32>} : memref<8x128xi32, #tpu.memory_space<vmem>>, vector<1x16xi32>,
          %get3A_372 = arith.index_cast %sub3A_219 : i32 to index
          %get3A_373 = arith.constant 112 : index
          %get3A_374 = tpu.vector_load %arg10[%get3A_372, %get3A_373] {strides = array<i32>} : memref<184x128xi32, #tpu.memory_space<vmem>>, vector<1x16xi32>,
          %get3A_375 = vector.shape_cast %get3A_374 : vector<1x16xi32> to vector<16xi32>
          %sub3A_376 = vector.broadcast %mul3A_14 : i32 to vector<16xi32>
          %sub3A_377 = arith.subi %get3A_375, %sub3A_376 : vector<16xi32>
          %ge3A_378 = arith.constant 0 : i32
          %ge3A_379 = vector.broadcast %ge3A_378 : i32 to vector<16xi32>
          %ge3A_380 = arith.cmpi sge, %sub3A_377, %ge3A_379 : vector<16xi32>
          %lt3A_381 = arith.constant 1792 : i32
          %lt3A_382 = vector.broadcast %lt3A_381 : i32 to vector<16xi32>
          %lt3A_383 = arith.cmpi slt, %sub3A_377, %lt3A_382 : vector<16xi32>
          %and3A_384 = arith.andi %ge3A_380, %lt3A_383 : vector<16xi1>
          %jit3A_385 = arith.constant 1792 : i32
          %broadcast_in_dim3A_386 = vector.broadcast %jit3A_385 : i32 to vector<16xi32>
          %select_n3A_387 = arith.select %and3A_384, %sub3A_377, %broadcast_in_dim3A_386 : vector<16xi1>, vector<16xi32>
          %swap3A_388 = arith.constant 0 : i32
          %swap3A_389 = arith.index_cast %swap3A_388 : i32 to index
          %swap3A_390 = arith.constant 112 : index
          %swap3A_391 = tpu.vector_load %arg15[%swap3A_389, %swap3A_390] {strides = array<i32>} : memref<8x128xi32, #tpu.memory_space<vmem>>, vector<1x16xi32>,
          %swap3A_392 = vector.shape_cast %swap3A_391 : vector<1x16xi32> to vector<16xi32>
          %swap3A_393 = vector.shape_cast %select_n3A_387 : vector<16xi32> to vector<1x16xi32>
          tpu.vector_store %arg15[%swap3A_389, %swap3A_390], %swap3A_393 {strides = array<i32>} : memref<8x128xi32, #tpu.memory_space<vmem>>, vector<1x16xi32>,
          %sub3A_394 = arith.constant 1 : i32
          %sub3A_395 = arith.subi %add3A_186, %sub3A_394 : i32
          %mul3A_396 = arith.constant 128 : i32
          %mul3A_397 = arith.muli %sub3A_395, %mul3A_396 : i32
          %multiple_of3A_398 = tpu.assume_multiple %mul3A_397, 8 : i32
          %dma_wait3A = arith.constant 0 : i32
          %dma_wait3A_399 = tpu.memref_slice %arg9[%sub3A_219, %dma_wait3A] : memref<184x128xi32, #tpu.memory_space<vmem>> -> memref<1x128xi32, #tpu.memory_space<vmem>>
          %dma_wait3A_400 = tpu.memref_squeeze %dma_wait3A_399 : memref<1x128xi32, #tpu.memory_space<vmem>> -> memref<128xi32, #tpu.memory_space<vmem>>
          %dma_wait3A_401 = arith.constant 0 : i32
          %dma_wait3A_402 = arith.constant 0 : i32
          %dma_wait3A_403 = tpu.memref_slice %arg2[%dma_wait3A_401, %dma_wait3A_402] : memref<10000x128xf32, #tpu.memory_space<hbm>> -> memref<10000x128xf32, #tpu.memory_space<hbm>>
          tpu.wait_indirect_dma semaphore(%arg19 : memref<!tpu.dma_semaphore, #tpu.memory_space<semaphore_mem>>) src(%dma_wait3A_403 : memref<10000x128xf32, #tpu.memory_space<hbm>>) dst(%arg13 : memref<128x128xf32, #tpu.memory_space<vmem>>)
          %dma_wait3A_404 = arith.constant 0 : i32
          %dma_wait3A_405 = tpu.memref_slice %arg3[%multiple_of3A_398, %dma_wait3A_404] : memref<320000x128xf32, #tpu.memory_space<hbm>> -> memref<128x128xf32, #tpu.memory_space<hbm>>
          %dma_wait3A_406 = arith.constant 0 : i32
          %dma_wait3A_407 = tpu.memref_slice %arg3[%multiple_of3A_398, %dma_wait3A_406] : memref<320000x128xf32, #tpu.memory_space<hbm>> -> memref<128x128xf32, #tpu.memory_space<hbm>>
          tpu.wait_dma2 semaphore(%arg21 : memref<!tpu.dma_semaphore, #tpu.memory_space<semaphore_mem>>) src(%dma_wait3A_407 : memref<128x128xf32, #tpu.memory_space<hbm>>) dst(%arg11 : memref<128x128xf32, #tpu.memory_space<vmem>>)
          %scan3A = arith.constant 0 : i32
          %scan3A_408 = arith.constant 128 : i32
          %scan3A_409 = arith.addi %scan3A, %scan3A_408 : i32
          %scan3A_410 = arith.constant 1 : i32
          scf.for %scan3A_412 = %scan3A to %scan3A_409 step %scan3A_410  : i32 {
            %mul3A_413 = arith.constant 1 : i32
            %mul3A_414 = arith.muli %scan3A_412, %mul3A_413 : i32
            %add3A_415 = arith.constant 0 : i32
            %add3A_416 = arith.addi %add3A_415, %mul3A_414 : i32
            %get3A_417 = arith.index_cast %add3A_416 : i32 to index
            %get3A_418 = arith.constant 0 : index
            %get3A_419 = tpu.vector_load %arg13[%get3A_417, %get3A_418] {strides = array<i32>} : memref<128x128xf32, #tpu.memory_space<vmem>>, vector<1x16xf32>,
            %get3A_420 = vector.shape_cast %get3A_419 : vector<1x16xf32> to vector<16xf32>
            %get3A_421 = arith.index_cast %add3A_416 : i32 to index
            %get3A_422 = arith.constant 0 : index
            %get3A_423 = tpu.vector_load %arg11[%get3A_421, %get3A_422] {strides = array<i32>} : memref<128x128xf32, #tpu.memory_space<vmem>>, vector<1x16xf32>,
            %get3A_424 = vector.shape_cast %get3A_423 : vector<1x16xf32> to vector<16xf32>
            %mul3A_425 = arith.mulf %get3A_420, %get3A_424 : vector<16xf32>
            %swap3A_426 = arith.index_cast %add3A_416 : i32 to index
            %swap3A_427 = arith.constant 0 : index
            %swap3A_428 = tpu.vector_load %arg13[%swap3A_426, %swap3A_427] {strides = array<i32>} : memref<128x128xf32, #tpu.memory_space<vmem>>, vector<1x16xf32>,
            %swap3A_429 = vector.shape_cast %swap3A_428 : vector<1x16xf32> to vector<16xf32>
            %swap3A_430 = vector.shape_cast %mul3A_425 : vector<16xf32> to vector<1x16xf32>
            tpu.vector_store %arg13[%swap3A_426, %swap3A_427], %swap3A_430 {strides = array<i32>} : memref<128x128xf32, #tpu.memory_space<vmem>>, vector<1x16xf32>,
            %get3A_431 = arith.index_cast %add3A_416 : i32 to index
            %get3A_432 = arith.constant 16 : index
            %get3A_433 = tpu.vector_load %arg13[%get3A_431, %get3A_432] {strides = array<i32>} : memref<128x128xf32, #tpu.memory_space<vmem>>, vector<1x16xf32>,
            %get3A_434 = vector.shape_cast %get3A_433 : vector<1x16xf32> to vector<16xf32>
            %get3A_435 = arith.index_cast %add3A_416 : i32 to index
            %get3A_436 = arith.constant 16 : index
            %get3A_437 = tpu.vector_load %arg11[%get3A_435, %get3A_436] {strides = array<i32>} : memref<128x128xf32, #tpu.memory_space<vmem>>, vector<1x16xf32>,
            %get3A_438 = vector.shape_cast %get3A_437 : vector<1x16xf32> to vector<16xf32>
            %mul3A_439 = arith.mulf %get3A_434, %get3A_438 : vector<16xf32>
            %swap3A_440 = arith.index_cast %add3A_416 : i32 to index
            %swap3A_441 = arith.constant 16 : index
            %swap3A_442 = tpu.vector_load %arg13[%swap3A_440, %swap3A_441] {strides = array<i32>} : memref<128x128xf32, #tpu.memory_space<vmem>>, vector<1x16xf32>,
            %swap3A_443 = vector.shape_cast %swap3A_442 : vector<1x16xf32> to vector<16xf32>
            %swap3A_444 = vector.shape_cast %mul3A_439 : vector<16xf32> to vector<1x16xf32>
            tpu.vector_store %arg13[%swap3A_440, %swap3A_441], %swap3A_444 {strides = array<i32>} : memref<128x128xf32, #tpu.memory_space<vmem>>, vector<1x16xf32>,
            %get3A_445 = arith.index_cast %add3A_416 : i32 to index
            %get3A_446 = arith.constant 32 : index
            %get3A_447 = tpu.vector_load %arg13[%get3A_445, %get3A_446] {strides = array<i32>} : memref<128x128xf32, #tpu.memory_space<vmem>>, vector<1x16xf32>,
            %get3A_448 = vector.shape_cast %get3A_447 : vector<1x16xf32> to vector<16xf32>
            %get3A_449 = arith.index_cast %add3A_416 : i32 to index
            %get3A_450 = arith.constant 32 : index
            %get3A_451 = tpu.vector_load %arg11[%get3A_449, %get3A_450] {strides = array<i32>} : memref<128x128xf32, #tpu.memory_space<vmem>>, vector<1x16xf32>,
            %get3A_452 = vector.shape_cast %get3A_451 : vector<1x16xf32> to vector<16xf32>
            %mul3A_453 = arith.mulf %get3A_448, %get3A_452 : vector<16xf32>
            %swap3A_454 = arith.index_cast %add3A_416 : i32 to index
            %swap3A_455 = arith.constant 32 : index
            %swap3A_456 = tpu.vector_load %arg13[%swap3A_454, %swap3A_455] {strides = array<i32>} : memref<128x128xf32, #tpu.memory_space<vmem>>, vector<1x16xf32>,
            %swap3A_457 = vector.shape_cast %swap3A_456 : vector<1x16xf32> to vector<16xf32>
            %swap3A_458 = vector.shape_cast %mul3A_453 : vector<16xf32> to vector<1x16xf32>
            tpu.vector_store %arg13[%swap3A_454, %swap3A_455], %swap3A_458 {strides = array<i32>} : memref<128x128xf32, #tpu.memory_space<vmem>>, vector<1x16xf32>,
            %get3A_459 = arith.index_cast %add3A_416 : i32 to index
            %get3A_460 = arith.constant 48 : index
            %get3A_461 = tpu.vector_load %arg13[%get3A_459, %get3A_460] {strides = array<i32>} : memref<128x128xf32, #tpu.memory_space<vmem>>, vector<1x16xf32>,
            %get3A_462 = vector.shape_cast %get3A_461 : vector<1x16xf32> to vector<16xf32>
            %get3A_463 = arith.index_cast %add3A_416 : i32 to index
            %get3A_464 = arith.constant 48 : index
            %get3A_465 = tpu.vector_load %arg11[%get3A_463, %get3A_464] {strides = array<i32>} : memref<128x128xf32, #tpu.memory_space<vmem>>, vector<1x16xf32>,
            %get3A_466 = vector.shape_cast %get3A_465 : vector<1x16xf32> to vector<16xf32>
            %mul3A_467 = arith.mulf %get3A_462, %get3A_466 : vector<16xf32>
            %swap3A_468 = arith.index_cast %add3A_416 : i32 to index
            %swap3A_469 = arith.constant 48 : index
            %swap3A_470 = tpu.vector_load %arg13[%swap3A_468, %swap3A_469] {strides = array<i32>} : memref<128x128xf32, #tpu.memory_space<vmem>>, vector<1x16xf32>,
            %swap3A_471 = vector.shape_cast %swap3A_470 : vector<1x16xf32> to vector<16xf32>
            %swap3A_472 = vector.shape_cast %mul3A_467 : vector<16xf32> to vector<1x16xf32>
            tpu.vector_store %arg13[%swap3A_468, %swap3A_469], %swap3A_472 {strides = array<i32>} : memref<128x128xf32, #tpu.memory_space<vmem>>, vector<1x16xf32>,
            %get3A_473 = arith.index_cast %add3A_416 : i32 to index
            %get3A_474 = arith.constant 64 : index
            %get3A_475 = tpu.vector_load %arg13[%get3A_473, %get3A_474] {strides = array<i32>} : memref<128x128xf32, #tpu.memory_space<vmem>>, vector<1x16xf32>,
            %get3A_476 = vector.shape_cast %get3A_475 : vector<1x16xf32> to vector<16xf32>
            %get3A_477 = arith.index_cast %add3A_416 : i32 to index
            %get3A_478 = arith.constant 64 : index
            %get3A_479 = tpu.vector_load %arg11[%get3A_477, %get3A_478] {strides = array<i32>} : memref<128x128xf32, #tpu.memory_space<vmem>>, vector<1x16xf32>,
            %get3A_480 = vector.shape_cast %get3A_479 : vector<1x16xf32> to vector<16xf32>
            %mul3A_481 = arith.mulf %get3A_476, %get3A_480 : vector<16xf32>
            %swap3A_482 = arith.index_cast %add3A_416 : i32 to index
            %swap3A_483 = arith.constant 64 : index
            %swap3A_484 = tpu.vector_load %arg13[%swap3A_482, %swap3A_483] {strides = array<i32>} : memref<128x128xf32, #tpu.memory_space<vmem>>, vector<1x16xf32>,
            %swap3A_485 = vector.shape_cast %swap3A_484 : vector<1x16xf32> to vector<16xf32>
            %swap3A_486 = vector.shape_cast %mul3A_481 : vector<16xf32> to vector<1x16xf32>
            tpu.vector_store %arg13[%swap3A_482, %swap3A_483], %swap3A_486 {strides = array<i32>} : memref<128x128xf32, #tpu.memory_space<vmem>>, vector<1x16xf32>,
            %get3A_487 = arith.index_cast %add3A_416 : i32 to index
            %get3A_488 = arith.constant 80 : index
            %get3A_489 = tpu.vector_load %arg13[%get3A_487, %get3A_488] {strides = array<i32>} : memref<128x128xf32, #tpu.memory_space<vmem>>, vector<1x16xf32>,
            %get3A_490 = vector.shape_cast %get3A_489 : vector<1x16xf32> to vector<16xf32>
            %get3A_491 = arith.index_cast %add3A_416 : i32 to index
            %get3A_492 = arith.constant 80 : index
            %get3A_493 = tpu.vector_load %arg11[%get3A_491, %get3A_492] {strides = array<i32>} : memref<128x128xf32, #tpu.memory_space<vmem>>, vector<1x16xf32>,
            %get3A_494 = vector.shape_cast %get3A_493 : vector<1x16xf32> to vector<16xf32>
            %mul3A_495 = arith.mulf %get3A_490, %get3A_494 : vector<16xf32>
            %swap3A_496 = arith.index_cast %add3A_416 : i32 to index
            %swap3A_497 = arith.constant 80 : index
            %swap3A_498 = tpu.vector_load %arg13[%swap3A_496, %swap3A_497] {strides = array<i32>} : memref<128x128xf32, #tpu.memory_space<vmem>>, vector<1x16xf32>,
            %swap3A_499 = vector.shape_cast %swap3A_498 : vector<1x16xf32> to vector<16xf32>
            %swap3A_500 = vector.shape_cast %mul3A_495 : vector<16xf32> to vector<1x16xf32>
            tpu.vector_store %arg13[%swap3A_496, %swap3A_497], %swap3A_500 {strides = array<i32>} : memref<128x128xf32, #tpu.memory_space<vmem>>, vector<1x16xf32>,
            %get3A_501 = arith.index_cast %add3A_416 : i32 to index
            %get3A_502 = arith.constant 96 : index
            %get3A_503 = tpu.vector_load %arg13[%get3A_501, %get3A_502] {strides = array<i32>} : memref<128x128xf32, #tpu.memory_space<vmem>>, vector<1x16xf32>,
            %get3A_504 = vector.shape_cast %get3A_503 : vector<1x16xf32> to vector<16xf32>
            %get3A_505 = arith.index_cast %add3A_416 : i32 to index
            %get3A_506 = arith.constant 96 : index
            %get3A_507 = tpu.vector_load %arg11[%get3A_505, %get3A_506] {strides = array<i32>} : memref<128x128xf32, #tpu.memory_space<vmem>>, vector<1x16xf32>,
            %get3A_508 = vector.shape_cast %get3A_507 : vector<1x16xf32> to vector<16xf32>
            %mul3A_509 = arith.mulf %get3A_504, %get3A_508 : vector<16xf32>
            %swap3A_510 = arith.index_cast %add3A_416 : i32 to index
            %swap3A_511 = arith.constant 96 : index
            %swap3A_512 = tpu.vector_load %arg13[%swap3A_510, %swap3A_511] {strides = array<i32>} : memref<128x128xf32, #tpu.memory_space<vmem>>, vector<1x16xf32>,
            %swap3A_513 = vector.shape_cast %swap3A_512 : vector<1x16xf32> to vector<16xf32>
            %swap3A_514 = vector.shape_cast %mul3A_509 : vector<16xf32> to vector<1x16xf32>
            tpu.vector_store %arg13[%swap3A_510, %swap3A_511], %swap3A_514 {strides = array<i32>} : memref<128x128xf32, #tpu.memory_space<vmem>>, vector<1x16xf32>,
            %get3A_515 = arith.index_cast %add3A_416 : i32 to index
            %get3A_516 = arith.constant 112 : index
            %get3A_517 = tpu.vector_load %arg13[%get3A_515, %get3A_516] {strides = array<i32>} : memref<128x128xf32, #tpu.memory_space<vmem>>, vector<1x16xf32>,
            %get3A_518 = vector.shape_cast %get3A_517 : vector<1x16xf32> to vector<16xf32>
            %get3A_519 = arith.index_cast %add3A_416 : i32 to index
            %get3A_520 = arith.constant 112 : index
            %get3A_521 = tpu.vector_load %arg11[%get3A_519, %get3A_520] {strides = array<i32>} : memref<128x128xf32, #tpu.memory_space<vmem>>, vector<1x16xf32>,
            %get3A_522 = vector.shape_cast %get3A_521 : vector<1x16xf32> to vector<16xf32>
            %mul3A_523 = arith.mulf %get3A_518, %get3A_522 : vector<16xf32>
            %swap3A_524 = arith.index_cast %add3A_416 : i32 to index
            %swap3A_525 = arith.constant 112 : index
            %swap3A_526 = tpu.vector_load %arg13[%swap3A_524, %swap3A_525] {strides = array<i32>} : memref<128x128xf32, #tpu.memory_space<vmem>>, vector<1x16xf32>,
            %swap3A_527 = vector.shape_cast %swap3A_526 : vector<1x16xf32> to vector<16xf32>
            %swap3A_528 = vector.shape_cast %mul3A_523 : vector<16xf32> to vector<1x16xf32>
            tpu.vector_store %arg13[%swap3A_524, %swap3A_525], %swap3A_528 {strides = array<i32>} : memref<128x128xf32, #tpu.memory_space<vmem>>, vector<1x16xf32>,
          }
          %scan3A_411 = arith.constant 128 : i32
          %run_scoped3A = arith.constant 0 : i32
          "tpu.region"() ({
            %run_scoped3A_412 = tpu.sem_alloc : memref<!tpu.dma_semaphore, #tpu.memory_space<semaphore_mem>>
            %dma_start3A = arith.constant 0 : i32
            %dma_start3A_413 = tpu.memref_slice %arg15[%run_scoped3A, %dma_start3A] : memref<8x128xi32, #tpu.memory_space<vmem>> -> memref<1x128xi32, #tpu.memory_space<vmem>>
            %dma_start3A_414 = tpu.memref_squeeze %dma_start3A_413 : memref<1x128xi32, #tpu.memory_space<vmem>> -> memref<128xi32, #tpu.memory_space<vmem>>
            %dma_start3A_415 = arith.constant 0 : i32
            %dma_start3A_416 = arith.constant 0 : i32
            %dma_start3A_417 = tpu.memref_slice %arg17[%dma_start3A_415, %dma_start3A_416] : memref<1920x128xf32, #tpu.memory_space<vmem_shared>> -> memref<1920x128xf32, #tpu.memory_space<vmem_shared>>
            tpu.enqueue_indirect_dma source(%arg13 : memref<128x128xf32, #tpu.memory_space<vmem>>) target(%dma_start3A_417 : memref<1920x128xf32, #tpu.memory_space<vmem_shared>>) offsets(%dma_start3A_414 : memref<128xi32, #tpu.memory_space<vmem>>) semaphore(%run_scoped3A_412 : memref<!tpu.dma_semaphore, #tpu.memory_space<semaphore_mem>>) {add = true}
            %dma_wait3A_418 = arith.constant 0 : i32
            %dma_wait3A_419 = tpu.memref_slice %arg15[%run_scoped3A, %dma_wait3A_418] : memref<8x128xi32, #tpu.memory_space<vmem>> -> memref<1x128xi32, #tpu.memory_space<vmem>>
            %dma_wait3A_420 = tpu.memref_squeeze %dma_wait3A_419 : memref<1x128xi32, #tpu.memory_space<vmem>> -> memref<128xi32, #tpu.memory_space<vmem>>
            %dma_wait3A_421 = arith.constant 0 : i32
            %dma_wait3A_422 = arith.constant 0 : i32
            %dma_wait3A_423 = tpu.memref_slice %arg17[%dma_wait3A_421, %dma_wait3A_422] : memref<1920x128xf32, #tpu.memory_space<vmem_shared>> -> memref<1920x128xf32, #tpu.memory_space<vmem_shared>>
            tpu.wait_indirect_dma semaphore(%run_scoped3A_412 : memref<!tpu.dma_semaphore, #tpu.memory_space<semaphore_mem>>) src(%arg13 : memref<128x128xf32, #tpu.memory_space<vmem>>) dst(%dma_wait3A_423 : memref<1920x128xf32, #tpu.memory_space<vmem_shared>>)
            tpu.yield
          }) : () -> ()
        } else {
        }
      } else {
      }
    }
    %barrier3A_33 = arith.constant 0 : index
    tpu.barrier barrier_id(%barrier3A_33)
    %mul3A_34 = arith.constant 112 : i32
    %mul3A_35 = arith.muli %arg1, %mul3A_34 : i32
    %multiple_of3A_36 = tpu.assume_multiple %mul3A_35, 8 : i32
    %mul3A_37 = arith.constant 112 : i32
    %mul3A_38 = arith.muli %arg1, %mul3A_37 : i32
    %add3A_39 = arith.addi %mul3A_14, %mul3A_38 : i32
    %multiple_of3A_40 = tpu.assume_multiple %add3A_39, 8 : i32
    %sub3A_41 = arith.constant 10000 : i32
    %sub3A_42 = arith.subi %sub3A_41, %multiple_of3A_40 : i32
    %ge3A = arith.constant 112 : i32
    %ge3A_43 = arith.cmpi sge, %sub3A_42, %ge3A : i32
    %convert_element_type3A = arith.extui %ge3A_43 : i1 to i32
    %cond3A = arith.constant 0 : i32
    %cond3A_44 = arith.cmpi ne, %convert_element_type3A, %cond3A : i32
    scf.if %cond3A_44 {
      "tpu.region"() ({
        %run_scoped3A = tpu.sem_alloc : memref<!tpu.dma_semaphore, #tpu.memory_space<semaphore_mem>>
        %dma_start3A = arith.constant 0 : i32
        %dma_start3A_184 = tpu.memref_slice %arg8[%multiple_of3A_40, %dma_start3A] : memref<10000x128xf32, #tpu.memory_space<hbm>> -> memref<112x128xf32, #tpu.memory_space<hbm>>
        %dma_start3A_185 = arith.constant 0 : i32
        %dma_start3A_186 = tpu.memref_slice %arg17[%multiple_of3A_36, %dma_start3A_185] : memref<1920x128xf32, #tpu.memory_space<vmem_shared>> -> memref<112x128xf32, #tpu.memory_space<vmem_shared>>
        tpu.enqueue_dma source(%dma_start3A_186 : memref<112x128xf32, #tpu.memory_space<vmem_shared>>) target(%dma_start3A_184 : memref<112x128xf32, #tpu.memory_space<hbm>>) target_semaphore(%run_scoped3A : memref<!tpu.dma_semaphore, #tpu.memory_space<semaphore_mem>>)
        %dma_wait3A = arith.constant 0 : i32
        %dma_wait3A_187 = tpu.memref_slice %arg8[%multiple_of3A_40, %dma_wait3A] : memref<10000x128xf32, #tpu.memory_space<hbm>> -> memref<112x128xf32, #tpu.memory_space<hbm>>
        %dma_wait3A_188 = arith.constant 0 : i32
        %dma_wait3A_189 = tpu.memref_slice %arg17[%multiple_of3A_36, %dma_wait3A_188] : memref<1920x128xf32, #tpu.memory_space<vmem_shared>> -> memref<112x128xf32, #tpu.memory_space<vmem_shared>>
        tpu.wait_dma2 semaphore(%run_scoped3A : memref<!tpu.dma_semaphore, #tpu.memory_space<semaphore_mem>>) src(%dma_wait3A_189 : memref<112x128xf32, #tpu.memory_space<vmem_shared>>) dst(%dma_wait3A_187 : memref<112x128xf32, #tpu.memory_space<hbm>>)
        tpu.yield
      }) : () -> ()
    } else {
    }
    %gt3A = arith.constant 0 : i32
    %gt3A_45 = arith.cmpi sgt, %sub3A_42, %gt3A : i32
    %lt3A = arith.constant 112 : i32
    %lt3A_46 = arith.cmpi slt, %sub3A_42, %lt3A : i32
    %and3A = arith.andi %gt3A_45, %lt3A_46 : i1
    %convert_element_type3A_47 = arith.extui %and3A : i1 to i32
    %cond3A_48 = arith.constant 0 : i32
    %cond3A_49 = arith.cmpi ne, %convert_element_type3A_47, %cond3A_48 : i32
    scf.if %cond3A_49 {
      "tpu.region"() ({
        %run_scoped3A = tpu.sem_alloc : memref<!tpu.dma_semaphore, #tpu.memory_space<semaphore_mem>>
        %dma_start3A = arith.constant 0 : i32
        %dma_start3A_184 = tpu.memref_slice %arg8[%multiple_of3A_40, %dma_start3A] : memref<10000x128xf32, #tpu.memory_space<hbm>> -> memref<32x128xf32, #tpu.memory_space<hbm>>
        %dma_start3A_185 = arith.constant 0 : i32
        %dma_start3A_186 = tpu.memref_slice %arg17[%multiple_of3A_36, %dma_start3A_185] : memref<1920x128xf32, #tpu.memory_space<vmem_shared>> -> memref<32x128xf32, #tpu.memory_space<vmem_shared>>
        tpu.enqueue_dma source(%dma_start3A_186 : memref<32x128xf32, #tpu.memory_space<vmem_shared>>) target(%dma_start3A_184 : memref<32x128xf32, #tpu.memory_space<hbm>>) target_semaphore(%run_scoped3A : memref<!tpu.dma_semaphore, #tpu.memory_space<semaphore_mem>>)
        %dma_wait3A = arith.constant 0 : i32
        %dma_wait3A_187 = tpu.memref_slice %arg8[%multiple_of3A_40, %dma_wait3A] : memref<10000x128xf32, #tpu.memory_space<hbm>> -> memref<32x128xf32, #tpu.memory_space<hbm>>
        %dma_wait3A_188 = arith.constant 0 : i32
        %dma_wait3A_189 = tpu.memref_slice %arg17[%multiple_of3A_36, %dma_wait3A_188] : memref<1920x128xf32, #tpu.memory_space<vmem_shared>> -> memref<32x128xf32, #tpu.memory_space<vmem_shared>>
        tpu.wait_dma2 semaphore(%run_scoped3A : memref<!tpu.dma_semaphore, #tpu.memory_space<semaphore_mem>>) src(%dma_wait3A_189 : memref<32x128xf32, #tpu.memory_space<vmem_shared>>) dst(%dma_wait3A_187 : memref<32x128xf32, #tpu.memory_space<hbm>>)
        tpu.yield
      }) : () -> ()
    } else {
    }
    %barrier3A_50 = arith.constant 0 : index
    tpu.barrier barrier_id(%barrier3A_50)
    %mul3A_51 = arith.constant 3 : i32
    %mul3A_52 = arith.muli %arg0, %mul3A_51 : i32
    %mul3A_53 = arith.constant 16 : i32
    %mul3A_54 = arith.muli %mul3A_52, %mul3A_53 : i32
    %add3A_55 = arith.constant 16 : i32
    %add3A_56 = arith.addi %mul3A_54, %add3A_55 : i32
    %add3A_57 = arith.addi %add3A_56, %arg1 : i32
    "tpu.region"() ({
      %run_scoped3A = tpu.sem_alloc : memref<!tpu.dma_semaphore, #tpu.memory_space<semaphore_mem>>
      %dma_start3A = arith.constant 0 : i32
      %dma_start3A_184 = tpu.memref_slice %arg6[%add3A_57, %dma_start3A] : memref<96x16xi32, #tpu.memory_space<hbm>> -> memref<1x16xi32, #tpu.memory_space<hbm>>
      %dma_start3A_185 = tpu.memref_squeeze %dma_start3A_184 : memref<1x16xi32, #tpu.memory_space<hbm>> -> memref<16xi32, #tpu.memory_space<hbm>>
      %dma_start3A_186 = arith.constant 0 : i32
      %dma_start3A_187 = tpu.memref_slice %arg6[%add3A_57, %dma_start3A_186] : memref<96x16xi32, #tpu.memory_space<hbm>> -> memref<1x16xi32, #tpu.memory_space<hbm>>
      %dma_start3A_188 = tpu.memref_squeeze %dma_start3A_187 : memref<1x16xi32, #tpu.memory_space<hbm>> -> memref<16xi32, #tpu.memory_space<hbm>>
      tpu.enqueue_dma source(%dma_start3A_188 : memref<16xi32, #tpu.memory_space<hbm>>) target(%arg18 : memref<16xi32, #tpu.memory_space<vmem>>) target_semaphore(%run_scoped3A : memref<!tpu.dma_semaphore, #tpu.memory_space<semaphore_mem>>)
      %dma_wait3A = arith.constant 0 : i32
      %dma_wait3A_189 = tpu.memref_slice %arg6[%add3A_57, %dma_wait3A] : memref<96x16xi32, #tpu.memory_space<hbm>> -> memref<1x16xi32, #tpu.memory_space<hbm>>
      %dma_wait3A_190 = tpu.memref_squeeze %dma_wait3A_189 : memref<1x16xi32, #tpu.memory_space<hbm>> -> memref<16xi32, #tpu.memory_space<hbm>>
      %dma_wait3A_191 = arith.constant 0 : i32
      %dma_wait3A_192 = tpu.memref_slice %arg6[%add3A_57, %dma_wait3A_191] : memref<96x16xi32, #tpu.memory_space<hbm>> -> memref<1x16xi32, #tpu.memory_space<hbm>>
      %dma_wait3A_193 = tpu.memref_squeeze %dma_wait3A_192 : memref<1x16xi32, #tpu.memory_space<hbm>> -> memref<16xi32, #tpu.memory_space<hbm>>
      tpu.wait_dma2 semaphore(%run_scoped3A : memref<!tpu.dma_semaphore, #tpu.memory_space<semaphore_mem>>) src(%dma_wait3A_193 : memref<16xi32, #tpu.memory_space<hbm>>) dst(%arg18 : memref<16xi32, #tpu.memory_space<vmem>>)
      tpu.yield
    }) : () -> ()
    %get3A_58 = arith.constant 0 : index
    %get3A_59 = tpu.vector_load %arg18[%get3A_58] {strides = array<i32>} : memref<16xi32, #tpu.memory_space<vmem>>, vector<16xi32>,
    %get3A_60 = vector.shape_cast %get3A_59 : vector<16xi32> to vector<16xi32>
    %slice3A_61 = vector.extract_strided_slice %get3A_60 {offsets = [0], sizes = [1], strides = [1]} : vector<16xi32> to vector<1xi32>
    %squeeze3A_62 = vector.extract %slice3A_61[0] : i32 from vector<1xi32>
    %multiple_of3A_63 = tpu.assume_multiple %squeeze3A_62, 8 : i32
    %slice3A_64 = vector.extract_strided_slice %get3A_60 {offsets = [1], sizes = [1], strides = [1]} : vector<16xi32> to vector<1xi32>
    %squeeze3A_65 = vector.extract %slice3A_64[0] : i32 from vector<1xi32>
    %slice3A_66 = vector.extract_strided_slice %get3A_60 {offsets = [2], sizes = [1], strides = [1]} : vector<16xi32> to vector<1xi32>
    %squeeze3A_67 = vector.extract %slice3A_66[0] : i32 from vector<1xi32>
    %add3A_68 = arith.constant 2 : i32
    %add3A_69 = arith.addi %add3A_68, %arg0 : i32
    %mul3A_70 = arith.constant 1792 : i32
    %mul3A_71 = arith.muli %add3A_69, %mul3A_70 : i32
    %mul3A_72 = arith.constant 120 : i32
    %mul3A_73 = arith.muli %arg1, %mul3A_72 : i32
    "tpu.region"() ({
      %run_scoped3A = tpu.sem_alloc : memref<!tpu.dma_semaphore, #tpu.memory_space<semaphore_mem>>
      %dma_start3A = arith.constant 0 : i32
      %dma_start3A_184 = tpu.memref_slice %arg17[%mul3A_73, %dma_start3A] : memref<1920x128xf32, #tpu.memory_space<vmem_shared>> -> memref<120x128xf32, #tpu.memory_space<vmem_shared>>
      tpu.enqueue_dma source(%arg7 : memref<120x128xf32, #tpu.memory_space<hbm>>) target(%dma_start3A_184 : memref<120x128xf32, #tpu.memory_space<vmem_shared>>) target_semaphore(%run_scoped3A : memref<!tpu.dma_semaphore, #tpu.memory_space<semaphore_mem>>)
      %dma_wait3A = arith.constant 0 : i32
      %dma_wait3A_185 = tpu.memref_slice %arg17[%mul3A_73, %dma_wait3A] : memref<1920x128xf32, #tpu.memory_space<vmem_shared>> -> memref<120x128xf32, #tpu.memory_space<vmem_shared>>
      tpu.wait_dma2 semaphore(%run_scoped3A : memref<!tpu.dma_semaphore, #tpu.memory_space<semaphore_mem>>) src(%arg7 : memref<120x128xf32, #tpu.memory_space<hbm>>) dst(%dma_wait3A_185 : memref<120x128xf32, #tpu.memory_space<vmem_shared>>)
      tpu.yield
    }) : () -> ()
    "tpu.region"() ({
      %run_scoped3A = tpu.sem_alloc : memref<!tpu.dma_semaphore, #tpu.memory_space<semaphore_mem>>
      %dma_start3A = arith.constant 0 : i32
      %dma_start3A_184 = tpu.memref_slice %arg4[%multiple_of3A_63, %dma_start3A] : memref<2504x128xi32, #tpu.memory_space<hbm>> -> memref<184x128xi32, #tpu.memory_space<hbm>>
      %dma_start3A_185 = arith.constant 0 : i32
      %dma_start3A_186 = tpu.memref_slice %arg4[%multiple_of3A_63, %dma_start3A_185] : memref<2504x128xi32, #tpu.memory_space<hbm>> -> memref<184x128xi32, #tpu.memory_space<hbm>>
      tpu.enqueue_dma source(%dma_start3A_186 : memref<184x128xi32, #tpu.memory_space<hbm>>) target(%arg9 : memref<184x128xi32, #tpu.memory_space<vmem>>) target_semaphore(%run_scoped3A : memref<!tpu.dma_semaphore, #tpu.memory_space<semaphore_mem>>)
      %dma_wait3A = arith.constant 0 : i32
      %dma_wait3A_187 = tpu.memref_slice %arg4[%multiple_of3A_63, %dma_wait3A] : memref<2504x128xi32, #tpu.memory_space<hbm>> -> memref<184x128xi32, #tpu.memory_space<hbm>>
      %dma_wait3A_188 = arith.constant 0 : i32
      %dma_wait3A_189 = tpu.memref_slice %arg4[%multiple_of3A_63, %dma_wait3A_188] : memref<2504x128xi32, #tpu.memory_space<hbm>> -> memref<184x128xi32, #tpu.memory_space<hbm>>
      tpu.wait_dma2 semaphore(%run_scoped3A : memref<!tpu.dma_semaphore, #tpu.memory_space<semaphore_mem>>) src(%dma_wait3A_189 : memref<184x128xi32, #tpu.memory_space<hbm>>) dst(%arg9 : memref<184x128xi32, #tpu.memory_space<vmem>>)
      tpu.yield
    }) : () -> ()
    "tpu.region"() ({
      %run_scoped3A = tpu.sem_alloc : memref<!tpu.dma_semaphore, #tpu.memory_space<semaphore_mem>>
      %dma_start3A = arith.constant 0 : i32
      %dma_start3A_184 = tpu.memref_slice %arg5[%multiple_of3A_63, %dma_start3A] : memref<2504x128xi32, #tpu.memory_space<hbm>> -> memref<184x128xi32, #tpu.memory_space<hbm>>
      %dma_start3A_185 = arith.constant 0 : i32
      %dma_start3A_186 = tpu.memref_slice %arg5[%multiple_of3A_63, %dma_start3A_185] : memref<2504x128xi32, #tpu.memory_space<hbm>> -> memref<184x128xi32, #tpu.memory_space<hbm>>
      tpu.enqueue_dma source(%dma_start3A_186 : memref<184x128xi32, #tpu.memory_space<hbm>>) target(%arg10 : memref<184x128xi32, #tpu.memory_space<vmem>>) target_semaphore(%run_scoped3A : memref<!tpu.dma_semaphore, #tpu.memory_space<semaphore_mem>>)
      %dma_wait3A = arith.constant 0 : i32
      %dma_wait3A_187 = tpu.memref_slice %arg5[%multiple_of3A_63, %dma_wait3A] : memref<2504x128xi32, #tpu.memory_space<hbm>> -> memref<184x128xi32, #tpu.memory_space<hbm>>
      %dma_wait3A_188 = arith.constant 0 : i32
      %dma_wait3A_189 = tpu.memref_slice %arg5[%multiple_of3A_63, %dma_wait3A_188] : memref<2504x128xi32, #tpu.memory_space<hbm>> -> memref<184x128xi32, #tpu.memory_space<hbm>>
      tpu.wait_dma2 semaphore(%run_scoped3A : memref<!tpu.dma_semaphore, #tpu.memory_space<semaphore_mem>>) src(%dma_wait3A_189 : memref<184x128xi32, #tpu.memory_space<hbm>>) dst(%arg10 : memref<184x128xi32, #tpu.memory_space<vmem>>)
      tpu.yield
    }) : () -> ()
    %barrier3A_74 = arith.constant 0 : index
    tpu.barrier barrier_id(%barrier3A_74)
    %add3A_75 = arith.constant 1 : i32
    %add3A_76 = arith.addi %squeeze3A_67, %add3A_75 : i32
    %sub3A_77 = arith.subi %add3A_76, %squeeze3A_65 : i32
    %sub3A_78 = arith.constant 1 : i32
    %sub3A_79 = arith.constant 1 : i32
    %sub3A_80 = arith.subi %sub3A_78, %sub3A_79 : i32
    %add3A_81 = arith.addi %sub3A_77, %sub3A_80 : i32
    %div3A_82 = arith.constant 1 : i32
    %div3A_83 = arith.divsi %add3A_81, %div3A_82 : i32
    %while3A_84 = arith.constant 1 : i32
    %while3A_85 = arith.constant 0 : i32
    %while3A_86 = arith.subi %div3A_83, %while3A_85 : i32
    %while3A_87 = arith.addi %while3A_85, %while3A_86 : i32
    %while3A_88 = arith.constant 1 : i32
    %while3A_89 = arith.divsi %while3A_86, %while3A_88 : i32
    %while3A_90 = arith.muli %while3A_89, %while3A_88 : i32
    %while3A_91 = arith.addi %while3A_85, %while3A_90 : i32
    %while3A_92 = arith.constant 1 : i32
    scf.for %while3A_184 = %while3A_85 to %while3A_91 step %while3A_92  : i32 {
      %mul3A_185 = arith.muli %while3A_184, %while3A_84 : i32
      %add3A_186 = arith.addi %squeeze3A_65, %mul3A_185 : i32
      %jit3A = arith.constant 2 : i32
      %eq3A = arith.constant 0 : i32
      %eq3A_187 = arith.cmpi eq, %jit3A, %eq3A : i32
      %jit3A_188 = arith.constant 1 : i32
      %select_n3A = arith.select %eq3A_187, %jit3A_188, %jit3A : i32
      %rem3A = arith.remsi %add3A_186, %select_n3A : i32
      %ne3A = arith.constant 0 : i32
      %ne3A_189 = arith.cmpi ne, %rem3A, %ne3A : i32
      %lt3A_190 = arith.constant 0 : i32
      %lt3A_191 = arith.cmpi slt, %rem3A, %lt3A_190 : i32
      %lt3A_192 = arith.constant 0 : i32
      %lt3A_193 = arith.cmpi slt, %select_n3A, %lt3A_192 : i32
      %ne3A_194 = arith.xori %lt3A_191, %lt3A_193 : i1
      %and3A_195 = arith.andi %ne3A_194, %ne3A_189 : i1
      %add3A_196 = arith.addi %rem3A, %select_n3A : i32
      %select_n3A_197 = arith.select %and3A_195, %add3A_196, %rem3A : i32
      %eq3A_198 = arith.constant 0 : i32
      %eq3A_199 = arith.cmpi eq, %select_n3A_197, %eq3A_198 : i32
      %convert_element_type3A_200 = arith.extui %eq3A_199 : i1 to i32
      %cond3A_201 = arith.constant 0 : i32
      %cond3A_202 = arith.cmpi ne, %convert_element_type3A_200, %cond3A_201 : i32
      scf.if %cond3A_202 {
        %lt3A_207 = arith.cmpi slt, %add3A_186, %squeeze3A_67 : i32
        %convert_element_type3A_208 = arith.extui %lt3A_207 : i1 to i32
        %cond3A_209 = arith.constant 0 : i32
        %cond3A_210 = arith.cmpi ne, %convert_element_type3A_208, %cond3A_209 : i32
        scf.if %cond3A_210 {
          %sub3A_217 = arith.subi %add3A_186, %multiple_of3A_63 : i32
          %dma_start3A = arith.constant 0 : i32
          %dma_start3A_218 = tpu.memref_slice %arg9[%sub3A_217, %dma_start3A] : memref<184x128xi32, #tpu.memory_space<vmem>> -> memref<1x128xi32, #tpu.memory_space<vmem>>
          %dma_start3A_219 = tpu.memref_squeeze %dma_start3A_218 : memref<1x128xi32, #tpu.memory_space<vmem>> -> memref<128xi32, #tpu.memory_space<vmem>>
          %dma_start3A_220 = arith.constant 0 : i32
          %dma_start3A_221 = arith.constant 0 : i32
          %dma_start3A_222 = tpu.memref_slice %arg2[%dma_start3A_220, %dma_start3A_221] : memref<10000x128xf32, #tpu.memory_space<hbm>> -> memref<10000x128xf32, #tpu.memory_space<hbm>>
          tpu.enqueue_indirect_dma source(%dma_start3A_222 : memref<10000x128xf32, #tpu.memory_space<hbm>>) target(%arg13 : memref<128x128xf32, #tpu.memory_space<vmem>>) offsets(%dma_start3A_219 : memref<128xi32, #tpu.memory_space<vmem>>) semaphore(%arg19 : memref<!tpu.dma_semaphore, #tpu.memory_space<semaphore_mem>>)
          %mul3A_223 = arith.constant 128 : i32
          %mul3A_224 = arith.muli %add3A_186, %mul3A_223 : i32
          %multiple_of3A_225 = tpu.assume_multiple %mul3A_224, 8 : i32
          %dma_start3A_226 = arith.constant 0 : i32
          %dma_start3A_227 = tpu.memref_slice %arg3[%multiple_of3A_225, %dma_start3A_226] : memref<320000x128xf32, #tpu.memory_space<hbm>> -> memref<128x128xf32, #tpu.memory_space<hbm>>
          %dma_start3A_228 = arith.constant 0 : i32
          %dma_start3A_229 = tpu.memref_slice %arg3[%multiple_of3A_225, %dma_start3A_228] : memref<320000x128xf32, #tpu.memory_space<hbm>> -> memref<128x128xf32, #tpu.memory_space<hbm>>
          tpu.enqueue_dma source(%dma_start3A_229 : memref<128x128xf32, #tpu.memory_space<hbm>>) target(%arg11 : memref<128x128xf32, #tpu.memory_space<vmem>>) target_semaphore(%arg21 : memref<!tpu.dma_semaphore, #tpu.memory_space<semaphore_mem>>)
        } else {
        }
        %sub3A_211 = arith.constant 1 : i32
        %sub3A_212 = arith.subi %add3A_186, %sub3A_211 : i32
        %ge3A_213 = arith.cmpi sge, %sub3A_212, %squeeze3A_65 : i32
        %convert_element_type3A_214 = arith.extui %ge3A_213 : i1 to i32
        %cond3A_215 = arith.constant 0 : i32
        %cond3A_216 = arith.cmpi ne, %convert_element_type3A_214, %cond3A_215 : i32
        scf.if %cond3A_216 {
          %sub3A_217 = arith.constant 1 : i32
          %sub3A_218 = arith.subi %add3A_186, %sub3A_217 : i32
          %sub3A_219 = arith.subi %sub3A_218, %multiple_of3A_63 : i32
          %get3A_220 = arith.index_cast %sub3A_219 : i32 to index
          %get3A_221 = arith.constant 0 : index
          %get3A_222 = tpu.vector_load %arg10[%get3A_220, %get3A_221] {strides = array<i32>} : memref<184x128xi32, #tpu.memory_space<vmem>>, vector<1x16xi32>,
          %get3A_223 = vector.shape_cast %get3A_222 : vector<1x16xi32> to vector<16xi32>
          %sub3A_224 = vector.broadcast %mul3A_71 : i32 to vector<16xi32>
          %sub3A_225 = arith.subi %get3A_223, %sub3A_224 : vector<16xi32>
          %ge3A_226 = arith.constant 0 : i32
          %ge3A_227 = vector.broadcast %ge3A_226 : i32 to vector<16xi32>
          %ge3A_228 = arith.cmpi sge, %sub3A_225, %ge3A_227 : vector<16xi32>
          %lt3A_229 = arith.constant 1792 : i32
          %lt3A_230 = vector.broadcast %lt3A_229 : i32 to vector<16xi32>
          %lt3A_231 = arith.cmpi slt, %sub3A_225, %lt3A_230 : vector<16xi32>
          %and3A_232 = arith.andi %ge3A_228, %lt3A_231 : vector<16xi1>
          %jit3A_233 = arith.constant 1792 : i32
          %broadcast_in_dim3A = vector.broadcast %jit3A_233 : i32 to vector<16xi32>
          %select_n3A_234 = arith.select %and3A_232, %sub3A_225, %broadcast_in_dim3A : vector<16xi1>, vector<16xi32>
          %swap3A = arith.constant 0 : i32
          %swap3A_235 = arith.index_cast %swap3A : i32 to index
          %swap3A_236 = arith.constant 0 : index
          %swap3A_237 = tpu.vector_load %arg16[%swap3A_235, %swap3A_236] {strides = array<i32>} : memref<8x128xi32, #tpu.memory_space<vmem>>, vector<1x16xi32>,
          %swap3A_238 = vector.shape_cast %swap3A_237 : vector<1x16xi32> to vector<16xi32>
          %swap3A_239 = vector.shape_cast %select_n3A_234 : vector<16xi32> to vector<1x16xi32>
          tpu.vector_store %arg16[%swap3A_235, %swap3A_236], %swap3A_239 {strides = array<i32>} : memref<8x128xi32, #tpu.memory_space<vmem>>, vector<1x16xi32>,
          %get3A_240 = arith.index_cast %sub3A_219 : i32 to index
          %get3A_241 = arith.constant 16 : index
          %get3A_242 = tpu.vector_load %arg10[%get3A_240, %get3A_241] {strides = array<i32>} : memref<184x128xi32, #tpu.memory_space<vmem>>, vector<1x16xi32>,
          %get3A_243 = vector.shape_cast %get3A_242 : vector<1x16xi32> to vector<16xi32>
          %sub3A_244 = vector.broadcast %mul3A_71 : i32 to vector<16xi32>
          %sub3A_245 = arith.subi %get3A_243, %sub3A_244 : vector<16xi32>
          %ge3A_246 = arith.constant 0 : i32
          %ge3A_247 = vector.broadcast %ge3A_246 : i32 to vector<16xi32>
          %ge3A_248 = arith.cmpi sge, %sub3A_245, %ge3A_247 : vector<16xi32>
          %lt3A_249 = arith.constant 1792 : i32
          %lt3A_250 = vector.broadcast %lt3A_249 : i32 to vector<16xi32>
          %lt3A_251 = arith.cmpi slt, %sub3A_245, %lt3A_250 : vector<16xi32>
          %and3A_252 = arith.andi %ge3A_248, %lt3A_251 : vector<16xi1>
          %jit3A_253 = arith.constant 1792 : i32
          %broadcast_in_dim3A_254 = vector.broadcast %jit3A_253 : i32 to vector<16xi32>
          %select_n3A_255 = arith.select %and3A_252, %sub3A_245, %broadcast_in_dim3A_254 : vector<16xi1>, vector<16xi32>
          %swap3A_256 = arith.constant 0 : i32
          %swap3A_257 = arith.index_cast %swap3A_256 : i32 to index
          %swap3A_258 = arith.constant 16 : index
          %swap3A_259 = tpu.vector_load %arg16[%swap3A_257, %swap3A_258] {strides = array<i32>} : memref<8x128xi32, #tpu.memory_space<vmem>>, vector<1x16xi32>,
          %swap3A_260 = vector.shape_cast %swap3A_259 : vector<1x16xi32> to vector<16xi32>
          %swap3A_261 = vector.shape_cast %select_n3A_255 : vector<16xi32> to vector<1x16xi32>
          tpu.vector_store %arg16[%swap3A_257, %swap3A_258], %swap3A_261 {strides = array<i32>} : memref<8x128xi32, #tpu.memory_space<vmem>>, vector<1x16xi32>,
          %get3A_262 = arith.index_cast %sub3A_219 : i32 to index
          %get3A_263 = arith.constant 32 : index
          %get3A_264 = tpu.vector_load %arg10[%get3A_262, %get3A_263] {strides = array<i32>} : memref<184x128xi32, #tpu.memory_space<vmem>>, vector<1x16xi32>,
          %get3A_265 = vector.shape_cast %get3A_264 : vector<1x16xi32> to vector<16xi32>
          %sub3A_266 = vector.broadcast %mul3A_71 : i32 to vector<16xi32>
          %sub3A_267 = arith.subi %get3A_265, %sub3A_266 : vector<16xi32>
          %ge3A_268 = arith.constant 0 : i32
          %ge3A_269 = vector.broadcast %ge3A_268 : i32 to vector<16xi32>
          %ge3A_270 = arith.cmpi sge, %sub3A_267, %ge3A_269 : vector<16xi32>
          %lt3A_271 = arith.constant 1792 : i32
          %lt3A_272 = vector.broadcast %lt3A_271 : i32 to vector<16xi32>
          %lt3A_273 = arith.cmpi slt, %sub3A_267, %lt3A_272 : vector<16xi32>
          %and3A_274 = arith.andi %ge3A_270, %lt3A_273 : vector<16xi1>
          %jit3A_275 = arith.constant 1792 : i32
          %broadcast_in_dim3A_276 = vector.broadcast %jit3A_275 : i32 to vector<16xi32>
          %select_n3A_277 = arith.select %and3A_274, %sub3A_267, %broadcast_in_dim3A_276 : vector<16xi1>, vector<16xi32>
          %swap3A_278 = arith.constant 0 : i32
          %swap3A_279 = arith.index_cast %swap3A_278 : i32 to index
          %swap3A_280 = arith.constant 32 : index
          %swap3A_281 = tpu.vector_load %arg16[%swap3A_279, %swap3A_280] {strides = array<i32>} : memref<8x128xi32, #tpu.memory_space<vmem>>, vector<1x16xi32>,
          %swap3A_282 = vector.shape_cast %swap3A_281 : vector<1x16xi32> to vector<16xi32>
          %swap3A_283 = vector.shape_cast %select_n3A_277 : vector<16xi32> to vector<1x16xi32>
          tpu.vector_store %arg16[%swap3A_279, %swap3A_280], %swap3A_283 {strides = array<i32>} : memref<8x128xi32, #tpu.memory_space<vmem>>, vector<1x16xi32>,
          %get3A_284 = arith.index_cast %sub3A_219 : i32 to index
          %get3A_285 = arith.constant 48 : index
          %get3A_286 = tpu.vector_load %arg10[%get3A_284, %get3A_285] {strides = array<i32>} : memref<184x128xi32, #tpu.memory_space<vmem>>, vector<1x16xi32>,
          %get3A_287 = vector.shape_cast %get3A_286 : vector<1x16xi32> to vector<16xi32>
          %sub3A_288 = vector.broadcast %mul3A_71 : i32 to vector<16xi32>
          %sub3A_289 = arith.subi %get3A_287, %sub3A_288 : vector<16xi32>
          %ge3A_290 = arith.constant 0 : i32
          %ge3A_291 = vector.broadcast %ge3A_290 : i32 to vector<16xi32>
          %ge3A_292 = arith.cmpi sge, %sub3A_289, %ge3A_291 : vector<16xi32>
          %lt3A_293 = arith.constant 1792 : i32
          %lt3A_294 = vector.broadcast %lt3A_293 : i32 to vector<16xi32>
          %lt3A_295 = arith.cmpi slt, %sub3A_289, %lt3A_294 : vector<16xi32>
          %and3A_296 = arith.andi %ge3A_292, %lt3A_295 : vector<16xi1>
          %jit3A_297 = arith.constant 1792 : i32
          %broadcast_in_dim3A_298 = vector.broadcast %jit3A_297 : i32 to vector<16xi32>
          %select_n3A_299 = arith.select %and3A_296, %sub3A_289, %broadcast_in_dim3A_298 : vector<16xi1>, vector<16xi32>
          %swap3A_300 = arith.constant 0 : i32
          %swap3A_301 = arith.index_cast %swap3A_300 : i32 to index
          %swap3A_302 = arith.constant 48 : index
          %swap3A_303 = tpu.vector_load %arg16[%swap3A_301, %swap3A_302] {strides = array<i32>} : memref<8x128xi32, #tpu.memory_space<vmem>>, vector<1x16xi32>,
          %swap3A_304 = vector.shape_cast %swap3A_303 : vector<1x16xi32> to vector<16xi32>
          %swap3A_305 = vector.shape_cast %select_n3A_299 : vector<16xi32> to vector<1x16xi32>
          tpu.vector_store %arg16[%swap3A_301, %swap3A_302], %swap3A_305 {strides = array<i32>} : memref<8x128xi32, #tpu.memory_space<vmem>>, vector<1x16xi32>,
          %get3A_306 = arith.index_cast %sub3A_219 : i32 to index
          %get3A_307 = arith.constant 64 : index
          %get3A_308 = tpu.vector_load %arg10[%get3A_306, %get3A_307] {strides = array<i32>} : memref<184x128xi32, #tpu.memory_space<vmem>>, vector<1x16xi32>,
          %get3A_309 = vector.shape_cast %get3A_308 : vector<1x16xi32> to vector<16xi32>
          %sub3A_310 = vector.broadcast %mul3A_71 : i32 to vector<16xi32>
          %sub3A_311 = arith.subi %get3A_309, %sub3A_310 : vector<16xi32>
          %ge3A_312 = arith.constant 0 : i32
          %ge3A_313 = vector.broadcast %ge3A_312 : i32 to vector<16xi32>
          %ge3A_314 = arith.cmpi sge, %sub3A_311, %ge3A_313 : vector<16xi32>
          %lt3A_315 = arith.constant 1792 : i32
          %lt3A_316 = vector.broadcast %lt3A_315 : i32 to vector<16xi32>
          %lt3A_317 = arith.cmpi slt, %sub3A_311, %lt3A_316 : vector<16xi32>
          %and3A_318 = arith.andi %ge3A_314, %lt3A_317 : vector<16xi1>
          %jit3A_319 = arith.constant 1792 : i32
          %broadcast_in_dim3A_320 = vector.broadcast %jit3A_319 : i32 to vector<16xi32>
          %select_n3A_321 = arith.select %and3A_318, %sub3A_311, %broadcast_in_dim3A_320 : vector<16xi1>, vector<16xi32>
          %swap3A_322 = arith.constant 0 : i32
          %swap3A_323 = arith.index_cast %swap3A_322 : i32 to index
          %swap3A_324 = arith.constant 64 : index
          %swap3A_325 = tpu.vector_load %arg16[%swap3A_323, %swap3A_324] {strides = array<i32>} : memref<8x128xi32, #tpu.memory_space<vmem>>, vector<1x16xi32>,
          %swap3A_326 = vector.shape_cast %swap3A_325 : vector<1x16xi32> to vector<16xi32>
          %swap3A_327 = vector.shape_cast %select_n3A_321 : vector<16xi32> to vector<1x16xi32>
          tpu.vector_store %arg16[%swap3A_323, %swap3A_324], %swap3A_327 {strides = array<i32>} : memref<8x128xi32, #tpu.memory_space<vmem>>, vector<1x16xi32>,
          %get3A_328 = arith.index_cast %sub3A_219 : i32 to index
          %get3A_329 = arith.constant 80 : index
          %get3A_330 = tpu.vector_load %arg10[%get3A_328, %get3A_329] {strides = array<i32>} : memref<184x128xi32, #tpu.memory_space<vmem>>, vector<1x16xi32>,
          %get3A_331 = vector.shape_cast %get3A_330 : vector<1x16xi32> to vector<16xi32>
          %sub3A_332 = vector.broadcast %mul3A_71 : i32 to vector<16xi32>
          %sub3A_333 = arith.subi %get3A_331, %sub3A_332 : vector<16xi32>
          %ge3A_334 = arith.constant 0 : i32
          %ge3A_335 = vector.broadcast %ge3A_334 : i32 to vector<16xi32>
          %ge3A_336 = arith.cmpi sge, %sub3A_333, %ge3A_335 : vector<16xi32>
          %lt3A_337 = arith.constant 1792 : i32
          %lt3A_338 = vector.broadcast %lt3A_337 : i32 to vector<16xi32>
          %lt3A_339 = arith.cmpi slt, %sub3A_333, %lt3A_338 : vector<16xi32>
          %and3A_340 = arith.andi %ge3A_336, %lt3A_339 : vector<16xi1>
          %jit3A_341 = arith.constant 1792 : i32
          %broadcast_in_dim3A_342 = vector.broadcast %jit3A_341 : i32 to vector<16xi32>
          %select_n3A_343 = arith.select %and3A_340, %sub3A_333, %broadcast_in_dim3A_342 : vector<16xi1>, vector<16xi32>
          %swap3A_344 = arith.constant 0 : i32
          %swap3A_345 = arith.index_cast %swap3A_344 : i32 to index
          %swap3A_346 = arith.constant 80 : index
          %swap3A_347 = tpu.vector_load %arg16[%swap3A_345, %swap3A_346] {strides = array<i32>} : memref<8x128xi32, #tpu.memory_space<vmem>>, vector<1x16xi32>,
          %swap3A_348 = vector.shape_cast %swap3A_347 : vector<1x16xi32> to vector<16xi32>
          %swap3A_349 = vector.shape_cast %select_n3A_343 : vector<16xi32> to vector<1x16xi32>
          tpu.vector_store %arg16[%swap3A_345, %swap3A_346], %swap3A_349 {strides = array<i32>} : memref<8x128xi32, #tpu.memory_space<vmem>>, vector<1x16xi32>,
          %get3A_350 = arith.index_cast %sub3A_219 : i32 to index
          %get3A_351 = arith.constant 96 : index
          %get3A_352 = tpu.vector_load %arg10[%get3A_350, %get3A_351] {strides = array<i32>} : memref<184x128xi32, #tpu.memory_space<vmem>>, vector<1x16xi32>,
          %get3A_353 = vector.shape_cast %get3A_352 : vector<1x16xi32> to vector<16xi32>
          %sub3A_354 = vector.broadcast %mul3A_71 : i32 to vector<16xi32>
          %sub3A_355 = arith.subi %get3A_353, %sub3A_354 : vector<16xi32>
          %ge3A_356 = arith.constant 0 : i32
          %ge3A_357 = vector.broadcast %ge3A_356 : i32 to vector<16xi32>
          %ge3A_358 = arith.cmpi sge, %sub3A_355, %ge3A_357 : vector<16xi32>
          %lt3A_359 = arith.constant 1792 : i32
          %lt3A_360 = vector.broadcast %lt3A_359 : i32 to vector<16xi32>
          %lt3A_361 = arith.cmpi slt, %sub3A_355, %lt3A_360 : vector<16xi32>
          %and3A_362 = arith.andi %ge3A_358, %lt3A_361 : vector<16xi1>
          %jit3A_363 = arith.constant 1792 : i32
          %broadcast_in_dim3A_364 = vector.broadcast %jit3A_363 : i32 to vector<16xi32>
          %select_n3A_365 = arith.select %and3A_362, %sub3A_355, %broadcast_in_dim3A_364 : vector<16xi1>, vector<16xi32>
          %swap3A_366 = arith.constant 0 : i32
          %swap3A_367 = arith.index_cast %swap3A_366 : i32 to index
          %swap3A_368 = arith.constant 96 : index
          %swap3A_369 = tpu.vector_load %arg16[%swap3A_367, %swap3A_368] {strides = array<i32>} : memref<8x128xi32, #tpu.memory_space<vmem>>, vector<1x16xi32>,
          %swap3A_370 = vector.shape_cast %swap3A_369 : vector<1x16xi32> to vector<16xi32>
          %swap3A_371 = vector.shape_cast %select_n3A_365 : vector<16xi32> to vector<1x16xi32>
          tpu.vector_store %arg16[%swap3A_367, %swap3A_368], %swap3A_371 {strides = array<i32>} : memref<8x128xi32, #tpu.memory_space<vmem>>, vector<1x16xi32>,
          %get3A_372 = arith.index_cast %sub3A_219 : i32 to index
          %get3A_373 = arith.constant 112 : index
          %get3A_374 = tpu.vector_load %arg10[%get3A_372, %get3A_373] {strides = array<i32>} : memref<184x128xi32, #tpu.memory_space<vmem>>, vector<1x16xi32>,
          %get3A_375 = vector.shape_cast %get3A_374 : vector<1x16xi32> to vector<16xi32>
          %sub3A_376 = vector.broadcast %mul3A_71 : i32 to vector<16xi32>
          %sub3A_377 = arith.subi %get3A_375, %sub3A_376 : vector<16xi32>
          %ge3A_378 = arith.constant 0 : i32
          %ge3A_379 = vector.broadcast %ge3A_378 : i32 to vector<16xi32>
          %ge3A_380 = arith.cmpi sge, %sub3A_377, %ge3A_379 : vector<16xi32>
          %lt3A_381 = arith.constant 1792 : i32
          %lt3A_382 = vector.broadcast %lt3A_381 : i32 to vector<16xi32>
          %lt3A_383 = arith.cmpi slt, %sub3A_377, %lt3A_382 : vector<16xi32>
          %and3A_384 = arith.andi %ge3A_380, %lt3A_383 : vector<16xi1>
          %jit3A_385 = arith.constant 1792 : i32
          %broadcast_in_dim3A_386 = vector.broadcast %jit3A_385 : i32 to vector<16xi32>
          %select_n3A_387 = arith.select %and3A_384, %sub3A_377, %broadcast_in_dim3A_386 : vector<16xi1>, vector<16xi32>
          %swap3A_388 = arith.constant 0 : i32
          %swap3A_389 = arith.index_cast %swap3A_388 : i32 to index
          %swap3A_390 = arith.constant 112 : index
          %swap3A_391 = tpu.vector_load %arg16[%swap3A_389, %swap3A_390] {strides = array<i32>} : memref<8x128xi32, #tpu.memory_space<vmem>>, vector<1x16xi32>,
          %swap3A_392 = vector.shape_cast %swap3A_391 : vector<1x16xi32> to vector<16xi32>
          %swap3A_393 = vector.shape_cast %select_n3A_387 : vector<16xi32> to vector<1x16xi32>
          tpu.vector_store %arg16[%swap3A_389, %swap3A_390], %swap3A_393 {strides = array<i32>} : memref<8x128xi32, #tpu.memory_space<vmem>>, vector<1x16xi32>,
          %sub3A_394 = arith.constant 1 : i32
          %sub3A_395 = arith.subi %add3A_186, %sub3A_394 : i32
          %mul3A_396 = arith.constant 128 : i32
          %mul3A_397 = arith.muli %sub3A_395, %mul3A_396 : i32
          %multiple_of3A_398 = tpu.assume_multiple %mul3A_397, 8 : i32
          %dma_wait3A = arith.constant 0 : i32
          %dma_wait3A_399 = tpu.memref_slice %arg9[%sub3A_219, %dma_wait3A] : memref<184x128xi32, #tpu.memory_space<vmem>> -> memref<1x128xi32, #tpu.memory_space<vmem>>
          %dma_wait3A_400 = tpu.memref_squeeze %dma_wait3A_399 : memref<1x128xi32, #tpu.memory_space<vmem>> -> memref<128xi32, #tpu.memory_space<vmem>>
          %dma_wait3A_401 = arith.constant 0 : i32
          %dma_wait3A_402 = arith.constant 0 : i32
          %dma_wait3A_403 = tpu.memref_slice %arg2[%dma_wait3A_401, %dma_wait3A_402] : memref<10000x128xf32, #tpu.memory_space<hbm>> -> memref<10000x128xf32, #tpu.memory_space<hbm>>
          tpu.wait_indirect_dma semaphore(%arg20 : memref<!tpu.dma_semaphore, #tpu.memory_space<semaphore_mem>>) src(%dma_wait3A_403 : memref<10000x128xf32, #tpu.memory_space<hbm>>) dst(%arg14 : memref<128x128xf32, #tpu.memory_space<vmem>>)
          %dma_wait3A_404 = arith.constant 0 : i32
          %dma_wait3A_405 = tpu.memref_slice %arg3[%multiple_of3A_398, %dma_wait3A_404] : memref<320000x128xf32, #tpu.memory_space<hbm>> -> memref<128x128xf32, #tpu.memory_space<hbm>>
          %dma_wait3A_406 = arith.constant 0 : i32
          %dma_wait3A_407 = tpu.memref_slice %arg3[%multiple_of3A_398, %dma_wait3A_406] : memref<320000x128xf32, #tpu.memory_space<hbm>> -> memref<128x128xf32, #tpu.memory_space<hbm>>
          tpu.wait_dma2 semaphore(%arg22 : memref<!tpu.dma_semaphore, #tpu.memory_space<semaphore_mem>>) src(%dma_wait3A_407 : memref<128x128xf32, #tpu.memory_space<hbm>>) dst(%arg12 : memref<128x128xf32, #tpu.memory_space<vmem>>)
          %scan3A = arith.constant 0 : i32
          %scan3A_408 = arith.constant 128 : i32
          %scan3A_409 = arith.addi %scan3A, %scan3A_408 : i32
          %scan3A_410 = arith.constant 1 : i32
          scf.for %scan3A_412 = %scan3A to %scan3A_409 step %scan3A_410  : i32 {
            %mul3A_413 = arith.constant 1 : i32
            %mul3A_414 = arith.muli %scan3A_412, %mul3A_413 : i32
            %add3A_415 = arith.constant 0 : i32
            %add3A_416 = arith.addi %add3A_415, %mul3A_414 : i32
            %get3A_417 = arith.index_cast %add3A_416 : i32 to index
            %get3A_418 = arith.constant 0 : index
            %get3A_419 = tpu.vector_load %arg14[%get3A_417, %get3A_418] {strides = array<i32>} : memref<128x128xf32, #tpu.memory_space<vmem>>, vector<1x16xf32>,
            %get3A_420 = vector.shape_cast %get3A_419 : vector<1x16xf32> to vector<16xf32>
            %get3A_421 = arith.index_cast %add3A_416 : i32 to index
            %get3A_422 = arith.constant 0 : index
            %get3A_423 = tpu.vector_load %arg12[%get3A_421, %get3A_422] {strides = array<i32>} : memref<128x128xf32, #tpu.memory_space<vmem>>, vector<1x16xf32>,
            %get3A_424 = vector.shape_cast %get3A_423 : vector<1x16xf32> to vector<16xf32>
            %mul3A_425 = arith.mulf %get3A_420, %get3A_424 : vector<16xf32>
            %swap3A_426 = arith.index_cast %add3A_416 : i32 to index
            %swap3A_427 = arith.constant 0 : index
            %swap3A_428 = tpu.vector_load %arg14[%swap3A_426, %swap3A_427] {strides = array<i32>} : memref<128x128xf32, #tpu.memory_space<vmem>>, vector<1x16xf32>,
            %swap3A_429 = vector.shape_cast %swap3A_428 : vector<1x16xf32> to vector<16xf32>
            %swap3A_430 = vector.shape_cast %mul3A_425 : vector<16xf32> to vector<1x16xf32>
            tpu.vector_store %arg14[%swap3A_426, %swap3A_427], %swap3A_430 {strides = array<i32>} : memref<128x128xf32, #tpu.memory_space<vmem>>, vector<1x16xf32>,
            %get3A_431 = arith.index_cast %add3A_416 : i32 to index
            %get3A_432 = arith.constant 16 : index
            %get3A_433 = tpu.vector_load %arg14[%get3A_431, %get3A_432] {strides = array<i32>} : memref<128x128xf32, #tpu.memory_space<vmem>>, vector<1x16xf32>,
            %get3A_434 = vector.shape_cast %get3A_433 : vector<1x16xf32> to vector<16xf32>
            %get3A_435 = arith.index_cast %add3A_416 : i32 to index
            %get3A_436 = arith.constant 16 : index
            %get3A_437 = tpu.vector_load %arg12[%get3A_435, %get3A_436] {strides = array<i32>} : memref<128x128xf32, #tpu.memory_space<vmem>>, vector<1x16xf32>,
            %get3A_438 = vector.shape_cast %get3A_437 : vector<1x16xf32> to vector<16xf32>
            %mul3A_439 = arith.mulf %get3A_434, %get3A_438 : vector<16xf32>
            %swap3A_440 = arith.index_cast %add3A_416 : i32 to index
            %swap3A_441 = arith.constant 16 : index
            %swap3A_442 = tpu.vector_load %arg14[%swap3A_440, %swap3A_441] {strides = array<i32>} : memref<128x128xf32, #tpu.memory_space<vmem>>, vector<1x16xf32>,
            %swap3A_443 = vector.shape_cast %swap3A_442 : vector<1x16xf32> to vector<16xf32>
            %swap3A_444 = vector.shape_cast %mul3A_439 : vector<16xf32> to vector<1x16xf32>
            tpu.vector_store %arg14[%swap3A_440, %swap3A_441], %swap3A_444 {strides = array<i32>} : memref<128x128xf32, #tpu.memory_space<vmem>>, vector<1x16xf32>,
            %get3A_445 = arith.index_cast %add3A_416 : i32 to index
            %get3A_446 = arith.constant 32 : index
            %get3A_447 = tpu.vector_load %arg14[%get3A_445, %get3A_446] {strides = array<i32>} : memref<128x128xf32, #tpu.memory_space<vmem>>, vector<1x16xf32>,
            %get3A_448 = vector.shape_cast %get3A_447 : vector<1x16xf32> to vector<16xf32>
            %get3A_449 = arith.index_cast %add3A_416 : i32 to index
            %get3A_450 = arith.constant 32 : index
            %get3A_451 = tpu.vector_load %arg12[%get3A_449, %get3A_450] {strides = array<i32>} : memref<128x128xf32, #tpu.memory_space<vmem>>, vector<1x16xf32>,
            %get3A_452 = vector.shape_cast %get3A_451 : vector<1x16xf32> to vector<16xf32>
            %mul3A_453 = arith.mulf %get3A_448, %get3A_452 : vector<16xf32>
            %swap3A_454 = arith.index_cast %add3A_416 : i32 to index
            %swap3A_455 = arith.constant 32 : index
            %swap3A_456 = tpu.vector_load %arg14[%swap3A_454, %swap3A_455] {strides = array<i32>} : memref<128x128xf32, #tpu.memory_space<vmem>>, vector<1x16xf32>,
            %swap3A_457 = vector.shape_cast %swap3A_456 : vector<1x16xf32> to vector<16xf32>
            %swap3A_458 = vector.shape_cast %mul3A_453 : vector<16xf32> to vector<1x16xf32>
            tpu.vector_store %arg14[%swap3A_454, %swap3A_455], %swap3A_458 {strides = array<i32>} : memref<128x128xf32, #tpu.memory_space<vmem>>, vector<1x16xf32>,
            %get3A_459 = arith.index_cast %add3A_416 : i32 to index
            %get3A_460 = arith.constant 48 : index
            %get3A_461 = tpu.vector_load %arg14[%get3A_459, %get3A_460] {strides = array<i32>} : memref<128x128xf32, #tpu.memory_space<vmem>>, vector<1x16xf32>,
            %get3A_462 = vector.shape_cast %get3A_461 : vector<1x16xf32> to vector<16xf32>
            %get3A_463 = arith.index_cast %add3A_416 : i32 to index
            %get3A_464 = arith.constant 48 : index
            %get3A_465 = tpu.vector_load %arg12[%get3A_463, %get3A_464] {strides = array<i32>} : memref<128x128xf32, #tpu.memory_space<vmem>>, vector<1x16xf32>,
            %get3A_466 = vector.shape_cast %get3A_465 : vector<1x16xf32> to vector<16xf32>
            %mul3A_467 = arith.mulf %get3A_462, %get3A_466 : vector<16xf32>
            %swap3A_468 = arith.index_cast %add3A_416 : i32 to index
            %swap3A_469 = arith.constant 48 : index
            %swap3A_470 = tpu.vector_load %arg14[%swap3A_468, %swap3A_469] {strides = array<i32>} : memref<128x128xf32, #tpu.memory_space<vmem>>, vector<1x16xf32>,
            %swap3A_471 = vector.shape_cast %swap3A_470 : vector<1x16xf32> to vector<16xf32>
            %swap3A_472 = vector.shape_cast %mul3A_467 : vector<16xf32> to vector<1x16xf32>
            tpu.vector_store %arg14[%swap3A_468, %swap3A_469], %swap3A_472 {strides = array<i32>} : memref<128x128xf32, #tpu.memory_space<vmem>>, vector<1x16xf32>,
            %get3A_473 = arith.index_cast %add3A_416 : i32 to index
            %get3A_474 = arith.constant 64 : index
            %get3A_475 = tpu.vector_load %arg14[%get3A_473, %get3A_474] {strides = array<i32>} : memref<128x128xf32, #tpu.memory_space<vmem>>, vector<1x16xf32>,
            %get3A_476 = vector.shape_cast %get3A_475 : vector<1x16xf32> to vector<16xf32>
            %get3A_477 = arith.index_cast %add3A_416 : i32 to index
            %get3A_478 = arith.constant 64 : index
            %get3A_479 = tpu.vector_load %arg12[%get3A_477, %get3A_478] {strides = array<i32>} : memref<128x128xf32, #tpu.memory_space<vmem>>, vector<1x16xf32>,
            %get3A_480 = vector.shape_cast %get3A_479 : vector<1x16xf32> to vector<16xf32>
            %mul3A_481 = arith.mulf %get3A_476, %get3A_480 : vector<16xf32>
            %swap3A_482 = arith.index_cast %add3A_416 : i32 to index
            %swap3A_483 = arith.constant 64 : index
            %swap3A_484 = tpu.vector_load %arg14[%swap3A_482, %swap3A_483] {strides = array<i32>} : memref<128x128xf32, #tpu.memory_space<vmem>>, vector<1x16xf32>,
            %swap3A_485 = vector.shape_cast %swap3A_484 : vector<1x16xf32> to vector<16xf32>
            %swap3A_486 = vector.shape_cast %mul3A_481 : vector<16xf32> to vector<1x16xf32>
            tpu.vector_store %arg14[%swap3A_482, %swap3A_483], %swap3A_486 {strides = array<i32>} : memref<128x128xf32, #tpu.memory_space<vmem>>, vector<1x16xf32>,
            %get3A_487 = arith.index_cast %add3A_416 : i32 to index
            %get3A_488 = arith.constant 80 : index
            %get3A_489 = tpu.vector_load %arg14[%get3A_487, %get3A_488] {strides = array<i32>} : memref<128x128xf32, #tpu.memory_space<vmem>>, vector<1x16xf32>,
            %get3A_490 = vector.shape_cast %get3A_489 : vector<1x16xf32> to vector<16xf32>
            %get3A_491 = arith.index_cast %add3A_416 : i32 to index
            %get3A_492 = arith.constant 80 : index
            %get3A_493 = tpu.vector_load %arg12[%get3A_491, %get3A_492] {strides = array<i32>} : memref<128x128xf32, #tpu.memory_space<vmem>>, vector<1x16xf32>,
            %get3A_494 = vector.shape_cast %get3A_493 : vector<1x16xf32> to vector<16xf32>
            %mul3A_495 = arith.mulf %get3A_490, %get3A_494 : vector<16xf32>
            %swap3A_496 = arith.index_cast %add3A_416 : i32 to index
            %swap3A_497 = arith.constant 80 : index
            %swap3A_498 = tpu.vector_load %arg14[%swap3A_496, %swap3A_497] {strides = array<i32>} : memref<128x128xf32, #tpu.memory_space<vmem>>, vector<1x16xf32>,
            %swap3A_499 = vector.shape_cast %swap3A_498 : vector<1x16xf32> to vector<16xf32>
            %swap3A_500 = vector.shape_cast %mul3A_495 : vector<16xf32> to vector<1x16xf32>
            tpu.vector_store %arg14[%swap3A_496, %swap3A_497], %swap3A_500 {strides = array<i32>} : memref<128x128xf32, #tpu.memory_space<vmem>>, vector<1x16xf32>,
            %get3A_501 = arith.index_cast %add3A_416 : i32 to index
            %get3A_502 = arith.constant 96 : index
            %get3A_503 = tpu.vector_load %arg14[%get3A_501, %get3A_502] {strides = array<i32>} : memref<128x128xf32, #tpu.memory_space<vmem>>, vector<1x16xf32>,
            %get3A_504 = vector.shape_cast %get3A_503 : vector<1x16xf32> to vector<16xf32>
            %get3A_505 = arith.index_cast %add3A_416 : i32 to index
            %get3A_506 = arith.constant 96 : index
            %get3A_507 = tpu.vector_load %arg12[%get3A_505, %get3A_506] {strides = array<i32>} : memref<128x128xf32, #tpu.memory_space<vmem>>, vector<1x16xf32>,
            %get3A_508 = vector.shape_cast %get3A_507 : vector<1x16xf32> to vector<16xf32>
            %mul3A_509 = arith.mulf %get3A_504, %get3A_508 : vector<16xf32>
            %swap3A_510 = arith.index_cast %add3A_416 : i32 to index
            %swap3A_511 = arith.constant 96 : index
            %swap3A_512 = tpu.vector_load %arg14[%swap3A_510, %swap3A_511] {strides = array<i32>} : memref<128x128xf32, #tpu.memory_space<vmem>>, vector<1x16xf32>,
            %swap3A_513 = vector.shape_cast %swap3A_512 : vector<1x16xf32> to vector<16xf32>
            %swap3A_514 = vector.shape_cast %mul3A_509 : vector<16xf32> to vector<1x16xf32>
            tpu.vector_store %arg14[%swap3A_510, %swap3A_511], %swap3A_514 {strides = array<i32>} : memref<128x128xf32, #tpu.memory_space<vmem>>, vector<1x16xf32>,
            %get3A_515 = arith.index_cast %add3A_416 : i32 to index
            %get3A_516 = arith.constant 112 : index
            %get3A_517 = tpu.vector_load %arg14[%get3A_515, %get3A_516] {strides = array<i32>} : memref<128x128xf32, #tpu.memory_space<vmem>>, vector<1x16xf32>,
            %get3A_518 = vector.shape_cast %get3A_517 : vector<1x16xf32> to vector<16xf32>
            %get3A_519 = arith.index_cast %add3A_416 : i32 to index
            %get3A_520 = arith.constant 112 : index
            %get3A_521 = tpu.vector_load %arg12[%get3A_519, %get3A_520] {strides = array<i32>} : memref<128x128xf32, #tpu.memory_space<vmem>>, vector<1x16xf32>,
            %get3A_522 = vector.shape_cast %get3A_521 : vector<1x16xf32> to vector<16xf32>
            %mul3A_523 = arith.mulf %get3A_518, %get3A_522 : vector<16xf32>
            %swap3A_524 = arith.index_cast %add3A_416 : i32 to index
            %swap3A_525 = arith.constant 112 : index
            %swap3A_526 = tpu.vector_load %arg14[%swap3A_524, %swap3A_525] {strides = array<i32>} : memref<128x128xf32, #tpu.memory_space<vmem>>, vector<1x16xf32>,
            %swap3A_527 = vector.shape_cast %swap3A_526 : vector<1x16xf32> to vector<16xf32>
            %swap3A_528 = vector.shape_cast %mul3A_523 : vector<16xf32> to vector<1x16xf32>
            tpu.vector_store %arg14[%swap3A_524, %swap3A_525], %swap3A_528 {strides = array<i32>} : memref<128x128xf32, #tpu.memory_space<vmem>>, vector<1x16xf32>,
          }
          %scan3A_411 = arith.constant 128 : i32
          %run_scoped3A = arith.constant 0 : i32
          "tpu.region"() ({
            %run_scoped3A_412 = tpu.sem_alloc : memref<!tpu.dma_semaphore, #tpu.memory_space<semaphore_mem>>
            %dma_start3A = arith.constant 0 : i32
            %dma_start3A_413 = tpu.memref_slice %arg16[%run_scoped3A, %dma_start3A] : memref<8x128xi32, #tpu.memory_space<vmem>> -> memref<1x128xi32, #tpu.memory_space<vmem>>
            %dma_start3A_414 = tpu.memref_squeeze %dma_start3A_413 : memref<1x128xi32, #tpu.memory_space<vmem>> -> memref<128xi32, #tpu.memory_space<vmem>>
            %dma_start3A_415 = arith.constant 0 : i32
            %dma_start3A_416 = arith.constant 0 : i32
            %dma_start3A_417 = tpu.memref_slice %arg17[%dma_start3A_415, %dma_start3A_416] : memref<1920x128xf32, #tpu.memory_space<vmem_shared>> -> memref<1920x128xf32, #tpu.memory_space<vmem_shared>>
            tpu.enqueue_indirect_dma source(%arg14 : memref<128x128xf32, #tpu.memory_space<vmem>>) target(%dma_start3A_417 : memref<1920x128xf32, #tpu.memory_space<vmem_shared>>) offsets(%dma_start3A_414 : memref<128xi32, #tpu.memory_space<vmem>>) semaphore(%run_scoped3A_412 : memref<!tpu.dma_semaphore, #tpu.memory_space<semaphore_mem>>) {add = true}
            %dma_wait3A_418 = arith.constant 0 : i32
            %dma_wait3A_419 = tpu.memref_slice %arg16[%run_scoped3A, %dma_wait3A_418] : memref<8x128xi32, #tpu.memory_space<vmem>> -> memref<1x128xi32, #tpu.memory_space<vmem>>
            %dma_wait3A_420 = tpu.memref_squeeze %dma_wait3A_419 : memref<1x128xi32, #tpu.memory_space<vmem>> -> memref<128xi32, #tpu.memory_space<vmem>>
            %dma_wait3A_421 = arith.constant 0 : i32
            %dma_wait3A_422 = arith.constant 0 : i32
            %dma_wait3A_423 = tpu.memref_slice %arg17[%dma_wait3A_421, %dma_wait3A_422] : memref<1920x128xf32, #tpu.memory_space<vmem_shared>> -> memref<1920x128xf32, #tpu.memory_space<vmem_shared>>
            tpu.wait_indirect_dma semaphore(%run_scoped3A_412 : memref<!tpu.dma_semaphore, #tpu.memory_space<semaphore_mem>>) src(%arg14 : memref<128x128xf32, #tpu.memory_space<vmem>>) dst(%dma_wait3A_423 : memref<1920x128xf32, #tpu.memory_space<vmem_shared>>)
            tpu.yield
          }) : () -> ()
        } else {
        }
      } else {
      }
      %not3A = arith.constant true
      %not3A_203 = arith.xori %eq3A_199, %not3A : i1
      %convert_element_type3A_204 = arith.extui %not3A_203 : i1 to i32
      %cond3A_205 = arith.constant 0 : i32
      %cond3A_206 = arith.cmpi ne, %convert_element_type3A_204, %cond3A_205 : i32
      scf.if %cond3A_206 {
        %lt3A_207 = arith.cmpi slt, %add3A_186, %squeeze3A_67 : i32
        %convert_element_type3A_208 = arith.extui %lt3A_207 : i1 to i32
        %cond3A_209 = arith.constant 0 : i32
        %cond3A_210 = arith.cmpi ne, %convert_element_type3A_208, %cond3A_209 : i32
        scf.if %cond3A_210 {
          %sub3A_217 = arith.subi %add3A_186, %multiple_of3A_63 : i32
          %dma_start3A = arith.constant 0 : i32
          %dma_start3A_218 = tpu.memref_slice %arg9[%sub3A_217, %dma_start3A] : memref<184x128xi32, #tpu.memory_space<vmem>> -> memref<1x128xi32, #tpu.memory_space<vmem>>
          %dma_start3A_219 = tpu.memref_squeeze %dma_start3A_218 : memref<1x128xi32, #tpu.memory_space<vmem>> -> memref<128xi32, #tpu.memory_space<vmem>>
          %dma_start3A_220 = arith.constant 0 : i32
          %dma_start3A_221 = arith.constant 0 : i32
          %dma_start3A_222 = tpu.memref_slice %arg2[%dma_start3A_220, %dma_start3A_221] : memref<10000x128xf32, #tpu.memory_space<hbm>> -> memref<10000x128xf32, #tpu.memory_space<hbm>>
          tpu.enqueue_indirect_dma source(%dma_start3A_222 : memref<10000x128xf32, #tpu.memory_space<hbm>>) target(%arg14 : memref<128x128xf32, #tpu.memory_space<vmem>>) offsets(%dma_start3A_219 : memref<128xi32, #tpu.memory_space<vmem>>) semaphore(%arg20 : memref<!tpu.dma_semaphore, #tpu.memory_space<semaphore_mem>>)
          %mul3A_223 = arith.constant 128 : i32
          %mul3A_224 = arith.muli %add3A_186, %mul3A_223 : i32
          %multiple_of3A_225 = tpu.assume_multiple %mul3A_224, 8 : i32
          %dma_start3A_226 = arith.constant 0 : i32
          %dma_start3A_227 = tpu.memref_slice %arg3[%multiple_of3A_225, %dma_start3A_226] : memref<320000x128xf32, #tpu.memory_space<hbm>> -> memref<128x128xf32, #tpu.memory_space<hbm>>
          %dma_start3A_228 = arith.constant 0 : i32
          %dma_start3A_229 = tpu.memref_slice %arg3[%multiple_of3A_225, %dma_start3A_228] : memref<320000x128xf32, #tpu.memory_space<hbm>> -> memref<128x128xf32, #tpu.memory_space<hbm>>
          tpu.enqueue_dma source(%dma_start3A_229 : memref<128x128xf32, #tpu.memory_space<hbm>>) target(%arg12 : memref<128x128xf32, #tpu.memory_space<vmem>>) target_semaphore(%arg22 : memref<!tpu.dma_semaphore, #tpu.memory_space<semaphore_mem>>)
        } else {
        }
        %sub3A_211 = arith.constant 1 : i32
        %sub3A_212 = arith.subi %add3A_186, %sub3A_211 : i32
        %ge3A_213 = arith.cmpi sge, %sub3A_212, %squeeze3A_65 : i32
        %convert_element_type3A_214 = arith.extui %ge3A_213 : i1 to i32
        %cond3A_215 = arith.constant 0 : i32
        %cond3A_216 = arith.cmpi ne, %convert_element_type3A_214, %cond3A_215 : i32
        scf.if %cond3A_216 {
          %sub3A_217 = arith.constant 1 : i32
          %sub3A_218 = arith.subi %add3A_186, %sub3A_217 : i32
          %sub3A_219 = arith.subi %sub3A_218, %multiple_of3A_63 : i32
          %get3A_220 = arith.index_cast %sub3A_219 : i32 to index
          %get3A_221 = arith.constant 0 : index
          %get3A_222 = tpu.vector_load %arg10[%get3A_220, %get3A_221] {strides = array<i32>} : memref<184x128xi32, #tpu.memory_space<vmem>>, vector<1x16xi32>,
          %get3A_223 = vector.shape_cast %get3A_222 : vector<1x16xi32> to vector<16xi32>
          %sub3A_224 = vector.broadcast %mul3A_71 : i32 to vector<16xi32>
          %sub3A_225 = arith.subi %get3A_223, %sub3A_224 : vector<16xi32>
          %ge3A_226 = arith.constant 0 : i32
          %ge3A_227 = vector.broadcast %ge3A_226 : i32 to vector<16xi32>
          %ge3A_228 = arith.cmpi sge, %sub3A_225, %ge3A_227 : vector<16xi32>
          %lt3A_229 = arith.constant 1792 : i32
          %lt3A_230 = vector.broadcast %lt3A_229 : i32 to vector<16xi32>
          %lt3A_231 = arith.cmpi slt, %sub3A_225, %lt3A_230 : vector<16xi32>
          %and3A_232 = arith.andi %ge3A_228, %lt3A_231 : vector<16xi1>
          %jit3A_233 = arith.constant 1792 : i32
          %broadcast_in_dim3A = vector.broadcast %jit3A_233 : i32 to vector<16xi32>
          %select_n3A_234 = arith.select %and3A_232, %sub3A_225, %broadcast_in_dim3A : vector<16xi1>, vector<16xi32>
          %swap3A = arith.constant 0 : i32
          %swap3A_235 = arith.index_cast %swap3A : i32 to index
          %swap3A_236 = arith.constant 0 : index
          %swap3A_237 = tpu.vector_load %arg15[%swap3A_235, %swap3A_236] {strides = array<i32>} : memref<8x128xi32, #tpu.memory_space<vmem>>, vector<1x16xi32>,
          %swap3A_238 = vector.shape_cast %swap3A_237 : vector<1x16xi32> to vector<16xi32>
          %swap3A_239 = vector.shape_cast %select_n3A_234 : vector<16xi32> to vector<1x16xi32>
          tpu.vector_store %arg15[%swap3A_235, %swap3A_236], %swap3A_239 {strides = array<i32>} : memref<8x128xi32, #tpu.memory_space<vmem>>, vector<1x16xi32>,
          %get3A_240 = arith.index_cast %sub3A_219 : i32 to index
          %get3A_241 = arith.constant 16 : index
          %get3A_242 = tpu.vector_load %arg10[%get3A_240, %get3A_241] {strides = array<i32>} : memref<184x128xi32, #tpu.memory_space<vmem>>, vector<1x16xi32>,
          %get3A_243 = vector.shape_cast %get3A_242 : vector<1x16xi32> to vector<16xi32>
          %sub3A_244 = vector.broadcast %mul3A_71 : i32 to vector<16xi32>
          %sub3A_245 = arith.subi %get3A_243, %sub3A_244 : vector<16xi32>
          %ge3A_246 = arith.constant 0 : i32
          %ge3A_247 = vector.broadcast %ge3A_246 : i32 to vector<16xi32>
          %ge3A_248 = arith.cmpi sge, %sub3A_245, %ge3A_247 : vector<16xi32>
          %lt3A_249 = arith.constant 1792 : i32
          %lt3A_250 = vector.broadcast %lt3A_249 : i32 to vector<16xi32>
          %lt3A_251 = arith.cmpi slt, %sub3A_245, %lt3A_250 : vector<16xi32>
          %and3A_252 = arith.andi %ge3A_248, %lt3A_251 : vector<16xi1>
          %jit3A_253 = arith.constant 1792 : i32
          %broadcast_in_dim3A_254 = vector.broadcast %jit3A_253 : i32 to vector<16xi32>
          %select_n3A_255 = arith.select %and3A_252, %sub3A_245, %broadcast_in_dim3A_254 : vector<16xi1>, vector<16xi32>
          %swap3A_256 = arith.constant 0 : i32
          %swap3A_257 = arith.index_cast %swap3A_256 : i32 to index
          %swap3A_258 = arith.constant 16 : index
          %swap3A_259 = tpu.vector_load %arg15[%swap3A_257, %swap3A_258] {strides = array<i32>} : memref<8x128xi32, #tpu.memory_space<vmem>>, vector<1x16xi32>,
          %swap3A_260 = vector.shape_cast %swap3A_259 : vector<1x16xi32> to vector<16xi32>
          %swap3A_261 = vector.shape_cast %select_n3A_255 : vector<16xi32> to vector<1x16xi32>
          tpu.vector_store %arg15[%swap3A_257, %swap3A_258], %swap3A_261 {strides = array<i32>} : memref<8x128xi32, #tpu.memory_space<vmem>>, vector<1x16xi32>,
          %get3A_262 = arith.index_cast %sub3A_219 : i32 to index
          %get3A_263 = arith.constant 32 : index
          %get3A_264 = tpu.vector_load %arg10[%get3A_262, %get3A_263] {strides = array<i32>} : memref<184x128xi32, #tpu.memory_space<vmem>>, vector<1x16xi32>,
          %get3A_265 = vector.shape_cast %get3A_264 : vector<1x16xi32> to vector<16xi32>
          %sub3A_266 = vector.broadcast %mul3A_71 : i32 to vector<16xi32>
          %sub3A_267 = arith.subi %get3A_265, %sub3A_266 : vector<16xi32>
          %ge3A_268 = arith.constant 0 : i32
          %ge3A_269 = vector.broadcast %ge3A_268 : i32 to vector<16xi32>
          %ge3A_270 = arith.cmpi sge, %sub3A_267, %ge3A_269 : vector<16xi32>
          %lt3A_271 = arith.constant 1792 : i32
          %lt3A_272 = vector.broadcast %lt3A_271 : i32 to vector<16xi32>
          %lt3A_273 = arith.cmpi slt, %sub3A_267, %lt3A_272 : vector<16xi32>
          %and3A_274 = arith.andi %ge3A_270, %lt3A_273 : vector<16xi1>
          %jit3A_275 = arith.constant 1792 : i32
          %broadcast_in_dim3A_276 = vector.broadcast %jit3A_275 : i32 to vector<16xi32>
          %select_n3A_277 = arith.select %and3A_274, %sub3A_267, %broadcast_in_dim3A_276 : vector<16xi1>, vector<16xi32>
          %swap3A_278 = arith.constant 0 : i32
          %swap3A_279 = arith.index_cast %swap3A_278 : i32 to index
          %swap3A_280 = arith.constant 32 : index
          %swap3A_281 = tpu.vector_load %arg15[%swap3A_279, %swap3A_280] {strides = array<i32>} : memref<8x128xi32, #tpu.memory_space<vmem>>, vector<1x16xi32>,
          %swap3A_282 = vector.shape_cast %swap3A_281 : vector<1x16xi32> to vector<16xi32>
          %swap3A_283 = vector.shape_cast %select_n3A_277 : vector<16xi32> to vector<1x16xi32>
          tpu.vector_store %arg15[%swap3A_279, %swap3A_280], %swap3A_283 {strides = array<i32>} : memref<8x128xi32, #tpu.memory_space<vmem>>, vector<1x16xi32>,
          %get3A_284 = arith.index_cast %sub3A_219 : i32 to index
          %get3A_285 = arith.constant 48 : index
          %get3A_286 = tpu.vector_load %arg10[%get3A_284, %get3A_285] {strides = array<i32>} : memref<184x128xi32, #tpu.memory_space<vmem>>, vector<1x16xi32>,
          %get3A_287 = vector.shape_cast %get3A_286 : vector<1x16xi32> to vector<16xi32>
          %sub3A_288 = vector.broadcast %mul3A_71 : i32 to vector<16xi32>
          %sub3A_289 = arith.subi %get3A_287, %sub3A_288 : vector<16xi32>
          %ge3A_290 = arith.constant 0 : i32
          %ge3A_291 = vector.broadcast %ge3A_290 : i32 to vector<16xi32>
          %ge3A_292 = arith.cmpi sge, %sub3A_289, %ge3A_291 : vector<16xi32>
          %lt3A_293 = arith.constant 1792 : i32
          %lt3A_294 = vector.broadcast %lt3A_293 : i32 to vector<16xi32>
          %lt3A_295 = arith.cmpi slt, %sub3A_289, %lt3A_294 : vector<16xi32>
          %and3A_296 = arith.andi %ge3A_292, %lt3A_295 : vector<16xi1>
          %jit3A_297 = arith.constant 1792 : i32
          %broadcast_in_dim3A_298 = vector.broadcast %jit3A_297 : i32 to vector<16xi32>
          %select_n3A_299 = arith.select %and3A_296, %sub3A_289, %broadcast_in_dim3A_298 : vector<16xi1>, vector<16xi32>
          %swap3A_300 = arith.constant 0 : i32
          %swap3A_301 = arith.index_cast %swap3A_300 : i32 to index
          %swap3A_302 = arith.constant 48 : index
          %swap3A_303 = tpu.vector_load %arg15[%swap3A_301, %swap3A_302] {strides = array<i32>} : memref<8x128xi32, #tpu.memory_space<vmem>>, vector<1x16xi32>,
          %swap3A_304 = vector.shape_cast %swap3A_303 : vector<1x16xi32> to vector<16xi32>
          %swap3A_305 = vector.shape_cast %select_n3A_299 : vector<16xi32> to vector<1x16xi32>
          tpu.vector_store %arg15[%swap3A_301, %swap3A_302], %swap3A_305 {strides = array<i32>} : memref<8x128xi32, #tpu.memory_space<vmem>>, vector<1x16xi32>,
          %get3A_306 = arith.index_cast %sub3A_219 : i32 to index
          %get3A_307 = arith.constant 64 : index
          %get3A_308 = tpu.vector_load %arg10[%get3A_306, %get3A_307] {strides = array<i32>} : memref<184x128xi32, #tpu.memory_space<vmem>>, vector<1x16xi32>,
          %get3A_309 = vector.shape_cast %get3A_308 : vector<1x16xi32> to vector<16xi32>
          %sub3A_310 = vector.broadcast %mul3A_71 : i32 to vector<16xi32>
          %sub3A_311 = arith.subi %get3A_309, %sub3A_310 : vector<16xi32>
          %ge3A_312 = arith.constant 0 : i32
          %ge3A_313 = vector.broadcast %ge3A_312 : i32 to vector<16xi32>
          %ge3A_314 = arith.cmpi sge, %sub3A_311, %ge3A_313 : vector<16xi32>
          %lt3A_315 = arith.constant 1792 : i32
          %lt3A_316 = vector.broadcast %lt3A_315 : i32 to vector<16xi32>
          %lt3A_317 = arith.cmpi slt, %sub3A_311, %lt3A_316 : vector<16xi32>
          %and3A_318 = arith.andi %ge3A_314, %lt3A_317 : vector<16xi1>
          %jit3A_319 = arith.constant 1792 : i32
          %broadcast_in_dim3A_320 = vector.broadcast %jit3A_319 : i32 to vector<16xi32>
          %select_n3A_321 = arith.select %and3A_318, %sub3A_311, %broadcast_in_dim3A_320 : vector<16xi1>, vector<16xi32>
          %swap3A_322 = arith.constant 0 : i32
          %swap3A_323 = arith.index_cast %swap3A_322 : i32 to index
          %swap3A_324 = arith.constant 64 : index
          %swap3A_325 = tpu.vector_load %arg15[%swap3A_323, %swap3A_324] {strides = array<i32>} : memref<8x128xi32, #tpu.memory_space<vmem>>, vector<1x16xi32>,
          %swap3A_326 = vector.shape_cast %swap3A_325 : vector<1x16xi32> to vector<16xi32>
          %swap3A_327 = vector.shape_cast %select_n3A_321 : vector<16xi32> to vector<1x16xi32>
          tpu.vector_store %arg15[%swap3A_323, %swap3A_324], %swap3A_327 {strides = array<i32>} : memref<8x128xi32, #tpu.memory_space<vmem>>, vector<1x16xi32>,
          %get3A_328 = arith.index_cast %sub3A_219 : i32 to index
          %get3A_329 = arith.constant 80 : index
          %get3A_330 = tpu.vector_load %arg10[%get3A_328, %get3A_329] {strides = array<i32>} : memref<184x128xi32, #tpu.memory_space<vmem>>, vector<1x16xi32>,
          %get3A_331 = vector.shape_cast %get3A_330 : vector<1x16xi32> to vector<16xi32>
          %sub3A_332 = vector.broadcast %mul3A_71 : i32 to vector<16xi32>
          %sub3A_333 = arith.subi %get3A_331, %sub3A_332 : vector<16xi32>
          %ge3A_334 = arith.constant 0 : i32
          %ge3A_335 = vector.broadcast %ge3A_334 : i32 to vector<16xi32>
          %ge3A_336 = arith.cmpi sge, %sub3A_333, %ge3A_335 : vector<16xi32>
          %lt3A_337 = arith.constant 1792 : i32
          %lt3A_338 = vector.broadcast %lt3A_337 : i32 to vector<16xi32>
          %lt3A_339 = arith.cmpi slt, %sub3A_333, %lt3A_338 : vector<16xi32>
          %and3A_340 = arith.andi %ge3A_336, %lt3A_339 : vector<16xi1>
          %jit3A_341 = arith.constant 1792 : i32
          %broadcast_in_dim3A_342 = vector.broadcast %jit3A_341 : i32 to vector<16xi32>
          %select_n3A_343 = arith.select %and3A_340, %sub3A_333, %broadcast_in_dim3A_342 : vector<16xi1>, vector<16xi32>
          %swap3A_344 = arith.constant 0 : i32
          %swap3A_345 = arith.index_cast %swap3A_344 : i32 to index
          %swap3A_346 = arith.constant 80 : index
          %swap3A_347 = tpu.vector_load %arg15[%swap3A_345, %swap3A_346] {strides = array<i32>} : memref<8x128xi32, #tpu.memory_space<vmem>>, vector<1x16xi32>,
          %swap3A_348 = vector.shape_cast %swap3A_347 : vector<1x16xi32> to vector<16xi32>
          %swap3A_349 = vector.shape_cast %select_n3A_343 : vector<16xi32> to vector<1x16xi32>
          tpu.vector_store %arg15[%swap3A_345, %swap3A_346], %swap3A_349 {strides = array<i32>} : memref<8x128xi32, #tpu.memory_space<vmem>>, vector<1x16xi32>,
          %get3A_350 = arith.index_cast %sub3A_219 : i32 to index
          %get3A_351 = arith.constant 96 : index
          %get3A_352 = tpu.vector_load %arg10[%get3A_350, %get3A_351] {strides = array<i32>} : memref<184x128xi32, #tpu.memory_space<vmem>>, vector<1x16xi32>,
          %get3A_353 = vector.shape_cast %get3A_352 : vector<1x16xi32> to vector<16xi32>
          %sub3A_354 = vector.broadcast %mul3A_71 : i32 to vector<16xi32>
          %sub3A_355 = arith.subi %get3A_353, %sub3A_354 : vector<16xi32>
          %ge3A_356 = arith.constant 0 : i32
          %ge3A_357 = vector.broadcast %ge3A_356 : i32 to vector<16xi32>
          %ge3A_358 = arith.cmpi sge, %sub3A_355, %ge3A_357 : vector<16xi32>
          %lt3A_359 = arith.constant 1792 : i32
          %lt3A_360 = vector.broadcast %lt3A_359 : i32 to vector<16xi32>
          %lt3A_361 = arith.cmpi slt, %sub3A_355, %lt3A_360 : vector<16xi32>
          %and3A_362 = arith.andi %ge3A_358, %lt3A_361 : vector<16xi1>
          %jit3A_363 = arith.constant 1792 : i32
          %broadcast_in_dim3A_364 = vector.broadcast %jit3A_363 : i32 to vector<16xi32>
          %select_n3A_365 = arith.select %and3A_362, %sub3A_355, %broadcast_in_dim3A_364 : vector<16xi1>, vector<16xi32>
          %swap3A_366 = arith.constant 0 : i32
          %swap3A_367 = arith.index_cast %swap3A_366 : i32 to index
          %swap3A_368 = arith.constant 96 : index
          %swap3A_369 = tpu.vector_load %arg15[%swap3A_367, %swap3A_368] {strides = array<i32>} : memref<8x128xi32, #tpu.memory_space<vmem>>, vector<1x16xi32>,
          %swap3A_370 = vector.shape_cast %swap3A_369 : vector<1x16xi32> to vector<16xi32>
          %swap3A_371 = vector.shape_cast %select_n3A_365 : vector<16xi32> to vector<1x16xi32>
          tpu.vector_store %arg15[%swap3A_367, %swap3A_368], %swap3A_371 {strides = array<i32>} : memref<8x128xi32, #tpu.memory_space<vmem>>, vector<1x16xi32>,
          %get3A_372 = arith.index_cast %sub3A_219 : i32 to index
          %get3A_373 = arith.constant 112 : index
          %get3A_374 = tpu.vector_load %arg10[%get3A_372, %get3A_373] {strides = array<i32>} : memref<184x128xi32, #tpu.memory_space<vmem>>, vector<1x16xi32>,
          %get3A_375 = vector.shape_cast %get3A_374 : vector<1x16xi32> to vector<16xi32>
          %sub3A_376 = vector.broadcast %mul3A_71 : i32 to vector<16xi32>
          %sub3A_377 = arith.subi %get3A_375, %sub3A_376 : vector<16xi32>
          %ge3A_378 = arith.constant 0 : i32
          %ge3A_379 = vector.broadcast %ge3A_378 : i32 to vector<16xi32>
          %ge3A_380 = arith.cmpi sge, %sub3A_377, %ge3A_379 : vector<16xi32>
          %lt3A_381 = arith.constant 1792 : i32
          %lt3A_382 = vector.broadcast %lt3A_381 : i32 to vector<16xi32>
          %lt3A_383 = arith.cmpi slt, %sub3A_377, %lt3A_382 : vector<16xi32>
          %and3A_384 = arith.andi %ge3A_380, %lt3A_383 : vector<16xi1>
          %jit3A_385 = arith.constant 1792 : i32
          %broadcast_in_dim3A_386 = vector.broadcast %jit3A_385 : i32 to vector<16xi32>
          %select_n3A_387 = arith.select %and3A_384, %sub3A_377, %broadcast_in_dim3A_386 : vector<16xi1>, vector<16xi32>
          %swap3A_388 = arith.constant 0 : i32
          %swap3A_389 = arith.index_cast %swap3A_388 : i32 to index
          %swap3A_390 = arith.constant 112 : index
          %swap3A_391 = tpu.vector_load %arg15[%swap3A_389, %swap3A_390] {strides = array<i32>} : memref<8x128xi32, #tpu.memory_space<vmem>>, vector<1x16xi32>,
          %swap3A_392 = vector.shape_cast %swap3A_391 : vector<1x16xi32> to vector<16xi32>
          %swap3A_393 = vector.shape_cast %select_n3A_387 : vector<16xi32> to vector<1x16xi32>
          tpu.vector_store %arg15[%swap3A_389, %swap3A_390], %swap3A_393 {strides = array<i32>} : memref<8x128xi32, #tpu.memory_space<vmem>>, vector<1x16xi32>,
          %sub3A_394 = arith.constant 1 : i32
          %sub3A_395 = arith.subi %add3A_186, %sub3A_394 : i32
          %mul3A_396 = arith.constant 128 : i32
          %mul3A_397 = arith.muli %sub3A_395, %mul3A_396 : i32
          %multiple_of3A_398 = tpu.assume_multiple %mul3A_397, 8 : i32
          %dma_wait3A = arith.constant 0 : i32
          %dma_wait3A_399 = tpu.memref_slice %arg9[%sub3A_219, %dma_wait3A] : memref<184x128xi32, #tpu.memory_space<vmem>> -> memref<1x128xi32, #tpu.memory_space<vmem>>
          %dma_wait3A_400 = tpu.memref_squeeze %dma_wait3A_399 : memref<1x128xi32, #tpu.memory_space<vmem>> -> memref<128xi32, #tpu.memory_space<vmem>>
          %dma_wait3A_401 = arith.constant 0 : i32
          %dma_wait3A_402 = arith.constant 0 : i32
          %dma_wait3A_403 = tpu.memref_slice %arg2[%dma_wait3A_401, %dma_wait3A_402] : memref<10000x128xf32, #tpu.memory_space<hbm>> -> memref<10000x128xf32, #tpu.memory_space<hbm>>
          tpu.wait_indirect_dma semaphore(%arg19 : memref<!tpu.dma_semaphore, #tpu.memory_space<semaphore_mem>>) src(%dma_wait3A_403 : memref<10000x128xf32, #tpu.memory_space<hbm>>) dst(%arg13 : memref<128x128xf32, #tpu.memory_space<vmem>>)
          %dma_wait3A_404 = arith.constant 0 : i32
          %dma_wait3A_405 = tpu.memref_slice %arg3[%multiple_of3A_398, %dma_wait3A_404] : memref<320000x128xf32, #tpu.memory_space<hbm>> -> memref<128x128xf32, #tpu.memory_space<hbm>>
          %dma_wait3A_406 = arith.constant 0 : i32
          %dma_wait3A_407 = tpu.memref_slice %arg3[%multiple_of3A_398, %dma_wait3A_406] : memref<320000x128xf32, #tpu.memory_space<hbm>> -> memref<128x128xf32, #tpu.memory_space<hbm>>
          tpu.wait_dma2 semaphore(%arg21 : memref<!tpu.dma_semaphore, #tpu.memory_space<semaphore_mem>>) src(%dma_wait3A_407 : memref<128x128xf32, #tpu.memory_space<hbm>>) dst(%arg11 : memref<128x128xf32, #tpu.memory_space<vmem>>)
          %scan3A = arith.constant 0 : i32
          %scan3A_408 = arith.constant 128 : i32
          %scan3A_409 = arith.addi %scan3A, %scan3A_408 : i32
          %scan3A_410 = arith.constant 1 : i32
          scf.for %scan3A_412 = %scan3A to %scan3A_409 step %scan3A_410  : i32 {
            %mul3A_413 = arith.constant 1 : i32
            %mul3A_414 = arith.muli %scan3A_412, %mul3A_413 : i32
            %add3A_415 = arith.constant 0 : i32
            %add3A_416 = arith.addi %add3A_415, %mul3A_414 : i32
            %get3A_417 = arith.index_cast %add3A_416 : i32 to index
            %get3A_418 = arith.constant 0 : index
            %get3A_419 = tpu.vector_load %arg13[%get3A_417, %get3A_418] {strides = array<i32>} : memref<128x128xf32, #tpu.memory_space<vmem>>, vector<1x16xf32>,
            %get3A_420 = vector.shape_cast %get3A_419 : vector<1x16xf32> to vector<16xf32>
            %get3A_421 = arith.index_cast %add3A_416 : i32 to index
            %get3A_422 = arith.constant 0 : index
            %get3A_423 = tpu.vector_load %arg11[%get3A_421, %get3A_422] {strides = array<i32>} : memref<128x128xf32, #tpu.memory_space<vmem>>, vector<1x16xf32>,
            %get3A_424 = vector.shape_cast %get3A_423 : vector<1x16xf32> to vector<16xf32>
            %mul3A_425 = arith.mulf %get3A_420, %get3A_424 : vector<16xf32>
            %swap3A_426 = arith.index_cast %add3A_416 : i32 to index
            %swap3A_427 = arith.constant 0 : index
            %swap3A_428 = tpu.vector_load %arg13[%swap3A_426, %swap3A_427] {strides = array<i32>} : memref<128x128xf32, #tpu.memory_space<vmem>>, vector<1x16xf32>,
            %swap3A_429 = vector.shape_cast %swap3A_428 : vector<1x16xf32> to vector<16xf32>
            %swap3A_430 = vector.shape_cast %mul3A_425 : vector<16xf32> to vector<1x16xf32>
            tpu.vector_store %arg13[%swap3A_426, %swap3A_427], %swap3A_430 {strides = array<i32>} : memref<128x128xf32, #tpu.memory_space<vmem>>, vector<1x16xf32>,
            %get3A_431 = arith.index_cast %add3A_416 : i32 to index
            %get3A_432 = arith.constant 16 : index
            %get3A_433 = tpu.vector_load %arg13[%get3A_431, %get3A_432] {strides = array<i32>} : memref<128x128xf32, #tpu.memory_space<vmem>>, vector<1x16xf32>,
            %get3A_434 = vector.shape_cast %get3A_433 : vector<1x16xf32> to vector<16xf32>
            %get3A_435 = arith.index_cast %add3A_416 : i32 to index
            %get3A_436 = arith.constant 16 : index
            %get3A_437 = tpu.vector_load %arg11[%get3A_435, %get3A_436] {strides = array<i32>} : memref<128x128xf32, #tpu.memory_space<vmem>>, vector<1x16xf32>,
            %get3A_438 = vector.shape_cast %get3A_437 : vector<1x16xf32> to vector<16xf32>
            %mul3A_439 = arith.mulf %get3A_434, %get3A_438 : vector<16xf32>
            %swap3A_440 = arith.index_cast %add3A_416 : i32 to index
            %swap3A_441 = arith.constant 16 : index
            %swap3A_442 = tpu.vector_load %arg13[%swap3A_440, %swap3A_441] {strides = array<i32>} : memref<128x128xf32, #tpu.memory_space<vmem>>, vector<1x16xf32>,
            %swap3A_443 = vector.shape_cast %swap3A_442 : vector<1x16xf32> to vector<16xf32>
            %swap3A_444 = vector.shape_cast %mul3A_439 : vector<16xf32> to vector<1x16xf32>
            tpu.vector_store %arg13[%swap3A_440, %swap3A_441], %swap3A_444 {strides = array<i32>} : memref<128x128xf32, #tpu.memory_space<vmem>>, vector<1x16xf32>,
            %get3A_445 = arith.index_cast %add3A_416 : i32 to index
            %get3A_446 = arith.constant 32 : index
            %get3A_447 = tpu.vector_load %arg13[%get3A_445, %get3A_446] {strides = array<i32>} : memref<128x128xf32, #tpu.memory_space<vmem>>, vector<1x16xf32>,
            %get3A_448 = vector.shape_cast %get3A_447 : vector<1x16xf32> to vector<16xf32>
            %get3A_449 = arith.index_cast %add3A_416 : i32 to index
            %get3A_450 = arith.constant 32 : index
            %get3A_451 = tpu.vector_load %arg11[%get3A_449, %get3A_450] {strides = array<i32>} : memref<128x128xf32, #tpu.memory_space<vmem>>, vector<1x16xf32>,
            %get3A_452 = vector.shape_cast %get3A_451 : vector<1x16xf32> to vector<16xf32>
            %mul3A_453 = arith.mulf %get3A_448, %get3A_452 : vector<16xf32>
            %swap3A_454 = arith.index_cast %add3A_416 : i32 to index
            %swap3A_455 = arith.constant 32 : index
            %swap3A_456 = tpu.vector_load %arg13[%swap3A_454, %swap3A_455] {strides = array<i32>} : memref<128x128xf32, #tpu.memory_space<vmem>>, vector<1x16xf32>,
            %swap3A_457 = vector.shape_cast %swap3A_456 : vector<1x16xf32> to vector<16xf32>
            %swap3A_458 = vector.shape_cast %mul3A_453 : vector<16xf32> to vector<1x16xf32>
            tpu.vector_store %arg13[%swap3A_454, %swap3A_455], %swap3A_458 {strides = array<i32>} : memref<128x128xf32, #tpu.memory_space<vmem>>, vector<1x16xf32>,
            %get3A_459 = arith.index_cast %add3A_416 : i32 to index
            %get3A_460 = arith.constant 48 : index
            %get3A_461 = tpu.vector_load %arg13[%get3A_459, %get3A_460] {strides = array<i32>} : memref<128x128xf32, #tpu.memory_space<vmem>>, vector<1x16xf32>,
            %get3A_462 = vector.shape_cast %get3A_461 : vector<1x16xf32> to vector<16xf32>
            %get3A_463 = arith.index_cast %add3A_416 : i32 to index
            %get3A_464 = arith.constant 48 : index
            %get3A_465 = tpu.vector_load %arg11[%get3A_463, %get3A_464] {strides = array<i32>} : memref<128x128xf32, #tpu.memory_space<vmem>>, vector<1x16xf32>,
            %get3A_466 = vector.shape_cast %get3A_465 : vector<1x16xf32> to vector<16xf32>
            %mul3A_467 = arith.mulf %get3A_462, %get3A_466 : vector<16xf32>
            %swap3A_468 = arith.index_cast %add3A_416 : i32 to index
            %swap3A_469 = arith.constant 48 : index
            %swap3A_470 = tpu.vector_load %arg13[%swap3A_468, %swap3A_469] {strides = array<i32>} : memref<128x128xf32, #tpu.memory_space<vmem>>, vector<1x16xf32>,
            %swap3A_471 = vector.shape_cast %swap3A_470 : vector<1x16xf32> to vector<16xf32>
            %swap3A_472 = vector.shape_cast %mul3A_467 : vector<16xf32> to vector<1x16xf32>
            tpu.vector_store %arg13[%swap3A_468, %swap3A_469], %swap3A_472 {strides = array<i32>} : memref<128x128xf32, #tpu.memory_space<vmem>>, vector<1x16xf32>,
            %get3A_473 = arith.index_cast %add3A_416 : i32 to index
            %get3A_474 = arith.constant 64 : index
            %get3A_475 = tpu.vector_load %arg13[%get3A_473, %get3A_474] {strides = array<i32>} : memref<128x128xf32, #tpu.memory_space<vmem>>, vector<1x16xf32>,
            %get3A_476 = vector.shape_cast %get3A_475 : vector<1x16xf32> to vector<16xf32>
            %get3A_477 = arith.index_cast %add3A_416 : i32 to index
            %get3A_478 = arith.constant 64 : index
            %get3A_479 = tpu.vector_load %arg11[%get3A_477, %get3A_478] {strides = array<i32>} : memref<128x128xf32, #tpu.memory_space<vmem>>, vector<1x16xf32>,
            %get3A_480 = vector.shape_cast %get3A_479 : vector<1x16xf32> to vector<16xf32>
            %mul3A_481 = arith.mulf %get3A_476, %get3A_480 : vector<16xf32>
            %swap3A_482 = arith.index_cast %add3A_416 : i32 to index
            %swap3A_483 = arith.constant 64 : index
            %swap3A_484 = tpu.vector_load %arg13[%swap3A_482, %swap3A_483] {strides = array<i32>} : memref<128x128xf32, #tpu.memory_space<vmem>>, vector<1x16xf32>,
            %swap3A_485 = vector.shape_cast %swap3A_484 : vector<1x16xf32> to vector<16xf32>
            %swap3A_486 = vector.shape_cast %mul3A_481 : vector<16xf32> to vector<1x16xf32>
            tpu.vector_store %arg13[%swap3A_482, %swap3A_483], %swap3A_486 {strides = array<i32>} : memref<128x128xf32, #tpu.memory_space<vmem>>, vector<1x16xf32>,
            %get3A_487 = arith.index_cast %add3A_416 : i32 to index
            %get3A_488 = arith.constant 80 : index
            %get3A_489 = tpu.vector_load %arg13[%get3A_487, %get3A_488] {strides = array<i32>} : memref<128x128xf32, #tpu.memory_space<vmem>>, vector<1x16xf32>,
            %get3A_490 = vector.shape_cast %get3A_489 : vector<1x16xf32> to vector<16xf32>
            %get3A_491 = arith.index_cast %add3A_416 : i32 to index
            %get3A_492 = arith.constant 80 : index
            %get3A_493 = tpu.vector_load %arg11[%get3A_491, %get3A_492] {strides = array<i32>} : memref<128x128xf32, #tpu.memory_space<vmem>>, vector<1x16xf32>,
            %get3A_494 = vector.shape_cast %get3A_493 : vector<1x16xf32> to vector<16xf32>
            %mul3A_495 = arith.mulf %get3A_490, %get3A_494 : vector<16xf32>
            %swap3A_496 = arith.index_cast %add3A_416 : i32 to index
            %swap3A_497 = arith.constant 80 : index
            %swap3A_498 = tpu.vector_load %arg13[%swap3A_496, %swap3A_497] {strides = array<i32>} : memref<128x128xf32, #tpu.memory_space<vmem>>, vector<1x16xf32>,
            %swap3A_499 = vector.shape_cast %swap3A_498 : vector<1x16xf32> to vector<16xf32>
            %swap3A_500 = vector.shape_cast %mul3A_495 : vector<16xf32> to vector<1x16xf32>
            tpu.vector_store %arg13[%swap3A_496, %swap3A_497], %swap3A_500 {strides = array<i32>} : memref<128x128xf32, #tpu.memory_space<vmem>>, vector<1x16xf32>,
            %get3A_501 = arith.index_cast %add3A_416 : i32 to index
            %get3A_502 = arith.constant 96 : index
            %get3A_503 = tpu.vector_load %arg13[%get3A_501, %get3A_502] {strides = array<i32>} : memref<128x128xf32, #tpu.memory_space<vmem>>, vector<1x16xf32>,
            %get3A_504 = vector.shape_cast %get3A_503 : vector<1x16xf32> to vector<16xf32>
            %get3A_505 = arith.index_cast %add3A_416 : i32 to index
            %get3A_506 = arith.constant 96 : index
            %get3A_507 = tpu.vector_load %arg11[%get3A_505, %get3A_506] {strides = array<i32>} : memref<128x128xf32, #tpu.memory_space<vmem>>, vector<1x16xf32>,
            %get3A_508 = vector.shape_cast %get3A_507 : vector<1x16xf32> to vector<16xf32>
            %mul3A_509 = arith.mulf %get3A_504, %get3A_508 : vector<16xf32>
            %swap3A_510 = arith.index_cast %add3A_416 : i32 to index
            %swap3A_511 = arith.constant 96 : index
            %swap3A_512 = tpu.vector_load %arg13[%swap3A_510, %swap3A_511] {strides = array<i32>} : memref<128x128xf32, #tpu.memory_space<vmem>>, vector<1x16xf32>,
            %swap3A_513 = vector.shape_cast %swap3A_512 : vector<1x16xf32> to vector<16xf32>
            %swap3A_514 = vector.shape_cast %mul3A_509 : vector<16xf32> to vector<1x16xf32>
            tpu.vector_store %arg13[%swap3A_510, %swap3A_511], %swap3A_514 {strides = array<i32>} : memref<128x128xf32, #tpu.memory_space<vmem>>, vector<1x16xf32>,
            %get3A_515 = arith.index_cast %add3A_416 : i32 to index
            %get3A_516 = arith.constant 112 : index
            %get3A_517 = tpu.vector_load %arg13[%get3A_515, %get3A_516] {strides = array<i32>} : memref<128x128xf32, #tpu.memory_space<vmem>>, vector<1x16xf32>,
            %get3A_518 = vector.shape_cast %get3A_517 : vector<1x16xf32> to vector<16xf32>
            %get3A_519 = arith.index_cast %add3A_416 : i32 to index
            %get3A_520 = arith.constant 112 : index
            %get3A_521 = tpu.vector_load %arg11[%get3A_519, %get3A_520] {strides = array<i32>} : memref<128x128xf32, #tpu.memory_space<vmem>>, vector<1x16xf32>,
            %get3A_522 = vector.shape_cast %get3A_521 : vector<1x16xf32> to vector<16xf32>
            %mul3A_523 = arith.mulf %get3A_518, %get3A_522 : vector<16xf32>
            %swap3A_524 = arith.index_cast %add3A_416 : i32 to index
            %swap3A_525 = arith.constant 112 : index
            %swap3A_526 = tpu.vector_load %arg13[%swap3A_524, %swap3A_525] {strides = array<i32>} : memref<128x128xf32, #tpu.memory_space<vmem>>, vector<1x16xf32>,
            %swap3A_527 = vector.shape_cast %swap3A_526 : vector<1x16xf32> to vector<16xf32>
            %swap3A_528 = vector.shape_cast %mul3A_523 : vector<16xf32> to vector<1x16xf32>
            tpu.vector_store %arg13[%swap3A_524, %swap3A_525], %swap3A_528 {strides = array<i32>} : memref<128x128xf32, #tpu.memory_space<vmem>>, vector<1x16xf32>,
          }
          %scan3A_411 = arith.constant 128 : i32
          %run_scoped3A = arith.constant 0 : i32
          "tpu.region"() ({
            %run_scoped3A_412 = tpu.sem_alloc : memref<!tpu.dma_semaphore, #tpu.memory_space<semaphore_mem>>
            %dma_start3A = arith.constant 0 : i32
            %dma_start3A_413 = tpu.memref_slice %arg15[%run_scoped3A, %dma_start3A] : memref<8x128xi32, #tpu.memory_space<vmem>> -> memref<1x128xi32, #tpu.memory_space<vmem>>
            %dma_start3A_414 = tpu.memref_squeeze %dma_start3A_413 : memref<1x128xi32, #tpu.memory_space<vmem>> -> memref<128xi32, #tpu.memory_space<vmem>>
            %dma_start3A_415 = arith.constant 0 : i32
            %dma_start3A_416 = arith.constant 0 : i32
            %dma_start3A_417 = tpu.memref_slice %arg17[%dma_start3A_415, %dma_start3A_416] : memref<1920x128xf32, #tpu.memory_space<vmem_shared>> -> memref<1920x128xf32, #tpu.memory_space<vmem_shared>>
            tpu.enqueue_indirect_dma source(%arg13 : memref<128x128xf32, #tpu.memory_space<vmem>>) target(%dma_start3A_417 : memref<1920x128xf32, #tpu.memory_space<vmem_shared>>) offsets(%dma_start3A_414 : memref<128xi32, #tpu.memory_space<vmem>>) semaphore(%run_scoped3A_412 : memref<!tpu.dma_semaphore, #tpu.memory_space<semaphore_mem>>) {add = true}
            %dma_wait3A_418 = arith.constant 0 : i32
            %dma_wait3A_419 = tpu.memref_slice %arg15[%run_scoped3A, %dma_wait3A_418] : memref<8x128xi32, #tpu.memory_space<vmem>> -> memref<1x128xi32, #tpu.memory_space<vmem>>
            %dma_wait3A_420 = tpu.memref_squeeze %dma_wait3A_419 : memref<1x128xi32, #tpu.memory_space<vmem>> -> memref<128xi32, #tpu.memory_space<vmem>>
            %dma_wait3A_421 = arith.constant 0 : i32
            %dma_wait3A_422 = arith.constant 0 : i32
            %dma_wait3A_423 = tpu.memref_slice %arg17[%dma_wait3A_421, %dma_wait3A_422] : memref<1920x128xf32, #tpu.memory_space<vmem_shared>> -> memref<1920x128xf32, #tpu.memory_space<vmem_shared>>
            tpu.wait_indirect_dma semaphore(%run_scoped3A_412 : memref<!tpu.dma_semaphore, #tpu.memory_space<semaphore_mem>>) src(%arg13 : memref<128x128xf32, #tpu.memory_space<vmem>>) dst(%dma_wait3A_423 : memref<1920x128xf32, #tpu.memory_space<vmem_shared>>)
            tpu.yield
          }) : () -> ()
        } else {
        }
      } else {
      }
    }
    %while3A_93 = arith.constant 1 : i32
    scf.for %while3A_184 = %while3A_91 to %while3A_87 step %while3A_93  : i32 {
      %mul3A_185 = arith.muli %while3A_184, %while3A_84 : i32
      %add3A_186 = arith.addi %squeeze3A_65, %mul3A_185 : i32
      %jit3A = arith.constant 2 : i32
      %eq3A = arith.constant 0 : i32
      %eq3A_187 = arith.cmpi eq, %jit3A, %eq3A : i32
      %jit3A_188 = arith.constant 1 : i32
      %select_n3A = arith.select %eq3A_187, %jit3A_188, %jit3A : i32
      %rem3A = arith.remsi %add3A_186, %select_n3A : i32
      %ne3A = arith.constant 0 : i32
      %ne3A_189 = arith.cmpi ne, %rem3A, %ne3A : i32
      %lt3A_190 = arith.constant 0 : i32
      %lt3A_191 = arith.cmpi slt, %rem3A, %lt3A_190 : i32
      %lt3A_192 = arith.constant 0 : i32
      %lt3A_193 = arith.cmpi slt, %select_n3A, %lt3A_192 : i32
      %ne3A_194 = arith.xori %lt3A_191, %lt3A_193 : i1
      %and3A_195 = arith.andi %ne3A_194, %ne3A_189 : i1
      %add3A_196 = arith.addi %rem3A, %select_n3A : i32
      %select_n3A_197 = arith.select %and3A_195, %add3A_196, %rem3A : i32
      %eq3A_198 = arith.constant 0 : i32
      %eq3A_199 = arith.cmpi eq, %select_n3A_197, %eq3A_198 : i32
      %convert_element_type3A_200 = arith.extui %eq3A_199 : i1 to i32
      %cond3A_201 = arith.constant 0 : i32
      %cond3A_202 = arith.cmpi ne, %convert_element_type3A_200, %cond3A_201 : i32
      scf.if %cond3A_202 {
        %lt3A_207 = arith.cmpi slt, %add3A_186, %squeeze3A_67 : i32
        %convert_element_type3A_208 = arith.extui %lt3A_207 : i1 to i32
        %cond3A_209 = arith.constant 0 : i32
        %cond3A_210 = arith.cmpi ne, %convert_element_type3A_208, %cond3A_209 : i32
        scf.if %cond3A_210 {
          %sub3A_217 = arith.subi %add3A_186, %multiple_of3A_63 : i32
          %dma_start3A = arith.constant 0 : i32
          %dma_start3A_218 = tpu.memref_slice %arg9[%sub3A_217, %dma_start3A] : memref<184x128xi32, #tpu.memory_space<vmem>> -> memref<1x128xi32, #tpu.memory_space<vmem>>
          %dma_start3A_219 = tpu.memref_squeeze %dma_start3A_218 : memref<1x128xi32, #tpu.memory_space<vmem>> -> memref<128xi32, #tpu.memory_space<vmem>>
          %dma_start3A_220 = arith.constant 0 : i32
          %dma_start3A_221 = arith.constant 0 : i32
          %dma_start3A_222 = tpu.memref_slice %arg2[%dma_start3A_220, %dma_start3A_221] : memref<10000x128xf32, #tpu.memory_space<hbm>> -> memref<10000x128xf32, #tpu.memory_space<hbm>>
          tpu.enqueue_indirect_dma source(%dma_start3A_222 : memref<10000x128xf32, #tpu.memory_space<hbm>>) target(%arg13 : memref<128x128xf32, #tpu.memory_space<vmem>>) offsets(%dma_start3A_219 : memref<128xi32, #tpu.memory_space<vmem>>) semaphore(%arg19 : memref<!tpu.dma_semaphore, #tpu.memory_space<semaphore_mem>>)
          %mul3A_223 = arith.constant 128 : i32
          %mul3A_224 = arith.muli %add3A_186, %mul3A_223 : i32
          %multiple_of3A_225 = tpu.assume_multiple %mul3A_224, 8 : i32
          %dma_start3A_226 = arith.constant 0 : i32
          %dma_start3A_227 = tpu.memref_slice %arg3[%multiple_of3A_225, %dma_start3A_226] : memref<320000x128xf32, #tpu.memory_space<hbm>> -> memref<128x128xf32, #tpu.memory_space<hbm>>
          %dma_start3A_228 = arith.constant 0 : i32
          %dma_start3A_229 = tpu.memref_slice %arg3[%multiple_of3A_225, %dma_start3A_228] : memref<320000x128xf32, #tpu.memory_space<hbm>> -> memref<128x128xf32, #tpu.memory_space<hbm>>
          tpu.enqueue_dma source(%dma_start3A_229 : memref<128x128xf32, #tpu.memory_space<hbm>>) target(%arg11 : memref<128x128xf32, #tpu.memory_space<vmem>>) target_semaphore(%arg21 : memref<!tpu.dma_semaphore, #tpu.memory_space<semaphore_mem>>)
        } else {
        }
        %sub3A_211 = arith.constant 1 : i32
        %sub3A_212 = arith.subi %add3A_186, %sub3A_211 : i32
        %ge3A_213 = arith.cmpi sge, %sub3A_212, %squeeze3A_65 : i32
        %convert_element_type3A_214 = arith.extui %ge3A_213 : i1 to i32
        %cond3A_215 = arith.constant 0 : i32
        %cond3A_216 = arith.cmpi ne, %convert_element_type3A_214, %cond3A_215 : i32
        scf.if %cond3A_216 {
          %sub3A_217 = arith.constant 1 : i32
          %sub3A_218 = arith.subi %add3A_186, %sub3A_217 : i32
          %sub3A_219 = arith.subi %sub3A_218, %multiple_of3A_63 : i32
          %get3A_220 = arith.index_cast %sub3A_219 : i32 to index
          %get3A_221 = arith.constant 0 : index
          %get3A_222 = tpu.vector_load %arg10[%get3A_220, %get3A_221] {strides = array<i32>} : memref<184x128xi32, #tpu.memory_space<vmem>>, vector<1x16xi32>,
          %get3A_223 = vector.shape_cast %get3A_222 : vector<1x16xi32> to vector<16xi32>
          %sub3A_224 = vector.broadcast %mul3A_71 : i32 to vector<16xi32>
          %sub3A_225 = arith.subi %get3A_223, %sub3A_224 : vector<16xi32>
          %ge3A_226 = arith.constant 0 : i32
          %ge3A_227 = vector.broadcast %ge3A_226 : i32 to vector<16xi32>
          %ge3A_228 = arith.cmpi sge, %sub3A_225, %ge3A_227 : vector<16xi32>
          %lt3A_229 = arith.constant 1792 : i32
          %lt3A_230 = vector.broadcast %lt3A_229 : i32 to vector<16xi32>
          %lt3A_231 = arith.cmpi slt, %sub3A_225, %lt3A_230 : vector<16xi32>
          %and3A_232 = arith.andi %ge3A_228, %lt3A_231 : vector<16xi1>
          %jit3A_233 = arith.constant 1792 : i32
          %broadcast_in_dim3A = vector.broadcast %jit3A_233 : i32 to vector<16xi32>
          %select_n3A_234 = arith.select %and3A_232, %sub3A_225, %broadcast_in_dim3A : vector<16xi1>, vector<16xi32>
          %swap3A = arith.constant 0 : i32
          %swap3A_235 = arith.index_cast %swap3A : i32 to index
          %swap3A_236 = arith.constant 0 : index
          %swap3A_237 = tpu.vector_load %arg16[%swap3A_235, %swap3A_236] {strides = array<i32>} : memref<8x128xi32, #tpu.memory_space<vmem>>, vector<1x16xi32>,
          %swap3A_238 = vector.shape_cast %swap3A_237 : vector<1x16xi32> to vector<16xi32>
          %swap3A_239 = vector.shape_cast %select_n3A_234 : vector<16xi32> to vector<1x16xi32>
          tpu.vector_store %arg16[%swap3A_235, %swap3A_236], %swap3A_239 {strides = array<i32>} : memref<8x128xi32, #tpu.memory_space<vmem>>, vector<1x16xi32>,
          %get3A_240 = arith.index_cast %sub3A_219 : i32 to index
          %get3A_241 = arith.constant 16 : index
          %get3A_242 = tpu.vector_load %arg10[%get3A_240, %get3A_241] {strides = array<i32>} : memref<184x128xi32, #tpu.memory_space<vmem>>, vector<1x16xi32>,
          %get3A_243 = vector.shape_cast %get3A_242 : vector<1x16xi32> to vector<16xi32>
          %sub3A_244 = vector.broadcast %mul3A_71 : i32 to vector<16xi32>
          %sub3A_245 = arith.subi %get3A_243, %sub3A_244 : vector<16xi32>
          %ge3A_246 = arith.constant 0 : i32
          %ge3A_247 = vector.broadcast %ge3A_246 : i32 to vector<16xi32>
          %ge3A_248 = arith.cmpi sge, %sub3A_245, %ge3A_247 : vector<16xi32>
          %lt3A_249 = arith.constant 1792 : i32
          %lt3A_250 = vector.broadcast %lt3A_249 : i32 to vector<16xi32>
          %lt3A_251 = arith.cmpi slt, %sub3A_245, %lt3A_250 : vector<16xi32>
          %and3A_252 = arith.andi %ge3A_248, %lt3A_251 : vector<16xi1>
          %jit3A_253 = arith.constant 1792 : i32
          %broadcast_in_dim3A_254 = vector.broadcast %jit3A_253 : i32 to vector<16xi32>
          %select_n3A_255 = arith.select %and3A_252, %sub3A_245, %broadcast_in_dim3A_254 : vector<16xi1>, vector<16xi32>
          %swap3A_256 = arith.constant 0 : i32
          %swap3A_257 = arith.index_cast %swap3A_256 : i32 to index
          %swap3A_258 = arith.constant 16 : index
          %swap3A_259 = tpu.vector_load %arg16[%swap3A_257, %swap3A_258] {strides = array<i32>} : memref<8x128xi32, #tpu.memory_space<vmem>>, vector<1x16xi32>,
          %swap3A_260 = vector.shape_cast %swap3A_259 : vector<1x16xi32> to vector<16xi32>
          %swap3A_261 = vector.shape_cast %select_n3A_255 : vector<16xi32> to vector<1x16xi32>
          tpu.vector_store %arg16[%swap3A_257, %swap3A_258], %swap3A_261 {strides = array<i32>} : memref<8x128xi32, #tpu.memory_space<vmem>>, vector<1x16xi32>,
          %get3A_262 = arith.index_cast %sub3A_219 : i32 to index
          %get3A_263 = arith.constant 32 : index
          %get3A_264 = tpu.vector_load %arg10[%get3A_262, %get3A_263] {strides = array<i32>} : memref<184x128xi32, #tpu.memory_space<vmem>>, vector<1x16xi32>,
          %get3A_265 = vector.shape_cast %get3A_264 : vector<1x16xi32> to vector<16xi32>
          %sub3A_266 = vector.broadcast %mul3A_71 : i32 to vector<16xi32>
          %sub3A_267 = arith.subi %get3A_265, %sub3A_266 : vector<16xi32>
          %ge3A_268 = arith.constant 0 : i32
          %ge3A_269 = vector.broadcast %ge3A_268 : i32 to vector<16xi32>
          %ge3A_270 = arith.cmpi sge, %sub3A_267, %ge3A_269 : vector<16xi32>
          %lt3A_271 = arith.constant 1792 : i32
          %lt3A_272 = vector.broadcast %lt3A_271 : i32 to vector<16xi32>
          %lt3A_273 = arith.cmpi slt, %sub3A_267, %lt3A_272 : vector<16xi32>
          %and3A_274 = arith.andi %ge3A_270, %lt3A_273 : vector<16xi1>
          %jit3A_275 = arith.constant 1792 : i32
          %broadcast_in_dim3A_276 = vector.broadcast %jit3A_275 : i32 to vector<16xi32>
          %select_n3A_277 = arith.select %and3A_274, %sub3A_267, %broadcast_in_dim3A_276 : vector<16xi1>, vector<16xi32>
          %swap3A_278 = arith.constant 0 : i32
          %swap3A_279 = arith.index_cast %swap3A_278 : i32 to index
          %swap3A_280 = arith.constant 32 : index
          %swap3A_281 = tpu.vector_load %arg16[%swap3A_279, %swap3A_280] {strides = array<i32>} : memref<8x128xi32, #tpu.memory_space<vmem>>, vector<1x16xi32>,
          %swap3A_282 = vector.shape_cast %swap3A_281 : vector<1x16xi32> to vector<16xi32>
          %swap3A_283 = vector.shape_cast %select_n3A_277 : vector<16xi32> to vector<1x16xi32>
          tpu.vector_store %arg16[%swap3A_279, %swap3A_280], %swap3A_283 {strides = array<i32>} : memref<8x128xi32, #tpu.memory_space<vmem>>, vector<1x16xi32>,
          %get3A_284 = arith.index_cast %sub3A_219 : i32 to index
          %get3A_285 = arith.constant 48 : index
          %get3A_286 = tpu.vector_load %arg10[%get3A_284, %get3A_285] {strides = array<i32>} : memref<184x128xi32, #tpu.memory_space<vmem>>, vector<1x16xi32>,
          %get3A_287 = vector.shape_cast %get3A_286 : vector<1x16xi32> to vector<16xi32>
          %sub3A_288 = vector.broadcast %mul3A_71 : i32 to vector<16xi32>
          %sub3A_289 = arith.subi %get3A_287, %sub3A_288 : vector<16xi32>
          %ge3A_290 = arith.constant 0 : i32
          %ge3A_291 = vector.broadcast %ge3A_290 : i32 to vector<16xi32>
          %ge3A_292 = arith.cmpi sge, %sub3A_289, %ge3A_291 : vector<16xi32>
          %lt3A_293 = arith.constant 1792 : i32
          %lt3A_294 = vector.broadcast %lt3A_293 : i32 to vector<16xi32>
          %lt3A_295 = arith.cmpi slt, %sub3A_289, %lt3A_294 : vector<16xi32>
          %and3A_296 = arith.andi %ge3A_292, %lt3A_295 : vector<16xi1>
          %jit3A_297 = arith.constant 1792 : i32
          %broadcast_in_dim3A_298 = vector.broadcast %jit3A_297 : i32 to vector<16xi32>
          %select_n3A_299 = arith.select %and3A_296, %sub3A_289, %broadcast_in_dim3A_298 : vector<16xi1>, vector<16xi32>
          %swap3A_300 = arith.constant 0 : i32
          %swap3A_301 = arith.index_cast %swap3A_300 : i32 to index
          %swap3A_302 = arith.constant 48 : index
          %swap3A_303 = tpu.vector_load %arg16[%swap3A_301, %swap3A_302] {strides = array<i32>} : memref<8x128xi32, #tpu.memory_space<vmem>>, vector<1x16xi32>,
          %swap3A_304 = vector.shape_cast %swap3A_303 : vector<1x16xi32> to vector<16xi32>
          %swap3A_305 = vector.shape_cast %select_n3A_299 : vector<16xi32> to vector<1x16xi32>
          tpu.vector_store %arg16[%swap3A_301, %swap3A_302], %swap3A_305 {strides = array<i32>} : memref<8x128xi32, #tpu.memory_space<vmem>>, vector<1x16xi32>,
          %get3A_306 = arith.index_cast %sub3A_219 : i32 to index
          %get3A_307 = arith.constant 64 : index
          %get3A_308 = tpu.vector_load %arg10[%get3A_306, %get3A_307] {strides = array<i32>} : memref<184x128xi32, #tpu.memory_space<vmem>>, vector<1x16xi32>,
          %get3A_309 = vector.shape_cast %get3A_308 : vector<1x16xi32> to vector<16xi32>
          %sub3A_310 = vector.broadcast %mul3A_71 : i32 to vector<16xi32>
          %sub3A_311 = arith.subi %get3A_309, %sub3A_310 : vector<16xi32>
          %ge3A_312 = arith.constant 0 : i32
          %ge3A_313 = vector.broadcast %ge3A_312 : i32 to vector<16xi32>
          %ge3A_314 = arith.cmpi sge, %sub3A_311, %ge3A_313 : vector<16xi32>
          %lt3A_315 = arith.constant 1792 : i32
          %lt3A_316 = vector.broadcast %lt3A_315 : i32 to vector<16xi32>
          %lt3A_317 = arith.cmpi slt, %sub3A_311, %lt3A_316 : vector<16xi32>
          %and3A_318 = arith.andi %ge3A_314, %lt3A_317 : vector<16xi1>
          %jit3A_319 = arith.constant 1792 : i32
          %broadcast_in_dim3A_320 = vector.broadcast %jit3A_319 : i32 to vector<16xi32>
          %select_n3A_321 = arith.select %and3A_318, %sub3A_311, %broadcast_in_dim3A_320 : vector<16xi1>, vector<16xi32>
          %swap3A_322 = arith.constant 0 : i32
          %swap3A_323 = arith.index_cast %swap3A_322 : i32 to index
          %swap3A_324 = arith.constant 64 : index
          %swap3A_325 = tpu.vector_load %arg16[%swap3A_323, %swap3A_324] {strides = array<i32>} : memref<8x128xi32, #tpu.memory_space<vmem>>, vector<1x16xi32>,
          %swap3A_326 = vector.shape_cast %swap3A_325 : vector<1x16xi32> to vector<16xi32>
          %swap3A_327 = vector.shape_cast %select_n3A_321 : vector<16xi32> to vector<1x16xi32>
          tpu.vector_store %arg16[%swap3A_323, %swap3A_324], %swap3A_327 {strides = array<i32>} : memref<8x128xi32, #tpu.memory_space<vmem>>, vector<1x16xi32>,
          %get3A_328 = arith.index_cast %sub3A_219 : i32 to index
          %get3A_329 = arith.constant 80 : index
          %get3A_330 = tpu.vector_load %arg10[%get3A_328, %get3A_329] {strides = array<i32>} : memref<184x128xi32, #tpu.memory_space<vmem>>, vector<1x16xi32>,
          %get3A_331 = vector.shape_cast %get3A_330 : vector<1x16xi32> to vector<16xi32>
          %sub3A_332 = vector.broadcast %mul3A_71 : i32 to vector<16xi32>
          %sub3A_333 = arith.subi %get3A_331, %sub3A_332 : vector<16xi32>
          %ge3A_334 = arith.constant 0 : i32
          %ge3A_335 = vector.broadcast %ge3A_334 : i32 to vector<16xi32>
          %ge3A_336 = arith.cmpi sge, %sub3A_333, %ge3A_335 : vector<16xi32>
          %lt3A_337 = arith.constant 1792 : i32
          %lt3A_338 = vector.broadcast %lt3A_337 : i32 to vector<16xi32>
          %lt3A_339 = arith.cmpi slt, %sub3A_333, %lt3A_338 : vector<16xi32>
          %and3A_340 = arith.andi %ge3A_336, %lt3A_339 : vector<16xi1>
          %jit3A_341 = arith.constant 1792 : i32
          %broadcast_in_dim3A_342 = vector.broadcast %jit3A_341 : i32 to vector<16xi32>
          %select_n3A_343 = arith.select %and3A_340, %sub3A_333, %broadcast_in_dim3A_342 : vector<16xi1>, vector<16xi32>
          %swap3A_344 = arith.constant 0 : i32
          %swap3A_345 = arith.index_cast %swap3A_344 : i32 to index
          %swap3A_346 = arith.constant 80 : index
          %swap3A_347 = tpu.vector_load %arg16[%swap3A_345, %swap3A_346] {strides = array<i32>} : memref<8x128xi32, #tpu.memory_space<vmem>>, vector<1x16xi32>,
          %swap3A_348 = vector.shape_cast %swap3A_347 : vector<1x16xi32> to vector<16xi32>
          %swap3A_349 = vector.shape_cast %select_n3A_343 : vector<16xi32> to vector<1x16xi32>
          tpu.vector_store %arg16[%swap3A_345, %swap3A_346], %swap3A_349 {strides = array<i32>} : memref<8x128xi32, #tpu.memory_space<vmem>>, vector<1x16xi32>,
          %get3A_350 = arith.index_cast %sub3A_219 : i32 to index
          %get3A_351 = arith.constant 96 : index
          %get3A_352 = tpu.vector_load %arg10[%get3A_350, %get3A_351] {strides = array<i32>} : memref<184x128xi32, #tpu.memory_space<vmem>>, vector<1x16xi32>,
          %get3A_353 = vector.shape_cast %get3A_352 : vector<1x16xi32> to vector<16xi32>
          %sub3A_354 = vector.broadcast %mul3A_71 : i32 to vector<16xi32>
          %sub3A_355 = arith.subi %get3A_353, %sub3A_354 : vector<16xi32>
          %ge3A_356 = arith.constant 0 : i32
          %ge3A_357 = vector.broadcast %ge3A_356 : i32 to vector<16xi32>
          %ge3A_358 = arith.cmpi sge, %sub3A_355, %ge3A_357 : vector<16xi32>
          %lt3A_359 = arith.constant 1792 : i32
          %lt3A_360 = vector.broadcast %lt3A_359 : i32 to vector<16xi32>
          %lt3A_361 = arith.cmpi slt, %sub3A_355, %lt3A_360 : vector<16xi32>
          %and3A_362 = arith.andi %ge3A_358, %lt3A_361 : vector<16xi1>
          %jit3A_363 = arith.constant 1792 : i32
          %broadcast_in_dim3A_364 = vector.broadcast %jit3A_363 : i32 to vector<16xi32>
          %select_n3A_365 = arith.select %and3A_362, %sub3A_355, %broadcast_in_dim3A_364 : vector<16xi1>, vector<16xi32>
          %swap3A_366 = arith.constant 0 : i32
          %swap3A_367 = arith.index_cast %swap3A_366 : i32 to index
          %swap3A_368 = arith.constant 96 : index
          %swap3A_369 = tpu.vector_load %arg16[%swap3A_367, %swap3A_368] {strides = array<i32>} : memref<8x128xi32, #tpu.memory_space<vmem>>, vector<1x16xi32>,
          %swap3A_370 = vector.shape_cast %swap3A_369 : vector<1x16xi32> to vector<16xi32>
          %swap3A_371 = vector.shape_cast %select_n3A_365 : vector<16xi32> to vector<1x16xi32>
          tpu.vector_store %arg16[%swap3A_367, %swap3A_368], %swap3A_371 {strides = array<i32>} : memref<8x128xi32, #tpu.memory_space<vmem>>, vector<1x16xi32>,
          %get3A_372 = arith.index_cast %sub3A_219 : i32 to index
          %get3A_373 = arith.constant 112 : index
          %get3A_374 = tpu.vector_load %arg10[%get3A_372, %get3A_373] {strides = array<i32>} : memref<184x128xi32, #tpu.memory_space<vmem>>, vector<1x16xi32>,
          %get3A_375 = vector.shape_cast %get3A_374 : vector<1x16xi32> to vector<16xi32>
          %sub3A_376 = vector.broadcast %mul3A_71 : i32 to vector<16xi32>
          %sub3A_377 = arith.subi %get3A_375, %sub3A_376 : vector<16xi32>
          %ge3A_378 = arith.constant 0 : i32
          %ge3A_379 = vector.broadcast %ge3A_378 : i32 to vector<16xi32>
          %ge3A_380 = arith.cmpi sge, %sub3A_377, %ge3A_379 : vector<16xi32>
          %lt3A_381 = arith.constant 1792 : i32
          %lt3A_382 = vector.broadcast %lt3A_381 : i32 to vector<16xi32>
          %lt3A_383 = arith.cmpi slt, %sub3A_377, %lt3A_382 : vector<16xi32>
          %and3A_384 = arith.andi %ge3A_380, %lt3A_383 : vector<16xi1>
          %jit3A_385 = arith.constant 1792 : i32
          %broadcast_in_dim3A_386 = vector.broadcast %jit3A_385 : i32 to vector<16xi32>
          %select_n3A_387 = arith.select %and3A_384, %sub3A_377, %broadcast_in_dim3A_386 : vector<16xi1>, vector<16xi32>
          %swap3A_388 = arith.constant 0 : i32
          %swap3A_389 = arith.index_cast %swap3A_388 : i32 to index
          %swap3A_390 = arith.constant 112 : index
          %swap3A_391 = tpu.vector_load %arg16[%swap3A_389, %swap3A_390] {strides = array<i32>} : memref<8x128xi32, #tpu.memory_space<vmem>>, vector<1x16xi32>,
          %swap3A_392 = vector.shape_cast %swap3A_391 : vector<1x16xi32> to vector<16xi32>
          %swap3A_393 = vector.shape_cast %select_n3A_387 : vector<16xi32> to vector<1x16xi32>
          tpu.vector_store %arg16[%swap3A_389, %swap3A_390], %swap3A_393 {strides = array<i32>} : memref<8x128xi32, #tpu.memory_space<vmem>>, vector<1x16xi32>,
          %sub3A_394 = arith.constant 1 : i32
          %sub3A_395 = arith.subi %add3A_186, %sub3A_394 : i32
          %mul3A_396 = arith.constant 128 : i32
          %mul3A_397 = arith.muli %sub3A_395, %mul3A_396 : i32
          %multiple_of3A_398 = tpu.assume_multiple %mul3A_397, 8 : i32
          %dma_wait3A = arith.constant 0 : i32
          %dma_wait3A_399 = tpu.memref_slice %arg9[%sub3A_219, %dma_wait3A] : memref<184x128xi32, #tpu.memory_space<vmem>> -> memref<1x128xi32, #tpu.memory_space<vmem>>
          %dma_wait3A_400 = tpu.memref_squeeze %dma_wait3A_399 : memref<1x128xi32, #tpu.memory_space<vmem>> -> memref<128xi32, #tpu.memory_space<vmem>>
          %dma_wait3A_401 = arith.constant 0 : i32
          %dma_wait3A_402 = arith.constant 0 : i32
          %dma_wait3A_403 = tpu.memref_slice %arg2[%dma_wait3A_401, %dma_wait3A_402] : memref<10000x128xf32, #tpu.memory_space<hbm>> -> memref<10000x128xf32, #tpu.memory_space<hbm>>
          tpu.wait_indirect_dma semaphore(%arg20 : memref<!tpu.dma_semaphore, #tpu.memory_space<semaphore_mem>>) src(%dma_wait3A_403 : memref<10000x128xf32, #tpu.memory_space<hbm>>) dst(%arg14 : memref<128x128xf32, #tpu.memory_space<vmem>>)
          %dma_wait3A_404 = arith.constant 0 : i32
          %dma_wait3A_405 = tpu.memref_slice %arg3[%multiple_of3A_398, %dma_wait3A_404] : memref<320000x128xf32, #tpu.memory_space<hbm>> -> memref<128x128xf32, #tpu.memory_space<hbm>>
          %dma_wait3A_406 = arith.constant 0 : i32
          %dma_wait3A_407 = tpu.memref_slice %arg3[%multiple_of3A_398, %dma_wait3A_406] : memref<320000x128xf32, #tpu.memory_space<hbm>> -> memref<128x128xf32, #tpu.memory_space<hbm>>
          tpu.wait_dma2 semaphore(%arg22 : memref<!tpu.dma_semaphore, #tpu.memory_space<semaphore_mem>>) src(%dma_wait3A_407 : memref<128x128xf32, #tpu.memory_space<hbm>>) dst(%arg12 : memref<128x128xf32, #tpu.memory_space<vmem>>)
          %scan3A = arith.constant 0 : i32
          %scan3A_408 = arith.constant 128 : i32
          %scan3A_409 = arith.addi %scan3A, %scan3A_408 : i32
          %scan3A_410 = arith.constant 1 : i32
          scf.for %scan3A_412 = %scan3A to %scan3A_409 step %scan3A_410  : i32 {
            %mul3A_413 = arith.constant 1 : i32
            %mul3A_414 = arith.muli %scan3A_412, %mul3A_413 : i32
            %add3A_415 = arith.constant 0 : i32
            %add3A_416 = arith.addi %add3A_415, %mul3A_414 : i32
            %get3A_417 = arith.index_cast %add3A_416 : i32 to index
            %get3A_418 = arith.constant 0 : index
            %get3A_419 = tpu.vector_load %arg14[%get3A_417, %get3A_418] {strides = array<i32>} : memref<128x128xf32, #tpu.memory_space<vmem>>, vector<1x16xf32>,
            %get3A_420 = vector.shape_cast %get3A_419 : vector<1x16xf32> to vector<16xf32>
            %get3A_421 = arith.index_cast %add3A_416 : i32 to index
            %get3A_422 = arith.constant 0 : index
            %get3A_423 = tpu.vector_load %arg12[%get3A_421, %get3A_422] {strides = array<i32>} : memref<128x128xf32, #tpu.memory_space<vmem>>, vector<1x16xf32>,
            %get3A_424 = vector.shape_cast %get3A_423 : vector<1x16xf32> to vector<16xf32>
            %mul3A_425 = arith.mulf %get3A_420, %get3A_424 : vector<16xf32>
            %swap3A_426 = arith.index_cast %add3A_416 : i32 to index
            %swap3A_427 = arith.constant 0 : index
            %swap3A_428 = tpu.vector_load %arg14[%swap3A_426, %swap3A_427] {strides = array<i32>} : memref<128x128xf32, #tpu.memory_space<vmem>>, vector<1x16xf32>,
            %swap3A_429 = vector.shape_cast %swap3A_428 : vector<1x16xf32> to vector<16xf32>
            %swap3A_430 = vector.shape_cast %mul3A_425 : vector<16xf32> to vector<1x16xf32>
            tpu.vector_store %arg14[%swap3A_426, %swap3A_427], %swap3A_430 {strides = array<i32>} : memref<128x128xf32, #tpu.memory_space<vmem>>, vector<1x16xf32>,
            %get3A_431 = arith.index_cast %add3A_416 : i32 to index
            %get3A_432 = arith.constant 16 : index
            %get3A_433 = tpu.vector_load %arg14[%get3A_431, %get3A_432] {strides = array<i32>} : memref<128x128xf32, #tpu.memory_space<vmem>>, vector<1x16xf32>,
            %get3A_434 = vector.shape_cast %get3A_433 : vector<1x16xf32> to vector<16xf32>
            %get3A_435 = arith.index_cast %add3A_416 : i32 to index
            %get3A_436 = arith.constant 16 : index
            %get3A_437 = tpu.vector_load %arg12[%get3A_435, %get3A_436] {strides = array<i32>} : memref<128x128xf32, #tpu.memory_space<vmem>>, vector<1x16xf32>,
            %get3A_438 = vector.shape_cast %get3A_437 : vector<1x16xf32> to vector<16xf32>
            %mul3A_439 = arith.mulf %get3A_434, %get3A_438 : vector<16xf32>
            %swap3A_440 = arith.index_cast %add3A_416 : i32 to index
            %swap3A_441 = arith.constant 16 : index
            %swap3A_442 = tpu.vector_load %arg14[%swap3A_440, %swap3A_441] {strides = array<i32>} : memref<128x128xf32, #tpu.memory_space<vmem>>, vector<1x16xf32>,
            %swap3A_443 = vector.shape_cast %swap3A_442 : vector<1x16xf32> to vector<16xf32>
            %swap3A_444 = vector.shape_cast %mul3A_439 : vector<16xf32> to vector<1x16xf32>
            tpu.vector_store %arg14[%swap3A_440, %swap3A_441], %swap3A_444 {strides = array<i32>} : memref<128x128xf32, #tpu.memory_space<vmem>>, vector<1x16xf32>,
            %get3A_445 = arith.index_cast %add3A_416 : i32 to index
            %get3A_446 = arith.constant 32 : index
            %get3A_447 = tpu.vector_load %arg14[%get3A_445, %get3A_446] {strides = array<i32>} : memref<128x128xf32, #tpu.memory_space<vmem>>, vector<1x16xf32>,
            %get3A_448 = vector.shape_cast %get3A_447 : vector<1x16xf32> to vector<16xf32>
            %get3A_449 = arith.index_cast %add3A_416 : i32 to index
            %get3A_450 = arith.constant 32 : index
            %get3A_451 = tpu.vector_load %arg12[%get3A_449, %get3A_450] {strides = array<i32>} : memref<128x128xf32, #tpu.memory_space<vmem>>, vector<1x16xf32>,
            %get3A_452 = vector.shape_cast %get3A_451 : vector<1x16xf32> to vector<16xf32>
            %mul3A_453 = arith.mulf %get3A_448, %get3A_452 : vector<16xf32>
            %swap3A_454 = arith.index_cast %add3A_416 : i32 to index
            %swap3A_455 = arith.constant 32 : index
            %swap3A_456 = tpu.vector_load %arg14[%swap3A_454, %swap3A_455] {strides = array<i32>} : memref<128x128xf32, #tpu.memory_space<vmem>>, vector<1x16xf32>,
            %swap3A_457 = vector.shape_cast %swap3A_456 : vector<1x16xf32> to vector<16xf32>
            %swap3A_458 = vector.shape_cast %mul3A_453 : vector<16xf32> to vector<1x16xf32>
            tpu.vector_store %arg14[%swap3A_454, %swap3A_455], %swap3A_458 {strides = array<i32>} : memref<128x128xf32, #tpu.memory_space<vmem>>, vector<1x16xf32>,
            %get3A_459 = arith.index_cast %add3A_416 : i32 to index
            %get3A_460 = arith.constant 48 : index
            %get3A_461 = tpu.vector_load %arg14[%get3A_459, %get3A_460] {strides = array<i32>} : memref<128x128xf32, #tpu.memory_space<vmem>>, vector<1x16xf32>,
            %get3A_462 = vector.shape_cast %get3A_461 : vector<1x16xf32> to vector<16xf32>
            %get3A_463 = arith.index_cast %add3A_416 : i32 to index
            %get3A_464 = arith.constant 48 : index
            %get3A_465 = tpu.vector_load %arg12[%get3A_463, %get3A_464] {strides = array<i32>} : memref<128x128xf32, #tpu.memory_space<vmem>>, vector<1x16xf32>,
            %get3A_466 = vector.shape_cast %get3A_465 : vector<1x16xf32> to vector<16xf32>
            %mul3A_467 = arith.mulf %get3A_462, %get3A_466 : vector<16xf32>
            %swap3A_468 = arith.index_cast %add3A_416 : i32 to index
            %swap3A_469 = arith.constant 48 : index
            %swap3A_470 = tpu.vector_load %arg14[%swap3A_468, %swap3A_469] {strides = array<i32>} : memref<128x128xf32, #tpu.memory_space<vmem>>, vector<1x16xf32>,
            %swap3A_471 = vector.shape_cast %swap3A_470 : vector<1x16xf32> to vector<16xf32>
            %swap3A_472 = vector.shape_cast %mul3A_467 : vector<16xf32> to vector<1x16xf32>
            tpu.vector_store %arg14[%swap3A_468, %swap3A_469], %swap3A_472 {strides = array<i32>} : memref<128x128xf32, #tpu.memory_space<vmem>>, vector<1x16xf32>,
            %get3A_473 = arith.index_cast %add3A_416 : i32 to index
            %get3A_474 = arith.constant 64 : index
            %get3A_475 = tpu.vector_load %arg14[%get3A_473, %get3A_474] {strides = array<i32>} : memref<128x128xf32, #tpu.memory_space<vmem>>, vector<1x16xf32>,
            %get3A_476 = vector.shape_cast %get3A_475 : vector<1x16xf32> to vector<16xf32>
            %get3A_477 = arith.index_cast %add3A_416 : i32 to index
            %get3A_478 = arith.constant 64 : index
            %get3A_479 = tpu.vector_load %arg12[%get3A_477, %get3A_478] {strides = array<i32>} : memref<128x128xf32, #tpu.memory_space<vmem>>, vector<1x16xf32>,
            %get3A_480 = vector.shape_cast %get3A_479 : vector<1x16xf32> to vector<16xf32>
            %mul3A_481 = arith.mulf %get3A_476, %get3A_480 : vector<16xf32>
            %swap3A_482 = arith.index_cast %add3A_416 : i32 to index
            %swap3A_483 = arith.constant 64 : index
            %swap3A_484 = tpu.vector_load %arg14[%swap3A_482, %swap3A_483] {strides = array<i32>} : memref<128x128xf32, #tpu.memory_space<vmem>>, vector<1x16xf32>,
            %swap3A_485 = vector.shape_cast %swap3A_484 : vector<1x16xf32> to vector<16xf32>
            %swap3A_486 = vector.shape_cast %mul3A_481 : vector<16xf32> to vector<1x16xf32>
            tpu.vector_store %arg14[%swap3A_482, %swap3A_483], %swap3A_486 {strides = array<i32>} : memref<128x128xf32, #tpu.memory_space<vmem>>, vector<1x16xf32>,
            %get3A_487 = arith.index_cast %add3A_416 : i32 to index
            %get3A_488 = arith.constant 80 : index
            %get3A_489 = tpu.vector_load %arg14[%get3A_487, %get3A_488] {strides = array<i32>} : memref<128x128xf32, #tpu.memory_space<vmem>>, vector<1x16xf32>,
            %get3A_490 = vector.shape_cast %get3A_489 : vector<1x16xf32> to vector<16xf32>
            %get3A_491 = arith.index_cast %add3A_416 : i32 to index
            %get3A_492 = arith.constant 80 : index
            %get3A_493 = tpu.vector_load %arg12[%get3A_491, %get3A_492] {strides = array<i32>} : memref<128x128xf32, #tpu.memory_space<vmem>>, vector<1x16xf32>,
            %get3A_494 = vector.shape_cast %get3A_493 : vector<1x16xf32> to vector<16xf32>
            %mul3A_495 = arith.mulf %get3A_490, %get3A_494 : vector<16xf32>
            %swap3A_496 = arith.index_cast %add3A_416 : i32 to index
            %swap3A_497 = arith.constant 80 : index
            %swap3A_498 = tpu.vector_load %arg14[%swap3A_496, %swap3A_497] {strides = array<i32>} : memref<128x128xf32, #tpu.memory_space<vmem>>, vector<1x16xf32>,
            %swap3A_499 = vector.shape_cast %swap3A_498 : vector<1x16xf32> to vector<16xf32>
            %swap3A_500 = vector.shape_cast %mul3A_495 : vector<16xf32> to vector<1x16xf32>
            tpu.vector_store %arg14[%swap3A_496, %swap3A_497], %swap3A_500 {strides = array<i32>} : memref<128x128xf32, #tpu.memory_space<vmem>>, vector<1x16xf32>,
            %get3A_501 = arith.index_cast %add3A_416 : i32 to index
            %get3A_502 = arith.constant 96 : index
            %get3A_503 = tpu.vector_load %arg14[%get3A_501, %get3A_502] {strides = array<i32>} : memref<128x128xf32, #tpu.memory_space<vmem>>, vector<1x16xf32>,
            %get3A_504 = vector.shape_cast %get3A_503 : vector<1x16xf32> to vector<16xf32>
            %get3A_505 = arith.index_cast %add3A_416 : i32 to index
            %get3A_506 = arith.constant 96 : index
            %get3A_507 = tpu.vector_load %arg12[%get3A_505, %get3A_506] {strides = array<i32>} : memref<128x128xf32, #tpu.memory_space<vmem>>, vector<1x16xf32>,
            %get3A_508 = vector.shape_cast %get3A_507 : vector<1x16xf32> to vector<16xf32>
            %mul3A_509 = arith.mulf %get3A_504, %get3A_508 : vector<16xf32>
            %swap3A_510 = arith.index_cast %add3A_416 : i32 to index
            %swap3A_511 = arith.constant 96 : index
            %swap3A_512 = tpu.vector_load %arg14[%swap3A_510, %swap3A_511] {strides = array<i32>} : memref<128x128xf32, #tpu.memory_space<vmem>>, vector<1x16xf32>,
            %swap3A_513 = vector.shape_cast %swap3A_512 : vector<1x16xf32> to vector<16xf32>
            %swap3A_514 = vector.shape_cast %mul3A_509 : vector<16xf32> to vector<1x16xf32>
            tpu.vector_store %arg14[%swap3A_510, %swap3A_511], %swap3A_514 {strides = array<i32>} : memref<128x128xf32, #tpu.memory_space<vmem>>, vector<1x16xf32>,
            %get3A_515 = arith.index_cast %add3A_416 : i32 to index
            %get3A_516 = arith.constant 112 : index
            %get3A_517 = tpu.vector_load %arg14[%get3A_515, %get3A_516] {strides = array<i32>} : memref<128x128xf32, #tpu.memory_space<vmem>>, vector<1x16xf32>,
            %get3A_518 = vector.shape_cast %get3A_517 : vector<1x16xf32> to vector<16xf32>
            %get3A_519 = arith.index_cast %add3A_416 : i32 to index
            %get3A_520 = arith.constant 112 : index
            %get3A_521 = tpu.vector_load %arg12[%get3A_519, %get3A_520] {strides = array<i32>} : memref<128x128xf32, #tpu.memory_space<vmem>>, vector<1x16xf32>,
            %get3A_522 = vector.shape_cast %get3A_521 : vector<1x16xf32> to vector<16xf32>
            %mul3A_523 = arith.mulf %get3A_518, %get3A_522 : vector<16xf32>
            %swap3A_524 = arith.index_cast %add3A_416 : i32 to index
            %swap3A_525 = arith.constant 112 : index
            %swap3A_526 = tpu.vector_load %arg14[%swap3A_524, %swap3A_525] {strides = array<i32>} : memref<128x128xf32, #tpu.memory_space<vmem>>, vector<1x16xf32>,
            %swap3A_527 = vector.shape_cast %swap3A_526 : vector<1x16xf32> to vector<16xf32>
            %swap3A_528 = vector.shape_cast %mul3A_523 : vector<16xf32> to vector<1x16xf32>
            tpu.vector_store %arg14[%swap3A_524, %swap3A_525], %swap3A_528 {strides = array<i32>} : memref<128x128xf32, #tpu.memory_space<vmem>>, vector<1x16xf32>,
          }
          %scan3A_411 = arith.constant 128 : i32
          %run_scoped3A = arith.constant 0 : i32
          "tpu.region"() ({
            %run_scoped3A_412 = tpu.sem_alloc : memref<!tpu.dma_semaphore, #tpu.memory_space<semaphore_mem>>
            %dma_start3A = arith.constant 0 : i32
            %dma_start3A_413 = tpu.memref_slice %arg16[%run_scoped3A, %dma_start3A] : memref<8x128xi32, #tpu.memory_space<vmem>> -> memref<1x128xi32, #tpu.memory_space<vmem>>
            %dma_start3A_414 = tpu.memref_squeeze %dma_start3A_413 : memref<1x128xi32, #tpu.memory_space<vmem>> -> memref<128xi32, #tpu.memory_space<vmem>>
            %dma_start3A_415 = arith.constant 0 : i32
            %dma_start3A_416 = arith.constant 0 : i32
            %dma_start3A_417 = tpu.memref_slice %arg17[%dma_start3A_415, %dma_start3A_416] : memref<1920x128xf32, #tpu.memory_space<vmem_shared>> -> memref<1920x128xf32, #tpu.memory_space<vmem_shared>>
            tpu.enqueue_indirect_dma source(%arg14 : memref<128x128xf32, #tpu.memory_space<vmem>>) target(%dma_start3A_417 : memref<1920x128xf32, #tpu.memory_space<vmem_shared>>) offsets(%dma_start3A_414 : memref<128xi32, #tpu.memory_space<vmem>>) semaphore(%run_scoped3A_412 : memref<!tpu.dma_semaphore, #tpu.memory_space<semaphore_mem>>) {add = true}
            %dma_wait3A_418 = arith.constant 0 : i32
            %dma_wait3A_419 = tpu.memref_slice %arg16[%run_scoped3A, %dma_wait3A_418] : memref<8x128xi32, #tpu.memory_space<vmem>> -> memref<1x128xi32, #tpu.memory_space<vmem>>
            %dma_wait3A_420 = tpu.memref_squeeze %dma_wait3A_419 : memref<1x128xi32, #tpu.memory_space<vmem>> -> memref<128xi32, #tpu.memory_space<vmem>>
            %dma_wait3A_421 = arith.constant 0 : i32
            %dma_wait3A_422 = arith.constant 0 : i32
            %dma_wait3A_423 = tpu.memref_slice %arg17[%dma_wait3A_421, %dma_wait3A_422] : memref<1920x128xf32, #tpu.memory_space<vmem_shared>> -> memref<1920x128xf32, #tpu.memory_space<vmem_shared>>
            tpu.wait_indirect_dma semaphore(%run_scoped3A_412 : memref<!tpu.dma_semaphore, #tpu.memory_space<semaphore_mem>>) src(%arg14 : memref<128x128xf32, #tpu.memory_space<vmem>>) dst(%dma_wait3A_423 : memref<1920x128xf32, #tpu.memory_space<vmem_shared>>)
            tpu.yield
          }) : () -> ()
        } else {
        }
      } else {
      }
      %not3A = arith.constant true
      %not3A_203 = arith.xori %eq3A_199, %not3A : i1
      %convert_element_type3A_204 = arith.extui %not3A_203 : i1 to i32
      %cond3A_205 = arith.constant 0 : i32
      %cond3A_206 = arith.cmpi ne, %convert_element_type3A_204, %cond3A_205 : i32
      scf.if %cond3A_206 {
        %lt3A_207 = arith.cmpi slt, %add3A_186, %squeeze3A_67 : i32
        %convert_element_type3A_208 = arith.extui %lt3A_207 : i1 to i32
        %cond3A_209 = arith.constant 0 : i32
        %cond3A_210 = arith.cmpi ne, %convert_element_type3A_208, %cond3A_209 : i32
        scf.if %cond3A_210 {
          %sub3A_217 = arith.subi %add3A_186, %multiple_of3A_63 : i32
          %dma_start3A = arith.constant 0 : i32
          %dma_start3A_218 = tpu.memref_slice %arg9[%sub3A_217, %dma_start3A] : memref<184x128xi32, #tpu.memory_space<vmem>> -> memref<1x128xi32, #tpu.memory_space<vmem>>
          %dma_start3A_219 = tpu.memref_squeeze %dma_start3A_218 : memref<1x128xi32, #tpu.memory_space<vmem>> -> memref<128xi32, #tpu.memory_space<vmem>>
          %dma_start3A_220 = arith.constant 0 : i32
          %dma_start3A_221 = arith.constant 0 : i32
          %dma_start3A_222 = tpu.memref_slice %arg2[%dma_start3A_220, %dma_start3A_221] : memref<10000x128xf32, #tpu.memory_space<hbm>> -> memref<10000x128xf32, #tpu.memory_space<hbm>>
          tpu.enqueue_indirect_dma source(%dma_start3A_222 : memref<10000x128xf32, #tpu.memory_space<hbm>>) target(%arg14 : memref<128x128xf32, #tpu.memory_space<vmem>>) offsets(%dma_start3A_219 : memref<128xi32, #tpu.memory_space<vmem>>) semaphore(%arg20 : memref<!tpu.dma_semaphore, #tpu.memory_space<semaphore_mem>>)
          %mul3A_223 = arith.constant 128 : i32
          %mul3A_224 = arith.muli %add3A_186, %mul3A_223 : i32
          %multiple_of3A_225 = tpu.assume_multiple %mul3A_224, 8 : i32
          %dma_start3A_226 = arith.constant 0 : i32
          %dma_start3A_227 = tpu.memref_slice %arg3[%multiple_of3A_225, %dma_start3A_226] : memref<320000x128xf32, #tpu.memory_space<hbm>> -> memref<128x128xf32, #tpu.memory_space<hbm>>
          %dma_start3A_228 = arith.constant 0 : i32
          %dma_start3A_229 = tpu.memref_slice %arg3[%multiple_of3A_225, %dma_start3A_228] : memref<320000x128xf32, #tpu.memory_space<hbm>> -> memref<128x128xf32, #tpu.memory_space<hbm>>
          tpu.enqueue_dma source(%dma_start3A_229 : memref<128x128xf32, #tpu.memory_space<hbm>>) target(%arg12 : memref<128x128xf32, #tpu.memory_space<vmem>>) target_semaphore(%arg22 : memref<!tpu.dma_semaphore, #tpu.memory_space<semaphore_mem>>)
        } else {
        }
        %sub3A_211 = arith.constant 1 : i32
        %sub3A_212 = arith.subi %add3A_186, %sub3A_211 : i32
        %ge3A_213 = arith.cmpi sge, %sub3A_212, %squeeze3A_65 : i32
        %convert_element_type3A_214 = arith.extui %ge3A_213 : i1 to i32
        %cond3A_215 = arith.constant 0 : i32
        %cond3A_216 = arith.cmpi ne, %convert_element_type3A_214, %cond3A_215 : i32
        scf.if %cond3A_216 {
          %sub3A_217 = arith.constant 1 : i32
          %sub3A_218 = arith.subi %add3A_186, %sub3A_217 : i32
          %sub3A_219 = arith.subi %sub3A_218, %multiple_of3A_63 : i32
          %get3A_220 = arith.index_cast %sub3A_219 : i32 to index
          %get3A_221 = arith.constant 0 : index
          %get3A_222 = tpu.vector_load %arg10[%get3A_220, %get3A_221] {strides = array<i32>} : memref<184x128xi32, #tpu.memory_space<vmem>>, vector<1x16xi32>,
          %get3A_223 = vector.shape_cast %get3A_222 : vector<1x16xi32> to vector<16xi32>
          %sub3A_224 = vector.broadcast %mul3A_71 : i32 to vector<16xi32>
          %sub3A_225 = arith.subi %get3A_223, %sub3A_224 : vector<16xi32>
          %ge3A_226 = arith.constant 0 : i32
          %ge3A_227 = vector.broadcast %ge3A_226 : i32 to vector<16xi32>
          %ge3A_228 = arith.cmpi sge, %sub3A_225, %ge3A_227 : vector<16xi32>
          %lt3A_229 = arith.constant 1792 : i32
          %lt3A_230 = vector.broadcast %lt3A_229 : i32 to vector<16xi32>
          %lt3A_231 = arith.cmpi slt, %sub3A_225, %lt3A_230 : vector<16xi32>
          %and3A_232 = arith.andi %ge3A_228, %lt3A_231 : vector<16xi1>
          %jit3A_233 = arith.constant 1792 : i32
          %broadcast_in_dim3A = vector.broadcast %jit3A_233 : i32 to vector<16xi32>
          %select_n3A_234 = arith.select %and3A_232, %sub3A_225, %broadcast_in_dim3A : vector<16xi1>, vector<16xi32>
          %swap3A = arith.constant 0 : i32
          %swap3A_235 = arith.index_cast %swap3A : i32 to index
          %swap3A_236 = arith.constant 0 : index
          %swap3A_237 = tpu.vector_load %arg15[%swap3A_235, %swap3A_236] {strides = array<i32>} : memref<8x128xi32, #tpu.memory_space<vmem>>, vector<1x16xi32>,
          %swap3A_238 = vector.shape_cast %swap3A_237 : vector<1x16xi32> to vector<16xi32>
          %swap3A_239 = vector.shape_cast %select_n3A_234 : vector<16xi32> to vector<1x16xi32>
          tpu.vector_store %arg15[%swap3A_235, %swap3A_236], %swap3A_239 {strides = array<i32>} : memref<8x128xi32, #tpu.memory_space<vmem>>, vector<1x16xi32>,
          %get3A_240 = arith.index_cast %sub3A_219 : i32 to index
          %get3A_241 = arith.constant 16 : index
          %get3A_242 = tpu.vector_load %arg10[%get3A_240, %get3A_241] {strides = array<i32>} : memref<184x128xi32, #tpu.memory_space<vmem>>, vector<1x16xi32>,
          %get3A_243 = vector.shape_cast %get3A_242 : vector<1x16xi32> to vector<16xi32>
          %sub3A_244 = vector.broadcast %mul3A_71 : i32 to vector<16xi32>
          %sub3A_245 = arith.subi %get3A_243, %sub3A_244 : vector<16xi32>
          %ge3A_246 = arith.constant 0 : i32
          %ge3A_247 = vector.broadcast %ge3A_246 : i32 to vector<16xi32>
          %ge3A_248 = arith.cmpi sge, %sub3A_245, %ge3A_247 : vector<16xi32>
          %lt3A_249 = arith.constant 1792 : i32
          %lt3A_250 = vector.broadcast %lt3A_249 : i32 to vector<16xi32>
          %lt3A_251 = arith.cmpi slt, %sub3A_245, %lt3A_250 : vector<16xi32>
          %and3A_252 = arith.andi %ge3A_248, %lt3A_251 : vector<16xi1>
          %jit3A_253 = arith.constant 1792 : i32
          %broadcast_in_dim3A_254 = vector.broadcast %jit3A_253 : i32 to vector<16xi32>
          %select_n3A_255 = arith.select %and3A_252, %sub3A_245, %broadcast_in_dim3A_254 : vector<16xi1>, vector<16xi32>
          %swap3A_256 = arith.constant 0 : i32
          %swap3A_257 = arith.index_cast %swap3A_256 : i32 to index
          %swap3A_258 = arith.constant 16 : index
          %swap3A_259 = tpu.vector_load %arg15[%swap3A_257, %swap3A_258] {strides = array<i32>} : memref<8x128xi32, #tpu.memory_space<vmem>>, vector<1x16xi32>,
          %swap3A_260 = vector.shape_cast %swap3A_259 : vector<1x16xi32> to vector<16xi32>
          %swap3A_261 = vector.shape_cast %select_n3A_255 : vector<16xi32> to vector<1x16xi32>
          tpu.vector_store %arg15[%swap3A_257, %swap3A_258], %swap3A_261 {strides = array<i32>} : memref<8x128xi32, #tpu.memory_space<vmem>>, vector<1x16xi32>,
          %get3A_262 = arith.index_cast %sub3A_219 : i32 to index
          %get3A_263 = arith.constant 32 : index
          %get3A_264 = tpu.vector_load %arg10[%get3A_262, %get3A_263] {strides = array<i32>} : memref<184x128xi32, #tpu.memory_space<vmem>>, vector<1x16xi32>,
          %get3A_265 = vector.shape_cast %get3A_264 : vector<1x16xi32> to vector<16xi32>
          %sub3A_266 = vector.broadcast %mul3A_71 : i32 to vector<16xi32>
          %sub3A_267 = arith.subi %get3A_265, %sub3A_266 : vector<16xi32>
          %ge3A_268 = arith.constant 0 : i32
          %ge3A_269 = vector.broadcast %ge3A_268 : i32 to vector<16xi32>
          %ge3A_270 = arith.cmpi sge, %sub3A_267, %ge3A_269 : vector<16xi32>
          %lt3A_271 = arith.constant 1792 : i32
          %lt3A_272 = vector.broadcast %lt3A_271 : i32 to vector<16xi32>
          %lt3A_273 = arith.cmpi slt, %sub3A_267, %lt3A_272 : vector<16xi32>
          %and3A_274 = arith.andi %ge3A_270, %lt3A_273 : vector<16xi1>
          %jit3A_275 = arith.constant 1792 : i32
          %broadcast_in_dim3A_276 = vector.broadcast %jit3A_275 : i32 to vector<16xi32>
          %select_n3A_277 = arith.select %and3A_274, %sub3A_267, %broadcast_in_dim3A_276 : vector<16xi1>, vector<16xi32>
          %swap3A_278 = arith.constant 0 : i32
          %swap3A_279 = arith.index_cast %swap3A_278 : i32 to index
          %swap3A_280 = arith.constant 32 : index
          %swap3A_281 = tpu.vector_load %arg15[%swap3A_279, %swap3A_280] {strides = array<i32>} : memref<8x128xi32, #tpu.memory_space<vmem>>, vector<1x16xi32>,
          %swap3A_282 = vector.shape_cast %swap3A_281 : vector<1x16xi32> to vector<16xi32>
          %swap3A_283 = vector.shape_cast %select_n3A_277 : vector<16xi32> to vector<1x16xi32>
          tpu.vector_store %arg15[%swap3A_279, %swap3A_280], %swap3A_283 {strides = array<i32>} : memref<8x128xi32, #tpu.memory_space<vmem>>, vector<1x16xi32>,
          %get3A_284 = arith.index_cast %sub3A_219 : i32 to index
          %get3A_285 = arith.constant 48 : index
          %get3A_286 = tpu.vector_load %arg10[%get3A_284, %get3A_285] {strides = array<i32>} : memref<184x128xi32, #tpu.memory_space<vmem>>, vector<1x16xi32>,
          %get3A_287 = vector.shape_cast %get3A_286 : vector<1x16xi32> to vector<16xi32>
          %sub3A_288 = vector.broadcast %mul3A_71 : i32 to vector<16xi32>
          %sub3A_289 = arith.subi %get3A_287, %sub3A_288 : vector<16xi32>
          %ge3A_290 = arith.constant 0 : i32
          %ge3A_291 = vector.broadcast %ge3A_290 : i32 to vector<16xi32>
          %ge3A_292 = arith.cmpi sge, %sub3A_289, %ge3A_291 : vector<16xi32>
          %lt3A_293 = arith.constant 1792 : i32
          %lt3A_294 = vector.broadcast %lt3A_293 : i32 to vector<16xi32>
          %lt3A_295 = arith.cmpi slt, %sub3A_289, %lt3A_294 : vector<16xi32>
          %and3A_296 = arith.andi %ge3A_292, %lt3A_295 : vector<16xi1>
          %jit3A_297 = arith.constant 1792 : i32
          %broadcast_in_dim3A_298 = vector.broadcast %jit3A_297 : i32 to vector<16xi32>
          %select_n3A_299 = arith.select %and3A_296, %sub3A_289, %broadcast_in_dim3A_298 : vector<16xi1>, vector<16xi32>
          %swap3A_300 = arith.constant 0 : i32
          %swap3A_301 = arith.index_cast %swap3A_300 : i32 to index
          %swap3A_302 = arith.constant 48 : index
          %swap3A_303 = tpu.vector_load %arg15[%swap3A_301, %swap3A_302] {strides = array<i32>} : memref<8x128xi32, #tpu.memory_space<vmem>>, vector<1x16xi32>,
          %swap3A_304 = vector.shape_cast %swap3A_303 : vector<1x16xi32> to vector<16xi32>
          %swap3A_305 = vector.shape_cast %select_n3A_299 : vector<16xi32> to vector<1x16xi32>
          tpu.vector_store %arg15[%swap3A_301, %swap3A_302], %swap3A_305 {strides = array<i32>} : memref<8x128xi32, #tpu.memory_space<vmem>>, vector<1x16xi32>,
          %get3A_306 = arith.index_cast %sub3A_219 : i32 to index
          %get3A_307 = arith.constant 64 : index
          %get3A_308 = tpu.vector_load %arg10[%get3A_306, %get3A_307] {strides = array<i32>} : memref<184x128xi32, #tpu.memory_space<vmem>>, vector<1x16xi32>,
          %get3A_309 = vector.shape_cast %get3A_308 : vector<1x16xi32> to vector<16xi32>
          %sub3A_310 = vector.broadcast %mul3A_71 : i32 to vector<16xi32>
          %sub3A_311 = arith.subi %get3A_309, %sub3A_310 : vector<16xi32>
          %ge3A_312 = arith.constant 0 : i32
          %ge3A_313 = vector.broadcast %ge3A_312 : i32 to vector<16xi32>
          %ge3A_314 = arith.cmpi sge, %sub3A_311, %ge3A_313 : vector<16xi32>
          %lt3A_315 = arith.constant 1792 : i32
          %lt3A_316 = vector.broadcast %lt3A_315 : i32 to vector<16xi32>
          %lt3A_317 = arith.cmpi slt, %sub3A_311, %lt3A_316 : vector<16xi32>
          %and3A_318 = arith.andi %ge3A_314, %lt3A_317 : vector<16xi1>
          %jit3A_319 = arith.constant 1792 : i32
          %broadcast_in_dim3A_320 = vector.broadcast %jit3A_319 : i32 to vector<16xi32>
          %select_n3A_321 = arith.select %and3A_318, %sub3A_311, %broadcast_in_dim3A_320 : vector<16xi1>, vector<16xi32>
          %swap3A_322 = arith.constant 0 : i32
          %swap3A_323 = arith.index_cast %swap3A_322 : i32 to index
          %swap3A_324 = arith.constant 64 : index
          %swap3A_325 = tpu.vector_load %arg15[%swap3A_323, %swap3A_324] {strides = array<i32>} : memref<8x128xi32, #tpu.memory_space<vmem>>, vector<1x16xi32>,
          %swap3A_326 = vector.shape_cast %swap3A_325 : vector<1x16xi32> to vector<16xi32>
          %swap3A_327 = vector.shape_cast %select_n3A_321 : vector<16xi32> to vector<1x16xi32>
          tpu.vector_store %arg15[%swap3A_323, %swap3A_324], %swap3A_327 {strides = array<i32>} : memref<8x128xi32, #tpu.memory_space<vmem>>, vector<1x16xi32>,
          %get3A_328 = arith.index_cast %sub3A_219 : i32 to index
          %get3A_329 = arith.constant 80 : index
          %get3A_330 = tpu.vector_load %arg10[%get3A_328, %get3A_329] {strides = array<i32>} : memref<184x128xi32, #tpu.memory_space<vmem>>, vector<1x16xi32>,
          %get3A_331 = vector.shape_cast %get3A_330 : vector<1x16xi32> to vector<16xi32>
          %sub3A_332 = vector.broadcast %mul3A_71 : i32 to vector<16xi32>
          %sub3A_333 = arith.subi %get3A_331, %sub3A_332 : vector<16xi32>
          %ge3A_334 = arith.constant 0 : i32
          %ge3A_335 = vector.broadcast %ge3A_334 : i32 to vector<16xi32>
          %ge3A_336 = arith.cmpi sge, %sub3A_333, %ge3A_335 : vector<16xi32>
          %lt3A_337 = arith.constant 1792 : i32
          %lt3A_338 = vector.broadcast %lt3A_337 : i32 to vector<16xi32>
          %lt3A_339 = arith.cmpi slt, %sub3A_333, %lt3A_338 : vector<16xi32>
          %and3A_340 = arith.andi %ge3A_336, %lt3A_339 : vector<16xi1>
          %jit3A_341 = arith.constant 1792 : i32
          %broadcast_in_dim3A_342 = vector.broadcast %jit3A_341 : i32 to vector<16xi32>
          %select_n3A_343 = arith.select %and3A_340, %sub3A_333, %broadcast_in_dim3A_342 : vector<16xi1>, vector<16xi32>
          %swap3A_344 = arith.constant 0 : i32
          %swap3A_345 = arith.index_cast %swap3A_344 : i32 to index
          %swap3A_346 = arith.constant 80 : index
          %swap3A_347 = tpu.vector_load %arg15[%swap3A_345, %swap3A_346] {strides = array<i32>} : memref<8x128xi32, #tpu.memory_space<vmem>>, vector<1x16xi32>,
          %swap3A_348 = vector.shape_cast %swap3A_347 : vector<1x16xi32> to vector<16xi32>
          %swap3A_349 = vector.shape_cast %select_n3A_343 : vector<16xi32> to vector<1x16xi32>
          tpu.vector_store %arg15[%swap3A_345, %swap3A_346], %swap3A_349 {strides = array<i32>} : memref<8x128xi32, #tpu.memory_space<vmem>>, vector<1x16xi32>,
          %get3A_350 = arith.index_cast %sub3A_219 : i32 to index
          %get3A_351 = arith.constant 96 : index
          %get3A_352 = tpu.vector_load %arg10[%get3A_350, %get3A_351] {strides = array<i32>} : memref<184x128xi32, #tpu.memory_space<vmem>>, vector<1x16xi32>,
          %get3A_353 = vector.shape_cast %get3A_352 : vector<1x16xi32> to vector<16xi32>
          %sub3A_354 = vector.broadcast %mul3A_71 : i32 to vector<16xi32>
          %sub3A_355 = arith.subi %get3A_353, %sub3A_354 : vector<16xi32>
          %ge3A_356 = arith.constant 0 : i32
          %ge3A_357 = vector.broadcast %ge3A_356 : i32 to vector<16xi32>
          %ge3A_358 = arith.cmpi sge, %sub3A_355, %ge3A_357 : vector<16xi32>
          %lt3A_359 = arith.constant 1792 : i32
          %lt3A_360 = vector.broadcast %lt3A_359 : i32 to vector<16xi32>
          %lt3A_361 = arith.cmpi slt, %sub3A_355, %lt3A_360 : vector<16xi32>
          %and3A_362 = arith.andi %ge3A_358, %lt3A_361 : vector<16xi1>
          %jit3A_363 = arith.constant 1792 : i32
          %broadcast_in_dim3A_364 = vector.broadcast %jit3A_363 : i32 to vector<16xi32>
          %select_n3A_365 = arith.select %and3A_362, %sub3A_355, %broadcast_in_dim3A_364 : vector<16xi1>, vector<16xi32>
          %swap3A_366 = arith.constant 0 : i32
          %swap3A_367 = arith.index_cast %swap3A_366 : i32 to index
          %swap3A_368 = arith.constant 96 : index
          %swap3A_369 = tpu.vector_load %arg15[%swap3A_367, %swap3A_368] {strides = array<i32>} : memref<8x128xi32, #tpu.memory_space<vmem>>, vector<1x16xi32>,
          %swap3A_370 = vector.shape_cast %swap3A_369 : vector<1x16xi32> to vector<16xi32>
          %swap3A_371 = vector.shape_cast %select_n3A_365 : vector<16xi32> to vector<1x16xi32>
          tpu.vector_store %arg15[%swap3A_367, %swap3A_368], %swap3A_371 {strides = array<i32>} : memref<8x128xi32, #tpu.memory_space<vmem>>, vector<1x16xi32>,
          %get3A_372 = arith.index_cast %sub3A_219 : i32 to index
          %get3A_373 = arith.constant 112 : index
          %get3A_374 = tpu.vector_load %arg10[%get3A_372, %get3A_373] {strides = array<i32>} : memref<184x128xi32, #tpu.memory_space<vmem>>, vector<1x16xi32>,
          %get3A_375 = vector.shape_cast %get3A_374 : vector<1x16xi32> to vector<16xi32>
          %sub3A_376 = vector.broadcast %mul3A_71 : i32 to vector<16xi32>
          %sub3A_377 = arith.subi %get3A_375, %sub3A_376 : vector<16xi32>
          %ge3A_378 = arith.constant 0 : i32
          %ge3A_379 = vector.broadcast %ge3A_378 : i32 to vector<16xi32>
          %ge3A_380 = arith.cmpi sge, %sub3A_377, %ge3A_379 : vector<16xi32>
          %lt3A_381 = arith.constant 1792 : i32
          %lt3A_382 = vector.broadcast %lt3A_381 : i32 to vector<16xi32>
          %lt3A_383 = arith.cmpi slt, %sub3A_377, %lt3A_382 : vector<16xi32>
          %and3A_384 = arith.andi %ge3A_380, %lt3A_383 : vector<16xi1>
          %jit3A_385 = arith.constant 1792 : i32
          %broadcast_in_dim3A_386 = vector.broadcast %jit3A_385 : i32 to vector<16xi32>
          %select_n3A_387 = arith.select %and3A_384, %sub3A_377, %broadcast_in_dim3A_386 : vector<16xi1>, vector<16xi32>
          %swap3A_388 = arith.constant 0 : i32
          %swap3A_389 = arith.index_cast %swap3A_388 : i32 to index
          %swap3A_390 = arith.constant 112 : index
          %swap3A_391 = tpu.vector_load %arg15[%swap3A_389, %swap3A_390] {strides = array<i32>} : memref<8x128xi32, #tpu.memory_space<vmem>>, vector<1x16xi32>,
          %swap3A_392 = vector.shape_cast %swap3A_391 : vector<1x16xi32> to vector<16xi32>
          %swap3A_393 = vector.shape_cast %select_n3A_387 : vector<16xi32> to vector<1x16xi32>
          tpu.vector_store %arg15[%swap3A_389, %swap3A_390], %swap3A_393 {strides = array<i32>} : memref<8x128xi32, #tpu.memory_space<vmem>>, vector<1x16xi32>,
          %sub3A_394 = arith.constant 1 : i32
          %sub3A_395 = arith.subi %add3A_186, %sub3A_394 : i32
          %mul3A_396 = arith.constant 128 : i32
          %mul3A_397 = arith.muli %sub3A_395, %mul3A_396 : i32
          %multiple_of3A_398 = tpu.assume_multiple %mul3A_397, 8 : i32
          %dma_wait3A = arith.constant 0 : i32
          %dma_wait3A_399 = tpu.memref_slice %arg9[%sub3A_219, %dma_wait3A] : memref<184x128xi32, #tpu.memory_space<vmem>> -> memref<1x128xi32, #tpu.memory_space<vmem>>
          %dma_wait3A_400 = tpu.memref_squeeze %dma_wait3A_399 : memref<1x128xi32, #tpu.memory_space<vmem>> -> memref<128xi32, #tpu.memory_space<vmem>>
          %dma_wait3A_401 = arith.constant 0 : i32
          %dma_wait3A_402 = arith.constant 0 : i32
          %dma_wait3A_403 = tpu.memref_slice %arg2[%dma_wait3A_401, %dma_wait3A_402] : memref<10000x128xf32, #tpu.memory_space<hbm>> -> memref<10000x128xf32, #tpu.memory_space<hbm>>
          tpu.wait_indirect_dma semaphore(%arg19 : memref<!tpu.dma_semaphore, #tpu.memory_space<semaphore_mem>>) src(%dma_wait3A_403 : memref<10000x128xf32, #tpu.memory_space<hbm>>) dst(%arg13 : memref<128x128xf32, #tpu.memory_space<vmem>>)
          %dma_wait3A_404 = arith.constant 0 : i32
          %dma_wait3A_405 = tpu.memref_slice %arg3[%multiple_of3A_398, %dma_wait3A_404] : memref<320000x128xf32, #tpu.memory_space<hbm>> -> memref<128x128xf32, #tpu.memory_space<hbm>>
          %dma_wait3A_406 = arith.constant 0 : i32
          %dma_wait3A_407 = tpu.memref_slice %arg3[%multiple_of3A_398, %dma_wait3A_406] : memref<320000x128xf32, #tpu.memory_space<hbm>> -> memref<128x128xf32, #tpu.memory_space<hbm>>
          tpu.wait_dma2 semaphore(%arg21 : memref<!tpu.dma_semaphore, #tpu.memory_space<semaphore_mem>>) src(%dma_wait3A_407 : memref<128x128xf32, #tpu.memory_space<hbm>>) dst(%arg11 : memref<128x128xf32, #tpu.memory_space<vmem>>)
          %scan3A = arith.constant 0 : i32
          %scan3A_408 = arith.constant 128 : i32
          %scan3A_409 = arith.addi %scan3A, %scan3A_408 : i32
          %scan3A_410 = arith.constant 1 : i32
          scf.for %scan3A_412 = %scan3A to %scan3A_409 step %scan3A_410  : i32 {
            %mul3A_413 = arith.constant 1 : i32
            %mul3A_414 = arith.muli %scan3A_412, %mul3A_413 : i32
            %add3A_415 = arith.constant 0 : i32
            %add3A_416 = arith.addi %add3A_415, %mul3A_414 : i32
            %get3A_417 = arith.index_cast %add3A_416 : i32 to index
            %get3A_418 = arith.constant 0 : index
            %get3A_419 = tpu.vector_load %arg13[%get3A_417, %get3A_418] {strides = array<i32>} : memref<128x128xf32, #tpu.memory_space<vmem>>, vector<1x16xf32>,
            %get3A_420 = vector.shape_cast %get3A_419 : vector<1x16xf32> to vector<16xf32>
            %get3A_421 = arith.index_cast %add3A_416 : i32 to index
            %get3A_422 = arith.constant 0 : index
            %get3A_423 = tpu.vector_load %arg11[%get3A_421, %get3A_422] {strides = array<i32>} : memref<128x128xf32, #tpu.memory_space<vmem>>, vector<1x16xf32>,
            %get3A_424 = vector.shape_cast %get3A_423 : vector<1x16xf32> to vector<16xf32>
            %mul3A_425 = arith.mulf %get3A_420, %get3A_424 : vector<16xf32>
            %swap3A_426 = arith.index_cast %add3A_416 : i32 to index
            %swap3A_427 = arith.constant 0 : index
            %swap3A_428 = tpu.vector_load %arg13[%swap3A_426, %swap3A_427] {strides = array<i32>} : memref<128x128xf32, #tpu.memory_space<vmem>>, vector<1x16xf32>,
            %swap3A_429 = vector.shape_cast %swap3A_428 : vector<1x16xf32> to vector<16xf32>
            %swap3A_430 = vector.shape_cast %mul3A_425 : vector<16xf32> to vector<1x16xf32>
            tpu.vector_store %arg13[%swap3A_426, %swap3A_427], %swap3A_430 {strides = array<i32>} : memref<128x128xf32, #tpu.memory_space<vmem>>, vector<1x16xf32>,
            %get3A_431 = arith.index_cast %add3A_416 : i32 to index
            %get3A_432 = arith.constant 16 : index
            %get3A_433 = tpu.vector_load %arg13[%get3A_431, %get3A_432] {strides = array<i32>} : memref<128x128xf32, #tpu.memory_space<vmem>>, vector<1x16xf32>,
            %get3A_434 = vector.shape_cast %get3A_433 : vector<1x16xf32> to vector<16xf32>
            %get3A_435 = arith.index_cast %add3A_416 : i32 to index
            %get3A_436 = arith.constant 16 : index
            %get3A_437 = tpu.vector_load %arg11[%get3A_435, %get3A_436] {strides = array<i32>} : memref<128x128xf32, #tpu.memory_space<vmem>>, vector<1x16xf32>,
            %get3A_438 = vector.shape_cast %get3A_437 : vector<1x16xf32> to vector<16xf32>
            %mul3A_439 = arith.mulf %get3A_434, %get3A_438 : vector<16xf32>
            %swap3A_440 = arith.index_cast %add3A_416 : i32 to index
            %swap3A_441 = arith.constant 16 : index
            %swap3A_442 = tpu.vector_load %arg13[%swap3A_440, %swap3A_441] {strides = array<i32>} : memref<128x128xf32, #tpu.memory_space<vmem>>, vector<1x16xf32>,
            %swap3A_443 = vector.shape_cast %swap3A_442 : vector<1x16xf32> to vector<16xf32>
            %swap3A_444 = vector.shape_cast %mul3A_439 : vector<16xf32> to vector<1x16xf32>
            tpu.vector_store %arg13[%swap3A_440, %swap3A_441], %swap3A_444 {strides = array<i32>} : memref<128x128xf32, #tpu.memory_space<vmem>>, vector<1x16xf32>,
            %get3A_445 = arith.index_cast %add3A_416 : i32 to index
            %get3A_446 = arith.constant 32 : index
            %get3A_447 = tpu.vector_load %arg13[%get3A_445, %get3A_446] {strides = array<i32>} : memref<128x128xf32, #tpu.memory_space<vmem>>, vector<1x16xf32>,
            %get3A_448 = vector.shape_cast %get3A_447 : vector<1x16xf32> to vector<16xf32>
            %get3A_449 = arith.index_cast %add3A_416 : i32 to index
            %get3A_450 = arith.constant 32 : index
            %get3A_451 = tpu.vector_load %arg11[%get3A_449, %get3A_450] {strides = array<i32>} : memref<128x128xf32, #tpu.memory_space<vmem>>, vector<1x16xf32>,
            %get3A_452 = vector.shape_cast %get3A_451 : vector<1x16xf32> to vector<16xf32>
            %mul3A_453 = arith.mulf %get3A_448, %get3A_452 : vector<16xf32>
            %swap3A_454 = arith.index_cast %add3A_416 : i32 to index
            %swap3A_455 = arith.constant 32 : index
            %swap3A_456 = tpu.vector_load %arg13[%swap3A_454, %swap3A_455] {strides = array<i32>} : memref<128x128xf32, #tpu.memory_space<vmem>>, vector<1x16xf32>,
            %swap3A_457 = vector.shape_cast %swap3A_456 : vector<1x16xf32> to vector<16xf32>
            %swap3A_458 = vector.shape_cast %mul3A_453 : vector<16xf32> to vector<1x16xf32>
            tpu.vector_store %arg13[%swap3A_454, %swap3A_455], %swap3A_458 {strides = array<i32>} : memref<128x128xf32, #tpu.memory_space<vmem>>, vector<1x16xf32>,
            %get3A_459 = arith.index_cast %add3A_416 : i32 to index
            %get3A_460 = arith.constant 48 : index
            %get3A_461 = tpu.vector_load %arg13[%get3A_459, %get3A_460] {strides = array<i32>} : memref<128x128xf32, #tpu.memory_space<vmem>>, vector<1x16xf32>,
            %get3A_462 = vector.shape_cast %get3A_461 : vector<1x16xf32> to vector<16xf32>
            %get3A_463 = arith.index_cast %add3A_416 : i32 to index
            %get3A_464 = arith.constant 48 : index
            %get3A_465 = tpu.vector_load %arg11[%get3A_463, %get3A_464] {strides = array<i32>} : memref<128x128xf32, #tpu.memory_space<vmem>>, vector<1x16xf32>,
            %get3A_466 = vector.shape_cast %get3A_465 : vector<1x16xf32> to vector<16xf32>
            %mul3A_467 = arith.mulf %get3A_462, %get3A_466 : vector<16xf32>
            %swap3A_468 = arith.index_cast %add3A_416 : i32 to index
            %swap3A_469 = arith.constant 48 : index
            %swap3A_470 = tpu.vector_load %arg13[%swap3A_468, %swap3A_469] {strides = array<i32>} : memref<128x128xf32, #tpu.memory_space<vmem>>, vector<1x16xf32>,
            %swap3A_471 = vector.shape_cast %swap3A_470 : vector<1x16xf32> to vector<16xf32>
            %swap3A_472 = vector.shape_cast %mul3A_467 : vector<16xf32> to vector<1x16xf32>
            tpu.vector_store %arg13[%swap3A_468, %swap3A_469], %swap3A_472 {strides = array<i32>} : memref<128x128xf32, #tpu.memory_space<vmem>>, vector<1x16xf32>,
            %get3A_473 = arith.index_cast %add3A_416 : i32 to index
            %get3A_474 = arith.constant 64 : index
            %get3A_475 = tpu.vector_load %arg13[%get3A_473, %get3A_474] {strides = array<i32>} : memref<128x128xf32, #tpu.memory_space<vmem>>, vector<1x16xf32>,
            %get3A_476 = vector.shape_cast %get3A_475 : vector<1x16xf32> to vector<16xf32>
            %get3A_477 = arith.index_cast %add3A_416 : i32 to index
            %get3A_478 = arith.constant 64 : index
            %get3A_479 = tpu.vector_load %arg11[%get3A_477, %get3A_478] {strides = array<i32>} : memref<128x128xf32, #tpu.memory_space<vmem>>, vector<1x16xf32>,
            %get3A_480 = vector.shape_cast %get3A_479 : vector<1x16xf32> to vector<16xf32>
            %mul3A_481 = arith.mulf %get3A_476, %get3A_480 : vector<16xf32>
            %swap3A_482 = arith.index_cast %add3A_416 : i32 to index
            %swap3A_483 = arith.constant 64 : index
            %swap3A_484 = tpu.vector_load %arg13[%swap3A_482, %swap3A_483] {strides = array<i32>} : memref<128x128xf32, #tpu.memory_space<vmem>>, vector<1x16xf32>,
            %swap3A_485 = vector.shape_cast %swap3A_484 : vector<1x16xf32> to vector<16xf32>
            %swap3A_486 = vector.shape_cast %mul3A_481 : vector<16xf32> to vector<1x16xf32>
            tpu.vector_store %arg13[%swap3A_482, %swap3A_483], %swap3A_486 {strides = array<i32>} : memref<128x128xf32, #tpu.memory_space<vmem>>, vector<1x16xf32>,
            %get3A_487 = arith.index_cast %add3A_416 : i32 to index
            %get3A_488 = arith.constant 80 : index
            %get3A_489 = tpu.vector_load %arg13[%get3A_487, %get3A_488] {strides = array<i32>} : memref<128x128xf32, #tpu.memory_space<vmem>>, vector<1x16xf32>,
            %get3A_490 = vector.shape_cast %get3A_489 : vector<1x16xf32> to vector<16xf32>
            %get3A_491 = arith.index_cast %add3A_416 : i32 to index
            %get3A_492 = arith.constant 80 : index
            %get3A_493 = tpu.vector_load %arg11[%get3A_491, %get3A_492] {strides = array<i32>} : memref<128x128xf32, #tpu.memory_space<vmem>>, vector<1x16xf32>,
            %get3A_494 = vector.shape_cast %get3A_493 : vector<1x16xf32> to vector<16xf32>
            %mul3A_495 = arith.mulf %get3A_490, %get3A_494 : vector<16xf32>
            %swap3A_496 = arith.index_cast %add3A_416 : i32 to index
            %swap3A_497 = arith.constant 80 : index
            %swap3A_498 = tpu.vector_load %arg13[%swap3A_496, %swap3A_497] {strides = array<i32>} : memref<128x128xf32, #tpu.memory_space<vmem>>, vector<1x16xf32>,
            %swap3A_499 = vector.shape_cast %swap3A_498 : vector<1x16xf32> to vector<16xf32>
            %swap3A_500 = vector.shape_cast %mul3A_495 : vector<16xf32> to vector<1x16xf32>
            tpu.vector_store %arg13[%swap3A_496, %swap3A_497], %swap3A_500 {strides = array<i32>} : memref<128x128xf32, #tpu.memory_space<vmem>>, vector<1x16xf32>,
            %get3A_501 = arith.index_cast %add3A_416 : i32 to index
            %get3A_502 = arith.constant 96 : index
            %get3A_503 = tpu.vector_load %arg13[%get3A_501, %get3A_502] {strides = array<i32>} : memref<128x128xf32, #tpu.memory_space<vmem>>, vector<1x16xf32>,
            %get3A_504 = vector.shape_cast %get3A_503 : vector<1x16xf32> to vector<16xf32>
            %get3A_505 = arith.index_cast %add3A_416 : i32 to index
            %get3A_506 = arith.constant 96 : index
            %get3A_507 = tpu.vector_load %arg11[%get3A_505, %get3A_506] {strides = array<i32>} : memref<128x128xf32, #tpu.memory_space<vmem>>, vector<1x16xf32>,
            %get3A_508 = vector.shape_cast %get3A_507 : vector<1x16xf32> to vector<16xf32>
            %mul3A_509 = arith.mulf %get3A_504, %get3A_508 : vector<16xf32>
            %swap3A_510 = arith.index_cast %add3A_416 : i32 to index
            %swap3A_511 = arith.constant 96 : index
            %swap3A_512 = tpu.vector_load %arg13[%swap3A_510, %swap3A_511] {strides = array<i32>} : memref<128x128xf32, #tpu.memory_space<vmem>>, vector<1x16xf32>,
            %swap3A_513 = vector.shape_cast %swap3A_512 : vector<1x16xf32> to vector<16xf32>
            %swap3A_514 = vector.shape_cast %mul3A_509 : vector<16xf32> to vector<1x16xf32>
            tpu.vector_store %arg13[%swap3A_510, %swap3A_511], %swap3A_514 {strides = array<i32>} : memref<128x128xf32, #tpu.memory_space<vmem>>, vector<1x16xf32>,
            %get3A_515 = arith.index_cast %add3A_416 : i32 to index
            %get3A_516 = arith.constant 112 : index
            %get3A_517 = tpu.vector_load %arg13[%get3A_515, %get3A_516] {strides = array<i32>} : memref<128x128xf32, #tpu.memory_space<vmem>>, vector<1x16xf32>,
            %get3A_518 = vector.shape_cast %get3A_517 : vector<1x16xf32> to vector<16xf32>
            %get3A_519 = arith.index_cast %add3A_416 : i32 to index
            %get3A_520 = arith.constant 112 : index
            %get3A_521 = tpu.vector_load %arg11[%get3A_519, %get3A_520] {strides = array<i32>} : memref<128x128xf32, #tpu.memory_space<vmem>>, vector<1x16xf32>,
            %get3A_522 = vector.shape_cast %get3A_521 : vector<1x16xf32> to vector<16xf32>
            %mul3A_523 = arith.mulf %get3A_518, %get3A_522 : vector<16xf32>
            %swap3A_524 = arith.index_cast %add3A_416 : i32 to index
            %swap3A_525 = arith.constant 112 : index
            %swap3A_526 = tpu.vector_load %arg13[%swap3A_524, %swap3A_525] {strides = array<i32>} : memref<128x128xf32, #tpu.memory_space<vmem>>, vector<1x16xf32>,
            %swap3A_527 = vector.shape_cast %swap3A_526 : vector<1x16xf32> to vector<16xf32>
            %swap3A_528 = vector.shape_cast %mul3A_523 : vector<16xf32> to vector<1x16xf32>
            tpu.vector_store %arg13[%swap3A_524, %swap3A_525], %swap3A_528 {strides = array<i32>} : memref<128x128xf32, #tpu.memory_space<vmem>>, vector<1x16xf32>,
          }
          %scan3A_411 = arith.constant 128 : i32
          %run_scoped3A = arith.constant 0 : i32
          "tpu.region"() ({
            %run_scoped3A_412 = tpu.sem_alloc : memref<!tpu.dma_semaphore, #tpu.memory_space<semaphore_mem>>
            %dma_start3A = arith.constant 0 : i32
            %dma_start3A_413 = tpu.memref_slice %arg15[%run_scoped3A, %dma_start3A] : memref<8x128xi32, #tpu.memory_space<vmem>> -> memref<1x128xi32, #tpu.memory_space<vmem>>
            %dma_start3A_414 = tpu.memref_squeeze %dma_start3A_413 : memref<1x128xi32, #tpu.memory_space<vmem>> -> memref<128xi32, #tpu.memory_space<vmem>>
            %dma_start3A_415 = arith.constant 0 : i32
            %dma_start3A_416 = arith.constant 0 : i32
            %dma_start3A_417 = tpu.memref_slice %arg17[%dma_start3A_415, %dma_start3A_416] : memref<1920x128xf32, #tpu.memory_space<vmem_shared>> -> memref<1920x128xf32, #tpu.memory_space<vmem_shared>>
            tpu.enqueue_indirect_dma source(%arg13 : memref<128x128xf32, #tpu.memory_space<vmem>>) target(%dma_start3A_417 : memref<1920x128xf32, #tpu.memory_space<vmem_shared>>) offsets(%dma_start3A_414 : memref<128xi32, #tpu.memory_space<vmem>>) semaphore(%run_scoped3A_412 : memref<!tpu.dma_semaphore, #tpu.memory_space<semaphore_mem>>) {add = true}
            %dma_wait3A_418 = arith.constant 0 : i32
            %dma_wait3A_419 = tpu.memref_slice %arg15[%run_scoped3A, %dma_wait3A_418] : memref<8x128xi32, #tpu.memory_space<vmem>> -> memref<1x128xi32, #tpu.memory_space<vmem>>
            %dma_wait3A_420 = tpu.memref_squeeze %dma_wait3A_419 : memref<1x128xi32, #tpu.memory_space<vmem>> -> memref<128xi32, #tpu.memory_space<vmem>>
            %dma_wait3A_421 = arith.constant 0 : i32
            %dma_wait3A_422 = arith.constant 0 : i32
            %dma_wait3A_423 = tpu.memref_slice %arg17[%dma_wait3A_421, %dma_wait3A_422] : memref<1920x128xf32, #tpu.memory_space<vmem_shared>> -> memref<1920x128xf32, #tpu.memory_space<vmem_shared>>
            tpu.wait_indirect_dma semaphore(%run_scoped3A_412 : memref<!tpu.dma_semaphore, #tpu.memory_space<semaphore_mem>>) src(%arg13 : memref<128x128xf32, #tpu.memory_space<vmem>>) dst(%dma_wait3A_423 : memref<1920x128xf32, #tpu.memory_space<vmem_shared>>)
            tpu.yield
          }) : () -> ()
        } else {
        }
      } else {
      }
    }
    %barrier3A_94 = arith.constant 0 : index
    tpu.barrier barrier_id(%barrier3A_94)
    %mul3A_95 = arith.constant 112 : i32
    %mul3A_96 = arith.muli %arg1, %mul3A_95 : i32
    %multiple_of3A_97 = tpu.assume_multiple %mul3A_96, 8 : i32
    %mul3A_98 = arith.constant 112 : i32
    %mul3A_99 = arith.muli %arg1, %mul3A_98 : i32
    %add3A_100 = arith.addi %mul3A_71, %mul3A_99 : i32
    %multiple_of3A_101 = tpu.assume_multiple %add3A_100, 8 : i32
    %sub3A_102 = arith.constant 10000 : i32
    %sub3A_103 = arith.subi %sub3A_102, %multiple_of3A_101 : i32
    %ge3A_104 = arith.constant 112 : i32
    %ge3A_105 = arith.cmpi sge, %sub3A_103, %ge3A_104 : i32
    %convert_element_type3A_106 = arith.extui %ge3A_105 : i1 to i32
    %cond3A_107 = arith.constant 0 : i32
    %cond3A_108 = arith.cmpi ne, %convert_element_type3A_106, %cond3A_107 : i32
    scf.if %cond3A_108 {
      "tpu.region"() ({
        %run_scoped3A = tpu.sem_alloc : memref<!tpu.dma_semaphore, #tpu.memory_space<semaphore_mem>>
        %dma_start3A = arith.constant 0 : i32
        %dma_start3A_184 = tpu.memref_slice %arg8[%multiple_of3A_101, %dma_start3A] : memref<10000x128xf32, #tpu.memory_space<hbm>> -> memref<112x128xf32, #tpu.memory_space<hbm>>
        %dma_start3A_185 = arith.constant 0 : i32
        %dma_start3A_186 = tpu.memref_slice %arg17[%multiple_of3A_97, %dma_start3A_185] : memref<1920x128xf32, #tpu.memory_space<vmem_shared>> -> memref<112x128xf32, #tpu.memory_space<vmem_shared>>
        tpu.enqueue_dma source(%dma_start3A_186 : memref<112x128xf32, #tpu.memory_space<vmem_shared>>) target(%dma_start3A_184 : memref<112x128xf32, #tpu.memory_space<hbm>>) target_semaphore(%run_scoped3A : memref<!tpu.dma_semaphore, #tpu.memory_space<semaphore_mem>>)
        %dma_wait3A = arith.constant 0 : i32
        %dma_wait3A_187 = tpu.memref_slice %arg8[%multiple_of3A_101, %dma_wait3A] : memref<10000x128xf32, #tpu.memory_space<hbm>> -> memref<112x128xf32, #tpu.memory_space<hbm>>
        %dma_wait3A_188 = arith.constant 0 : i32
        %dma_wait3A_189 = tpu.memref_slice %arg17[%multiple_of3A_97, %dma_wait3A_188] : memref<1920x128xf32, #tpu.memory_space<vmem_shared>> -> memref<112x128xf32, #tpu.memory_space<vmem_shared>>
        tpu.wait_dma2 semaphore(%run_scoped3A : memref<!tpu.dma_semaphore, #tpu.memory_space<semaphore_mem>>) src(%dma_wait3A_189 : memref<112x128xf32, #tpu.memory_space<vmem_shared>>) dst(%dma_wait3A_187 : memref<112x128xf32, #tpu.memory_space<hbm>>)
        tpu.yield
      }) : () -> ()
    } else {
    }
    %gt3A_109 = arith.constant 0 : i32
    %gt3A_110 = arith.cmpi sgt, %sub3A_103, %gt3A_109 : i32
    %lt3A_111 = arith.constant 112 : i32
    %lt3A_112 = arith.cmpi slt, %sub3A_103, %lt3A_111 : i32
    %and3A_113 = arith.andi %gt3A_110, %lt3A_112 : i1
    %convert_element_type3A_114 = arith.extui %and3A_113 : i1 to i32
    %cond3A_115 = arith.constant 0 : i32
    %cond3A_116 = arith.cmpi ne, %convert_element_type3A_114, %cond3A_115 : i32
    scf.if %cond3A_116 {
      "tpu.region"() ({
        %run_scoped3A = tpu.sem_alloc : memref<!tpu.dma_semaphore, #tpu.memory_space<semaphore_mem>>
        %dma_start3A = arith.constant 0 : i32
        %dma_start3A_184 = tpu.memref_slice %arg8[%multiple_of3A_101, %dma_start3A] : memref<10000x128xf32, #tpu.memory_space<hbm>> -> memref<32x128xf32, #tpu.memory_space<hbm>>
        %dma_start3A_185 = arith.constant 0 : i32
        %dma_start3A_186 = tpu.memref_slice %arg17[%multiple_of3A_97, %dma_start3A_185] : memref<1920x128xf32, #tpu.memory_space<vmem_shared>> -> memref<32x128xf32, #tpu.memory_space<vmem_shared>>
        tpu.enqueue_dma source(%dma_start3A_186 : memref<32x128xf32, #tpu.memory_space<vmem_shared>>) target(%dma_start3A_184 : memref<32x128xf32, #tpu.memory_space<hbm>>) target_semaphore(%run_scoped3A : memref<!tpu.dma_semaphore, #tpu.memory_space<semaphore_mem>>)
        %dma_wait3A = arith.constant 0 : i32
        %dma_wait3A_187 = tpu.memref_slice %arg8[%multiple_of3A_101, %dma_wait3A] : memref<10000x128xf32, #tpu.memory_space<hbm>> -> memref<32x128xf32, #tpu.memory_space<hbm>>
        %dma_wait3A_188 = arith.constant 0 : i32
        %dma_wait3A_189 = tpu.memref_slice %arg17[%multiple_of3A_97, %dma_wait3A_188] : memref<1920x128xf32, #tpu.memory_space<vmem_shared>> -> memref<32x128xf32, #tpu.memory_space<vmem_shared>>
        tpu.wait_dma2 semaphore(%run_scoped3A : memref<!tpu.dma_semaphore, #tpu.memory_space<semaphore_mem>>) src(%dma_wait3A_189 : memref<32x128xf32, #tpu.memory_space<vmem_shared>>) dst(%dma_wait3A_187 : memref<32x128xf32, #tpu.memory_space<hbm>>)
        tpu.yield
      }) : () -> ()
    } else {
    }
    %barrier3A_117 = arith.constant 0 : index
    tpu.barrier barrier_id(%barrier3A_117)
    %mul3A_118 = arith.constant 3 : i32
    %mul3A_119 = arith.muli %arg0, %mul3A_118 : i32
    %mul3A_120 = arith.constant 16 : i32
    %mul3A_121 = arith.muli %mul3A_119, %mul3A_120 : i32
    %add3A_122 = arith.constant 32 : i32
    %add3A_123 = arith.addi %mul3A_121, %add3A_122 : i32
    %add3A_124 = arith.addi %add3A_123, %arg1 : i32
    "tpu.region"() ({
      %run_scoped3A = tpu.sem_alloc : memref<!tpu.dma_semaphore, #tpu.memory_space<semaphore_mem>>
      %dma_start3A = arith.constant 0 : i32
      %dma_start3A_184 = tpu.memref_slice %arg6[%add3A_124, %dma_start3A] : memref<96x16xi32, #tpu.memory_space<hbm>> -> memref<1x16xi32, #tpu.memory_space<hbm>>
      %dma_start3A_185 = tpu.memref_squeeze %dma_start3A_184 : memref<1x16xi32, #tpu.memory_space<hbm>> -> memref<16xi32, #tpu.memory_space<hbm>>
      %dma_start3A_186 = arith.constant 0 : i32
      %dma_start3A_187 = tpu.memref_slice %arg6[%add3A_124, %dma_start3A_186] : memref<96x16xi32, #tpu.memory_space<hbm>> -> memref<1x16xi32, #tpu.memory_space<hbm>>
      %dma_start3A_188 = tpu.memref_squeeze %dma_start3A_187 : memref<1x16xi32, #tpu.memory_space<hbm>> -> memref<16xi32, #tpu.memory_space<hbm>>
      tpu.enqueue_dma source(%dma_start3A_188 : memref<16xi32, #tpu.memory_space<hbm>>) target(%arg18 : memref<16xi32, #tpu.memory_space<vmem>>) target_semaphore(%run_scoped3A : memref<!tpu.dma_semaphore, #tpu.memory_space<semaphore_mem>>)
      %dma_wait3A = arith.constant 0 : i32
      %dma_wait3A_189 = tpu.memref_slice %arg6[%add3A_124, %dma_wait3A] : memref<96x16xi32, #tpu.memory_space<hbm>> -> memref<1x16xi32, #tpu.memory_space<hbm>>
      %dma_wait3A_190 = tpu.memref_squeeze %dma_wait3A_189 : memref<1x16xi32, #tpu.memory_space<hbm>> -> memref<16xi32, #tpu.memory_space<hbm>>
      %dma_wait3A_191 = arith.constant 0 : i32
      %dma_wait3A_192 = tpu.memref_slice %arg6[%add3A_124, %dma_wait3A_191] : memref<96x16xi32, #tpu.memory_space<hbm>> -> memref<1x16xi32, #tpu.memory_space<hbm>>
      %dma_wait3A_193 = tpu.memref_squeeze %dma_wait3A_192 : memref<1x16xi32, #tpu.memory_space<hbm>> -> memref<16xi32, #tpu.memory_space<hbm>>
      tpu.wait_dma2 semaphore(%run_scoped3A : memref<!tpu.dma_semaphore, #tpu.memory_space<semaphore_mem>>) src(%dma_wait3A_193 : memref<16xi32, #tpu.memory_space<hbm>>) dst(%arg18 : memref<16xi32, #tpu.memory_space<vmem>>)
      tpu.yield
    }) : () -> ()
    %get3A_125 = arith.constant 0 : index
    %get3A_126 = tpu.vector_load %arg18[%get3A_125] {strides = array<i32>} : memref<16xi32, #tpu.memory_space<vmem>>, vector<16xi32>,
    %get3A_127 = vector.shape_cast %get3A_126 : vector<16xi32> to vector<16xi32>
    %slice3A_128 = vector.extract_strided_slice %get3A_127 {offsets = [0], sizes = [1], strides = [1]} : vector<16xi32> to vector<1xi32>
    %squeeze3A_129 = vector.extract %slice3A_128[0] : i32 from vector<1xi32>
    %multiple_of3A_130 = tpu.assume_multiple %squeeze3A_129, 8 : i32
    %slice3A_131 = vector.extract_strided_slice %get3A_127 {offsets = [1], sizes = [1], strides = [1]} : vector<16xi32> to vector<1xi32>
    %squeeze3A_132 = vector.extract %slice3A_131[0] : i32 from vector<1xi32>
    %slice3A_133 = vector.extract_strided_slice %get3A_127 {offsets = [2], sizes = [1], strides = [1]} : vector<16xi32> to vector<1xi32>
    %squeeze3A_134 = vector.extract %slice3A_133[0] : i32 from vector<1xi32>
    %add3A_135 = arith.constant 4 : i32
    %add3A_136 = arith.addi %add3A_135, %arg0 : i32
    %mul3A_137 = arith.constant 1792 : i32
    %mul3A_138 = arith.muli %add3A_136, %mul3A_137 : i32
    %mul3A_139 = arith.constant 120 : i32
    %mul3A_140 = arith.muli %arg1, %mul3A_139 : i32
    "tpu.region"() ({
      %run_scoped3A = tpu.sem_alloc : memref<!tpu.dma_semaphore, #tpu.memory_space<semaphore_mem>>
      %dma_start3A = arith.constant 0 : i32
      %dma_start3A_184 = tpu.memref_slice %arg17[%mul3A_140, %dma_start3A] : memref<1920x128xf32, #tpu.memory_space<vmem_shared>> -> memref<120x128xf32, #tpu.memory_space<vmem_shared>>
      tpu.enqueue_dma source(%arg7 : memref<120x128xf32, #tpu.memory_space<hbm>>) target(%dma_start3A_184 : memref<120x128xf32, #tpu.memory_space<vmem_shared>>) target_semaphore(%run_scoped3A : memref<!tpu.dma_semaphore, #tpu.memory_space<semaphore_mem>>)
      %dma_wait3A = arith.constant 0 : i32
      %dma_wait3A_185 = tpu.memref_slice %arg17[%mul3A_140, %dma_wait3A] : memref<1920x128xf32, #tpu.memory_space<vmem_shared>> -> memref<120x128xf32, #tpu.memory_space<vmem_shared>>
      tpu.wait_dma2 semaphore(%run_scoped3A : memref<!tpu.dma_semaphore, #tpu.memory_space<semaphore_mem>>) src(%arg7 : memref<120x128xf32, #tpu.memory_space<hbm>>) dst(%dma_wait3A_185 : memref<120x128xf32, #tpu.memory_space<vmem_shared>>)
      tpu.yield
    }) : () -> ()
    "tpu.region"() ({
      %run_scoped3A = tpu.sem_alloc : memref<!tpu.dma_semaphore, #tpu.memory_space<semaphore_mem>>
      %dma_start3A = arith.constant 0 : i32
      %dma_start3A_184 = tpu.memref_slice %arg4[%multiple_of3A_130, %dma_start3A] : memref<2504x128xi32, #tpu.memory_space<hbm>> -> memref<184x128xi32, #tpu.memory_space<hbm>>
      %dma_start3A_185 = arith.constant 0 : i32
      %dma_start3A_186 = tpu.memref_slice %arg4[%multiple_of3A_130, %dma_start3A_185] : memref<2504x128xi32, #tpu.memory_space<hbm>> -> memref<184x128xi32, #tpu.memory_space<hbm>>
      tpu.enqueue_dma source(%dma_start3A_186 : memref<184x128xi32, #tpu.memory_space<hbm>>) target(%arg9 : memref<184x128xi32, #tpu.memory_space<vmem>>) target_semaphore(%run_scoped3A : memref<!tpu.dma_semaphore, #tpu.memory_space<semaphore_mem>>)
      %dma_wait3A = arith.constant 0 : i32
      %dma_wait3A_187 = tpu.memref_slice %arg4[%multiple_of3A_130, %dma_wait3A] : memref<2504x128xi32, #tpu.memory_space<hbm>> -> memref<184x128xi32, #tpu.memory_space<hbm>>
      %dma_wait3A_188 = arith.constant 0 : i32
      %dma_wait3A_189 = tpu.memref_slice %arg4[%multiple_of3A_130, %dma_wait3A_188] : memref<2504x128xi32, #tpu.memory_space<hbm>> -> memref<184x128xi32, #tpu.memory_space<hbm>>
      tpu.wait_dma2 semaphore(%run_scoped3A : memref<!tpu.dma_semaphore, #tpu.memory_space<semaphore_mem>>) src(%dma_wait3A_189 : memref<184x128xi32, #tpu.memory_space<hbm>>) dst(%arg9 : memref<184x128xi32, #tpu.memory_space<vmem>>)
      tpu.yield
    }) : () -> ()
    "tpu.region"() ({
      %run_scoped3A = tpu.sem_alloc : memref<!tpu.dma_semaphore, #tpu.memory_space<semaphore_mem>>
      %dma_start3A = arith.constant 0 : i32
      %dma_start3A_184 = tpu.memref_slice %arg5[%multiple_of3A_130, %dma_start3A] : memref<2504x128xi32, #tpu.memory_space<hbm>> -> memref<184x128xi32, #tpu.memory_space<hbm>>
      %dma_start3A_185 = arith.constant 0 : i32
      %dma_start3A_186 = tpu.memref_slice %arg5[%multiple_of3A_130, %dma_start3A_185] : memref<2504x128xi32, #tpu.memory_space<hbm>> -> memref<184x128xi32, #tpu.memory_space<hbm>>
      tpu.enqueue_dma source(%dma_start3A_186 : memref<184x128xi32, #tpu.memory_space<hbm>>) target(%arg10 : memref<184x128xi32, #tpu.memory_space<vmem>>) target_semaphore(%run_scoped3A : memref<!tpu.dma_semaphore, #tpu.memory_space<semaphore_mem>>)
      %dma_wait3A = arith.constant 0 : i32
      %dma_wait3A_187 = tpu.memref_slice %arg5[%multiple_of3A_130, %dma_wait3A] : memref<2504x128xi32, #tpu.memory_space<hbm>> -> memref<184x128xi32, #tpu.memory_space<hbm>>
      %dma_wait3A_188 = arith.constant 0 : i32
      %dma_wait3A_189 = tpu.memref_slice %arg5[%multiple_of3A_130, %dma_wait3A_188] : memref<2504x128xi32, #tpu.memory_space<hbm>> -> memref<184x128xi32, #tpu.memory_space<hbm>>
      tpu.wait_dma2 semaphore(%run_scoped3A : memref<!tpu.dma_semaphore, #tpu.memory_space<semaphore_mem>>) src(%dma_wait3A_189 : memref<184x128xi32, #tpu.memory_space<hbm>>) dst(%arg10 : memref<184x128xi32, #tpu.memory_space<vmem>>)
      tpu.yield
    }) : () -> ()
    %barrier3A_141 = arith.constant 0 : index
    tpu.barrier barrier_id(%barrier3A_141)
    %add3A_142 = arith.constant 1 : i32
    %add3A_143 = arith.addi %squeeze3A_134, %add3A_142 : i32
    %sub3A_144 = arith.subi %add3A_143, %squeeze3A_132 : i32
    %sub3A_145 = arith.constant 1 : i32
    %sub3A_146 = arith.constant 1 : i32
    %sub3A_147 = arith.subi %sub3A_145, %sub3A_146 : i32
    %add3A_148 = arith.addi %sub3A_144, %sub3A_147 : i32
    %div3A_149 = arith.constant 1 : i32
    %div3A_150 = arith.divsi %add3A_148, %div3A_149 : i32
    %while3A_151 = arith.constant 1 : i32
    %while3A_152 = arith.constant 0 : i32
    %while3A_153 = arith.subi %div3A_150, %while3A_152 : i32
    %while3A_154 = arith.addi %while3A_152, %while3A_153 : i32
    %while3A_155 = arith.constant 1 : i32
    %while3A_156 = arith.divsi %while3A_153, %while3A_155 : i32
    %while3A_157 = arith.muli %while3A_156, %while3A_155 : i32
    %while3A_158 = arith.addi %while3A_152, %while3A_157 : i32
    %while3A_159 = arith.constant 1 : i32
    scf.for %while3A_184 = %while3A_152 to %while3A_158 step %while3A_159  : i32 {
      %mul3A_185 = arith.muli %while3A_184, %while3A_151 : i32
      %add3A_186 = arith.addi %squeeze3A_132, %mul3A_185 : i32
      %jit3A = arith.constant 2 : i32
      %eq3A = arith.constant 0 : i32
      %eq3A_187 = arith.cmpi eq, %jit3A, %eq3A : i32
      %jit3A_188 = arith.constant 1 : i32
      %select_n3A = arith.select %eq3A_187, %jit3A_188, %jit3A : i32
      %rem3A = arith.remsi %add3A_186, %select_n3A : i32
      %ne3A = arith.constant 0 : i32
      %ne3A_189 = arith.cmpi ne, %rem3A, %ne3A : i32
      %lt3A_190 = arith.constant 0 : i32
      %lt3A_191 = arith.cmpi slt, %rem3A, %lt3A_190 : i32
      %lt3A_192 = arith.constant 0 : i32
      %lt3A_193 = arith.cmpi slt, %select_n3A, %lt3A_192 : i32
      %ne3A_194 = arith.xori %lt3A_191, %lt3A_193 : i1
      %and3A_195 = arith.andi %ne3A_194, %ne3A_189 : i1
      %add3A_196 = arith.addi %rem3A, %select_n3A : i32
      %select_n3A_197 = arith.select %and3A_195, %add3A_196, %rem3A : i32
      %eq3A_198 = arith.constant 0 : i32
      %eq3A_199 = arith.cmpi eq, %select_n3A_197, %eq3A_198 : i32
      %convert_element_type3A_200 = arith.extui %eq3A_199 : i1 to i32
      %cond3A_201 = arith.constant 0 : i32
      %cond3A_202 = arith.cmpi ne, %convert_element_type3A_200, %cond3A_201 : i32
      scf.if %cond3A_202 {
        %lt3A_207 = arith.cmpi slt, %add3A_186, %squeeze3A_134 : i32
        %convert_element_type3A_208 = arith.extui %lt3A_207 : i1 to i32
        %cond3A_209 = arith.constant 0 : i32
        %cond3A_210 = arith.cmpi ne, %convert_element_type3A_208, %cond3A_209 : i32
        scf.if %cond3A_210 {
          %sub3A_217 = arith.subi %add3A_186, %multiple_of3A_130 : i32
          %dma_start3A = arith.constant 0 : i32
          %dma_start3A_218 = tpu.memref_slice %arg9[%sub3A_217, %dma_start3A] : memref<184x128xi32, #tpu.memory_space<vmem>> -> memref<1x128xi32, #tpu.memory_space<vmem>>
          %dma_start3A_219 = tpu.memref_squeeze %dma_start3A_218 : memref<1x128xi32, #tpu.memory_space<vmem>> -> memref<128xi32, #tpu.memory_space<vmem>>
          %dma_start3A_220 = arith.constant 0 : i32
          %dma_start3A_221 = arith.constant 0 : i32
          %dma_start3A_222 = tpu.memref_slice %arg2[%dma_start3A_220, %dma_start3A_221] : memref<10000x128xf32, #tpu.memory_space<hbm>> -> memref<10000x128xf32, #tpu.memory_space<hbm>>
          tpu.enqueue_indirect_dma source(%dma_start3A_222 : memref<10000x128xf32, #tpu.memory_space<hbm>>) target(%arg13 : memref<128x128xf32, #tpu.memory_space<vmem>>) offsets(%dma_start3A_219 : memref<128xi32, #tpu.memory_space<vmem>>) semaphore(%arg19 : memref<!tpu.dma_semaphore, #tpu.memory_space<semaphore_mem>>)
          %mul3A_223 = arith.constant 128 : i32
          %mul3A_224 = arith.muli %add3A_186, %mul3A_223 : i32
          %multiple_of3A_225 = tpu.assume_multiple %mul3A_224, 8 : i32
          %dma_start3A_226 = arith.constant 0 : i32
          %dma_start3A_227 = tpu.memref_slice %arg3[%multiple_of3A_225, %dma_start3A_226] : memref<320000x128xf32, #tpu.memory_space<hbm>> -> memref<128x128xf32, #tpu.memory_space<hbm>>
          %dma_start3A_228 = arith.constant 0 : i32
          %dma_start3A_229 = tpu.memref_slice %arg3[%multiple_of3A_225, %dma_start3A_228] : memref<320000x128xf32, #tpu.memory_space<hbm>> -> memref<128x128xf32, #tpu.memory_space<hbm>>
          tpu.enqueue_dma source(%dma_start3A_229 : memref<128x128xf32, #tpu.memory_space<hbm>>) target(%arg11 : memref<128x128xf32, #tpu.memory_space<vmem>>) target_semaphore(%arg21 : memref<!tpu.dma_semaphore, #tpu.memory_space<semaphore_mem>>)
        } else {
        }
        %sub3A_211 = arith.constant 1 : i32
        %sub3A_212 = arith.subi %add3A_186, %sub3A_211 : i32
        %ge3A_213 = arith.cmpi sge, %sub3A_212, %squeeze3A_132 : i32
        %convert_element_type3A_214 = arith.extui %ge3A_213 : i1 to i32
        %cond3A_215 = arith.constant 0 : i32
        %cond3A_216 = arith.cmpi ne, %convert_element_type3A_214, %cond3A_215 : i32
        scf.if %cond3A_216 {
          %sub3A_217 = arith.constant 1 : i32
          %sub3A_218 = arith.subi %add3A_186, %sub3A_217 : i32
          %sub3A_219 = arith.subi %sub3A_218, %multiple_of3A_130 : i32
          %get3A_220 = arith.index_cast %sub3A_219 : i32 to index
          %get3A_221 = arith.constant 0 : index
          %get3A_222 = tpu.vector_load %arg10[%get3A_220, %get3A_221] {strides = array<i32>} : memref<184x128xi32, #tpu.memory_space<vmem>>, vector<1x16xi32>,
          %get3A_223 = vector.shape_cast %get3A_222 : vector<1x16xi32> to vector<16xi32>
          %sub3A_224 = vector.broadcast %mul3A_138 : i32 to vector<16xi32>
          %sub3A_225 = arith.subi %get3A_223, %sub3A_224 : vector<16xi32>
          %ge3A_226 = arith.constant 0 : i32
          %ge3A_227 = vector.broadcast %ge3A_226 : i32 to vector<16xi32>
          %ge3A_228 = arith.cmpi sge, %sub3A_225, %ge3A_227 : vector<16xi32>
          %lt3A_229 = arith.constant 1792 : i32
          %lt3A_230 = vector.broadcast %lt3A_229 : i32 to vector<16xi32>
          %lt3A_231 = arith.cmpi slt, %sub3A_225, %lt3A_230 : vector<16xi32>
          %and3A_232 = arith.andi %ge3A_228, %lt3A_231 : vector<16xi1>
          %jit3A_233 = arith.constant 1792 : i32
          %broadcast_in_dim3A = vector.broadcast %jit3A_233 : i32 to vector<16xi32>
          %select_n3A_234 = arith.select %and3A_232, %sub3A_225, %broadcast_in_dim3A : vector<16xi1>, vector<16xi32>
          %swap3A = arith.constant 0 : i32
          %swap3A_235 = arith.index_cast %swap3A : i32 to index
          %swap3A_236 = arith.constant 0 : index
          %swap3A_237 = tpu.vector_load %arg16[%swap3A_235, %swap3A_236] {strides = array<i32>} : memref<8x128xi32, #tpu.memory_space<vmem>>, vector<1x16xi32>,
          %swap3A_238 = vector.shape_cast %swap3A_237 : vector<1x16xi32> to vector<16xi32>
          %swap3A_239 = vector.shape_cast %select_n3A_234 : vector<16xi32> to vector<1x16xi32>
          tpu.vector_store %arg16[%swap3A_235, %swap3A_236], %swap3A_239 {strides = array<i32>} : memref<8x128xi32, #tpu.memory_space<vmem>>, vector<1x16xi32>,
          %get3A_240 = arith.index_cast %sub3A_219 : i32 to index
          %get3A_241 = arith.constant 16 : index
          %get3A_242 = tpu.vector_load %arg10[%get3A_240, %get3A_241] {strides = array<i32>} : memref<184x128xi32, #tpu.memory_space<vmem>>, vector<1x16xi32>,
          %get3A_243 = vector.shape_cast %get3A_242 : vector<1x16xi32> to vector<16xi32>
          %sub3A_244 = vector.broadcast %mul3A_138 : i32 to vector<16xi32>
          %sub3A_245 = arith.subi %get3A_243, %sub3A_244 : vector<16xi32>
          %ge3A_246 = arith.constant 0 : i32
          %ge3A_247 = vector.broadcast %ge3A_246 : i32 to vector<16xi32>
          %ge3A_248 = arith.cmpi sge, %sub3A_245, %ge3A_247 : vector<16xi32>
          %lt3A_249 = arith.constant 1792 : i32
          %lt3A_250 = vector.broadcast %lt3A_249 : i32 to vector<16xi32>
          %lt3A_251 = arith.cmpi slt, %sub3A_245, %lt3A_250 : vector<16xi32>
          %and3A_252 = arith.andi %ge3A_248, %lt3A_251 : vector<16xi1>
          %jit3A_253 = arith.constant 1792 : i32
          %broadcast_in_dim3A_254 = vector.broadcast %jit3A_253 : i32 to vector<16xi32>
          %select_n3A_255 = arith.select %and3A_252, %sub3A_245, %broadcast_in_dim3A_254 : vector<16xi1>, vector<16xi32>
          %swap3A_256 = arith.constant 0 : i32
          %swap3A_257 = arith.index_cast %swap3A_256 : i32 to index
          %swap3A_258 = arith.constant 16 : index
          %swap3A_259 = tpu.vector_load %arg16[%swap3A_257, %swap3A_258] {strides = array<i32>} : memref<8x128xi32, #tpu.memory_space<vmem>>, vector<1x16xi32>,
          %swap3A_260 = vector.shape_cast %swap3A_259 : vector<1x16xi32> to vector<16xi32>
          %swap3A_261 = vector.shape_cast %select_n3A_255 : vector<16xi32> to vector<1x16xi32>
          tpu.vector_store %arg16[%swap3A_257, %swap3A_258], %swap3A_261 {strides = array<i32>} : memref<8x128xi32, #tpu.memory_space<vmem>>, vector<1x16xi32>,
          %get3A_262 = arith.index_cast %sub3A_219 : i32 to index
          %get3A_263 = arith.constant 32 : index
          %get3A_264 = tpu.vector_load %arg10[%get3A_262, %get3A_263] {strides = array<i32>} : memref<184x128xi32, #tpu.memory_space<vmem>>, vector<1x16xi32>,
          %get3A_265 = vector.shape_cast %get3A_264 : vector<1x16xi32> to vector<16xi32>
          %sub3A_266 = vector.broadcast %mul3A_138 : i32 to vector<16xi32>
          %sub3A_267 = arith.subi %get3A_265, %sub3A_266 : vector<16xi32>
          %ge3A_268 = arith.constant 0 : i32
          %ge3A_269 = vector.broadcast %ge3A_268 : i32 to vector<16xi32>
          %ge3A_270 = arith.cmpi sge, %sub3A_267, %ge3A_269 : vector<16xi32>
          %lt3A_271 = arith.constant 1792 : i32
          %lt3A_272 = vector.broadcast %lt3A_271 : i32 to vector<16xi32>
          %lt3A_273 = arith.cmpi slt, %sub3A_267, %lt3A_272 : vector<16xi32>
          %and3A_274 = arith.andi %ge3A_270, %lt3A_273 : vector<16xi1>
          %jit3A_275 = arith.constant 1792 : i32
          %broadcast_in_dim3A_276 = vector.broadcast %jit3A_275 : i32 to vector<16xi32>
          %select_n3A_277 = arith.select %and3A_274, %sub3A_267, %broadcast_in_dim3A_276 : vector<16xi1>, vector<16xi32>
          %swap3A_278 = arith.constant 0 : i32
          %swap3A_279 = arith.index_cast %swap3A_278 : i32 to index
          %swap3A_280 = arith.constant 32 : index
          %swap3A_281 = tpu.vector_load %arg16[%swap3A_279, %swap3A_280] {strides = array<i32>} : memref<8x128xi32, #tpu.memory_space<vmem>>, vector<1x16xi32>,
          %swap3A_282 = vector.shape_cast %swap3A_281 : vector<1x16xi32> to vector<16xi32>
          %swap3A_283 = vector.shape_cast %select_n3A_277 : vector<16xi32> to vector<1x16xi32>
          tpu.vector_store %arg16[%swap3A_279, %swap3A_280], %swap3A_283 {strides = array<i32>} : memref<8x128xi32, #tpu.memory_space<vmem>>, vector<1x16xi32>,
          %get3A_284 = arith.index_cast %sub3A_219 : i32 to index
          %get3A_285 = arith.constant 48 : index
          %get3A_286 = tpu.vector_load %arg10[%get3A_284, %get3A_285] {strides = array<i32>} : memref<184x128xi32, #tpu.memory_space<vmem>>, vector<1x16xi32>,
          %get3A_287 = vector.shape_cast %get3A_286 : vector<1x16xi32> to vector<16xi32>
          %sub3A_288 = vector.broadcast %mul3A_138 : i32 to vector<16xi32>
          %sub3A_289 = arith.subi %get3A_287, %sub3A_288 : vector<16xi32>
          %ge3A_290 = arith.constant 0 : i32
          %ge3A_291 = vector.broadcast %ge3A_290 : i32 to vector<16xi32>
          %ge3A_292 = arith.cmpi sge, %sub3A_289, %ge3A_291 : vector<16xi32>
          %lt3A_293 = arith.constant 1792 : i32
          %lt3A_294 = vector.broadcast %lt3A_293 : i32 to vector<16xi32>
          %lt3A_295 = arith.cmpi slt, %sub3A_289, %lt3A_294 : vector<16xi32>
          %and3A_296 = arith.andi %ge3A_292, %lt3A_295 : vector<16xi1>
          %jit3A_297 = arith.constant 1792 : i32
          %broadcast_in_dim3A_298 = vector.broadcast %jit3A_297 : i32 to vector<16xi32>
          %select_n3A_299 = arith.select %and3A_296, %sub3A_289, %broadcast_in_dim3A_298 : vector<16xi1>, vector<16xi32>
          %swap3A_300 = arith.constant 0 : i32
          %swap3A_301 = arith.index_cast %swap3A_300 : i32 to index
          %swap3A_302 = arith.constant 48 : index
          %swap3A_303 = tpu.vector_load %arg16[%swap3A_301, %swap3A_302] {strides = array<i32>} : memref<8x128xi32, #tpu.memory_space<vmem>>, vector<1x16xi32>,
          %swap3A_304 = vector.shape_cast %swap3A_303 : vector<1x16xi32> to vector<16xi32>
          %swap3A_305 = vector.shape_cast %select_n3A_299 : vector<16xi32> to vector<1x16xi32>
          tpu.vector_store %arg16[%swap3A_301, %swap3A_302], %swap3A_305 {strides = array<i32>} : memref<8x128xi32, #tpu.memory_space<vmem>>, vector<1x16xi32>,
          %get3A_306 = arith.index_cast %sub3A_219 : i32 to index
          %get3A_307 = arith.constant 64 : index
          %get3A_308 = tpu.vector_load %arg10[%get3A_306, %get3A_307] {strides = array<i32>} : memref<184x128xi32, #tpu.memory_space<vmem>>, vector<1x16xi32>,
          %get3A_309 = vector.shape_cast %get3A_308 : vector<1x16xi32> to vector<16xi32>
          %sub3A_310 = vector.broadcast %mul3A_138 : i32 to vector<16xi32>
          %sub3A_311 = arith.subi %get3A_309, %sub3A_310 : vector<16xi32>
          %ge3A_312 = arith.constant 0 : i32
          %ge3A_313 = vector.broadcast %ge3A_312 : i32 to vector<16xi32>
          %ge3A_314 = arith.cmpi sge, %sub3A_311, %ge3A_313 : vector<16xi32>
          %lt3A_315 = arith.constant 1792 : i32
          %lt3A_316 = vector.broadcast %lt3A_315 : i32 to vector<16xi32>
          %lt3A_317 = arith.cmpi slt, %sub3A_311, %lt3A_316 : vector<16xi32>
          %and3A_318 = arith.andi %ge3A_314, %lt3A_317 : vector<16xi1>
          %jit3A_319 = arith.constant 1792 : i32
          %broadcast_in_dim3A_320 = vector.broadcast %jit3A_319 : i32 to vector<16xi32>
          %select_n3A_321 = arith.select %and3A_318, %sub3A_311, %broadcast_in_dim3A_320 : vector<16xi1>, vector<16xi32>
          %swap3A_322 = arith.constant 0 : i32
          %swap3A_323 = arith.index_cast %swap3A_322 : i32 to index
          %swap3A_324 = arith.constant 64 : index
          %swap3A_325 = tpu.vector_load %arg16[%swap3A_323, %swap3A_324] {strides = array<i32>} : memref<8x128xi32, #tpu.memory_space<vmem>>, vector<1x16xi32>,
          %swap3A_326 = vector.shape_cast %swap3A_325 : vector<1x16xi32> to vector<16xi32>
          %swap3A_327 = vector.shape_cast %select_n3A_321 : vector<16xi32> to vector<1x16xi32>
          tpu.vector_store %arg16[%swap3A_323, %swap3A_324], %swap3A_327 {strides = array<i32>} : memref<8x128xi32, #tpu.memory_space<vmem>>, vector<1x16xi32>,
          %get3A_328 = arith.index_cast %sub3A_219 : i32 to index
          %get3A_329 = arith.constant 80 : index
          %get3A_330 = tpu.vector_load %arg10[%get3A_328, %get3A_329] {strides = array<i32>} : memref<184x128xi32, #tpu.memory_space<vmem>>, vector<1x16xi32>,
          %get3A_331 = vector.shape_cast %get3A_330 : vector<1x16xi32> to vector<16xi32>
          %sub3A_332 = vector.broadcast %mul3A_138 : i32 to vector<16xi32>
          %sub3A_333 = arith.subi %get3A_331, %sub3A_332 : vector<16xi32>
          %ge3A_334 = arith.constant 0 : i32
          %ge3A_335 = vector.broadcast %ge3A_334 : i32 to vector<16xi32>
          %ge3A_336 = arith.cmpi sge, %sub3A_333, %ge3A_335 : vector<16xi32>
          %lt3A_337 = arith.constant 1792 : i32
          %lt3A_338 = vector.broadcast %lt3A_337 : i32 to vector<16xi32>
          %lt3A_339 = arith.cmpi slt, %sub3A_333, %lt3A_338 : vector<16xi32>
          %and3A_340 = arith.andi %ge3A_336, %lt3A_339 : vector<16xi1>
          %jit3A_341 = arith.constant 1792 : i32
          %broadcast_in_dim3A_342 = vector.broadcast %jit3A_341 : i32 to vector<16xi32>
          %select_n3A_343 = arith.select %and3A_340, %sub3A_333, %broadcast_in_dim3A_342 : vector<16xi1>, vector<16xi32>
          %swap3A_344 = arith.constant 0 : i32
          %swap3A_345 = arith.index_cast %swap3A_344 : i32 to index
          %swap3A_346 = arith.constant 80 : index
          %swap3A_347 = tpu.vector_load %arg16[%swap3A_345, %swap3A_346] {strides = array<i32>} : memref<8x128xi32, #tpu.memory_space<vmem>>, vector<1x16xi32>,
          %swap3A_348 = vector.shape_cast %swap3A_347 : vector<1x16xi32> to vector<16xi32>
          %swap3A_349 = vector.shape_cast %select_n3A_343 : vector<16xi32> to vector<1x16xi32>
          tpu.vector_store %arg16[%swap3A_345, %swap3A_346], %swap3A_349 {strides = array<i32>} : memref<8x128xi32, #tpu.memory_space<vmem>>, vector<1x16xi32>,
          %get3A_350 = arith.index_cast %sub3A_219 : i32 to index
          %get3A_351 = arith.constant 96 : index
          %get3A_352 = tpu.vector_load %arg10[%get3A_350, %get3A_351] {strides = array<i32>} : memref<184x128xi32, #tpu.memory_space<vmem>>, vector<1x16xi32>,
          %get3A_353 = vector.shape_cast %get3A_352 : vector<1x16xi32> to vector<16xi32>
          %sub3A_354 = vector.broadcast %mul3A_138 : i32 to vector<16xi32>
          %sub3A_355 = arith.subi %get3A_353, %sub3A_354 : vector<16xi32>
          %ge3A_356 = arith.constant 0 : i32
          %ge3A_357 = vector.broadcast %ge3A_356 : i32 to vector<16xi32>
          %ge3A_358 = arith.cmpi sge, %sub3A_355, %ge3A_357 : vector<16xi32>
          %lt3A_359 = arith.constant 1792 : i32
          %lt3A_360 = vector.broadcast %lt3A_359 : i32 to vector<16xi32>
          %lt3A_361 = arith.cmpi slt, %sub3A_355, %lt3A_360 : vector<16xi32>
          %and3A_362 = arith.andi %ge3A_358, %lt3A_361 : vector<16xi1>
          %jit3A_363 = arith.constant 1792 : i32
          %broadcast_in_dim3A_364 = vector.broadcast %jit3A_363 : i32 to vector<16xi32>
          %select_n3A_365 = arith.select %and3A_362, %sub3A_355, %broadcast_in_dim3A_364 : vector<16xi1>, vector<16xi32>
          %swap3A_366 = arith.constant 0 : i32
          %swap3A_367 = arith.index_cast %swap3A_366 : i32 to index
          %swap3A_368 = arith.constant 96 : index
          %swap3A_369 = tpu.vector_load %arg16[%swap3A_367, %swap3A_368] {strides = array<i32>} : memref<8x128xi32, #tpu.memory_space<vmem>>, vector<1x16xi32>,
          %swap3A_370 = vector.shape_cast %swap3A_369 : vector<1x16xi32> to vector<16xi32>
          %swap3A_371 = vector.shape_cast %select_n3A_365 : vector<16xi32> to vector<1x16xi32>
          tpu.vector_store %arg16[%swap3A_367, %swap3A_368], %swap3A_371 {strides = array<i32>} : memref<8x128xi32, #tpu.memory_space<vmem>>, vector<1x16xi32>,
          %get3A_372 = arith.index_cast %sub3A_219 : i32 to index
          %get3A_373 = arith.constant 112 : index
          %get3A_374 = tpu.vector_load %arg10[%get3A_372, %get3A_373] {strides = array<i32>} : memref<184x128xi32, #tpu.memory_space<vmem>>, vector<1x16xi32>,
          %get3A_375 = vector.shape_cast %get3A_374 : vector<1x16xi32> to vector<16xi32>
          %sub3A_376 = vector.broadcast %mul3A_138 : i32 to vector<16xi32>
          %sub3A_377 = arith.subi %get3A_375, %sub3A_376 : vector<16xi32>
          %ge3A_378 = arith.constant 0 : i32
          %ge3A_379 = vector.broadcast %ge3A_378 : i32 to vector<16xi32>
          %ge3A_380 = arith.cmpi sge, %sub3A_377, %ge3A_379 : vector<16xi32>
          %lt3A_381 = arith.constant 1792 : i32
          %lt3A_382 = vector.broadcast %lt3A_381 : i32 to vector<16xi32>
          %lt3A_383 = arith.cmpi slt, %sub3A_377, %lt3A_382 : vector<16xi32>
          %and3A_384 = arith.andi %ge3A_380, %lt3A_383 : vector<16xi1>
          %jit3A_385 = arith.constant 1792 : i32
          %broadcast_in_dim3A_386 = vector.broadcast %jit3A_385 : i32 to vector<16xi32>
          %select_n3A_387 = arith.select %and3A_384, %sub3A_377, %broadcast_in_dim3A_386 : vector<16xi1>, vector<16xi32>
          %swap3A_388 = arith.constant 0 : i32
          %swap3A_389 = arith.index_cast %swap3A_388 : i32 to index
          %swap3A_390 = arith.constant 112 : index
          %swap3A_391 = tpu.vector_load %arg16[%swap3A_389, %swap3A_390] {strides = array<i32>} : memref<8x128xi32, #tpu.memory_space<vmem>>, vector<1x16xi32>,
          %swap3A_392 = vector.shape_cast %swap3A_391 : vector<1x16xi32> to vector<16xi32>
          %swap3A_393 = vector.shape_cast %select_n3A_387 : vector<16xi32> to vector<1x16xi32>
          tpu.vector_store %arg16[%swap3A_389, %swap3A_390], %swap3A_393 {strides = array<i32>} : memref<8x128xi32, #tpu.memory_space<vmem>>, vector<1x16xi32>,
          %sub3A_394 = arith.constant 1 : i32
          %sub3A_395 = arith.subi %add3A_186, %sub3A_394 : i32
          %mul3A_396 = arith.constant 128 : i32
          %mul3A_397 = arith.muli %sub3A_395, %mul3A_396 : i32
          %multiple_of3A_398 = tpu.assume_multiple %mul3A_397, 8 : i32
          %dma_wait3A = arith.constant 0 : i32
          %dma_wait3A_399 = tpu.memref_slice %arg9[%sub3A_219, %dma_wait3A] : memref<184x128xi32, #tpu.memory_space<vmem>> -> memref<1x128xi32, #tpu.memory_space<vmem>>
          %dma_wait3A_400 = tpu.memref_squeeze %dma_wait3A_399 : memref<1x128xi32, #tpu.memory_space<vmem>> -> memref<128xi32, #tpu.memory_space<vmem>>
          %dma_wait3A_401 = arith.constant 0 : i32
          %dma_wait3A_402 = arith.constant 0 : i32
          %dma_wait3A_403 = tpu.memref_slice %arg2[%dma_wait3A_401, %dma_wait3A_402] : memref<10000x128xf32, #tpu.memory_space<hbm>> -> memref<10000x128xf32, #tpu.memory_space<hbm>>
          tpu.wait_indirect_dma semaphore(%arg20 : memref<!tpu.dma_semaphore, #tpu.memory_space<semaphore_mem>>) src(%dma_wait3A_403 : memref<10000x128xf32, #tpu.memory_space<hbm>>) dst(%arg14 : memref<128x128xf32, #tpu.memory_space<vmem>>)
          %dma_wait3A_404 = arith.constant 0 : i32
          %dma_wait3A_405 = tpu.memref_slice %arg3[%multiple_of3A_398, %dma_wait3A_404] : memref<320000x128xf32, #tpu.memory_space<hbm>> -> memref<128x128xf32, #tpu.memory_space<hbm>>
          %dma_wait3A_406 = arith.constant 0 : i32
          %dma_wait3A_407 = tpu.memref_slice %arg3[%multiple_of3A_398, %dma_wait3A_406] : memref<320000x128xf32, #tpu.memory_space<hbm>> -> memref<128x128xf32, #tpu.memory_space<hbm>>
          tpu.wait_dma2 semaphore(%arg22 : memref<!tpu.dma_semaphore, #tpu.memory_space<semaphore_mem>>) src(%dma_wait3A_407 : memref<128x128xf32, #tpu.memory_space<hbm>>) dst(%arg12 : memref<128x128xf32, #tpu.memory_space<vmem>>)
          %scan3A = arith.constant 0 : i32
          %scan3A_408 = arith.constant 128 : i32
          %scan3A_409 = arith.addi %scan3A, %scan3A_408 : i32
          %scan3A_410 = arith.constant 1 : i32
          scf.for %scan3A_412 = %scan3A to %scan3A_409 step %scan3A_410  : i32 {
            %mul3A_413 = arith.constant 1 : i32
            %mul3A_414 = arith.muli %scan3A_412, %mul3A_413 : i32
            %add3A_415 = arith.constant 0 : i32
            %add3A_416 = arith.addi %add3A_415, %mul3A_414 : i32
            %get3A_417 = arith.index_cast %add3A_416 : i32 to index
            %get3A_418 = arith.constant 0 : index
            %get3A_419 = tpu.vector_load %arg14[%get3A_417, %get3A_418] {strides = array<i32>} : memref<128x128xf32, #tpu.memory_space<vmem>>, vector<1x16xf32>,
            %get3A_420 = vector.shape_cast %get3A_419 : vector<1x16xf32> to vector<16xf32>
            %get3A_421 = arith.index_cast %add3A_416 : i32 to index
            %get3A_422 = arith.constant 0 : index
            %get3A_423 = tpu.vector_load %arg12[%get3A_421, %get3A_422] {strides = array<i32>} : memref<128x128xf32, #tpu.memory_space<vmem>>, vector<1x16xf32>,
            %get3A_424 = vector.shape_cast %get3A_423 : vector<1x16xf32> to vector<16xf32>
            %mul3A_425 = arith.mulf %get3A_420, %get3A_424 : vector<16xf32>
            %swap3A_426 = arith.index_cast %add3A_416 : i32 to index
            %swap3A_427 = arith.constant 0 : index
            %swap3A_428 = tpu.vector_load %arg14[%swap3A_426, %swap3A_427] {strides = array<i32>} : memref<128x128xf32, #tpu.memory_space<vmem>>, vector<1x16xf32>,
            %swap3A_429 = vector.shape_cast %swap3A_428 : vector<1x16xf32> to vector<16xf32>
            %swap3A_430 = vector.shape_cast %mul3A_425 : vector<16xf32> to vector<1x16xf32>
            tpu.vector_store %arg14[%swap3A_426, %swap3A_427], %swap3A_430 {strides = array<i32>} : memref<128x128xf32, #tpu.memory_space<vmem>>, vector<1x16xf32>,
            %get3A_431 = arith.index_cast %add3A_416 : i32 to index
            %get3A_432 = arith.constant 16 : index
            %get3A_433 = tpu.vector_load %arg14[%get3A_431, %get3A_432] {strides = array<i32>} : memref<128x128xf32, #tpu.memory_space<vmem>>, vector<1x16xf32>,
            %get3A_434 = vector.shape_cast %get3A_433 : vector<1x16xf32> to vector<16xf32>
            %get3A_435 = arith.index_cast %add3A_416 : i32 to index
            %get3A_436 = arith.constant 16 : index
            %get3A_437 = tpu.vector_load %arg12[%get3A_435, %get3A_436] {strides = array<i32>} : memref<128x128xf32, #tpu.memory_space<vmem>>, vector<1x16xf32>,
            %get3A_438 = vector.shape_cast %get3A_437 : vector<1x16xf32> to vector<16xf32>
            %mul3A_439 = arith.mulf %get3A_434, %get3A_438 : vector<16xf32>
            %swap3A_440 = arith.index_cast %add3A_416 : i32 to index
            %swap3A_441 = arith.constant 16 : index
            %swap3A_442 = tpu.vector_load %arg14[%swap3A_440, %swap3A_441] {strides = array<i32>} : memref<128x128xf32, #tpu.memory_space<vmem>>, vector<1x16xf32>,
            %swap3A_443 = vector.shape_cast %swap3A_442 : vector<1x16xf32> to vector<16xf32>
            %swap3A_444 = vector.shape_cast %mul3A_439 : vector<16xf32> to vector<1x16xf32>
            tpu.vector_store %arg14[%swap3A_440, %swap3A_441], %swap3A_444 {strides = array<i32>} : memref<128x128xf32, #tpu.memory_space<vmem>>, vector<1x16xf32>,
            %get3A_445 = arith.index_cast %add3A_416 : i32 to index
            %get3A_446 = arith.constant 32 : index
            %get3A_447 = tpu.vector_load %arg14[%get3A_445, %get3A_446] {strides = array<i32>} : memref<128x128xf32, #tpu.memory_space<vmem>>, vector<1x16xf32>,
            %get3A_448 = vector.shape_cast %get3A_447 : vector<1x16xf32> to vector<16xf32>
            %get3A_449 = arith.index_cast %add3A_416 : i32 to index
            %get3A_450 = arith.constant 32 : index
            %get3A_451 = tpu.vector_load %arg12[%get3A_449, %get3A_450] {strides = array<i32>} : memref<128x128xf32, #tpu.memory_space<vmem>>, vector<1x16xf32>,
            %get3A_452 = vector.shape_cast %get3A_451 : vector<1x16xf32> to vector<16xf32>
            %mul3A_453 = arith.mulf %get3A_448, %get3A_452 : vector<16xf32>
            %swap3A_454 = arith.index_cast %add3A_416 : i32 to index
            %swap3A_455 = arith.constant 32 : index
            %swap3A_456 = tpu.vector_load %arg14[%swap3A_454, %swap3A_455] {strides = array<i32>} : memref<128x128xf32, #tpu.memory_space<vmem>>, vector<1x16xf32>,
            %swap3A_457 = vector.shape_cast %swap3A_456 : vector<1x16xf32> to vector<16xf32>
            %swap3A_458 = vector.shape_cast %mul3A_453 : vector<16xf32> to vector<1x16xf32>
            tpu.vector_store %arg14[%swap3A_454, %swap3A_455], %swap3A_458 {strides = array<i32>} : memref<128x128xf32, #tpu.memory_space<vmem>>, vector<1x16xf32>,
            %get3A_459 = arith.index_cast %add3A_416 : i32 to index
            %get3A_460 = arith.constant 48 : index
            %get3A_461 = tpu.vector_load %arg14[%get3A_459, %get3A_460] {strides = array<i32>} : memref<128x128xf32, #tpu.memory_space<vmem>>, vector<1x16xf32>,
            %get3A_462 = vector.shape_cast %get3A_461 : vector<1x16xf32> to vector<16xf32>
            %get3A_463 = arith.index_cast %add3A_416 : i32 to index
            %get3A_464 = arith.constant 48 : index
            %get3A_465 = tpu.vector_load %arg12[%get3A_463, %get3A_464] {strides = array<i32>} : memref<128x128xf32, #tpu.memory_space<vmem>>, vector<1x16xf32>,
            %get3A_466 = vector.shape_cast %get3A_465 : vector<1x16xf32> to vector<16xf32>
            %mul3A_467 = arith.mulf %get3A_462, %get3A_466 : vector<16xf32>
            %swap3A_468 = arith.index_cast %add3A_416 : i32 to index
            %swap3A_469 = arith.constant 48 : index
            %swap3A_470 = tpu.vector_load %arg14[%swap3A_468, %swap3A_469] {strides = array<i32>} : memref<128x128xf32, #tpu.memory_space<vmem>>, vector<1x16xf32>,
            %swap3A_471 = vector.shape_cast %swap3A_470 : vector<1x16xf32> to vector<16xf32>
            %swap3A_472 = vector.shape_cast %mul3A_467 : vector<16xf32> to vector<1x16xf32>
            tpu.vector_store %arg14[%swap3A_468, %swap3A_469], %swap3A_472 {strides = array<i32>} : memref<128x128xf32, #tpu.memory_space<vmem>>, vector<1x16xf32>,
            %get3A_473 = arith.index_cast %add3A_416 : i32 to index
            %get3A_474 = arith.constant 64 : index
            %get3A_475 = tpu.vector_load %arg14[%get3A_473, %get3A_474] {strides = array<i32>} : memref<128x128xf32, #tpu.memory_space<vmem>>, vector<1x16xf32>,
            %get3A_476 = vector.shape_cast %get3A_475 : vector<1x16xf32> to vector<16xf32>
            %get3A_477 = arith.index_cast %add3A_416 : i32 to index
            %get3A_478 = arith.constant 64 : index
            %get3A_479 = tpu.vector_load %arg12[%get3A_477, %get3A_478] {strides = array<i32>} : memref<128x128xf32, #tpu.memory_space<vmem>>, vector<1x16xf32>,
            %get3A_480 = vector.shape_cast %get3A_479 : vector<1x16xf32> to vector<16xf32>
            %mul3A_481 = arith.mulf %get3A_476, %get3A_480 : vector<16xf32>
            %swap3A_482 = arith.index_cast %add3A_416 : i32 to index
            %swap3A_483 = arith.constant 64 : index
            %swap3A_484 = tpu.vector_load %arg14[%swap3A_482, %swap3A_483] {strides = array<i32>} : memref<128x128xf32, #tpu.memory_space<vmem>>, vector<1x16xf32>,
            %swap3A_485 = vector.shape_cast %swap3A_484 : vector<1x16xf32> to vector<16xf32>
            %swap3A_486 = vector.shape_cast %mul3A_481 : vector<16xf32> to vector<1x16xf32>
            tpu.vector_store %arg14[%swap3A_482, %swap3A_483], %swap3A_486 {strides = array<i32>} : memref<128x128xf32, #tpu.memory_space<vmem>>, vector<1x16xf32>,
            %get3A_487 = arith.index_cast %add3A_416 : i32 to index
            %get3A_488 = arith.constant 80 : index
            %get3A_489 = tpu.vector_load %arg14[%get3A_487, %get3A_488] {strides = array<i32>} : memref<128x128xf32, #tpu.memory_space<vmem>>, vector<1x16xf32>,
            %get3A_490 = vector.shape_cast %get3A_489 : vector<1x16xf32> to vector<16xf32>
            %get3A_491 = arith.index_cast %add3A_416 : i32 to index
            %get3A_492 = arith.constant 80 : index
            %get3A_493 = tpu.vector_load %arg12[%get3A_491, %get3A_492] {strides = array<i32>} : memref<128x128xf32, #tpu.memory_space<vmem>>, vector<1x16xf32>,
            %get3A_494 = vector.shape_cast %get3A_493 : vector<1x16xf32> to vector<16xf32>
            %mul3A_495 = arith.mulf %get3A_490, %get3A_494 : vector<16xf32>
            %swap3A_496 = arith.index_cast %add3A_416 : i32 to index
            %swap3A_497 = arith.constant 80 : index
            %swap3A_498 = tpu.vector_load %arg14[%swap3A_496, %swap3A_497] {strides = array<i32>} : memref<128x128xf32, #tpu.memory_space<vmem>>, vector<1x16xf32>,
            %swap3A_499 = vector.shape_cast %swap3A_498 : vector<1x16xf32> to vector<16xf32>
            %swap3A_500 = vector.shape_cast %mul3A_495 : vector<16xf32> to vector<1x16xf32>
            tpu.vector_store %arg14[%swap3A_496, %swap3A_497], %swap3A_500 {strides = array<i32>} : memref<128x128xf32, #tpu.memory_space<vmem>>, vector<1x16xf32>,
            %get3A_501 = arith.index_cast %add3A_416 : i32 to index
            %get3A_502 = arith.constant 96 : index
            %get3A_503 = tpu.vector_load %arg14[%get3A_501, %get3A_502] {strides = array<i32>} : memref<128x128xf32, #tpu.memory_space<vmem>>, vector<1x16xf32>,
            %get3A_504 = vector.shape_cast %get3A_503 : vector<1x16xf32> to vector<16xf32>
            %get3A_505 = arith.index_cast %add3A_416 : i32 to index
            %get3A_506 = arith.constant 96 : index
            %get3A_507 = tpu.vector_load %arg12[%get3A_505, %get3A_506] {strides = array<i32>} : memref<128x128xf32, #tpu.memory_space<vmem>>, vector<1x16xf32>,
            %get3A_508 = vector.shape_cast %get3A_507 : vector<1x16xf32> to vector<16xf32>
            %mul3A_509 = arith.mulf %get3A_504, %get3A_508 : vector<16xf32>
            %swap3A_510 = arith.index_cast %add3A_416 : i32 to index
            %swap3A_511 = arith.constant 96 : index
            %swap3A_512 = tpu.vector_load %arg14[%swap3A_510, %swap3A_511] {strides = array<i32>} : memref<128x128xf32, #tpu.memory_space<vmem>>, vector<1x16xf32>,
            %swap3A_513 = vector.shape_cast %swap3A_512 : vector<1x16xf32> to vector<16xf32>
            %swap3A_514 = vector.shape_cast %mul3A_509 : vector<16xf32> to vector<1x16xf32>
            tpu.vector_store %arg14[%swap3A_510, %swap3A_511], %swap3A_514 {strides = array<i32>} : memref<128x128xf32, #tpu.memory_space<vmem>>, vector<1x16xf32>,
            %get3A_515 = arith.index_cast %add3A_416 : i32 to index
            %get3A_516 = arith.constant 112 : index
            %get3A_517 = tpu.vector_load %arg14[%get3A_515, %get3A_516] {strides = array<i32>} : memref<128x128xf32, #tpu.memory_space<vmem>>, vector<1x16xf32>,
            %get3A_518 = vector.shape_cast %get3A_517 : vector<1x16xf32> to vector<16xf32>
            %get3A_519 = arith.index_cast %add3A_416 : i32 to index
            %get3A_520 = arith.constant 112 : index
            %get3A_521 = tpu.vector_load %arg12[%get3A_519, %get3A_520] {strides = array<i32>} : memref<128x128xf32, #tpu.memory_space<vmem>>, vector<1x16xf32>,
            %get3A_522 = vector.shape_cast %get3A_521 : vector<1x16xf32> to vector<16xf32>
            %mul3A_523 = arith.mulf %get3A_518, %get3A_522 : vector<16xf32>
            %swap3A_524 = arith.index_cast %add3A_416 : i32 to index
            %swap3A_525 = arith.constant 112 : index
            %swap3A_526 = tpu.vector_load %arg14[%swap3A_524, %swap3A_525] {strides = array<i32>} : memref<128x128xf32, #tpu.memory_space<vmem>>, vector<1x16xf32>,
            %swap3A_527 = vector.shape_cast %swap3A_526 : vector<1x16xf32> to vector<16xf32>
            %swap3A_528 = vector.shape_cast %mul3A_523 : vector<16xf32> to vector<1x16xf32>
            tpu.vector_store %arg14[%swap3A_524, %swap3A_525], %swap3A_528 {strides = array<i32>} : memref<128x128xf32, #tpu.memory_space<vmem>>, vector<1x16xf32>,
          }
          %scan3A_411 = arith.constant 128 : i32
          %run_scoped3A = arith.constant 0 : i32
          "tpu.region"() ({
            %run_scoped3A_412 = tpu.sem_alloc : memref<!tpu.dma_semaphore, #tpu.memory_space<semaphore_mem>>
            %dma_start3A = arith.constant 0 : i32
            %dma_start3A_413 = tpu.memref_slice %arg16[%run_scoped3A, %dma_start3A] : memref<8x128xi32, #tpu.memory_space<vmem>> -> memref<1x128xi32, #tpu.memory_space<vmem>>
            %dma_start3A_414 = tpu.memref_squeeze %dma_start3A_413 : memref<1x128xi32, #tpu.memory_space<vmem>> -> memref<128xi32, #tpu.memory_space<vmem>>
            %dma_start3A_415 = arith.constant 0 : i32
            %dma_start3A_416 = arith.constant 0 : i32
            %dma_start3A_417 = tpu.memref_slice %arg17[%dma_start3A_415, %dma_start3A_416] : memref<1920x128xf32, #tpu.memory_space<vmem_shared>> -> memref<1920x128xf32, #tpu.memory_space<vmem_shared>>
            tpu.enqueue_indirect_dma source(%arg14 : memref<128x128xf32, #tpu.memory_space<vmem>>) target(%dma_start3A_417 : memref<1920x128xf32, #tpu.memory_space<vmem_shared>>) offsets(%dma_start3A_414 : memref<128xi32, #tpu.memory_space<vmem>>) semaphore(%run_scoped3A_412 : memref<!tpu.dma_semaphore, #tpu.memory_space<semaphore_mem>>) {add = true}
            %dma_wait3A_418 = arith.constant 0 : i32
            %dma_wait3A_419 = tpu.memref_slice %arg16[%run_scoped3A, %dma_wait3A_418] : memref<8x128xi32, #tpu.memory_space<vmem>> -> memref<1x128xi32, #tpu.memory_space<vmem>>
            %dma_wait3A_420 = tpu.memref_squeeze %dma_wait3A_419 : memref<1x128xi32, #tpu.memory_space<vmem>> -> memref<128xi32, #tpu.memory_space<vmem>>
            %dma_wait3A_421 = arith.constant 0 : i32
            %dma_wait3A_422 = arith.constant 0 : i32
            %dma_wait3A_423 = tpu.memref_slice %arg17[%dma_wait3A_421, %dma_wait3A_422] : memref<1920x128xf32, #tpu.memory_space<vmem_shared>> -> memref<1920x128xf32, #tpu.memory_space<vmem_shared>>
            tpu.wait_indirect_dma semaphore(%run_scoped3A_412 : memref<!tpu.dma_semaphore, #tpu.memory_space<semaphore_mem>>) src(%arg14 : memref<128x128xf32, #tpu.memory_space<vmem>>) dst(%dma_wait3A_423 : memref<1920x128xf32, #tpu.memory_space<vmem_shared>>)
            tpu.yield
          }) : () -> ()
        } else {
        }
      } else {
      }
      %not3A = arith.constant true
      %not3A_203 = arith.xori %eq3A_199, %not3A : i1
      %convert_element_type3A_204 = arith.extui %not3A_203 : i1 to i32
      %cond3A_205 = arith.constant 0 : i32
      %cond3A_206 = arith.cmpi ne, %convert_element_type3A_204, %cond3A_205 : i32
      scf.if %cond3A_206 {
        %lt3A_207 = arith.cmpi slt, %add3A_186, %squeeze3A_134 : i32
        %convert_element_type3A_208 = arith.extui %lt3A_207 : i1 to i32
        %cond3A_209 = arith.constant 0 : i32
        %cond3A_210 = arith.cmpi ne, %convert_element_type3A_208, %cond3A_209 : i32
        scf.if %cond3A_210 {
          %sub3A_217 = arith.subi %add3A_186, %multiple_of3A_130 : i32
          %dma_start3A = arith.constant 0 : i32
          %dma_start3A_218 = tpu.memref_slice %arg9[%sub3A_217, %dma_start3A] : memref<184x128xi32, #tpu.memory_space<vmem>> -> memref<1x128xi32, #tpu.memory_space<vmem>>
          %dma_start3A_219 = tpu.memref_squeeze %dma_start3A_218 : memref<1x128xi32, #tpu.memory_space<vmem>> -> memref<128xi32, #tpu.memory_space<vmem>>
          %dma_start3A_220 = arith.constant 0 : i32
          %dma_start3A_221 = arith.constant 0 : i32
          %dma_start3A_222 = tpu.memref_slice %arg2[%dma_start3A_220, %dma_start3A_221] : memref<10000x128xf32, #tpu.memory_space<hbm>> -> memref<10000x128xf32, #tpu.memory_space<hbm>>
          tpu.enqueue_indirect_dma source(%dma_start3A_222 : memref<10000x128xf32, #tpu.memory_space<hbm>>) target(%arg14 : memref<128x128xf32, #tpu.memory_space<vmem>>) offsets(%dma_start3A_219 : memref<128xi32, #tpu.memory_space<vmem>>) semaphore(%arg20 : memref<!tpu.dma_semaphore, #tpu.memory_space<semaphore_mem>>)
          %mul3A_223 = arith.constant 128 : i32
          %mul3A_224 = arith.muli %add3A_186, %mul3A_223 : i32
          %multiple_of3A_225 = tpu.assume_multiple %mul3A_224, 8 : i32
          %dma_start3A_226 = arith.constant 0 : i32
          %dma_start3A_227 = tpu.memref_slice %arg3[%multiple_of3A_225, %dma_start3A_226] : memref<320000x128xf32, #tpu.memory_space<hbm>> -> memref<128x128xf32, #tpu.memory_space<hbm>>
          %dma_start3A_228 = arith.constant 0 : i32
          %dma_start3A_229 = tpu.memref_slice %arg3[%multiple_of3A_225, %dma_start3A_228] : memref<320000x128xf32, #tpu.memory_space<hbm>> -> memref<128x128xf32, #tpu.memory_space<hbm>>
          tpu.enqueue_dma source(%dma_start3A_229 : memref<128x128xf32, #tpu.memory_space<hbm>>) target(%arg12 : memref<128x128xf32, #tpu.memory_space<vmem>>) target_semaphore(%arg22 : memref<!tpu.dma_semaphore, #tpu.memory_space<semaphore_mem>>)
        } else {
        }
        %sub3A_211 = arith.constant 1 : i32
        %sub3A_212 = arith.subi %add3A_186, %sub3A_211 : i32
        %ge3A_213 = arith.cmpi sge, %sub3A_212, %squeeze3A_132 : i32
        %convert_element_type3A_214 = arith.extui %ge3A_213 : i1 to i32
        %cond3A_215 = arith.constant 0 : i32
        %cond3A_216 = arith.cmpi ne, %convert_element_type3A_214, %cond3A_215 : i32
        scf.if %cond3A_216 {
          %sub3A_217 = arith.constant 1 : i32
          %sub3A_218 = arith.subi %add3A_186, %sub3A_217 : i32
          %sub3A_219 = arith.subi %sub3A_218, %multiple_of3A_130 : i32
          %get3A_220 = arith.index_cast %sub3A_219 : i32 to index
          %get3A_221 = arith.constant 0 : index
          %get3A_222 = tpu.vector_load %arg10[%get3A_220, %get3A_221] {strides = array<i32>} : memref<184x128xi32, #tpu.memory_space<vmem>>, vector<1x16xi32>,
          %get3A_223 = vector.shape_cast %get3A_222 : vector<1x16xi32> to vector<16xi32>
          %sub3A_224 = vector.broadcast %mul3A_138 : i32 to vector<16xi32>
          %sub3A_225 = arith.subi %get3A_223, %sub3A_224 : vector<16xi32>
          %ge3A_226 = arith.constant 0 : i32
          %ge3A_227 = vector.broadcast %ge3A_226 : i32 to vector<16xi32>
          %ge3A_228 = arith.cmpi sge, %sub3A_225, %ge3A_227 : vector<16xi32>
          %lt3A_229 = arith.constant 1792 : i32
          %lt3A_230 = vector.broadcast %lt3A_229 : i32 to vector<16xi32>
          %lt3A_231 = arith.cmpi slt, %sub3A_225, %lt3A_230 : vector<16xi32>
          %and3A_232 = arith.andi %ge3A_228, %lt3A_231 : vector<16xi1>
          %jit3A_233 = arith.constant 1792 : i32
          %broadcast_in_dim3A = vector.broadcast %jit3A_233 : i32 to vector<16xi32>
          %select_n3A_234 = arith.select %and3A_232, %sub3A_225, %broadcast_in_dim3A : vector<16xi1>, vector<16xi32>
          %swap3A = arith.constant 0 : i32
          %swap3A_235 = arith.index_cast %swap3A : i32 to index
          %swap3A_236 = arith.constant 0 : index
          %swap3A_237 = tpu.vector_load %arg15[%swap3A_235, %swap3A_236] {strides = array<i32>} : memref<8x128xi32, #tpu.memory_space<vmem>>, vector<1x16xi32>,
          %swap3A_238 = vector.shape_cast %swap3A_237 : vector<1x16xi32> to vector<16xi32>
          %swap3A_239 = vector.shape_cast %select_n3A_234 : vector<16xi32> to vector<1x16xi32>
          tpu.vector_store %arg15[%swap3A_235, %swap3A_236], %swap3A_239 {strides = array<i32>} : memref<8x128xi32, #tpu.memory_space<vmem>>, vector<1x16xi32>,
          %get3A_240 = arith.index_cast %sub3A_219 : i32 to index
          %get3A_241 = arith.constant 16 : index
          %get3A_242 = tpu.vector_load %arg10[%get3A_240, %get3A_241] {strides = array<i32>} : memref<184x128xi32, #tpu.memory_space<vmem>>, vector<1x16xi32>,
          %get3A_243 = vector.shape_cast %get3A_242 : vector<1x16xi32> to vector<16xi32>
          %sub3A_244 = vector.broadcast %mul3A_138 : i32 to vector<16xi32>
          %sub3A_245 = arith.subi %get3A_243, %sub3A_244 : vector<16xi32>
          %ge3A_246 = arith.constant 0 : i32
          %ge3A_247 = vector.broadcast %ge3A_246 : i32 to vector<16xi32>
          %ge3A_248 = arith.cmpi sge, %sub3A_245, %ge3A_247 : vector<16xi32>
          %lt3A_249 = arith.constant 1792 : i32
          %lt3A_250 = vector.broadcast %lt3A_249 : i32 to vector<16xi32>
          %lt3A_251 = arith.cmpi slt, %sub3A_245, %lt3A_250 : vector<16xi32>
          %and3A_252 = arith.andi %ge3A_248, %lt3A_251 : vector<16xi1>
          %jit3A_253 = arith.constant 1792 : i32
          %broadcast_in_dim3A_254 = vector.broadcast %jit3A_253 : i32 to vector<16xi32>
          %select_n3A_255 = arith.select %and3A_252, %sub3A_245, %broadcast_in_dim3A_254 : vector<16xi1>, vector<16xi32>
          %swap3A_256 = arith.constant 0 : i32
          %swap3A_257 = arith.index_cast %swap3A_256 : i32 to index
          %swap3A_258 = arith.constant 16 : index
          %swap3A_259 = tpu.vector_load %arg15[%swap3A_257, %swap3A_258] {strides = array<i32>} : memref<8x128xi32, #tpu.memory_space<vmem>>, vector<1x16xi32>,
          %swap3A_260 = vector.shape_cast %swap3A_259 : vector<1x16xi32> to vector<16xi32>
          %swap3A_261 = vector.shape_cast %select_n3A_255 : vector<16xi32> to vector<1x16xi32>
          tpu.vector_store %arg15[%swap3A_257, %swap3A_258], %swap3A_261 {strides = array<i32>} : memref<8x128xi32, #tpu.memory_space<vmem>>, vector<1x16xi32>,
          %get3A_262 = arith.index_cast %sub3A_219 : i32 to index
          %get3A_263 = arith.constant 32 : index
          %get3A_264 = tpu.vector_load %arg10[%get3A_262, %get3A_263] {strides = array<i32>} : memref<184x128xi32, #tpu.memory_space<vmem>>, vector<1x16xi32>,
          %get3A_265 = vector.shape_cast %get3A_264 : vector<1x16xi32> to vector<16xi32>
          %sub3A_266 = vector.broadcast %mul3A_138 : i32 to vector<16xi32>
          %sub3A_267 = arith.subi %get3A_265, %sub3A_266 : vector<16xi32>
          %ge3A_268 = arith.constant 0 : i32
          %ge3A_269 = vector.broadcast %ge3A_268 : i32 to vector<16xi32>
          %ge3A_270 = arith.cmpi sge, %sub3A_267, %ge3A_269 : vector<16xi32>
          %lt3A_271 = arith.constant 1792 : i32
          %lt3A_272 = vector.broadcast %lt3A_271 : i32 to vector<16xi32>
          %lt3A_273 = arith.cmpi slt, %sub3A_267, %lt3A_272 : vector<16xi32>
          %and3A_274 = arith.andi %ge3A_270, %lt3A_273 : vector<16xi1>
          %jit3A_275 = arith.constant 1792 : i32
          %broadcast_in_dim3A_276 = vector.broadcast %jit3A_275 : i32 to vector<16xi32>
          %select_n3A_277 = arith.select %and3A_274, %sub3A_267, %broadcast_in_dim3A_276 : vector<16xi1>, vector<16xi32>
          %swap3A_278 = arith.constant 0 : i32
          %swap3A_279 = arith.index_cast %swap3A_278 : i32 to index
          %swap3A_280 = arith.constant 32 : index
          %swap3A_281 = tpu.vector_load %arg15[%swap3A_279, %swap3A_280] {strides = array<i32>} : memref<8x128xi32, #tpu.memory_space<vmem>>, vector<1x16xi32>,
          %swap3A_282 = vector.shape_cast %swap3A_281 : vector<1x16xi32> to vector<16xi32>
          %swap3A_283 = vector.shape_cast %select_n3A_277 : vector<16xi32> to vector<1x16xi32>
          tpu.vector_store %arg15[%swap3A_279, %swap3A_280], %swap3A_283 {strides = array<i32>} : memref<8x128xi32, #tpu.memory_space<vmem>>, vector<1x16xi32>,
          %get3A_284 = arith.index_cast %sub3A_219 : i32 to index
          %get3A_285 = arith.constant 48 : index
          %get3A_286 = tpu.vector_load %arg10[%get3A_284, %get3A_285] {strides = array<i32>} : memref<184x128xi32, #tpu.memory_space<vmem>>, vector<1x16xi32>,
          %get3A_287 = vector.shape_cast %get3A_286 : vector<1x16xi32> to vector<16xi32>
          %sub3A_288 = vector.broadcast %mul3A_138 : i32 to vector<16xi32>
          %sub3A_289 = arith.subi %get3A_287, %sub3A_288 : vector<16xi32>
          %ge3A_290 = arith.constant 0 : i32
          %ge3A_291 = vector.broadcast %ge3A_290 : i32 to vector<16xi32>
          %ge3A_292 = arith.cmpi sge, %sub3A_289, %ge3A_291 : vector<16xi32>
          %lt3A_293 = arith.constant 1792 : i32
          %lt3A_294 = vector.broadcast %lt3A_293 : i32 to vector<16xi32>
          %lt3A_295 = arith.cmpi slt, %sub3A_289, %lt3A_294 : vector<16xi32>
          %and3A_296 = arith.andi %ge3A_292, %lt3A_295 : vector<16xi1>
          %jit3A_297 = arith.constant 1792 : i32
          %broadcast_in_dim3A_298 = vector.broadcast %jit3A_297 : i32 to vector<16xi32>
          %select_n3A_299 = arith.select %and3A_296, %sub3A_289, %broadcast_in_dim3A_298 : vector<16xi1>, vector<16xi32>
          %swap3A_300 = arith.constant 0 : i32
          %swap3A_301 = arith.index_cast %swap3A_300 : i32 to index
          %swap3A_302 = arith.constant 48 : index
          %swap3A_303 = tpu.vector_load %arg15[%swap3A_301, %swap3A_302] {strides = array<i32>} : memref<8x128xi32, #tpu.memory_space<vmem>>, vector<1x16xi32>,
          %swap3A_304 = vector.shape_cast %swap3A_303 : vector<1x16xi32> to vector<16xi32>
          %swap3A_305 = vector.shape_cast %select_n3A_299 : vector<16xi32> to vector<1x16xi32>
          tpu.vector_store %arg15[%swap3A_301, %swap3A_302], %swap3A_305 {strides = array<i32>} : memref<8x128xi32, #tpu.memory_space<vmem>>, vector<1x16xi32>,
          %get3A_306 = arith.index_cast %sub3A_219 : i32 to index
          %get3A_307 = arith.constant 64 : index
          %get3A_308 = tpu.vector_load %arg10[%get3A_306, %get3A_307] {strides = array<i32>} : memref<184x128xi32, #tpu.memory_space<vmem>>, vector<1x16xi32>,
          %get3A_309 = vector.shape_cast %get3A_308 : vector<1x16xi32> to vector<16xi32>
          %sub3A_310 = vector.broadcast %mul3A_138 : i32 to vector<16xi32>
          %sub3A_311 = arith.subi %get3A_309, %sub3A_310 : vector<16xi32>
          %ge3A_312 = arith.constant 0 : i32
          %ge3A_313 = vector.broadcast %ge3A_312 : i32 to vector<16xi32>
          %ge3A_314 = arith.cmpi sge, %sub3A_311, %ge3A_313 : vector<16xi32>
          %lt3A_315 = arith.constant 1792 : i32
          %lt3A_316 = vector.broadcast %lt3A_315 : i32 to vector<16xi32>
          %lt3A_317 = arith.cmpi slt, %sub3A_311, %lt3A_316 : vector<16xi32>
          %and3A_318 = arith.andi %ge3A_314, %lt3A_317 : vector<16xi1>
          %jit3A_319 = arith.constant 1792 : i32
          %broadcast_in_dim3A_320 = vector.broadcast %jit3A_319 : i32 to vector<16xi32>
          %select_n3A_321 = arith.select %and3A_318, %sub3A_311, %broadcast_in_dim3A_320 : vector<16xi1>, vector<16xi32>
          %swap3A_322 = arith.constant 0 : i32
          %swap3A_323 = arith.index_cast %swap3A_322 : i32 to index
          %swap3A_324 = arith.constant 64 : index
          %swap3A_325 = tpu.vector_load %arg15[%swap3A_323, %swap3A_324] {strides = array<i32>} : memref<8x128xi32, #tpu.memory_space<vmem>>, vector<1x16xi32>,
          %swap3A_326 = vector.shape_cast %swap3A_325 : vector<1x16xi32> to vector<16xi32>
          %swap3A_327 = vector.shape_cast %select_n3A_321 : vector<16xi32> to vector<1x16xi32>
          tpu.vector_store %arg15[%swap3A_323, %swap3A_324], %swap3A_327 {strides = array<i32>} : memref<8x128xi32, #tpu.memory_space<vmem>>, vector<1x16xi32>,
          %get3A_328 = arith.index_cast %sub3A_219 : i32 to index
          %get3A_329 = arith.constant 80 : index
          %get3A_330 = tpu.vector_load %arg10[%get3A_328, %get3A_329] {strides = array<i32>} : memref<184x128xi32, #tpu.memory_space<vmem>>, vector<1x16xi32>,
          %get3A_331 = vector.shape_cast %get3A_330 : vector<1x16xi32> to vector<16xi32>
          %sub3A_332 = vector.broadcast %mul3A_138 : i32 to vector<16xi32>
          %sub3A_333 = arith.subi %get3A_331, %sub3A_332 : vector<16xi32>
          %ge3A_334 = arith.constant 0 : i32
          %ge3A_335 = vector.broadcast %ge3A_334 : i32 to vector<16xi32>
          %ge3A_336 = arith.cmpi sge, %sub3A_333, %ge3A_335 : vector<16xi32>
          %lt3A_337 = arith.constant 1792 : i32
          %lt3A_338 = vector.broadcast %lt3A_337 : i32 to vector<16xi32>
          %lt3A_339 = arith.cmpi slt, %sub3A_333, %lt3A_338 : vector<16xi32>
          %and3A_340 = arith.andi %ge3A_336, %lt3A_339 : vector<16xi1>
          %jit3A_341 = arith.constant 1792 : i32
          %broadcast_in_dim3A_342 = vector.broadcast %jit3A_341 : i32 to vector<16xi32>
          %select_n3A_343 = arith.select %and3A_340, %sub3A_333, %broadcast_in_dim3A_342 : vector<16xi1>, vector<16xi32>
          %swap3A_344 = arith.constant 0 : i32
          %swap3A_345 = arith.index_cast %swap3A_344 : i32 to index
          %swap3A_346 = arith.constant 80 : index
          %swap3A_347 = tpu.vector_load %arg15[%swap3A_345, %swap3A_346] {strides = array<i32>} : memref<8x128xi32, #tpu.memory_space<vmem>>, vector<1x16xi32>,
          %swap3A_348 = vector.shape_cast %swap3A_347 : vector<1x16xi32> to vector<16xi32>
          %swap3A_349 = vector.shape_cast %select_n3A_343 : vector<16xi32> to vector<1x16xi32>
          tpu.vector_store %arg15[%swap3A_345, %swap3A_346], %swap3A_349 {strides = array<i32>} : memref<8x128xi32, #tpu.memory_space<vmem>>, vector<1x16xi32>,
          %get3A_350 = arith.index_cast %sub3A_219 : i32 to index
          %get3A_351 = arith.constant 96 : index
          %get3A_352 = tpu.vector_load %arg10[%get3A_350, %get3A_351] {strides = array<i32>} : memref<184x128xi32, #tpu.memory_space<vmem>>, vector<1x16xi32>,
          %get3A_353 = vector.shape_cast %get3A_352 : vector<1x16xi32> to vector<16xi32>
          %sub3A_354 = vector.broadcast %mul3A_138 : i32 to vector<16xi32>
          %sub3A_355 = arith.subi %get3A_353, %sub3A_354 : vector<16xi32>
          %ge3A_356 = arith.constant 0 : i32
          %ge3A_357 = vector.broadcast %ge3A_356 : i32 to vector<16xi32>
          %ge3A_358 = arith.cmpi sge, %sub3A_355, %ge3A_357 : vector<16xi32>
          %lt3A_359 = arith.constant 1792 : i32
          %lt3A_360 = vector.broadcast %lt3A_359 : i32 to vector<16xi32>
          %lt3A_361 = arith.cmpi slt, %sub3A_355, %lt3A_360 : vector<16xi32>
          %and3A_362 = arith.andi %ge3A_358, %lt3A_361 : vector<16xi1>
          %jit3A_363 = arith.constant 1792 : i32
          %broadcast_in_dim3A_364 = vector.broadcast %jit3A_363 : i32 to vector<16xi32>
          %select_n3A_365 = arith.select %and3A_362, %sub3A_355, %broadcast_in_dim3A_364 : vector<16xi1>, vector<16xi32>
          %swap3A_366 = arith.constant 0 : i32
          %swap3A_367 = arith.index_cast %swap3A_366 : i32 to index
          %swap3A_368 = arith.constant 96 : index
          %swap3A_369 = tpu.vector_load %arg15[%swap3A_367, %swap3A_368] {strides = array<i32>} : memref<8x128xi32, #tpu.memory_space<vmem>>, vector<1x16xi32>,
          %swap3A_370 = vector.shape_cast %swap3A_369 : vector<1x16xi32> to vector<16xi32>
          %swap3A_371 = vector.shape_cast %select_n3A_365 : vector<16xi32> to vector<1x16xi32>
          tpu.vector_store %arg15[%swap3A_367, %swap3A_368], %swap3A_371 {strides = array<i32>} : memref<8x128xi32, #tpu.memory_space<vmem>>, vector<1x16xi32>,
          %get3A_372 = arith.index_cast %sub3A_219 : i32 to index
          %get3A_373 = arith.constant 112 : index
          %get3A_374 = tpu.vector_load %arg10[%get3A_372, %get3A_373] {strides = array<i32>} : memref<184x128xi32, #tpu.memory_space<vmem>>, vector<1x16xi32>,
          %get3A_375 = vector.shape_cast %get3A_374 : vector<1x16xi32> to vector<16xi32>
          %sub3A_376 = vector.broadcast %mul3A_138 : i32 to vector<16xi32>
          %sub3A_377 = arith.subi %get3A_375, %sub3A_376 : vector<16xi32>
          %ge3A_378 = arith.constant 0 : i32
          %ge3A_379 = vector.broadcast %ge3A_378 : i32 to vector<16xi32>
          %ge3A_380 = arith.cmpi sge, %sub3A_377, %ge3A_379 : vector<16xi32>
          %lt3A_381 = arith.constant 1792 : i32
          %lt3A_382 = vector.broadcast %lt3A_381 : i32 to vector<16xi32>
          %lt3A_383 = arith.cmpi slt, %sub3A_377, %lt3A_382 : vector<16xi32>
          %and3A_384 = arith.andi %ge3A_380, %lt3A_383 : vector<16xi1>
          %jit3A_385 = arith.constant 1792 : i32
          %broadcast_in_dim3A_386 = vector.broadcast %jit3A_385 : i32 to vector<16xi32>
          %select_n3A_387 = arith.select %and3A_384, %sub3A_377, %broadcast_in_dim3A_386 : vector<16xi1>, vector<16xi32>
          %swap3A_388 = arith.constant 0 : i32
          %swap3A_389 = arith.index_cast %swap3A_388 : i32 to index
          %swap3A_390 = arith.constant 112 : index
          %swap3A_391 = tpu.vector_load %arg15[%swap3A_389, %swap3A_390] {strides = array<i32>} : memref<8x128xi32, #tpu.memory_space<vmem>>, vector<1x16xi32>,
          %swap3A_392 = vector.shape_cast %swap3A_391 : vector<1x16xi32> to vector<16xi32>
          %swap3A_393 = vector.shape_cast %select_n3A_387 : vector<16xi32> to vector<1x16xi32>
          tpu.vector_store %arg15[%swap3A_389, %swap3A_390], %swap3A_393 {strides = array<i32>} : memref<8x128xi32, #tpu.memory_space<vmem>>, vector<1x16xi32>,
          %sub3A_394 = arith.constant 1 : i32
          %sub3A_395 = arith.subi %add3A_186, %sub3A_394 : i32
          %mul3A_396 = arith.constant 128 : i32
          %mul3A_397 = arith.muli %sub3A_395, %mul3A_396 : i32
          %multiple_of3A_398 = tpu.assume_multiple %mul3A_397, 8 : i32
          %dma_wait3A = arith.constant 0 : i32
          %dma_wait3A_399 = tpu.memref_slice %arg9[%sub3A_219, %dma_wait3A] : memref<184x128xi32, #tpu.memory_space<vmem>> -> memref<1x128xi32, #tpu.memory_space<vmem>>
          %dma_wait3A_400 = tpu.memref_squeeze %dma_wait3A_399 : memref<1x128xi32, #tpu.memory_space<vmem>> -> memref<128xi32, #tpu.memory_space<vmem>>
          %dma_wait3A_401 = arith.constant 0 : i32
          %dma_wait3A_402 = arith.constant 0 : i32
          %dma_wait3A_403 = tpu.memref_slice %arg2[%dma_wait3A_401, %dma_wait3A_402] : memref<10000x128xf32, #tpu.memory_space<hbm>> -> memref<10000x128xf32, #tpu.memory_space<hbm>>
          tpu.wait_indirect_dma semaphore(%arg19 : memref<!tpu.dma_semaphore, #tpu.memory_space<semaphore_mem>>) src(%dma_wait3A_403 : memref<10000x128xf32, #tpu.memory_space<hbm>>) dst(%arg13 : memref<128x128xf32, #tpu.memory_space<vmem>>)
          %dma_wait3A_404 = arith.constant 0 : i32
          %dma_wait3A_405 = tpu.memref_slice %arg3[%multiple_of3A_398, %dma_wait3A_404] : memref<320000x128xf32, #tpu.memory_space<hbm>> -> memref<128x128xf32, #tpu.memory_space<hbm>>
          %dma_wait3A_406 = arith.constant 0 : i32
          %dma_wait3A_407 = tpu.memref_slice %arg3[%multiple_of3A_398, %dma_wait3A_406] : memref<320000x128xf32, #tpu.memory_space<hbm>> -> memref<128x128xf32, #tpu.memory_space<hbm>>
          tpu.wait_dma2 semaphore(%arg21 : memref<!tpu.dma_semaphore, #tpu.memory_space<semaphore_mem>>) src(%dma_wait3A_407 : memref<128x128xf32, #tpu.memory_space<hbm>>) dst(%arg11 : memref<128x128xf32, #tpu.memory_space<vmem>>)
          %scan3A = arith.constant 0 : i32
          %scan3A_408 = arith.constant 128 : i32
          %scan3A_409 = arith.addi %scan3A, %scan3A_408 : i32
          %scan3A_410 = arith.constant 1 : i32
          scf.for %scan3A_412 = %scan3A to %scan3A_409 step %scan3A_410  : i32 {
            %mul3A_413 = arith.constant 1 : i32
            %mul3A_414 = arith.muli %scan3A_412, %mul3A_413 : i32
            %add3A_415 = arith.constant 0 : i32
            %add3A_416 = arith.addi %add3A_415, %mul3A_414 : i32
            %get3A_417 = arith.index_cast %add3A_416 : i32 to index
            %get3A_418 = arith.constant 0 : index
            %get3A_419 = tpu.vector_load %arg13[%get3A_417, %get3A_418] {strides = array<i32>} : memref<128x128xf32, #tpu.memory_space<vmem>>, vector<1x16xf32>,
            %get3A_420 = vector.shape_cast %get3A_419 : vector<1x16xf32> to vector<16xf32>
            %get3A_421 = arith.index_cast %add3A_416 : i32 to index
            %get3A_422 = arith.constant 0 : index
            %get3A_423 = tpu.vector_load %arg11[%get3A_421, %get3A_422] {strides = array<i32>} : memref<128x128xf32, #tpu.memory_space<vmem>>, vector<1x16xf32>,
            %get3A_424 = vector.shape_cast %get3A_423 : vector<1x16xf32> to vector<16xf32>
            %mul3A_425 = arith.mulf %get3A_420, %get3A_424 : vector<16xf32>
            %swap3A_426 = arith.index_cast %add3A_416 : i32 to index
            %swap3A_427 = arith.constant 0 : index
            %swap3A_428 = tpu.vector_load %arg13[%swap3A_426, %swap3A_427] {strides = array<i32>} : memref<128x128xf32, #tpu.memory_space<vmem>>, vector<1x16xf32>,
            %swap3A_429 = vector.shape_cast %swap3A_428 : vector<1x16xf32> to vector<16xf32>
            %swap3A_430 = vector.shape_cast %mul3A_425 : vector<16xf32> to vector<1x16xf32>
            tpu.vector_store %arg13[%swap3A_426, %swap3A_427], %swap3A_430 {strides = array<i32>} : memref<128x128xf32, #tpu.memory_space<vmem>>, vector<1x16xf32>,
            %get3A_431 = arith.index_cast %add3A_416 : i32 to index
            %get3A_432 = arith.constant 16 : index
            %get3A_433 = tpu.vector_load %arg13[%get3A_431, %get3A_432] {strides = array<i32>} : memref<128x128xf32, #tpu.memory_space<vmem>>, vector<1x16xf32>,
            %get3A_434 = vector.shape_cast %get3A_433 : vector<1x16xf32> to vector<16xf32>
            %get3A_435 = arith.index_cast %add3A_416 : i32 to index
            %get3A_436 = arith.constant 16 : index
            %get3A_437 = tpu.vector_load %arg11[%get3A_435, %get3A_436] {strides = array<i32>} : memref<128x128xf32, #tpu.memory_space<vmem>>, vector<1x16xf32>,
            %get3A_438 = vector.shape_cast %get3A_437 : vector<1x16xf32> to vector<16xf32>
            %mul3A_439 = arith.mulf %get3A_434, %get3A_438 : vector<16xf32>
            %swap3A_440 = arith.index_cast %add3A_416 : i32 to index
            %swap3A_441 = arith.constant 16 : index
            %swap3A_442 = tpu.vector_load %arg13[%swap3A_440, %swap3A_441] {strides = array<i32>} : memref<128x128xf32, #tpu.memory_space<vmem>>, vector<1x16xf32>,
            %swap3A_443 = vector.shape_cast %swap3A_442 : vector<1x16xf32> to vector<16xf32>
            %swap3A_444 = vector.shape_cast %mul3A_439 : vector<16xf32> to vector<1x16xf32>
            tpu.vector_store %arg13[%swap3A_440, %swap3A_441], %swap3A_444 {strides = array<i32>} : memref<128x128xf32, #tpu.memory_space<vmem>>, vector<1x16xf32>,
            %get3A_445 = arith.index_cast %add3A_416 : i32 to index
            %get3A_446 = arith.constant 32 : index
            %get3A_447 = tpu.vector_load %arg13[%get3A_445, %get3A_446] {strides = array<i32>} : memref<128x128xf32, #tpu.memory_space<vmem>>, vector<1x16xf32>,
            %get3A_448 = vector.shape_cast %get3A_447 : vector<1x16xf32> to vector<16xf32>
            %get3A_449 = arith.index_cast %add3A_416 : i32 to index
            %get3A_450 = arith.constant 32 : index
            %get3A_451 = tpu.vector_load %arg11[%get3A_449, %get3A_450] {strides = array<i32>} : memref<128x128xf32, #tpu.memory_space<vmem>>, vector<1x16xf32>,
            %get3A_452 = vector.shape_cast %get3A_451 : vector<1x16xf32> to vector<16xf32>
            %mul3A_453 = arith.mulf %get3A_448, %get3A_452 : vector<16xf32>
            %swap3A_454 = arith.index_cast %add3A_416 : i32 to index
            %swap3A_455 = arith.constant 32 : index
            %swap3A_456 = tpu.vector_load %arg13[%swap3A_454, %swap3A_455] {strides = array<i32>} : memref<128x128xf32, #tpu.memory_space<vmem>>, vector<1x16xf32>,
            %swap3A_457 = vector.shape_cast %swap3A_456 : vector<1x16xf32> to vector<16xf32>
            %swap3A_458 = vector.shape_cast %mul3A_453 : vector<16xf32> to vector<1x16xf32>
            tpu.vector_store %arg13[%swap3A_454, %swap3A_455], %swap3A_458 {strides = array<i32>} : memref<128x128xf32, #tpu.memory_space<vmem>>, vector<1x16xf32>,
            %get3A_459 = arith.index_cast %add3A_416 : i32 to index
            %get3A_460 = arith.constant 48 : index
            %get3A_461 = tpu.vector_load %arg13[%get3A_459, %get3A_460] {strides = array<i32>} : memref<128x128xf32, #tpu.memory_space<vmem>>, vector<1x16xf32>,
            %get3A_462 = vector.shape_cast %get3A_461 : vector<1x16xf32> to vector<16xf32>
            %get3A_463 = arith.index_cast %add3A_416 : i32 to index
            %get3A_464 = arith.constant 48 : index
            %get3A_465 = tpu.vector_load %arg11[%get3A_463, %get3A_464] {strides = array<i32>} : memref<128x128xf32, #tpu.memory_space<vmem>>, vector<1x16xf32>,
            %get3A_466 = vector.shape_cast %get3A_465 : vector<1x16xf32> to vector<16xf32>
            %mul3A_467 = arith.mulf %get3A_462, %get3A_466 : vector<16xf32>
            %swap3A_468 = arith.index_cast %add3A_416 : i32 to index
            %swap3A_469 = arith.constant 48 : index
            %swap3A_470 = tpu.vector_load %arg13[%swap3A_468, %swap3A_469] {strides = array<i32>} : memref<128x128xf32, #tpu.memory_space<vmem>>, vector<1x16xf32>,
            %swap3A_471 = vector.shape_cast %swap3A_470 : vector<1x16xf32> to vector<16xf32>
            %swap3A_472 = vector.shape_cast %mul3A_467 : vector<16xf32> to vector<1x16xf32>
            tpu.vector_store %arg13[%swap3A_468, %swap3A_469], %swap3A_472 {strides = array<i32>} : memref<128x128xf32, #tpu.memory_space<vmem>>, vector<1x16xf32>,
            %get3A_473 = arith.index_cast %add3A_416 : i32 to index
            %get3A_474 = arith.constant 64 : index
            %get3A_475 = tpu.vector_load %arg13[%get3A_473, %get3A_474] {strides = array<i32>} : memref<128x128xf32, #tpu.memory_space<vmem>>, vector<1x16xf32>,
            %get3A_476 = vector.shape_cast %get3A_475 : vector<1x16xf32> to vector<16xf32>
            %get3A_477 = arith.index_cast %add3A_416 : i32 to index
            %get3A_478 = arith.constant 64 : index
            %get3A_479 = tpu.vector_load %arg11[%get3A_477, %get3A_478] {strides = array<i32>} : memref<128x128xf32, #tpu.memory_space<vmem>>, vector<1x16xf32>,
            %get3A_480 = vector.shape_cast %get3A_479 : vector<1x16xf32> to vector<16xf32>
            %mul3A_481 = arith.mulf %get3A_476, %get3A_480 : vector<16xf32>
            %swap3A_482 = arith.index_cast %add3A_416 : i32 to index
            %swap3A_483 = arith.constant 64 : index
            %swap3A_484 = tpu.vector_load %arg13[%swap3A_482, %swap3A_483] {strides = array<i32>} : memref<128x128xf32, #tpu.memory_space<vmem>>, vector<1x16xf32>,
            %swap3A_485 = vector.shape_cast %swap3A_484 : vector<1x16xf32> to vector<16xf32>
            %swap3A_486 = vector.shape_cast %mul3A_481 : vector<16xf32> to vector<1x16xf32>
            tpu.vector_store %arg13[%swap3A_482, %swap3A_483], %swap3A_486 {strides = array<i32>} : memref<128x128xf32, #tpu.memory_space<vmem>>, vector<1x16xf32>,
            %get3A_487 = arith.index_cast %add3A_416 : i32 to index
            %get3A_488 = arith.constant 80 : index
            %get3A_489 = tpu.vector_load %arg13[%get3A_487, %get3A_488] {strides = array<i32>} : memref<128x128xf32, #tpu.memory_space<vmem>>, vector<1x16xf32>,
            %get3A_490 = vector.shape_cast %get3A_489 : vector<1x16xf32> to vector<16xf32>
            %get3A_491 = arith.index_cast %add3A_416 : i32 to index
            %get3A_492 = arith.constant 80 : index
            %get3A_493 = tpu.vector_load %arg11[%get3A_491, %get3A_492] {strides = array<i32>} : memref<128x128xf32, #tpu.memory_space<vmem>>, vector<1x16xf32>,
            %get3A_494 = vector.shape_cast %get3A_493 : vector<1x16xf32> to vector<16xf32>
            %mul3A_495 = arith.mulf %get3A_490, %get3A_494 : vector<16xf32>
            %swap3A_496 = arith.index_cast %add3A_416 : i32 to index
            %swap3A_497 = arith.constant 80 : index
            %swap3A_498 = tpu.vector_load %arg13[%swap3A_496, %swap3A_497] {strides = array<i32>} : memref<128x128xf32, #tpu.memory_space<vmem>>, vector<1x16xf32>,
            %swap3A_499 = vector.shape_cast %swap3A_498 : vector<1x16xf32> to vector<16xf32>
            %swap3A_500 = vector.shape_cast %mul3A_495 : vector<16xf32> to vector<1x16xf32>
            tpu.vector_store %arg13[%swap3A_496, %swap3A_497], %swap3A_500 {strides = array<i32>} : memref<128x128xf32, #tpu.memory_space<vmem>>, vector<1x16xf32>,
            %get3A_501 = arith.index_cast %add3A_416 : i32 to index
            %get3A_502 = arith.constant 96 : index
            %get3A_503 = tpu.vector_load %arg13[%get3A_501, %get3A_502] {strides = array<i32>} : memref<128x128xf32, #tpu.memory_space<vmem>>, vector<1x16xf32>,
            %get3A_504 = vector.shape_cast %get3A_503 : vector<1x16xf32> to vector<16xf32>
            %get3A_505 = arith.index_cast %add3A_416 : i32 to index
            %get3A_506 = arith.constant 96 : index
            %get3A_507 = tpu.vector_load %arg11[%get3A_505, %get3A_506] {strides = array<i32>} : memref<128x128xf32, #tpu.memory_space<vmem>>, vector<1x16xf32>,
            %get3A_508 = vector.shape_cast %get3A_507 : vector<1x16xf32> to vector<16xf32>
            %mul3A_509 = arith.mulf %get3A_504, %get3A_508 : vector<16xf32>
            %swap3A_510 = arith.index_cast %add3A_416 : i32 to index
            %swap3A_511 = arith.constant 96 : index
            %swap3A_512 = tpu.vector_load %arg13[%swap3A_510, %swap3A_511] {strides = array<i32>} : memref<128x128xf32, #tpu.memory_space<vmem>>, vector<1x16xf32>,
            %swap3A_513 = vector.shape_cast %swap3A_512 : vector<1x16xf32> to vector<16xf32>
            %swap3A_514 = vector.shape_cast %mul3A_509 : vector<16xf32> to vector<1x16xf32>
            tpu.vector_store %arg13[%swap3A_510, %swap3A_511], %swap3A_514 {strides = array<i32>} : memref<128x128xf32, #tpu.memory_space<vmem>>, vector<1x16xf32>,
            %get3A_515 = arith.index_cast %add3A_416 : i32 to index
            %get3A_516 = arith.constant 112 : index
            %get3A_517 = tpu.vector_load %arg13[%get3A_515, %get3A_516] {strides = array<i32>} : memref<128x128xf32, #tpu.memory_space<vmem>>, vector<1x16xf32>,
            %get3A_518 = vector.shape_cast %get3A_517 : vector<1x16xf32> to vector<16xf32>
            %get3A_519 = arith.index_cast %add3A_416 : i32 to index
            %get3A_520 = arith.constant 112 : index
            %get3A_521 = tpu.vector_load %arg11[%get3A_519, %get3A_520] {strides = array<i32>} : memref<128x128xf32, #tpu.memory_space<vmem>>, vector<1x16xf32>,
            %get3A_522 = vector.shape_cast %get3A_521 : vector<1x16xf32> to vector<16xf32>
            %mul3A_523 = arith.mulf %get3A_518, %get3A_522 : vector<16xf32>
            %swap3A_524 = arith.index_cast %add3A_416 : i32 to index
            %swap3A_525 = arith.constant 112 : index
            %swap3A_526 = tpu.vector_load %arg13[%swap3A_524, %swap3A_525] {strides = array<i32>} : memref<128x128xf32, #tpu.memory_space<vmem>>, vector<1x16xf32>,
            %swap3A_527 = vector.shape_cast %swap3A_526 : vector<1x16xf32> to vector<16xf32>
            %swap3A_528 = vector.shape_cast %mul3A_523 : vector<16xf32> to vector<1x16xf32>
            tpu.vector_store %arg13[%swap3A_524, %swap3A_525], %swap3A_528 {strides = array<i32>} : memref<128x128xf32, #tpu.memory_space<vmem>>, vector<1x16xf32>,
          }
          %scan3A_411 = arith.constant 128 : i32
          %run_scoped3A = arith.constant 0 : i32
          "tpu.region"() ({
            %run_scoped3A_412 = tpu.sem_alloc : memref<!tpu.dma_semaphore, #tpu.memory_space<semaphore_mem>>
            %dma_start3A = arith.constant 0 : i32
            %dma_start3A_413 = tpu.memref_slice %arg15[%run_scoped3A, %dma_start3A] : memref<8x128xi32, #tpu.memory_space<vmem>> -> memref<1x128xi32, #tpu.memory_space<vmem>>
            %dma_start3A_414 = tpu.memref_squeeze %dma_start3A_413 : memref<1x128xi32, #tpu.memory_space<vmem>> -> memref<128xi32, #tpu.memory_space<vmem>>
            %dma_start3A_415 = arith.constant 0 : i32
            %dma_start3A_416 = arith.constant 0 : i32
            %dma_start3A_417 = tpu.memref_slice %arg17[%dma_start3A_415, %dma_start3A_416] : memref<1920x128xf32, #tpu.memory_space<vmem_shared>> -> memref<1920x128xf32, #tpu.memory_space<vmem_shared>>
            tpu.enqueue_indirect_dma source(%arg13 : memref<128x128xf32, #tpu.memory_space<vmem>>) target(%dma_start3A_417 : memref<1920x128xf32, #tpu.memory_space<vmem_shared>>) offsets(%dma_start3A_414 : memref<128xi32, #tpu.memory_space<vmem>>) semaphore(%run_scoped3A_412 : memref<!tpu.dma_semaphore, #tpu.memory_space<semaphore_mem>>) {add = true}
            %dma_wait3A_418 = arith.constant 0 : i32
            %dma_wait3A_419 = tpu.memref_slice %arg15[%run_scoped3A, %dma_wait3A_418] : memref<8x128xi32, #tpu.memory_space<vmem>> -> memref<1x128xi32, #tpu.memory_space<vmem>>
            %dma_wait3A_420 = tpu.memref_squeeze %dma_wait3A_419 : memref<1x128xi32, #tpu.memory_space<vmem>> -> memref<128xi32, #tpu.memory_space<vmem>>
            %dma_wait3A_421 = arith.constant 0 : i32
            %dma_wait3A_422 = arith.constant 0 : i32
            %dma_wait3A_423 = tpu.memref_slice %arg17[%dma_wait3A_421, %dma_wait3A_422] : memref<1920x128xf32, #tpu.memory_space<vmem_shared>> -> memref<1920x128xf32, #tpu.memory_space<vmem_shared>>
            tpu.wait_indirect_dma semaphore(%run_scoped3A_412 : memref<!tpu.dma_semaphore, #tpu.memory_space<semaphore_mem>>) src(%arg13 : memref<128x128xf32, #tpu.memory_space<vmem>>) dst(%dma_wait3A_423 : memref<1920x128xf32, #tpu.memory_space<vmem_shared>>)
            tpu.yield
          }) : () -> ()
        } else {
        }
      } else {
      }
    }
    %while3A_160 = arith.constant 1 : i32
    scf.for %while3A_184 = %while3A_158 to %while3A_154 step %while3A_160  : i32 {
      %mul3A_185 = arith.muli %while3A_184, %while3A_151 : i32
      %add3A_186 = arith.addi %squeeze3A_132, %mul3A_185 : i32
      %jit3A = arith.constant 2 : i32
      %eq3A = arith.constant 0 : i32
      %eq3A_187 = arith.cmpi eq, %jit3A, %eq3A : i32
      %jit3A_188 = arith.constant 1 : i32
      %select_n3A = arith.select %eq3A_187, %jit3A_188, %jit3A : i32
      %rem3A = arith.remsi %add3A_186, %select_n3A : i32
      %ne3A = arith.constant 0 : i32
      %ne3A_189 = arith.cmpi ne, %rem3A, %ne3A : i32
      %lt3A_190 = arith.constant 0 : i32
      %lt3A_191 = arith.cmpi slt, %rem3A, %lt3A_190 : i32
      %lt3A_192 = arith.constant 0 : i32
      %lt3A_193 = arith.cmpi slt, %select_n3A, %lt3A_192 : i32
      %ne3A_194 = arith.xori %lt3A_191, %lt3A_193 : i1
      %and3A_195 = arith.andi %ne3A_194, %ne3A_189 : i1
      %add3A_196 = arith.addi %rem3A, %select_n3A : i32
      %select_n3A_197 = arith.select %and3A_195, %add3A_196, %rem3A : i32
      %eq3A_198 = arith.constant 0 : i32
      %eq3A_199 = arith.cmpi eq, %select_n3A_197, %eq3A_198 : i32
      %convert_element_type3A_200 = arith.extui %eq3A_199 : i1 to i32
      %cond3A_201 = arith.constant 0 : i32
      %cond3A_202 = arith.cmpi ne, %convert_element_type3A_200, %cond3A_201 : i32
      scf.if %cond3A_202 {
        %lt3A_207 = arith.cmpi slt, %add3A_186, %squeeze3A_134 : i32
        %convert_element_type3A_208 = arith.extui %lt3A_207 : i1 to i32
        %cond3A_209 = arith.constant 0 : i32
        %cond3A_210 = arith.cmpi ne, %convert_element_type3A_208, %cond3A_209 : i32
        scf.if %cond3A_210 {
          %sub3A_217 = arith.subi %add3A_186, %multiple_of3A_130 : i32
          %dma_start3A = arith.constant 0 : i32
          %dma_start3A_218 = tpu.memref_slice %arg9[%sub3A_217, %dma_start3A] : memref<184x128xi32, #tpu.memory_space<vmem>> -> memref<1x128xi32, #tpu.memory_space<vmem>>
          %dma_start3A_219 = tpu.memref_squeeze %dma_start3A_218 : memref<1x128xi32, #tpu.memory_space<vmem>> -> memref<128xi32, #tpu.memory_space<vmem>>
          %dma_start3A_220 = arith.constant 0 : i32
          %dma_start3A_221 = arith.constant 0 : i32
          %dma_start3A_222 = tpu.memref_slice %arg2[%dma_start3A_220, %dma_start3A_221] : memref<10000x128xf32, #tpu.memory_space<hbm>> -> memref<10000x128xf32, #tpu.memory_space<hbm>>
          tpu.enqueue_indirect_dma source(%dma_start3A_222 : memref<10000x128xf32, #tpu.memory_space<hbm>>) target(%arg13 : memref<128x128xf32, #tpu.memory_space<vmem>>) offsets(%dma_start3A_219 : memref<128xi32, #tpu.memory_space<vmem>>) semaphore(%arg19 : memref<!tpu.dma_semaphore, #tpu.memory_space<semaphore_mem>>)
          %mul3A_223 = arith.constant 128 : i32
          %mul3A_224 = arith.muli %add3A_186, %mul3A_223 : i32
          %multiple_of3A_225 = tpu.assume_multiple %mul3A_224, 8 : i32
          %dma_start3A_226 = arith.constant 0 : i32
          %dma_start3A_227 = tpu.memref_slice %arg3[%multiple_of3A_225, %dma_start3A_226] : memref<320000x128xf32, #tpu.memory_space<hbm>> -> memref<128x128xf32, #tpu.memory_space<hbm>>
          %dma_start3A_228 = arith.constant 0 : i32
          %dma_start3A_229 = tpu.memref_slice %arg3[%multiple_of3A_225, %dma_start3A_228] : memref<320000x128xf32, #tpu.memory_space<hbm>> -> memref<128x128xf32, #tpu.memory_space<hbm>>
          tpu.enqueue_dma source(%dma_start3A_229 : memref<128x128xf32, #tpu.memory_space<hbm>>) target(%arg11 : memref<128x128xf32, #tpu.memory_space<vmem>>) target_semaphore(%arg21 : memref<!tpu.dma_semaphore, #tpu.memory_space<semaphore_mem>>)
        } else {
        }
        %sub3A_211 = arith.constant 1 : i32
        %sub3A_212 = arith.subi %add3A_186, %sub3A_211 : i32
        %ge3A_213 = arith.cmpi sge, %sub3A_212, %squeeze3A_132 : i32
        %convert_element_type3A_214 = arith.extui %ge3A_213 : i1 to i32
        %cond3A_215 = arith.constant 0 : i32
        %cond3A_216 = arith.cmpi ne, %convert_element_type3A_214, %cond3A_215 : i32
        scf.if %cond3A_216 {
          %sub3A_217 = arith.constant 1 : i32
          %sub3A_218 = arith.subi %add3A_186, %sub3A_217 : i32
          %sub3A_219 = arith.subi %sub3A_218, %multiple_of3A_130 : i32
          %get3A_220 = arith.index_cast %sub3A_219 : i32 to index
          %get3A_221 = arith.constant 0 : index
          %get3A_222 = tpu.vector_load %arg10[%get3A_220, %get3A_221] {strides = array<i32>} : memref<184x128xi32, #tpu.memory_space<vmem>>, vector<1x16xi32>,
          %get3A_223 = vector.shape_cast %get3A_222 : vector<1x16xi32> to vector<16xi32>
          %sub3A_224 = vector.broadcast %mul3A_138 : i32 to vector<16xi32>
          %sub3A_225 = arith.subi %get3A_223, %sub3A_224 : vector<16xi32>
          %ge3A_226 = arith.constant 0 : i32
          %ge3A_227 = vector.broadcast %ge3A_226 : i32 to vector<16xi32>
          %ge3A_228 = arith.cmpi sge, %sub3A_225, %ge3A_227 : vector<16xi32>
          %lt3A_229 = arith.constant 1792 : i32
          %lt3A_230 = vector.broadcast %lt3A_229 : i32 to vector<16xi32>
          %lt3A_231 = arith.cmpi slt, %sub3A_225, %lt3A_230 : vector<16xi32>
          %and3A_232 = arith.andi %ge3A_228, %lt3A_231 : vector<16xi1>
          %jit3A_233 = arith.constant 1792 : i32
          %broadcast_in_dim3A = vector.broadcast %jit3A_233 : i32 to vector<16xi32>
          %select_n3A_234 = arith.select %and3A_232, %sub3A_225, %broadcast_in_dim3A : vector<16xi1>, vector<16xi32>
          %swap3A = arith.constant 0 : i32
          %swap3A_235 = arith.index_cast %swap3A : i32 to index
          %swap3A_236 = arith.constant 0 : index
          %swap3A_237 = tpu.vector_load %arg16[%swap3A_235, %swap3A_236] {strides = array<i32>} : memref<8x128xi32, #tpu.memory_space<vmem>>, vector<1x16xi32>,
          %swap3A_238 = vector.shape_cast %swap3A_237 : vector<1x16xi32> to vector<16xi32>
          %swap3A_239 = vector.shape_cast %select_n3A_234 : vector<16xi32> to vector<1x16xi32>
          tpu.vector_store %arg16[%swap3A_235, %swap3A_236], %swap3A_239 {strides = array<i32>} : memref<8x128xi32, #tpu.memory_space<vmem>>, vector<1x16xi32>,
          %get3A_240 = arith.index_cast %sub3A_219 : i32 to index
          %get3A_241 = arith.constant 16 : index
          %get3A_242 = tpu.vector_load %arg10[%get3A_240, %get3A_241] {strides = array<i32>} : memref<184x128xi32, #tpu.memory_space<vmem>>, vector<1x16xi32>,
          %get3A_243 = vector.shape_cast %get3A_242 : vector<1x16xi32> to vector<16xi32>
          %sub3A_244 = vector.broadcast %mul3A_138 : i32 to vector<16xi32>
          %sub3A_245 = arith.subi %get3A_243, %sub3A_244 : vector<16xi32>
          %ge3A_246 = arith.constant 0 : i32
          %ge3A_247 = vector.broadcast %ge3A_246 : i32 to vector<16xi32>
          %ge3A_248 = arith.cmpi sge, %sub3A_245, %ge3A_247 : vector<16xi32>
          %lt3A_249 = arith.constant 1792 : i32
          %lt3A_250 = vector.broadcast %lt3A_249 : i32 to vector<16xi32>
          %lt3A_251 = arith.cmpi slt, %sub3A_245, %lt3A_250 : vector<16xi32>
          %and3A_252 = arith.andi %ge3A_248, %lt3A_251 : vector<16xi1>
          %jit3A_253 = arith.constant 1792 : i32
          %broadcast_in_dim3A_254 = vector.broadcast %jit3A_253 : i32 to vector<16xi32>
          %select_n3A_255 = arith.select %and3A_252, %sub3A_245, %broadcast_in_dim3A_254 : vector<16xi1>, vector<16xi32>
          %swap3A_256 = arith.constant 0 : i32
          %swap3A_257 = arith.index_cast %swap3A_256 : i32 to index
          %swap3A_258 = arith.constant 16 : index
          %swap3A_259 = tpu.vector_load %arg16[%swap3A_257, %swap3A_258] {strides = array<i32>} : memref<8x128xi32, #tpu.memory_space<vmem>>, vector<1x16xi32>,
          %swap3A_260 = vector.shape_cast %swap3A_259 : vector<1x16xi32> to vector<16xi32>
          %swap3A_261 = vector.shape_cast %select_n3A_255 : vector<16xi32> to vector<1x16xi32>
          tpu.vector_store %arg16[%swap3A_257, %swap3A_258], %swap3A_261 {strides = array<i32>} : memref<8x128xi32, #tpu.memory_space<vmem>>, vector<1x16xi32>,
          %get3A_262 = arith.index_cast %sub3A_219 : i32 to index
          %get3A_263 = arith.constant 32 : index
          %get3A_264 = tpu.vector_load %arg10[%get3A_262, %get3A_263] {strides = array<i32>} : memref<184x128xi32, #tpu.memory_space<vmem>>, vector<1x16xi32>,
          %get3A_265 = vector.shape_cast %get3A_264 : vector<1x16xi32> to vector<16xi32>
          %sub3A_266 = vector.broadcast %mul3A_138 : i32 to vector<16xi32>
          %sub3A_267 = arith.subi %get3A_265, %sub3A_266 : vector<16xi32>
          %ge3A_268 = arith.constant 0 : i32
          %ge3A_269 = vector.broadcast %ge3A_268 : i32 to vector<16xi32>
          %ge3A_270 = arith.cmpi sge, %sub3A_267, %ge3A_269 : vector<16xi32>
          %lt3A_271 = arith.constant 1792 : i32
          %lt3A_272 = vector.broadcast %lt3A_271 : i32 to vector<16xi32>
          %lt3A_273 = arith.cmpi slt, %sub3A_267, %lt3A_272 : vector<16xi32>
          %and3A_274 = arith.andi %ge3A_270, %lt3A_273 : vector<16xi1>
          %jit3A_275 = arith.constant 1792 : i32
          %broadcast_in_dim3A_276 = vector.broadcast %jit3A_275 : i32 to vector<16xi32>
          %select_n3A_277 = arith.select %and3A_274, %sub3A_267, %broadcast_in_dim3A_276 : vector<16xi1>, vector<16xi32>
          %swap3A_278 = arith.constant 0 : i32
          %swap3A_279 = arith.index_cast %swap3A_278 : i32 to index
          %swap3A_280 = arith.constant 32 : index
          %swap3A_281 = tpu.vector_load %arg16[%swap3A_279, %swap3A_280] {strides = array<i32>} : memref<8x128xi32, #tpu.memory_space<vmem>>, vector<1x16xi32>,
          %swap3A_282 = vector.shape_cast %swap3A_281 : vector<1x16xi32> to vector<16xi32>
          %swap3A_283 = vector.shape_cast %select_n3A_277 : vector<16xi32> to vector<1x16xi32>
          tpu.vector_store %arg16[%swap3A_279, %swap3A_280], %swap3A_283 {strides = array<i32>} : memref<8x128xi32, #tpu.memory_space<vmem>>, vector<1x16xi32>,
          %get3A_284 = arith.index_cast %sub3A_219 : i32 to index
          %get3A_285 = arith.constant 48 : index
          %get3A_286 = tpu.vector_load %arg10[%get3A_284, %get3A_285] {strides = array<i32>} : memref<184x128xi32, #tpu.memory_space<vmem>>, vector<1x16xi32>,
          %get3A_287 = vector.shape_cast %get3A_286 : vector<1x16xi32> to vector<16xi32>
          %sub3A_288 = vector.broadcast %mul3A_138 : i32 to vector<16xi32>
          %sub3A_289 = arith.subi %get3A_287, %sub3A_288 : vector<16xi32>
          %ge3A_290 = arith.constant 0 : i32
          %ge3A_291 = vector.broadcast %ge3A_290 : i32 to vector<16xi32>
          %ge3A_292 = arith.cmpi sge, %sub3A_289, %ge3A_291 : vector<16xi32>
          %lt3A_293 = arith.constant 1792 : i32
          %lt3A_294 = vector.broadcast %lt3A_293 : i32 to vector<16xi32>
          %lt3A_295 = arith.cmpi slt, %sub3A_289, %lt3A_294 : vector<16xi32>
          %and3A_296 = arith.andi %ge3A_292, %lt3A_295 : vector<16xi1>
          %jit3A_297 = arith.constant 1792 : i32
          %broadcast_in_dim3A_298 = vector.broadcast %jit3A_297 : i32 to vector<16xi32>
          %select_n3A_299 = arith.select %and3A_296, %sub3A_289, %broadcast_in_dim3A_298 : vector<16xi1>, vector<16xi32>
          %swap3A_300 = arith.constant 0 : i32
          %swap3A_301 = arith.index_cast %swap3A_300 : i32 to index
          %swap3A_302 = arith.constant 48 : index
          %swap3A_303 = tpu.vector_load %arg16[%swap3A_301, %swap3A_302] {strides = array<i32>} : memref<8x128xi32, #tpu.memory_space<vmem>>, vector<1x16xi32>,
          %swap3A_304 = vector.shape_cast %swap3A_303 : vector<1x16xi32> to vector<16xi32>
          %swap3A_305 = vector.shape_cast %select_n3A_299 : vector<16xi32> to vector<1x16xi32>
          tpu.vector_store %arg16[%swap3A_301, %swap3A_302], %swap3A_305 {strides = array<i32>} : memref<8x128xi32, #tpu.memory_space<vmem>>, vector<1x16xi32>,
          %get3A_306 = arith.index_cast %sub3A_219 : i32 to index
          %get3A_307 = arith.constant 64 : index
          %get3A_308 = tpu.vector_load %arg10[%get3A_306, %get3A_307] {strides = array<i32>} : memref<184x128xi32, #tpu.memory_space<vmem>>, vector<1x16xi32>,
          %get3A_309 = vector.shape_cast %get3A_308 : vector<1x16xi32> to vector<16xi32>
          %sub3A_310 = vector.broadcast %mul3A_138 : i32 to vector<16xi32>
          %sub3A_311 = arith.subi %get3A_309, %sub3A_310 : vector<16xi32>
          %ge3A_312 = arith.constant 0 : i32
          %ge3A_313 = vector.broadcast %ge3A_312 : i32 to vector<16xi32>
          %ge3A_314 = arith.cmpi sge, %sub3A_311, %ge3A_313 : vector<16xi32>
          %lt3A_315 = arith.constant 1792 : i32
          %lt3A_316 = vector.broadcast %lt3A_315 : i32 to vector<16xi32>
          %lt3A_317 = arith.cmpi slt, %sub3A_311, %lt3A_316 : vector<16xi32>
          %and3A_318 = arith.andi %ge3A_314, %lt3A_317 : vector<16xi1>
          %jit3A_319 = arith.constant 1792 : i32
          %broadcast_in_dim3A_320 = vector.broadcast %jit3A_319 : i32 to vector<16xi32>
          %select_n3A_321 = arith.select %and3A_318, %sub3A_311, %broadcast_in_dim3A_320 : vector<16xi1>, vector<16xi32>
          %swap3A_322 = arith.constant 0 : i32
          %swap3A_323 = arith.index_cast %swap3A_322 : i32 to index
          %swap3A_324 = arith.constant 64 : index
          %swap3A_325 = tpu.vector_load %arg16[%swap3A_323, %swap3A_324] {strides = array<i32>} : memref<8x128xi32, #tpu.memory_space<vmem>>, vector<1x16xi32>,
          %swap3A_326 = vector.shape_cast %swap3A_325 : vector<1x16xi32> to vector<16xi32>
          %swap3A_327 = vector.shape_cast %select_n3A_321 : vector<16xi32> to vector<1x16xi32>
          tpu.vector_store %arg16[%swap3A_323, %swap3A_324], %swap3A_327 {strides = array<i32>} : memref<8x128xi32, #tpu.memory_space<vmem>>, vector<1x16xi32>,
          %get3A_328 = arith.index_cast %sub3A_219 : i32 to index
          %get3A_329 = arith.constant 80 : index
          %get3A_330 = tpu.vector_load %arg10[%get3A_328, %get3A_329] {strides = array<i32>} : memref<184x128xi32, #tpu.memory_space<vmem>>, vector<1x16xi32>,
          %get3A_331 = vector.shape_cast %get3A_330 : vector<1x16xi32> to vector<16xi32>
          %sub3A_332 = vector.broadcast %mul3A_138 : i32 to vector<16xi32>
          %sub3A_333 = arith.subi %get3A_331, %sub3A_332 : vector<16xi32>
          %ge3A_334 = arith.constant 0 : i32
          %ge3A_335 = vector.broadcast %ge3A_334 : i32 to vector<16xi32>
          %ge3A_336 = arith.cmpi sge, %sub3A_333, %ge3A_335 : vector<16xi32>
          %lt3A_337 = arith.constant 1792 : i32
          %lt3A_338 = vector.broadcast %lt3A_337 : i32 to vector<16xi32>
          %lt3A_339 = arith.cmpi slt, %sub3A_333, %lt3A_338 : vector<16xi32>
          %and3A_340 = arith.andi %ge3A_336, %lt3A_339 : vector<16xi1>
          %jit3A_341 = arith.constant 1792 : i32
          %broadcast_in_dim3A_342 = vector.broadcast %jit3A_341 : i32 to vector<16xi32>
          %select_n3A_343 = arith.select %and3A_340, %sub3A_333, %broadcast_in_dim3A_342 : vector<16xi1>, vector<16xi32>
          %swap3A_344 = arith.constant 0 : i32
          %swap3A_345 = arith.index_cast %swap3A_344 : i32 to index
          %swap3A_346 = arith.constant 80 : index
          %swap3A_347 = tpu.vector_load %arg16[%swap3A_345, %swap3A_346] {strides = array<i32>} : memref<8x128xi32, #tpu.memory_space<vmem>>, vector<1x16xi32>,
          %swap3A_348 = vector.shape_cast %swap3A_347 : vector<1x16xi32> to vector<16xi32>
          %swap3A_349 = vector.shape_cast %select_n3A_343 : vector<16xi32> to vector<1x16xi32>
          tpu.vector_store %arg16[%swap3A_345, %swap3A_346], %swap3A_349 {strides = array<i32>} : memref<8x128xi32, #tpu.memory_space<vmem>>, vector<1x16xi32>,
          %get3A_350 = arith.index_cast %sub3A_219 : i32 to index
          %get3A_351 = arith.constant 96 : index
          %get3A_352 = tpu.vector_load %arg10[%get3A_350, %get3A_351] {strides = array<i32>} : memref<184x128xi32, #tpu.memory_space<vmem>>, vector<1x16xi32>,
          %get3A_353 = vector.shape_cast %get3A_352 : vector<1x16xi32> to vector<16xi32>
          %sub3A_354 = vector.broadcast %mul3A_138 : i32 to vector<16xi32>
          %sub3A_355 = arith.subi %get3A_353, %sub3A_354 : vector<16xi32>
          %ge3A_356 = arith.constant 0 : i32
          %ge3A_357 = vector.broadcast %ge3A_356 : i32 to vector<16xi32>
          %ge3A_358 = arith.cmpi sge, %sub3A_355, %ge3A_357 : vector<16xi32>
          %lt3A_359 = arith.constant 1792 : i32
          %lt3A_360 = vector.broadcast %lt3A_359 : i32 to vector<16xi32>
          %lt3A_361 = arith.cmpi slt, %sub3A_355, %lt3A_360 : vector<16xi32>
          %and3A_362 = arith.andi %ge3A_358, %lt3A_361 : vector<16xi1>
          %jit3A_363 = arith.constant 1792 : i32
          %broadcast_in_dim3A_364 = vector.broadcast %jit3A_363 : i32 to vector<16xi32>
          %select_n3A_365 = arith.select %and3A_362, %sub3A_355, %broadcast_in_dim3A_364 : vector<16xi1>, vector<16xi32>
          %swap3A_366 = arith.constant 0 : i32
          %swap3A_367 = arith.index_cast %swap3A_366 : i32 to index
          %swap3A_368 = arith.constant 96 : index
          %swap3A_369 = tpu.vector_load %arg16[%swap3A_367, %swap3A_368] {strides = array<i32>} : memref<8x128xi32, #tpu.memory_space<vmem>>, vector<1x16xi32>,
          %swap3A_370 = vector.shape_cast %swap3A_369 : vector<1x16xi32> to vector<16xi32>
          %swap3A_371 = vector.shape_cast %select_n3A_365 : vector<16xi32> to vector<1x16xi32>
          tpu.vector_store %arg16[%swap3A_367, %swap3A_368], %swap3A_371 {strides = array<i32>} : memref<8x128xi32, #tpu.memory_space<vmem>>, vector<1x16xi32>,
          %get3A_372 = arith.index_cast %sub3A_219 : i32 to index
          %get3A_373 = arith.constant 112 : index
          %get3A_374 = tpu.vector_load %arg10[%get3A_372, %get3A_373] {strides = array<i32>} : memref<184x128xi32, #tpu.memory_space<vmem>>, vector<1x16xi32>,
          %get3A_375 = vector.shape_cast %get3A_374 : vector<1x16xi32> to vector<16xi32>
          %sub3A_376 = vector.broadcast %mul3A_138 : i32 to vector<16xi32>
          %sub3A_377 = arith.subi %get3A_375, %sub3A_376 : vector<16xi32>
          %ge3A_378 = arith.constant 0 : i32
          %ge3A_379 = vector.broadcast %ge3A_378 : i32 to vector<16xi32>
          %ge3A_380 = arith.cmpi sge, %sub3A_377, %ge3A_379 : vector<16xi32>
          %lt3A_381 = arith.constant 1792 : i32
          %lt3A_382 = vector.broadcast %lt3A_381 : i32 to vector<16xi32>
          %lt3A_383 = arith.cmpi slt, %sub3A_377, %lt3A_382 : vector<16xi32>
          %and3A_384 = arith.andi %ge3A_380, %lt3A_383 : vector<16xi1>
          %jit3A_385 = arith.constant 1792 : i32
          %broadcast_in_dim3A_386 = vector.broadcast %jit3A_385 : i32 to vector<16xi32>
          %select_n3A_387 = arith.select %and3A_384, %sub3A_377, %broadcast_in_dim3A_386 : vector<16xi1>, vector<16xi32>
          %swap3A_388 = arith.constant 0 : i32
          %swap3A_389 = arith.index_cast %swap3A_388 : i32 to index
          %swap3A_390 = arith.constant 112 : index
          %swap3A_391 = tpu.vector_load %arg16[%swap3A_389, %swap3A_390] {strides = array<i32>} : memref<8x128xi32, #tpu.memory_space<vmem>>, vector<1x16xi32>,
          %swap3A_392 = vector.shape_cast %swap3A_391 : vector<1x16xi32> to vector<16xi32>
          %swap3A_393 = vector.shape_cast %select_n3A_387 : vector<16xi32> to vector<1x16xi32>
          tpu.vector_store %arg16[%swap3A_389, %swap3A_390], %swap3A_393 {strides = array<i32>} : memref<8x128xi32, #tpu.memory_space<vmem>>, vector<1x16xi32>,
          %sub3A_394 = arith.constant 1 : i32
          %sub3A_395 = arith.subi %add3A_186, %sub3A_394 : i32
          %mul3A_396 = arith.constant 128 : i32
          %mul3A_397 = arith.muli %sub3A_395, %mul3A_396 : i32
          %multiple_of3A_398 = tpu.assume_multiple %mul3A_397, 8 : i32
          %dma_wait3A = arith.constant 0 : i32
          %dma_wait3A_399 = tpu.memref_slice %arg9[%sub3A_219, %dma_wait3A] : memref<184x128xi32, #tpu.memory_space<vmem>> -> memref<1x128xi32, #tpu.memory_space<vmem>>
          %dma_wait3A_400 = tpu.memref_squeeze %dma_wait3A_399 : memref<1x128xi32, #tpu.memory_space<vmem>> -> memref<128xi32, #tpu.memory_space<vmem>>
          %dma_wait3A_401 = arith.constant 0 : i32
          %dma_wait3A_402 = arith.constant 0 : i32
          %dma_wait3A_403 = tpu.memref_slice %arg2[%dma_wait3A_401, %dma_wait3A_402] : memref<10000x128xf32, #tpu.memory_space<hbm>> -> memref<10000x128xf32, #tpu.memory_space<hbm>>
          tpu.wait_indirect_dma semaphore(%arg20 : memref<!tpu.dma_semaphore, #tpu.memory_space<semaphore_mem>>) src(%dma_wait3A_403 : memref<10000x128xf32, #tpu.memory_space<hbm>>) dst(%arg14 : memref<128x128xf32, #tpu.memory_space<vmem>>)
          %dma_wait3A_404 = arith.constant 0 : i32
          %dma_wait3A_405 = tpu.memref_slice %arg3[%multiple_of3A_398, %dma_wait3A_404] : memref<320000x128xf32, #tpu.memory_space<hbm>> -> memref<128x128xf32, #tpu.memory_space<hbm>>
          %dma_wait3A_406 = arith.constant 0 : i32
          %dma_wait3A_407 = tpu.memref_slice %arg3[%multiple_of3A_398, %dma_wait3A_406] : memref<320000x128xf32, #tpu.memory_space<hbm>> -> memref<128x128xf32, #tpu.memory_space<hbm>>
          tpu.wait_dma2 semaphore(%arg22 : memref<!tpu.dma_semaphore, #tpu.memory_space<semaphore_mem>>) src(%dma_wait3A_407 : memref<128x128xf32, #tpu.memory_space<hbm>>) dst(%arg12 : memref<128x128xf32, #tpu.memory_space<vmem>>)
          %scan3A = arith.constant 0 : i32
          %scan3A_408 = arith.constant 128 : i32
          %scan3A_409 = arith.addi %scan3A, %scan3A_408 : i32
          %scan3A_410 = arith.constant 1 : i32
          scf.for %scan3A_412 = %scan3A to %scan3A_409 step %scan3A_410  : i32 {
            %mul3A_413 = arith.constant 1 : i32
            %mul3A_414 = arith.muli %scan3A_412, %mul3A_413 : i32
            %add3A_415 = arith.constant 0 : i32
            %add3A_416 = arith.addi %add3A_415, %mul3A_414 : i32
            %get3A_417 = arith.index_cast %add3A_416 : i32 to index
            %get3A_418 = arith.constant 0 : index
            %get3A_419 = tpu.vector_load %arg14[%get3A_417, %get3A_418] {strides = array<i32>} : memref<128x128xf32, #tpu.memory_space<vmem>>, vector<1x16xf32>,
            %get3A_420 = vector.shape_cast %get3A_419 : vector<1x16xf32> to vector<16xf32>
            %get3A_421 = arith.index_cast %add3A_416 : i32 to index
            %get3A_422 = arith.constant 0 : index
            %get3A_423 = tpu.vector_load %arg12[%get3A_421, %get3A_422] {strides = array<i32>} : memref<128x128xf32, #tpu.memory_space<vmem>>, vector<1x16xf32>,
            %get3A_424 = vector.shape_cast %get3A_423 : vector<1x16xf32> to vector<16xf32>
            %mul3A_425 = arith.mulf %get3A_420, %get3A_424 : vector<16xf32>
            %swap3A_426 = arith.index_cast %add3A_416 : i32 to index
            %swap3A_427 = arith.constant 0 : index
            %swap3A_428 = tpu.vector_load %arg14[%swap3A_426, %swap3A_427] {strides = array<i32>} : memref<128x128xf32, #tpu.memory_space<vmem>>, vector<1x16xf32>,
            %swap3A_429 = vector.shape_cast %swap3A_428 : vector<1x16xf32> to vector<16xf32>
            %swap3A_430 = vector.shape_cast %mul3A_425 : vector<16xf32> to vector<1x16xf32>
            tpu.vector_store %arg14[%swap3A_426, %swap3A_427], %swap3A_430 {strides = array<i32>} : memref<128x128xf32, #tpu.memory_space<vmem>>, vector<1x16xf32>,
            %get3A_431 = arith.index_cast %add3A_416 : i32 to index
            %get3A_432 = arith.constant 16 : index
            %get3A_433 = tpu.vector_load %arg14[%get3A_431, %get3A_432] {strides = array<i32>} : memref<128x128xf32, #tpu.memory_space<vmem>>, vector<1x16xf32>,
            %get3A_434 = vector.shape_cast %get3A_433 : vector<1x16xf32> to vector<16xf32>
            %get3A_435 = arith.index_cast %add3A_416 : i32 to index
            %get3A_436 = arith.constant 16 : index
            %get3A_437 = tpu.vector_load %arg12[%get3A_435, %get3A_436] {strides = array<i32>} : memref<128x128xf32, #tpu.memory_space<vmem>>, vector<1x16xf32>,
            %get3A_438 = vector.shape_cast %get3A_437 : vector<1x16xf32> to vector<16xf32>
            %mul3A_439 = arith.mulf %get3A_434, %get3A_438 : vector<16xf32>
            %swap3A_440 = arith.index_cast %add3A_416 : i32 to index
            %swap3A_441 = arith.constant 16 : index
            %swap3A_442 = tpu.vector_load %arg14[%swap3A_440, %swap3A_441] {strides = array<i32>} : memref<128x128xf32, #tpu.memory_space<vmem>>, vector<1x16xf32>,
            %swap3A_443 = vector.shape_cast %swap3A_442 : vector<1x16xf32> to vector<16xf32>
            %swap3A_444 = vector.shape_cast %mul3A_439 : vector<16xf32> to vector<1x16xf32>
            tpu.vector_store %arg14[%swap3A_440, %swap3A_441], %swap3A_444 {strides = array<i32>} : memref<128x128xf32, #tpu.memory_space<vmem>>, vector<1x16xf32>,
            %get3A_445 = arith.index_cast %add3A_416 : i32 to index
            %get3A_446 = arith.constant 32 : index
            %get3A_447 = tpu.vector_load %arg14[%get3A_445, %get3A_446] {strides = array<i32>} : memref<128x128xf32, #tpu.memory_space<vmem>>, vector<1x16xf32>,
            %get3A_448 = vector.shape_cast %get3A_447 : vector<1x16xf32> to vector<16xf32>
            %get3A_449 = arith.index_cast %add3A_416 : i32 to index
            %get3A_450 = arith.constant 32 : index
            %get3A_451 = tpu.vector_load %arg12[%get3A_449, %get3A_450] {strides = array<i32>} : memref<128x128xf32, #tpu.memory_space<vmem>>, vector<1x16xf32>,
            %get3A_452 = vector.shape_cast %get3A_451 : vector<1x16xf32> to vector<16xf32>
            %mul3A_453 = arith.mulf %get3A_448, %get3A_452 : vector<16xf32>
            %swap3A_454 = arith.index_cast %add3A_416 : i32 to index
            %swap3A_455 = arith.constant 32 : index
            %swap3A_456 = tpu.vector_load %arg14[%swap3A_454, %swap3A_455] {strides = array<i32>} : memref<128x128xf32, #tpu.memory_space<vmem>>, vector<1x16xf32>,
            %swap3A_457 = vector.shape_cast %swap3A_456 : vector<1x16xf32> to vector<16xf32>
            %swap3A_458 = vector.shape_cast %mul3A_453 : vector<16xf32> to vector<1x16xf32>
            tpu.vector_store %arg14[%swap3A_454, %swap3A_455], %swap3A_458 {strides = array<i32>} : memref<128x128xf32, #tpu.memory_space<vmem>>, vector<1x16xf32>,
            %get3A_459 = arith.index_cast %add3A_416 : i32 to index
            %get3A_460 = arith.constant 48 : index
            %get3A_461 = tpu.vector_load %arg14[%get3A_459, %get3A_460] {strides = array<i32>} : memref<128x128xf32, #tpu.memory_space<vmem>>, vector<1x16xf32>,
            %get3A_462 = vector.shape_cast %get3A_461 : vector<1x16xf32> to vector<16xf32>
            %get3A_463 = arith.index_cast %add3A_416 : i32 to index
            %get3A_464 = arith.constant 48 : index
            %get3A_465 = tpu.vector_load %arg12[%get3A_463, %get3A_464] {strides = array<i32>} : memref<128x128xf32, #tpu.memory_space<vmem>>, vector<1x16xf32>,
            %get3A_466 = vector.shape_cast %get3A_465 : vector<1x16xf32> to vector<16xf32>
            %mul3A_467 = arith.mulf %get3A_462, %get3A_466 : vector<16xf32>
            %swap3A_468 = arith.index_cast %add3A_416 : i32 to index
            %swap3A_469 = arith.constant 48 : index
            %swap3A_470 = tpu.vector_load %arg14[%swap3A_468, %swap3A_469] {strides = array<i32>} : memref<128x128xf32, #tpu.memory_space<vmem>>, vector<1x16xf32>,
            %swap3A_471 = vector.shape_cast %swap3A_470 : vector<1x16xf32> to vector<16xf32>
            %swap3A_472 = vector.shape_cast %mul3A_467 : vector<16xf32> to vector<1x16xf32>
            tpu.vector_store %arg14[%swap3A_468, %swap3A_469], %swap3A_472 {strides = array<i32>} : memref<128x128xf32, #tpu.memory_space<vmem>>, vector<1x16xf32>,
            %get3A_473 = arith.index_cast %add3A_416 : i32 to index
            %get3A_474 = arith.constant 64 : index
            %get3A_475 = tpu.vector_load %arg14[%get3A_473, %get3A_474] {strides = array<i32>} : memref<128x128xf32, #tpu.memory_space<vmem>>, vector<1x16xf32>,
            %get3A_476 = vector.shape_cast %get3A_475 : vector<1x16xf32> to vector<16xf32>
            %get3A_477 = arith.index_cast %add3A_416 : i32 to index
            %get3A_478 = arith.constant 64 : index
            %get3A_479 = tpu.vector_load %arg12[%get3A_477, %get3A_478] {strides = array<i32>} : memref<128x128xf32, #tpu.memory_space<vmem>>, vector<1x16xf32>,
            %get3A_480 = vector.shape_cast %get3A_479 : vector<1x16xf32> to vector<16xf32>
            %mul3A_481 = arith.mulf %get3A_476, %get3A_480 : vector<16xf32>
            %swap3A_482 = arith.index_cast %add3A_416 : i32 to index
            %swap3A_483 = arith.constant 64 : index
            %swap3A_484 = tpu.vector_load %arg14[%swap3A_482, %swap3A_483] {strides = array<i32>} : memref<128x128xf32, #tpu.memory_space<vmem>>, vector<1x16xf32>,
            %swap3A_485 = vector.shape_cast %swap3A_484 : vector<1x16xf32> to vector<16xf32>
            %swap3A_486 = vector.shape_cast %mul3A_481 : vector<16xf32> to vector<1x16xf32>
            tpu.vector_store %arg14[%swap3A_482, %swap3A_483], %swap3A_486 {strides = array<i32>} : memref<128x128xf32, #tpu.memory_space<vmem>>, vector<1x16xf32>,
            %get3A_487 = arith.index_cast %add3A_416 : i32 to index
            %get3A_488 = arith.constant 80 : index
            %get3A_489 = tpu.vector_load %arg14[%get3A_487, %get3A_488] {strides = array<i32>} : memref<128x128xf32, #tpu.memory_space<vmem>>, vector<1x16xf32>,
            %get3A_490 = vector.shape_cast %get3A_489 : vector<1x16xf32> to vector<16xf32>
            %get3A_491 = arith.index_cast %add3A_416 : i32 to index
            %get3A_492 = arith.constant 80 : index
            %get3A_493 = tpu.vector_load %arg12[%get3A_491, %get3A_492] {strides = array<i32>} : memref<128x128xf32, #tpu.memory_space<vmem>>, vector<1x16xf32>,
            %get3A_494 = vector.shape_cast %get3A_493 : vector<1x16xf32> to vector<16xf32>
            %mul3A_495 = arith.mulf %get3A_490, %get3A_494 : vector<16xf32>
            %swap3A_496 = arith.index_cast %add3A_416 : i32 to index
            %swap3A_497 = arith.constant 80 : index
            %swap3A_498 = tpu.vector_load %arg14[%swap3A_496, %swap3A_497] {strides = array<i32>} : memref<128x128xf32, #tpu.memory_space<vmem>>, vector<1x16xf32>,
            %swap3A_499 = vector.shape_cast %swap3A_498 : vector<1x16xf32> to vector<16xf32>
            %swap3A_500 = vector.shape_cast %mul3A_495 : vector<16xf32> to vector<1x16xf32>
            tpu.vector_store %arg14[%swap3A_496, %swap3A_497], %swap3A_500 {strides = array<i32>} : memref<128x128xf32, #tpu.memory_space<vmem>>, vector<1x16xf32>,
            %get3A_501 = arith.index_cast %add3A_416 : i32 to index
            %get3A_502 = arith.constant 96 : index
            %get3A_503 = tpu.vector_load %arg14[%get3A_501, %get3A_502] {strides = array<i32>} : memref<128x128xf32, #tpu.memory_space<vmem>>, vector<1x16xf32>,
            %get3A_504 = vector.shape_cast %get3A_503 : vector<1x16xf32> to vector<16xf32>
            %get3A_505 = arith.index_cast %add3A_416 : i32 to index
            %get3A_506 = arith.constant 96 : index
            %get3A_507 = tpu.vector_load %arg12[%get3A_505, %get3A_506] {strides = array<i32>} : memref<128x128xf32, #tpu.memory_space<vmem>>, vector<1x16xf32>,
            %get3A_508 = vector.shape_cast %get3A_507 : vector<1x16xf32> to vector<16xf32>
            %mul3A_509 = arith.mulf %get3A_504, %get3A_508 : vector<16xf32>
            %swap3A_510 = arith.index_cast %add3A_416 : i32 to index
            %swap3A_511 = arith.constant 96 : index
            %swap3A_512 = tpu.vector_load %arg14[%swap3A_510, %swap3A_511] {strides = array<i32>} : memref<128x128xf32, #tpu.memory_space<vmem>>, vector<1x16xf32>,
            %swap3A_513 = vector.shape_cast %swap3A_512 : vector<1x16xf32> to vector<16xf32>
            %swap3A_514 = vector.shape_cast %mul3A_509 : vector<16xf32> to vector<1x16xf32>
            tpu.vector_store %arg14[%swap3A_510, %swap3A_511], %swap3A_514 {strides = array<i32>} : memref<128x128xf32, #tpu.memory_space<vmem>>, vector<1x16xf32>,
            %get3A_515 = arith.index_cast %add3A_416 : i32 to index
            %get3A_516 = arith.constant 112 : index
            %get3A_517 = tpu.vector_load %arg14[%get3A_515, %get3A_516] {strides = array<i32>} : memref<128x128xf32, #tpu.memory_space<vmem>>, vector<1x16xf32>,
            %get3A_518 = vector.shape_cast %get3A_517 : vector<1x16xf32> to vector<16xf32>
            %get3A_519 = arith.index_cast %add3A_416 : i32 to index
            %get3A_520 = arith.constant 112 : index
            %get3A_521 = tpu.vector_load %arg12[%get3A_519, %get3A_520] {strides = array<i32>} : memref<128x128xf32, #tpu.memory_space<vmem>>, vector<1x16xf32>,
            %get3A_522 = vector.shape_cast %get3A_521 : vector<1x16xf32> to vector<16xf32>
            %mul3A_523 = arith.mulf %get3A_518, %get3A_522 : vector<16xf32>
            %swap3A_524 = arith.index_cast %add3A_416 : i32 to index
            %swap3A_525 = arith.constant 112 : index
            %swap3A_526 = tpu.vector_load %arg14[%swap3A_524, %swap3A_525] {strides = array<i32>} : memref<128x128xf32, #tpu.memory_space<vmem>>, vector<1x16xf32>,
            %swap3A_527 = vector.shape_cast %swap3A_526 : vector<1x16xf32> to vector<16xf32>
            %swap3A_528 = vector.shape_cast %mul3A_523 : vector<16xf32> to vector<1x16xf32>
            tpu.vector_store %arg14[%swap3A_524, %swap3A_525], %swap3A_528 {strides = array<i32>} : memref<128x128xf32, #tpu.memory_space<vmem>>, vector<1x16xf32>,
          }
          %scan3A_411 = arith.constant 128 : i32
          %run_scoped3A = arith.constant 0 : i32
          "tpu.region"() ({
            %run_scoped3A_412 = tpu.sem_alloc : memref<!tpu.dma_semaphore, #tpu.memory_space<semaphore_mem>>
            %dma_start3A = arith.constant 0 : i32
            %dma_start3A_413 = tpu.memref_slice %arg16[%run_scoped3A, %dma_start3A] : memref<8x128xi32, #tpu.memory_space<vmem>> -> memref<1x128xi32, #tpu.memory_space<vmem>>
            %dma_start3A_414 = tpu.memref_squeeze %dma_start3A_413 : memref<1x128xi32, #tpu.memory_space<vmem>> -> memref<128xi32, #tpu.memory_space<vmem>>
            %dma_start3A_415 = arith.constant 0 : i32
            %dma_start3A_416 = arith.constant 0 : i32
            %dma_start3A_417 = tpu.memref_slice %arg17[%dma_start3A_415, %dma_start3A_416] : memref<1920x128xf32, #tpu.memory_space<vmem_shared>> -> memref<1920x128xf32, #tpu.memory_space<vmem_shared>>
            tpu.enqueue_indirect_dma source(%arg14 : memref<128x128xf32, #tpu.memory_space<vmem>>) target(%dma_start3A_417 : memref<1920x128xf32, #tpu.memory_space<vmem_shared>>) offsets(%dma_start3A_414 : memref<128xi32, #tpu.memory_space<vmem>>) semaphore(%run_scoped3A_412 : memref<!tpu.dma_semaphore, #tpu.memory_space<semaphore_mem>>) {add = true}
            %dma_wait3A_418 = arith.constant 0 : i32
            %dma_wait3A_419 = tpu.memref_slice %arg16[%run_scoped3A, %dma_wait3A_418] : memref<8x128xi32, #tpu.memory_space<vmem>> -> memref<1x128xi32, #tpu.memory_space<vmem>>
            %dma_wait3A_420 = tpu.memref_squeeze %dma_wait3A_419 : memref<1x128xi32, #tpu.memory_space<vmem>> -> memref<128xi32, #tpu.memory_space<vmem>>
            %dma_wait3A_421 = arith.constant 0 : i32
            %dma_wait3A_422 = arith.constant 0 : i32
            %dma_wait3A_423 = tpu.memref_slice %arg17[%dma_wait3A_421, %dma_wait3A_422] : memref<1920x128xf32, #tpu.memory_space<vmem_shared>> -> memref<1920x128xf32, #tpu.memory_space<vmem_shared>>
            tpu.wait_indirect_dma semaphore(%run_scoped3A_412 : memref<!tpu.dma_semaphore, #tpu.memory_space<semaphore_mem>>) src(%arg14 : memref<128x128xf32, #tpu.memory_space<vmem>>) dst(%dma_wait3A_423 : memref<1920x128xf32, #tpu.memory_space<vmem_shared>>)
            tpu.yield
          }) : () -> ()
        } else {
        }
      } else {
      }
      %not3A = arith.constant true
      %not3A_203 = arith.xori %eq3A_199, %not3A : i1
      %convert_element_type3A_204 = arith.extui %not3A_203 : i1 to i32
      %cond3A_205 = arith.constant 0 : i32
      %cond3A_206 = arith.cmpi ne, %convert_element_type3A_204, %cond3A_205 : i32
      scf.if %cond3A_206 {
        %lt3A_207 = arith.cmpi slt, %add3A_186, %squeeze3A_134 : i32
        %convert_element_type3A_208 = arith.extui %lt3A_207 : i1 to i32
        %cond3A_209 = arith.constant 0 : i32
        %cond3A_210 = arith.cmpi ne, %convert_element_type3A_208, %cond3A_209 : i32
        scf.if %cond3A_210 {
          %sub3A_217 = arith.subi %add3A_186, %multiple_of3A_130 : i32
          %dma_start3A = arith.constant 0 : i32
          %dma_start3A_218 = tpu.memref_slice %arg9[%sub3A_217, %dma_start3A] : memref<184x128xi32, #tpu.memory_space<vmem>> -> memref<1x128xi32, #tpu.memory_space<vmem>>
          %dma_start3A_219 = tpu.memref_squeeze %dma_start3A_218 : memref<1x128xi32, #tpu.memory_space<vmem>> -> memref<128xi32, #tpu.memory_space<vmem>>
          %dma_start3A_220 = arith.constant 0 : i32
          %dma_start3A_221 = arith.constant 0 : i32
          %dma_start3A_222 = tpu.memref_slice %arg2[%dma_start3A_220, %dma_start3A_221] : memref<10000x128xf32, #tpu.memory_space<hbm>> -> memref<10000x128xf32, #tpu.memory_space<hbm>>
          tpu.enqueue_indirect_dma source(%dma_start3A_222 : memref<10000x128xf32, #tpu.memory_space<hbm>>) target(%arg14 : memref<128x128xf32, #tpu.memory_space<vmem>>) offsets(%dma_start3A_219 : memref<128xi32, #tpu.memory_space<vmem>>) semaphore(%arg20 : memref<!tpu.dma_semaphore, #tpu.memory_space<semaphore_mem>>)
          %mul3A_223 = arith.constant 128 : i32
          %mul3A_224 = arith.muli %add3A_186, %mul3A_223 : i32
          %multiple_of3A_225 = tpu.assume_multiple %mul3A_224, 8 : i32
          %dma_start3A_226 = arith.constant 0 : i32
          %dma_start3A_227 = tpu.memref_slice %arg3[%multiple_of3A_225, %dma_start3A_226] : memref<320000x128xf32, #tpu.memory_space<hbm>> -> memref<128x128xf32, #tpu.memory_space<hbm>>
          %dma_start3A_228 = arith.constant 0 : i32
          %dma_start3A_229 = tpu.memref_slice %arg3[%multiple_of3A_225, %dma_start3A_228] : memref<320000x128xf32, #tpu.memory_space<hbm>> -> memref<128x128xf32, #tpu.memory_space<hbm>>
          tpu.enqueue_dma source(%dma_start3A_229 : memref<128x128xf32, #tpu.memory_space<hbm>>) target(%arg12 : memref<128x128xf32, #tpu.memory_space<vmem>>) target_semaphore(%arg22 : memref<!tpu.dma_semaphore, #tpu.memory_space<semaphore_mem>>)
        } else {
        }
        %sub3A_211 = arith.constant 1 : i32
        %sub3A_212 = arith.subi %add3A_186, %sub3A_211 : i32
        %ge3A_213 = arith.cmpi sge, %sub3A_212, %squeeze3A_132 : i32
        %convert_element_type3A_214 = arith.extui %ge3A_213 : i1 to i32
        %cond3A_215 = arith.constant 0 : i32
        %cond3A_216 = arith.cmpi ne, %convert_element_type3A_214, %cond3A_215 : i32
        scf.if %cond3A_216 {
          %sub3A_217 = arith.constant 1 : i32
          %sub3A_218 = arith.subi %add3A_186, %sub3A_217 : i32
          %sub3A_219 = arith.subi %sub3A_218, %multiple_of3A_130 : i32
          %get3A_220 = arith.index_cast %sub3A_219 : i32 to index
          %get3A_221 = arith.constant 0 : index
          %get3A_222 = tpu.vector_load %arg10[%get3A_220, %get3A_221] {strides = array<i32>} : memref<184x128xi32, #tpu.memory_space<vmem>>, vector<1x16xi32>,
          %get3A_223 = vector.shape_cast %get3A_222 : vector<1x16xi32> to vector<16xi32>
          %sub3A_224 = vector.broadcast %mul3A_138 : i32 to vector<16xi32>
          %sub3A_225 = arith.subi %get3A_223, %sub3A_224 : vector<16xi32>
          %ge3A_226 = arith.constant 0 : i32
          %ge3A_227 = vector.broadcast %ge3A_226 : i32 to vector<16xi32>
          %ge3A_228 = arith.cmpi sge, %sub3A_225, %ge3A_227 : vector<16xi32>
          %lt3A_229 = arith.constant 1792 : i32
          %lt3A_230 = vector.broadcast %lt3A_229 : i32 to vector<16xi32>
          %lt3A_231 = arith.cmpi slt, %sub3A_225, %lt3A_230 : vector<16xi32>
          %and3A_232 = arith.andi %ge3A_228, %lt3A_231 : vector<16xi1>
          %jit3A_233 = arith.constant 1792 : i32
          %broadcast_in_dim3A = vector.broadcast %jit3A_233 : i32 to vector<16xi32>
          %select_n3A_234 = arith.select %and3A_232, %sub3A_225, %broadcast_in_dim3A : vector<16xi1>, vector<16xi32>
          %swap3A = arith.constant 0 : i32
          %swap3A_235 = arith.index_cast %swap3A : i32 to index
          %swap3A_236 = arith.constant 0 : index
          %swap3A_237 = tpu.vector_load %arg15[%swap3A_235, %swap3A_236] {strides = array<i32>} : memref<8x128xi32, #tpu.memory_space<vmem>>, vector<1x16xi32>,
          %swap3A_238 = vector.shape_cast %swap3A_237 : vector<1x16xi32> to vector<16xi32>
          %swap3A_239 = vector.shape_cast %select_n3A_234 : vector<16xi32> to vector<1x16xi32>
          tpu.vector_store %arg15[%swap3A_235, %swap3A_236], %swap3A_239 {strides = array<i32>} : memref<8x128xi32, #tpu.memory_space<vmem>>, vector<1x16xi32>,
          %get3A_240 = arith.index_cast %sub3A_219 : i32 to index
          %get3A_241 = arith.constant 16 : index
          %get3A_242 = tpu.vector_load %arg10[%get3A_240, %get3A_241] {strides = array<i32>} : memref<184x128xi32, #tpu.memory_space<vmem>>, vector<1x16xi32>,
          %get3A_243 = vector.shape_cast %get3A_242 : vector<1x16xi32> to vector<16xi32>
          %sub3A_244 = vector.broadcast %mul3A_138 : i32 to vector<16xi32>
          %sub3A_245 = arith.subi %get3A_243, %sub3A_244 : vector<16xi32>
          %ge3A_246 = arith.constant 0 : i32
          %ge3A_247 = vector.broadcast %ge3A_246 : i32 to vector<16xi32>
          %ge3A_248 = arith.cmpi sge, %sub3A_245, %ge3A_247 : vector<16xi32>
          %lt3A_249 = arith.constant 1792 : i32
          %lt3A_250 = vector.broadcast %lt3A_249 : i32 to vector<16xi32>
          %lt3A_251 = arith.cmpi slt, %sub3A_245, %lt3A_250 : vector<16xi32>
          %and3A_252 = arith.andi %ge3A_248, %lt3A_251 : vector<16xi1>
          %jit3A_253 = arith.constant 1792 : i32
          %broadcast_in_dim3A_254 = vector.broadcast %jit3A_253 : i32 to vector<16xi32>
          %select_n3A_255 = arith.select %and3A_252, %sub3A_245, %broadcast_in_dim3A_254 : vector<16xi1>, vector<16xi32>
          %swap3A_256 = arith.constant 0 : i32
          %swap3A_257 = arith.index_cast %swap3A_256 : i32 to index
          %swap3A_258 = arith.constant 16 : index
          %swap3A_259 = tpu.vector_load %arg15[%swap3A_257, %swap3A_258] {strides = array<i32>} : memref<8x128xi32, #tpu.memory_space<vmem>>, vector<1x16xi32>,
          %swap3A_260 = vector.shape_cast %swap3A_259 : vector<1x16xi32> to vector<16xi32>
          %swap3A_261 = vector.shape_cast %select_n3A_255 : vector<16xi32> to vector<1x16xi32>
          tpu.vector_store %arg15[%swap3A_257, %swap3A_258], %swap3A_261 {strides = array<i32>} : memref<8x128xi32, #tpu.memory_space<vmem>>, vector<1x16xi32>,
          %get3A_262 = arith.index_cast %sub3A_219 : i32 to index
          %get3A_263 = arith.constant 32 : index
          %get3A_264 = tpu.vector_load %arg10[%get3A_262, %get3A_263] {strides = array<i32>} : memref<184x128xi32, #tpu.memory_space<vmem>>, vector<1x16xi32>,
          %get3A_265 = vector.shape_cast %get3A_264 : vector<1x16xi32> to vector<16xi32>
          %sub3A_266 = vector.broadcast %mul3A_138 : i32 to vector<16xi32>
          %sub3A_267 = arith.subi %get3A_265, %sub3A_266 : vector<16xi32>
          %ge3A_268 = arith.constant 0 : i32
          %ge3A_269 = vector.broadcast %ge3A_268 : i32 to vector<16xi32>
          %ge3A_270 = arith.cmpi sge, %sub3A_267, %ge3A_269 : vector<16xi32>
          %lt3A_271 = arith.constant 1792 : i32
          %lt3A_272 = vector.broadcast %lt3A_271 : i32 to vector<16xi32>
          %lt3A_273 = arith.cmpi slt, %sub3A_267, %lt3A_272 : vector<16xi32>
          %and3A_274 = arith.andi %ge3A_270, %lt3A_273 : vector<16xi1>
          %jit3A_275 = arith.constant 1792 : i32
          %broadcast_in_dim3A_276 = vector.broadcast %jit3A_275 : i32 to vector<16xi32>
          %select_n3A_277 = arith.select %and3A_274, %sub3A_267, %broadcast_in_dim3A_276 : vector<16xi1>, vector<16xi32>
          %swap3A_278 = arith.constant 0 : i32
          %swap3A_279 = arith.index_cast %swap3A_278 : i32 to index
          %swap3A_280 = arith.constant 32 : index
          %swap3A_281 = tpu.vector_load %arg15[%swap3A_279, %swap3A_280] {strides = array<i32>} : memref<8x128xi32, #tpu.memory_space<vmem>>, vector<1x16xi32>,
          %swap3A_282 = vector.shape_cast %swap3A_281 : vector<1x16xi32> to vector<16xi32>
          %swap3A_283 = vector.shape_cast %select_n3A_277 : vector<16xi32> to vector<1x16xi32>
          tpu.vector_store %arg15[%swap3A_279, %swap3A_280], %swap3A_283 {strides = array<i32>} : memref<8x128xi32, #tpu.memory_space<vmem>>, vector<1x16xi32>,
          %get3A_284 = arith.index_cast %sub3A_219 : i32 to index
          %get3A_285 = arith.constant 48 : index
          %get3A_286 = tpu.vector_load %arg10[%get3A_284, %get3A_285] {strides = array<i32>} : memref<184x128xi32, #tpu.memory_space<vmem>>, vector<1x16xi32>,
          %get3A_287 = vector.shape_cast %get3A_286 : vector<1x16xi32> to vector<16xi32>
          %sub3A_288 = vector.broadcast %mul3A_138 : i32 to vector<16xi32>
          %sub3A_289 = arith.subi %get3A_287, %sub3A_288 : vector<16xi32>
          %ge3A_290 = arith.constant 0 : i32
          %ge3A_291 = vector.broadcast %ge3A_290 : i32 to vector<16xi32>
          %ge3A_292 = arith.cmpi sge, %sub3A_289, %ge3A_291 : vector<16xi32>
          %lt3A_293 = arith.constant 1792 : i32
          %lt3A_294 = vector.broadcast %lt3A_293 : i32 to vector<16xi32>
          %lt3A_295 = arith.cmpi slt, %sub3A_289, %lt3A_294 : vector<16xi32>
          %and3A_296 = arith.andi %ge3A_292, %lt3A_295 : vector<16xi1>
          %jit3A_297 = arith.constant 1792 : i32
          %broadcast_in_dim3A_298 = vector.broadcast %jit3A_297 : i32 to vector<16xi32>
          %select_n3A_299 = arith.select %and3A_296, %sub3A_289, %broadcast_in_dim3A_298 : vector<16xi1>, vector<16xi32>
          %swap3A_300 = arith.constant 0 : i32
          %swap3A_301 = arith.index_cast %swap3A_300 : i32 to index
          %swap3A_302 = arith.constant 48 : index
          %swap3A_303 = tpu.vector_load %arg15[%swap3A_301, %swap3A_302] {strides = array<i32>} : memref<8x128xi32, #tpu.memory_space<vmem>>, vector<1x16xi32>,
          %swap3A_304 = vector.shape_cast %swap3A_303 : vector<1x16xi32> to vector<16xi32>
          %swap3A_305 = vector.shape_cast %select_n3A_299 : vector<16xi32> to vector<1x16xi32>
          tpu.vector_store %arg15[%swap3A_301, %swap3A_302], %swap3A_305 {strides = array<i32>} : memref<8x128xi32, #tpu.memory_space<vmem>>, vector<1x16xi32>,
          %get3A_306 = arith.index_cast %sub3A_219 : i32 to index
          %get3A_307 = arith.constant 64 : index
          %get3A_308 = tpu.vector_load %arg10[%get3A_306, %get3A_307] {strides = array<i32>} : memref<184x128xi32, #tpu.memory_space<vmem>>, vector<1x16xi32>,
          %get3A_309 = vector.shape_cast %get3A_308 : vector<1x16xi32> to vector<16xi32>
          %sub3A_310 = vector.broadcast %mul3A_138 : i32 to vector<16xi32>
          %sub3A_311 = arith.subi %get3A_309, %sub3A_310 : vector<16xi32>
          %ge3A_312 = arith.constant 0 : i32
          %ge3A_313 = vector.broadcast %ge3A_312 : i32 to vector<16xi32>
          %ge3A_314 = arith.cmpi sge, %sub3A_311, %ge3A_313 : vector<16xi32>
          %lt3A_315 = arith.constant 1792 : i32
          %lt3A_316 = vector.broadcast %lt3A_315 : i32 to vector<16xi32>
          %lt3A_317 = arith.cmpi slt, %sub3A_311, %lt3A_316 : vector<16xi32>
          %and3A_318 = arith.andi %ge3A_314, %lt3A_317 : vector<16xi1>
          %jit3A_319 = arith.constant 1792 : i32
          %broadcast_in_dim3A_320 = vector.broadcast %jit3A_319 : i32 to vector<16xi32>
          %select_n3A_321 = arith.select %and3A_318, %sub3A_311, %broadcast_in_dim3A_320 : vector<16xi1>, vector<16xi32>
          %swap3A_322 = arith.constant 0 : i32
          %swap3A_323 = arith.index_cast %swap3A_322 : i32 to index
          %swap3A_324 = arith.constant 64 : index
          %swap3A_325 = tpu.vector_load %arg15[%swap3A_323, %swap3A_324] {strides = array<i32>} : memref<8x128xi32, #tpu.memory_space<vmem>>, vector<1x16xi32>,
          %swap3A_326 = vector.shape_cast %swap3A_325 : vector<1x16xi32> to vector<16xi32>
          %swap3A_327 = vector.shape_cast %select_n3A_321 : vector<16xi32> to vector<1x16xi32>
          tpu.vector_store %arg15[%swap3A_323, %swap3A_324], %swap3A_327 {strides = array<i32>} : memref<8x128xi32, #tpu.memory_space<vmem>>, vector<1x16xi32>,
          %get3A_328 = arith.index_cast %sub3A_219 : i32 to index
          %get3A_329 = arith.constant 80 : index
          %get3A_330 = tpu.vector_load %arg10[%get3A_328, %get3A_329] {strides = array<i32>} : memref<184x128xi32, #tpu.memory_space<vmem>>, vector<1x16xi32>,
          %get3A_331 = vector.shape_cast %get3A_330 : vector<1x16xi32> to vector<16xi32>
          %sub3A_332 = vector.broadcast %mul3A_138 : i32 to vector<16xi32>
          %sub3A_333 = arith.subi %get3A_331, %sub3A_332 : vector<16xi32>
          %ge3A_334 = arith.constant 0 : i32
          %ge3A_335 = vector.broadcast %ge3A_334 : i32 to vector<16xi32>
          %ge3A_336 = arith.cmpi sge, %sub3A_333, %ge3A_335 : vector<16xi32>
          %lt3A_337 = arith.constant 1792 : i32
          %lt3A_338 = vector.broadcast %lt3A_337 : i32 to vector<16xi32>
          %lt3A_339 = arith.cmpi slt, %sub3A_333, %lt3A_338 : vector<16xi32>
          %and3A_340 = arith.andi %ge3A_336, %lt3A_339 : vector<16xi1>
          %jit3A_341 = arith.constant 1792 : i32
          %broadcast_in_dim3A_342 = vector.broadcast %jit3A_341 : i32 to vector<16xi32>
          %select_n3A_343 = arith.select %and3A_340, %sub3A_333, %broadcast_in_dim3A_342 : vector<16xi1>, vector<16xi32>
          %swap3A_344 = arith.constant 0 : i32
          %swap3A_345 = arith.index_cast %swap3A_344 : i32 to index
          %swap3A_346 = arith.constant 80 : index
          %swap3A_347 = tpu.vector_load %arg15[%swap3A_345, %swap3A_346] {strides = array<i32>} : memref<8x128xi32, #tpu.memory_space<vmem>>, vector<1x16xi32>,
          %swap3A_348 = vector.shape_cast %swap3A_347 : vector<1x16xi32> to vector<16xi32>
          %swap3A_349 = vector.shape_cast %select_n3A_343 : vector<16xi32> to vector<1x16xi32>
          tpu.vector_store %arg15[%swap3A_345, %swap3A_346], %swap3A_349 {strides = array<i32>} : memref<8x128xi32, #tpu.memory_space<vmem>>, vector<1x16xi32>,
          %get3A_350 = arith.index_cast %sub3A_219 : i32 to index
          %get3A_351 = arith.constant 96 : index
          %get3A_352 = tpu.vector_load %arg10[%get3A_350, %get3A_351] {strides = array<i32>} : memref<184x128xi32, #tpu.memory_space<vmem>>, vector<1x16xi32>,
          %get3A_353 = vector.shape_cast %get3A_352 : vector<1x16xi32> to vector<16xi32>
          %sub3A_354 = vector.broadcast %mul3A_138 : i32 to vector<16xi32>
          %sub3A_355 = arith.subi %get3A_353, %sub3A_354 : vector<16xi32>
          %ge3A_356 = arith.constant 0 : i32
          %ge3A_357 = vector.broadcast %ge3A_356 : i32 to vector<16xi32>
          %ge3A_358 = arith.cmpi sge, %sub3A_355, %ge3A_357 : vector<16xi32>
          %lt3A_359 = arith.constant 1792 : i32
          %lt3A_360 = vector.broadcast %lt3A_359 : i32 to vector<16xi32>
          %lt3A_361 = arith.cmpi slt, %sub3A_355, %lt3A_360 : vector<16xi32>
          %and3A_362 = arith.andi %ge3A_358, %lt3A_361 : vector<16xi1>
          %jit3A_363 = arith.constant 1792 : i32
          %broadcast_in_dim3A_364 = vector.broadcast %jit3A_363 : i32 to vector<16xi32>
          %select_n3A_365 = arith.select %and3A_362, %sub3A_355, %broadcast_in_dim3A_364 : vector<16xi1>, vector<16xi32>
          %swap3A_366 = arith.constant 0 : i32
          %swap3A_367 = arith.index_cast %swap3A_366 : i32 to index
          %swap3A_368 = arith.constant 96 : index
          %swap3A_369 = tpu.vector_load %arg15[%swap3A_367, %swap3A_368] {strides = array<i32>} : memref<8x128xi32, #tpu.memory_space<vmem>>, vector<1x16xi32>,
          %swap3A_370 = vector.shape_cast %swap3A_369 : vector<1x16xi32> to vector<16xi32>
          %swap3A_371 = vector.shape_cast %select_n3A_365 : vector<16xi32> to vector<1x16xi32>
          tpu.vector_store %arg15[%swap3A_367, %swap3A_368], %swap3A_371 {strides = array<i32>} : memref<8x128xi32, #tpu.memory_space<vmem>>, vector<1x16xi32>,
          %get3A_372 = arith.index_cast %sub3A_219 : i32 to index
          %get3A_373 = arith.constant 112 : index
          %get3A_374 = tpu.vector_load %arg10[%get3A_372, %get3A_373] {strides = array<i32>} : memref<184x128xi32, #tpu.memory_space<vmem>>, vector<1x16xi32>,
          %get3A_375 = vector.shape_cast %get3A_374 : vector<1x16xi32> to vector<16xi32>
          %sub3A_376 = vector.broadcast %mul3A_138 : i32 to vector<16xi32>
          %sub3A_377 = arith.subi %get3A_375, %sub3A_376 : vector<16xi32>
          %ge3A_378 = arith.constant 0 : i32
          %ge3A_379 = vector.broadcast %ge3A_378 : i32 to vector<16xi32>
          %ge3A_380 = arith.cmpi sge, %sub3A_377, %ge3A_379 : vector<16xi32>
          %lt3A_381 = arith.constant 1792 : i32
          %lt3A_382 = vector.broadcast %lt3A_381 : i32 to vector<16xi32>
          %lt3A_383 = arith.cmpi slt, %sub3A_377, %lt3A_382 : vector<16xi32>
          %and3A_384 = arith.andi %ge3A_380, %lt3A_383 : vector<16xi1>
          %jit3A_385 = arith.constant 1792 : i32
          %broadcast_in_dim3A_386 = vector.broadcast %jit3A_385 : i32 to vector<16xi32>
          %select_n3A_387 = arith.select %and3A_384, %sub3A_377, %broadcast_in_dim3A_386 : vector<16xi1>, vector<16xi32>
          %swap3A_388 = arith.constant 0 : i32
          %swap3A_389 = arith.index_cast %swap3A_388 : i32 to index
          %swap3A_390 = arith.constant 112 : index
          %swap3A_391 = tpu.vector_load %arg15[%swap3A_389, %swap3A_390] {strides = array<i32>} : memref<8x128xi32, #tpu.memory_space<vmem>>, vector<1x16xi32>,
          %swap3A_392 = vector.shape_cast %swap3A_391 : vector<1x16xi32> to vector<16xi32>
          %swap3A_393 = vector.shape_cast %select_n3A_387 : vector<16xi32> to vector<1x16xi32>
          tpu.vector_store %arg15[%swap3A_389, %swap3A_390], %swap3A_393 {strides = array<i32>} : memref<8x128xi32, #tpu.memory_space<vmem>>, vector<1x16xi32>,
          %sub3A_394 = arith.constant 1 : i32
          %sub3A_395 = arith.subi %add3A_186, %sub3A_394 : i32
          %mul3A_396 = arith.constant 128 : i32
          %mul3A_397 = arith.muli %sub3A_395, %mul3A_396 : i32
          %multiple_of3A_398 = tpu.assume_multiple %mul3A_397, 8 : i32
          %dma_wait3A = arith.constant 0 : i32
          %dma_wait3A_399 = tpu.memref_slice %arg9[%sub3A_219, %dma_wait3A] : memref<184x128xi32, #tpu.memory_space<vmem>> -> memref<1x128xi32, #tpu.memory_space<vmem>>
          %dma_wait3A_400 = tpu.memref_squeeze %dma_wait3A_399 : memref<1x128xi32, #tpu.memory_space<vmem>> -> memref<128xi32, #tpu.memory_space<vmem>>
          %dma_wait3A_401 = arith.constant 0 : i32
          %dma_wait3A_402 = arith.constant 0 : i32
          %dma_wait3A_403 = tpu.memref_slice %arg2[%dma_wait3A_401, %dma_wait3A_402] : memref<10000x128xf32, #tpu.memory_space<hbm>> -> memref<10000x128xf32, #tpu.memory_space<hbm>>
          tpu.wait_indirect_dma semaphore(%arg19 : memref<!tpu.dma_semaphore, #tpu.memory_space<semaphore_mem>>) src(%dma_wait3A_403 : memref<10000x128xf32, #tpu.memory_space<hbm>>) dst(%arg13 : memref<128x128xf32, #tpu.memory_space<vmem>>)
          %dma_wait3A_404 = arith.constant 0 : i32
          %dma_wait3A_405 = tpu.memref_slice %arg3[%multiple_of3A_398, %dma_wait3A_404] : memref<320000x128xf32, #tpu.memory_space<hbm>> -> memref<128x128xf32, #tpu.memory_space<hbm>>
          %dma_wait3A_406 = arith.constant 0 : i32
          %dma_wait3A_407 = tpu.memref_slice %arg3[%multiple_of3A_398, %dma_wait3A_406] : memref<320000x128xf32, #tpu.memory_space<hbm>> -> memref<128x128xf32, #tpu.memory_space<hbm>>
          tpu.wait_dma2 semaphore(%arg21 : memref<!tpu.dma_semaphore, #tpu.memory_space<semaphore_mem>>) src(%dma_wait3A_407 : memref<128x128xf32, #tpu.memory_space<hbm>>) dst(%arg11 : memref<128x128xf32, #tpu.memory_space<vmem>>)
          %scan3A = arith.constant 0 : i32
          %scan3A_408 = arith.constant 128 : i32
          %scan3A_409 = arith.addi %scan3A, %scan3A_408 : i32
          %scan3A_410 = arith.constant 1 : i32
          scf.for %scan3A_412 = %scan3A to %scan3A_409 step %scan3A_410  : i32 {
            %mul3A_413 = arith.constant 1 : i32
            %mul3A_414 = arith.muli %scan3A_412, %mul3A_413 : i32
            %add3A_415 = arith.constant 0 : i32
            %add3A_416 = arith.addi %add3A_415, %mul3A_414 : i32
            %get3A_417 = arith.index_cast %add3A_416 : i32 to index
            %get3A_418 = arith.constant 0 : index
            %get3A_419 = tpu.vector_load %arg13[%get3A_417, %get3A_418] {strides = array<i32>} : memref<128x128xf32, #tpu.memory_space<vmem>>, vector<1x16xf32>,
            %get3A_420 = vector.shape_cast %get3A_419 : vector<1x16xf32> to vector<16xf32>
            %get3A_421 = arith.index_cast %add3A_416 : i32 to index
            %get3A_422 = arith.constant 0 : index
            %get3A_423 = tpu.vector_load %arg11[%get3A_421, %get3A_422] {strides = array<i32>} : memref<128x128xf32, #tpu.memory_space<vmem>>, vector<1x16xf32>,
            %get3A_424 = vector.shape_cast %get3A_423 : vector<1x16xf32> to vector<16xf32>
            %mul3A_425 = arith.mulf %get3A_420, %get3A_424 : vector<16xf32>
            %swap3A_426 = arith.index_cast %add3A_416 : i32 to index
            %swap3A_427 = arith.constant 0 : index
            %swap3A_428 = tpu.vector_load %arg13[%swap3A_426, %swap3A_427] {strides = array<i32>} : memref<128x128xf32, #tpu.memory_space<vmem>>, vector<1x16xf32>,
            %swap3A_429 = vector.shape_cast %swap3A_428 : vector<1x16xf32> to vector<16xf32>
            %swap3A_430 = vector.shape_cast %mul3A_425 : vector<16xf32> to vector<1x16xf32>
            tpu.vector_store %arg13[%swap3A_426, %swap3A_427], %swap3A_430 {strides = array<i32>} : memref<128x128xf32, #tpu.memory_space<vmem>>, vector<1x16xf32>,
            %get3A_431 = arith.index_cast %add3A_416 : i32 to index
            %get3A_432 = arith.constant 16 : index
            %get3A_433 = tpu.vector_load %arg13[%get3A_431, %get3A_432] {strides = array<i32>} : memref<128x128xf32, #tpu.memory_space<vmem>>, vector<1x16xf32>,
            %get3A_434 = vector.shape_cast %get3A_433 : vector<1x16xf32> to vector<16xf32>
            %get3A_435 = arith.index_cast %add3A_416 : i32 to index
            %get3A_436 = arith.constant 16 : index
            %get3A_437 = tpu.vector_load %arg11[%get3A_435, %get3A_436] {strides = array<i32>} : memref<128x128xf32, #tpu.memory_space<vmem>>, vector<1x16xf32>,
            %get3A_438 = vector.shape_cast %get3A_437 : vector<1x16xf32> to vector<16xf32>
            %mul3A_439 = arith.mulf %get3A_434, %get3A_438 : vector<16xf32>
            %swap3A_440 = arith.index_cast %add3A_416 : i32 to index
            %swap3A_441 = arith.constant 16 : index
            %swap3A_442 = tpu.vector_load %arg13[%swap3A_440, %swap3A_441] {strides = array<i32>} : memref<128x128xf32, #tpu.memory_space<vmem>>, vector<1x16xf32>,
            %swap3A_443 = vector.shape_cast %swap3A_442 : vector<1x16xf32> to vector<16xf32>
            %swap3A_444 = vector.shape_cast %mul3A_439 : vector<16xf32> to vector<1x16xf32>
            tpu.vector_store %arg13[%swap3A_440, %swap3A_441], %swap3A_444 {strides = array<i32>} : memref<128x128xf32, #tpu.memory_space<vmem>>, vector<1x16xf32>,
            %get3A_445 = arith.index_cast %add3A_416 : i32 to index
            %get3A_446 = arith.constant 32 : index
            %get3A_447 = tpu.vector_load %arg13[%get3A_445, %get3A_446] {strides = array<i32>} : memref<128x128xf32, #tpu.memory_space<vmem>>, vector<1x16xf32>,
            %get3A_448 = vector.shape_cast %get3A_447 : vector<1x16xf32> to vector<16xf32>
            %get3A_449 = arith.index_cast %add3A_416 : i32 to index
            %get3A_450 = arith.constant 32 : index
            %get3A_451 = tpu.vector_load %arg11[%get3A_449, %get3A_450] {strides = array<i32>} : memref<128x128xf32, #tpu.memory_space<vmem>>, vector<1x16xf32>,
            %get3A_452 = vector.shape_cast %get3A_451 : vector<1x16xf32> to vector<16xf32>
            %mul3A_453 = arith.mulf %get3A_448, %get3A_452 : vector<16xf32>
            %swap3A_454 = arith.index_cast %add3A_416 : i32 to index
            %swap3A_455 = arith.constant 32 : index
            %swap3A_456 = tpu.vector_load %arg13[%swap3A_454, %swap3A_455] {strides = array<i32>} : memref<128x128xf32, #tpu.memory_space<vmem>>, vector<1x16xf32>,
            %swap3A_457 = vector.shape_cast %swap3A_456 : vector<1x16xf32> to vector<16xf32>
            %swap3A_458 = vector.shape_cast %mul3A_453 : vector<16xf32> to vector<1x16xf32>
            tpu.vector_store %arg13[%swap3A_454, %swap3A_455], %swap3A_458 {strides = array<i32>} : memref<128x128xf32, #tpu.memory_space<vmem>>, vector<1x16xf32>,
            %get3A_459 = arith.index_cast %add3A_416 : i32 to index
            %get3A_460 = arith.constant 48 : index
            %get3A_461 = tpu.vector_load %arg13[%get3A_459, %get3A_460] {strides = array<i32>} : memref<128x128xf32, #tpu.memory_space<vmem>>, vector<1x16xf32>,
            %get3A_462 = vector.shape_cast %get3A_461 : vector<1x16xf32> to vector<16xf32>
            %get3A_463 = arith.index_cast %add3A_416 : i32 to index
            %get3A_464 = arith.constant 48 : index
            %get3A_465 = tpu.vector_load %arg11[%get3A_463, %get3A_464] {strides = array<i32>} : memref<128x128xf32, #tpu.memory_space<vmem>>, vector<1x16xf32>,
            %get3A_466 = vector.shape_cast %get3A_465 : vector<1x16xf32> to vector<16xf32>
            %mul3A_467 = arith.mulf %get3A_462, %get3A_466 : vector<16xf32>
            %swap3A_468 = arith.index_cast %add3A_416 : i32 to index
            %swap3A_469 = arith.constant 48 : index
            %swap3A_470 = tpu.vector_load %arg13[%swap3A_468, %swap3A_469] {strides = array<i32>} : memref<128x128xf32, #tpu.memory_space<vmem>>, vector<1x16xf32>,
            %swap3A_471 = vector.shape_cast %swap3A_470 : vector<1x16xf32> to vector<16xf32>
            %swap3A_472 = vector.shape_cast %mul3A_467 : vector<16xf32> to vector<1x16xf32>
            tpu.vector_store %arg13[%swap3A_468, %swap3A_469], %swap3A_472 {strides = array<i32>} : memref<128x128xf32, #tpu.memory_space<vmem>>, vector<1x16xf32>,
            %get3A_473 = arith.index_cast %add3A_416 : i32 to index
            %get3A_474 = arith.constant 64 : index
            %get3A_475 = tpu.vector_load %arg13[%get3A_473, %get3A_474] {strides = array<i32>} : memref<128x128xf32, #tpu.memory_space<vmem>>, vector<1x16xf32>,
            %get3A_476 = vector.shape_cast %get3A_475 : vector<1x16xf32> to vector<16xf32>
            %get3A_477 = arith.index_cast %add3A_416 : i32 to index
            %get3A_478 = arith.constant 64 : index
            %get3A_479 = tpu.vector_load %arg11[%get3A_477, %get3A_478] {strides = array<i32>} : memref<128x128xf32, #tpu.memory_space<vmem>>, vector<1x16xf32>,
            %get3A_480 = vector.shape_cast %get3A_479 : vector<1x16xf32> to vector<16xf32>
            %mul3A_481 = arith.mulf %get3A_476, %get3A_480 : vector<16xf32>
            %swap3A_482 = arith.index_cast %add3A_416 : i32 to index
            %swap3A_483 = arith.constant 64 : index
            %swap3A_484 = tpu.vector_load %arg13[%swap3A_482, %swap3A_483] {strides = array<i32>} : memref<128x128xf32, #tpu.memory_space<vmem>>, vector<1x16xf32>,
            %swap3A_485 = vector.shape_cast %swap3A_484 : vector<1x16xf32> to vector<16xf32>
            %swap3A_486 = vector.shape_cast %mul3A_481 : vector<16xf32> to vector<1x16xf32>
            tpu.vector_store %arg13[%swap3A_482, %swap3A_483], %swap3A_486 {strides = array<i32>} : memref<128x128xf32, #tpu.memory_space<vmem>>, vector<1x16xf32>,
            %get3A_487 = arith.index_cast %add3A_416 : i32 to index
            %get3A_488 = arith.constant 80 : index
            %get3A_489 = tpu.vector_load %arg13[%get3A_487, %get3A_488] {strides = array<i32>} : memref<128x128xf32, #tpu.memory_space<vmem>>, vector<1x16xf32>,
            %get3A_490 = vector.shape_cast %get3A_489 : vector<1x16xf32> to vector<16xf32>
            %get3A_491 = arith.index_cast %add3A_416 : i32 to index
            %get3A_492 = arith.constant 80 : index
            %get3A_493 = tpu.vector_load %arg11[%get3A_491, %get3A_492] {strides = array<i32>} : memref<128x128xf32, #tpu.memory_space<vmem>>, vector<1x16xf32>,
            %get3A_494 = vector.shape_cast %get3A_493 : vector<1x16xf32> to vector<16xf32>
            %mul3A_495 = arith.mulf %get3A_490, %get3A_494 : vector<16xf32>
            %swap3A_496 = arith.index_cast %add3A_416 : i32 to index
            %swap3A_497 = arith.constant 80 : index
            %swap3A_498 = tpu.vector_load %arg13[%swap3A_496, %swap3A_497] {strides = array<i32>} : memref<128x128xf32, #tpu.memory_space<vmem>>, vector<1x16xf32>,
            %swap3A_499 = vector.shape_cast %swap3A_498 : vector<1x16xf32> to vector<16xf32>
            %swap3A_500 = vector.shape_cast %mul3A_495 : vector<16xf32> to vector<1x16xf32>
            tpu.vector_store %arg13[%swap3A_496, %swap3A_497], %swap3A_500 {strides = array<i32>} : memref<128x128xf32, #tpu.memory_space<vmem>>, vector<1x16xf32>,
            %get3A_501 = arith.index_cast %add3A_416 : i32 to index
            %get3A_502 = arith.constant 96 : index
            %get3A_503 = tpu.vector_load %arg13[%get3A_501, %get3A_502] {strides = array<i32>} : memref<128x128xf32, #tpu.memory_space<vmem>>, vector<1x16xf32>,
            %get3A_504 = vector.shape_cast %get3A_503 : vector<1x16xf32> to vector<16xf32>
            %get3A_505 = arith.index_cast %add3A_416 : i32 to index
            %get3A_506 = arith.constant 96 : index
            %get3A_507 = tpu.vector_load %arg11[%get3A_505, %get3A_506] {strides = array<i32>} : memref<128x128xf32, #tpu.memory_space<vmem>>, vector<1x16xf32>,
            %get3A_508 = vector.shape_cast %get3A_507 : vector<1x16xf32> to vector<16xf32>
            %mul3A_509 = arith.mulf %get3A_504, %get3A_508 : vector<16xf32>
            %swap3A_510 = arith.index_cast %add3A_416 : i32 to index
            %swap3A_511 = arith.constant 96 : index
            %swap3A_512 = tpu.vector_load %arg13[%swap3A_510, %swap3A_511] {strides = array<i32>} : memref<128x128xf32, #tpu.memory_space<vmem>>, vector<1x16xf32>,
            %swap3A_513 = vector.shape_cast %swap3A_512 : vector<1x16xf32> to vector<16xf32>
            %swap3A_514 = vector.shape_cast %mul3A_509 : vector<16xf32> to vector<1x16xf32>
            tpu.vector_store %arg13[%swap3A_510, %swap3A_511], %swap3A_514 {strides = array<i32>} : memref<128x128xf32, #tpu.memory_space<vmem>>, vector<1x16xf32>,
            %get3A_515 = arith.index_cast %add3A_416 : i32 to index
            %get3A_516 = arith.constant 112 : index
            %get3A_517 = tpu.vector_load %arg13[%get3A_515, %get3A_516] {strides = array<i32>} : memref<128x128xf32, #tpu.memory_space<vmem>>, vector<1x16xf32>,
            %get3A_518 = vector.shape_cast %get3A_517 : vector<1x16xf32> to vector<16xf32>
            %get3A_519 = arith.index_cast %add3A_416 : i32 to index
            %get3A_520 = arith.constant 112 : index
            %get3A_521 = tpu.vector_load %arg11[%get3A_519, %get3A_520] {strides = array<i32>} : memref<128x128xf32, #tpu.memory_space<vmem>>, vector<1x16xf32>,
            %get3A_522 = vector.shape_cast %get3A_521 : vector<1x16xf32> to vector<16xf32>
            %mul3A_523 = arith.mulf %get3A_518, %get3A_522 : vector<16xf32>
            %swap3A_524 = arith.index_cast %add3A_416 : i32 to index
            %swap3A_525 = arith.constant 112 : index
            %swap3A_526 = tpu.vector_load %arg13[%swap3A_524, %swap3A_525] {strides = array<i32>} : memref<128x128xf32, #tpu.memory_space<vmem>>, vector<1x16xf32>,
            %swap3A_527 = vector.shape_cast %swap3A_526 : vector<1x16xf32> to vector<16xf32>
            %swap3A_528 = vector.shape_cast %mul3A_523 : vector<16xf32> to vector<1x16xf32>
            tpu.vector_store %arg13[%swap3A_524, %swap3A_525], %swap3A_528 {strides = array<i32>} : memref<128x128xf32, #tpu.memory_space<vmem>>, vector<1x16xf32>,
          }
          %scan3A_411 = arith.constant 128 : i32
          %run_scoped3A = arith.constant 0 : i32
          "tpu.region"() ({
            %run_scoped3A_412 = tpu.sem_alloc : memref<!tpu.dma_semaphore, #tpu.memory_space<semaphore_mem>>
            %dma_start3A = arith.constant 0 : i32
            %dma_start3A_413 = tpu.memref_slice %arg15[%run_scoped3A, %dma_start3A] : memref<8x128xi32, #tpu.memory_space<vmem>> -> memref<1x128xi32, #tpu.memory_space<vmem>>
            %dma_start3A_414 = tpu.memref_squeeze %dma_start3A_413 : memref<1x128xi32, #tpu.memory_space<vmem>> -> memref<128xi32, #tpu.memory_space<vmem>>
            %dma_start3A_415 = arith.constant 0 : i32
            %dma_start3A_416 = arith.constant 0 : i32
            %dma_start3A_417 = tpu.memref_slice %arg17[%dma_start3A_415, %dma_start3A_416] : memref<1920x128xf32, #tpu.memory_space<vmem_shared>> -> memref<1920x128xf32, #tpu.memory_space<vmem_shared>>
            tpu.enqueue_indirect_dma source(%arg13 : memref<128x128xf32, #tpu.memory_space<vmem>>) target(%dma_start3A_417 : memref<1920x128xf32, #tpu.memory_space<vmem_shared>>) offsets(%dma_start3A_414 : memref<128xi32, #tpu.memory_space<vmem>>) semaphore(%run_scoped3A_412 : memref<!tpu.dma_semaphore, #tpu.memory_space<semaphore_mem>>) {add = true}
            %dma_wait3A_418 = arith.constant 0 : i32
            %dma_wait3A_419 = tpu.memref_slice %arg15[%run_scoped3A, %dma_wait3A_418] : memref<8x128xi32, #tpu.memory_space<vmem>> -> memref<1x128xi32, #tpu.memory_space<vmem>>
            %dma_wait3A_420 = tpu.memref_squeeze %dma_wait3A_419 : memref<1x128xi32, #tpu.memory_space<vmem>> -> memref<128xi32, #tpu.memory_space<vmem>>
            %dma_wait3A_421 = arith.constant 0 : i32
            %dma_wait3A_422 = arith.constant 0 : i32
            %dma_wait3A_423 = tpu.memref_slice %arg17[%dma_wait3A_421, %dma_wait3A_422] : memref<1920x128xf32, #tpu.memory_space<vmem_shared>> -> memref<1920x128xf32, #tpu.memory_space<vmem_shared>>
            tpu.wait_indirect_dma semaphore(%run_scoped3A_412 : memref<!tpu.dma_semaphore, #tpu.memory_space<semaphore_mem>>) src(%arg13 : memref<128x128xf32, #tpu.memory_space<vmem>>) dst(%dma_wait3A_423 : memref<1920x128xf32, #tpu.memory_space<vmem_shared>>)
            tpu.yield
          }) : () -> ()
        } else {
        }
      } else {
      }
    }
    %barrier3A_161 = arith.constant 0 : index
    tpu.barrier barrier_id(%barrier3A_161)
    %mul3A_162 = arith.constant 112 : i32
    %mul3A_163 = arith.muli %arg1, %mul3A_162 : i32
    %multiple_of3A_164 = tpu.assume_multiple %mul3A_163, 8 : i32
    %mul3A_165 = arith.constant 112 : i32
    %mul3A_166 = arith.muli %arg1, %mul3A_165 : i32
    %add3A_167 = arith.addi %mul3A_138, %mul3A_166 : i32
    %multiple_of3A_168 = tpu.assume_multiple %add3A_167, 8 : i32
    %sub3A_169 = arith.constant 10000 : i32
    %sub3A_170 = arith.subi %sub3A_169, %multiple_of3A_168 : i32
    %ge3A_171 = arith.constant 112 : i32
    %ge3A_172 = arith.cmpi sge, %sub3A_170, %ge3A_171 : i32
    %convert_element_type3A_173 = arith.extui %ge3A_172 : i1 to i32
    %cond3A_174 = arith.constant 0 : i32
    %cond3A_175 = arith.cmpi ne, %convert_element_type3A_173, %cond3A_174 : i32
    scf.if %cond3A_175 {
      "tpu.region"() ({
        %run_scoped3A = tpu.sem_alloc : memref<!tpu.dma_semaphore, #tpu.memory_space<semaphore_mem>>
        %dma_start3A = arith.constant 0 : i32
        %dma_start3A_184 = tpu.memref_slice %arg8[%multiple_of3A_168, %dma_start3A] : memref<10000x128xf32, #tpu.memory_space<hbm>> -> memref<112x128xf32, #tpu.memory_space<hbm>>
        %dma_start3A_185 = arith.constant 0 : i32
        %dma_start3A_186 = tpu.memref_slice %arg17[%multiple_of3A_164, %dma_start3A_185] : memref<1920x128xf32, #tpu.memory_space<vmem_shared>> -> memref<112x128xf32, #tpu.memory_space<vmem_shared>>
        tpu.enqueue_dma source(%dma_start3A_186 : memref<112x128xf32, #tpu.memory_space<vmem_shared>>) target(%dma_start3A_184 : memref<112x128xf32, #tpu.memory_space<hbm>>) target_semaphore(%run_scoped3A : memref<!tpu.dma_semaphore, #tpu.memory_space<semaphore_mem>>)
        %dma_wait3A = arith.constant 0 : i32
        %dma_wait3A_187 = tpu.memref_slice %arg8[%multiple_of3A_168, %dma_wait3A] : memref<10000x128xf32, #tpu.memory_space<hbm>> -> memref<112x128xf32, #tpu.memory_space<hbm>>
        %dma_wait3A_188 = arith.constant 0 : i32
        %dma_wait3A_189 = tpu.memref_slice %arg17[%multiple_of3A_164, %dma_wait3A_188] : memref<1920x128xf32, #tpu.memory_space<vmem_shared>> -> memref<112x128xf32, #tpu.memory_space<vmem_shared>>
        tpu.wait_dma2 semaphore(%run_scoped3A : memref<!tpu.dma_semaphore, #tpu.memory_space<semaphore_mem>>) src(%dma_wait3A_189 : memref<112x128xf32, #tpu.memory_space<vmem_shared>>) dst(%dma_wait3A_187 : memref<112x128xf32, #tpu.memory_space<hbm>>)
        tpu.yield
      }) : () -> ()
    } else {
    }
    %gt3A_176 = arith.constant 0 : i32
    %gt3A_177 = arith.cmpi sgt, %sub3A_170, %gt3A_176 : i32
    %lt3A_178 = arith.constant 112 : i32
    %lt3A_179 = arith.cmpi slt, %sub3A_170, %lt3A_178 : i32
    %and3A_180 = arith.andi %gt3A_177, %lt3A_179 : i1
    %convert_element_type3A_181 = arith.extui %and3A_180 : i1 to i32
    %cond3A_182 = arith.constant 0 : i32
    %cond3A_183 = arith.cmpi ne, %convert_element_type3A_181, %cond3A_182 : i32
    scf.if %cond3A_183 {
      "tpu.region"() ({
        %run_scoped3A = tpu.sem_alloc : memref<!tpu.dma_semaphore, #tpu.memory_space<semaphore_mem>>
        %dma_start3A = arith.constant 0 : i32
        %dma_start3A_184 = tpu.memref_slice %arg8[%multiple_of3A_168, %dma_start3A] : memref<10000x128xf32, #tpu.memory_space<hbm>> -> memref<32x128xf32, #tpu.memory_space<hbm>>
        %dma_start3A_185 = arith.constant 0 : i32
        %dma_start3A_186 = tpu.memref_slice %arg17[%multiple_of3A_164, %dma_start3A_185] : memref<1920x128xf32, #tpu.memory_space<vmem_shared>> -> memref<32x128xf32, #tpu.memory_space<vmem_shared>>
        tpu.enqueue_dma source(%dma_start3A_186 : memref<32x128xf32, #tpu.memory_space<vmem_shared>>) target(%dma_start3A_184 : memref<32x128xf32, #tpu.memory_space<hbm>>) target_semaphore(%run_scoped3A : memref<!tpu.dma_semaphore, #tpu.memory_space<semaphore_mem>>)
        %dma_wait3A = arith.constant 0 : i32
        %dma_wait3A_187 = tpu.memref_slice %arg8[%multiple_of3A_168, %dma_wait3A] : memref<10000x128xf32, #tpu.memory_space<hbm>> -> memref<32x128xf32, #tpu.memory_space<hbm>>
        %dma_wait3A_188 = arith.constant 0 : i32
        %dma_wait3A_189 = tpu.memref_slice %arg17[%multiple_of3A_164, %dma_wait3A_188] : memref<1920x128xf32, #tpu.memory_space<vmem_shared>> -> memref<32x128xf32, #tpu.memory_space<vmem_shared>>
        tpu.wait_dma2 semaphore(%run_scoped3A : memref<!tpu.dma_semaphore, #tpu.memory_space<semaphore_mem>>) src(%dma_wait3A_189 : memref<32x128xf32, #tpu.memory_space<vmem_shared>>) dst(%dma_wait3A_187 : memref<32x128xf32, #tpu.memory_space<hbm>>)
        tpu.yield
      }) : () -> ()
    } else {
    }
    return
  }
}

module attributes {stable_mosaic.version = 14 : i64} {
  func.func @_filter_body(%arg0: i32, %arg1: memref<1x1x2560xf32, #tpu.memory_space<vmem>>, %arg2: memref<64x1xf32, #tpu.memory_space<vmem>>, %arg3: memref<64x1xf32, #tpu.memory_space<vmem>>, %arg4: memref<64x128xf32, #tpu.memory_space<vmem>>, %arg5: memref<1x128xf32, #tpu.memory_space<vmem>>, %arg6: memref<128x128xf32, #tpu.memory_space<vmem>>, %arg7: memref<1x128xf32, #tpu.memory_space<vmem>>, %arg8: memref<2560x128xf32, #tpu.memory_space<vmem>>) attributes {dimension_semantics = [#tpu.dimension_semantics<arbitrary>], iteration_bounds = array<i64: 125>, scalar_prefetch = 0 : i64, scratch_operands = 0 : i64, tpu.core_type = #tpu.core_type<tc>, window_params = [{transform_indices = @transform_0, window_bounds = array<i64: 1, 1, 2560>}, {pipeline_mode = #tpu.pipeline_mode<synchronous>, transform_indices = @transform_1, window_bounds = array<i64: 64, 1>}, {pipeline_mode = #tpu.pipeline_mode<synchronous>, transform_indices = @transform_2, window_bounds = array<i64: 64, 1>}, {pipeline_mode = #tpu.pipeline_mode<synchronous>, transform_indices = @transform_3, window_bounds = array<i64: 64, 128>}, {pipeline_mode = #tpu.pipeline_mode<synchronous>, transform_indices = @transform_4, window_bounds = array<i64: 1, 128>}, {pipeline_mode = #tpu.pipeline_mode<synchronous>, transform_indices = @transform_5, window_bounds = array<i64: 128, 128>}, {pipeline_mode = #tpu.pipeline_mode<synchronous>, transform_indices = @transform_6, window_bounds = array<i64: 1, 128>}, {transform_indices = @transform_7, window_bounds = array<i64: 2560, 128>}]} {
    %get3A = arith.constant 0 : index
    %get3A_0 = arith.constant 0 : index
    %get3A_1 = arith.constant 0 : index
    %get3A_2 = vector.load %arg1[%get3A, %get3A_0, %get3A_1] : memref<1x1x2560xf32, #tpu.memory_space<vmem>>, vector<1x1x2560xf32>
    %get3A_3 = vector.shape_cast %get3A_2 : vector<1x1x2560xf32> to vector<1x2560xf32>
    %get3A_4 = arith.constant 0 : index
    %get3A_5 = arith.constant 0 : index
    %get3A_6 = vector.load %arg2[%get3A_4, %get3A_5] : memref<64x1xf32, #tpu.memory_space<vmem>>, vector<64x1xf32>
    %get3A_7 = arith.constant 0 : index
    %get3A_8 = arith.constant 0 : index
    %get3A_9 = vector.load %arg3[%get3A_7, %get3A_8] : memref<64x1xf32, #tpu.memory_space<vmem>>, vector<64x1xf32>
    %sub3A = vector.broadcast %get3A_3 : vector<1x2560xf32> to vector<64x2560xf32>
    %sub3A_10 = vector.broadcast %get3A_6 : vector<64x1xf32> to vector<64x2560xf32>
    %sub3A_11 = arith.subf %sub3A, %sub3A_10 : vector<64x2560xf32>
    %neg3A = arith.constant 0.000000e+00 : f32
    %neg3A_12 = vector.broadcast %neg3A : f32 to vector<64x1xf32>
    %neg3A_13 = arith.subf %neg3A_12, %get3A_9 : vector<64x1xf32>
    %mul3A = vector.broadcast %neg3A_13 : vector<64x1xf32> to vector<64x2560xf32>
    %mul3A_14 = arith.mulf %mul3A, %sub3A_11 : vector<64x2560xf32>
    %mul3A_15 = arith.mulf %mul3A_14, %sub3A_11 : vector<64x2560xf32>
    %exp3A = math.exp %mul3A_15 : vector<64x2560xf32>
    %get3A_16 = arith.constant 0 : index
    %get3A_17 = arith.constant 0 : index
    %get3A_18 = vector.load %arg4[%get3A_16, %get3A_17] : memref<64x128xf32, #tpu.memory_space<vmem>>, vector<64x128xf32>
    %dot_general3A = arith.constant dense<0.000000e+00> : vector<2560x128xf32>
    %dot_general3A_19 = tpu.matmul %exp3A, %get3A_18, %dot_general3A {dimension_numbers = #tpu.dot_dimension_numbers<[0], [0], [1], [1], [0, 1, 1, 1], [], []>, transpose_lhs_hint = false} : vector<64x2560xf32>, vector<64x128xf32>, vector<2560x128xf32> -> vector<2560x128xf32>
    %get3A_20 = arith.constant 0 : index
    %get3A_21 = arith.constant 0 : index
    %get3A_22 = vector.load %arg5[%get3A_20, %get3A_21] : memref<1x128xf32, #tpu.memory_space<vmem>>, vector<1x128xf32>
    %add3A = vector.broadcast %get3A_22 : vector<1x128xf32> to vector<2560x128xf32>
    %add3A_23 = arith.addf %dot_general3A_19, %add3A : vector<2560x128xf32>
    %custom_jvp_call3A = arith.constant 0.000000e+00 : f32
    %max3A = vector.broadcast %custom_jvp_call3A : f32 to vector<2560x128xf32>
    %max3A_24 = arith.maximumf %add3A_23, %max3A : vector<2560x128xf32>
    %sub3A_25 = vector.broadcast %custom_jvp_call3A : f32 to vector<2560x128xf32>
    %sub3A_26 = arith.subf %add3A_23, %sub3A_25 : vector<2560x128xf32>
    %ne3A = arith.cmpf one, %sub3A_26, %sub3A_26 : vector<2560x128xf32>
    %add3A_27 = vector.broadcast %custom_jvp_call3A : f32 to vector<2560x128xf32>
    %add3A_28 = arith.addf %add3A_23, %add3A_27 : vector<2560x128xf32>
    %abs3A = math.absf %sub3A_26 : vector<2560x128xf32>
    %neg3A_29 = arith.constant 0.000000e+00 : f32
    %neg3A_30 = vector.broadcast %neg3A_29 : f32 to vector<2560x128xf32>
    %neg3A_31 = arith.subf %neg3A_30, %abs3A : vector<2560x128xf32>
    %exp3A_32 = math.exp %neg3A_31 : vector<2560x128xf32>
    %log1p3A = math.log1p %exp3A_32 : vector<2560x128xf32>
    %add3A_33 = arith.addf %max3A_24, %log1p3A : vector<2560x128xf32>
    %select_n3A = arith.select %ne3A, %add3A_28, %add3A_33 : vector<2560x128xi1>, vector<2560x128xf32>
    %log3A = arith.constant 2.000000e+00 : f32
    %log3A_34 = math.log %log3A : f32
    %sub3A_35 = vector.broadcast %log3A_34 : f32 to vector<2560x128xf32>
    %sub3A_36 = arith.subf %select_n3A, %sub3A_35 : vector<2560x128xf32>
    %get3A_37 = arith.constant 0 : index
    %get3A_38 = arith.constant 0 : index
    %get3A_39 = vector.load %arg6[%get3A_37, %get3A_38] : memref<128x128xf32, #tpu.memory_space<vmem>>, vector<128x128xf32>
    %dot_general3A_40 = arith.constant dense<0.000000e+00> : vector<2560x128xf32>
    %dot_general3A_41 = tpu.matmul %sub3A_36, %get3A_39, %dot_general3A_40 {dimension_numbers = #tpu.dot_dimension_numbers<[1], [0], [0], [1], [0, 0, 1, 1], [], []>, transpose_lhs_hint = false} : vector<2560x128xf32>, vector<128x128xf32>, vector<2560x128xf32> -> vector<2560x128xf32>
    %get3A_42 = arith.constant 0 : index
    %get3A_43 = arith.constant 0 : index
    %get3A_44 = vector.load %arg7[%get3A_42, %get3A_43] : memref<1x128xf32, #tpu.memory_space<vmem>>, vector<1x128xf32>
    %add3A_45 = vector.broadcast %get3A_44 : vector<1x128xf32> to vector<2560x128xf32>
    %add3A_46 = arith.addf %dot_general3A_41, %add3A_45 : vector<2560x128xf32>
    %custom_jvp_call3A_47 = arith.constant 0.000000e+00 : f32
    %max3A_48 = vector.broadcast %custom_jvp_call3A_47 : f32 to vector<2560x128xf32>
    %max3A_49 = arith.maximumf %add3A_46, %max3A_48 : vector<2560x128xf32>
    %sub3A_50 = vector.broadcast %custom_jvp_call3A_47 : f32 to vector<2560x128xf32>
    %sub3A_51 = arith.subf %add3A_46, %sub3A_50 : vector<2560x128xf32>
    %ne3A_52 = arith.cmpf one, %sub3A_51, %sub3A_51 : vector<2560x128xf32>
    %add3A_53 = vector.broadcast %custom_jvp_call3A_47 : f32 to vector<2560x128xf32>
    %add3A_54 = arith.addf %add3A_46, %add3A_53 : vector<2560x128xf32>
    %abs3A_55 = math.absf %sub3A_51 : vector<2560x128xf32>
    %neg3A_56 = arith.constant 0.000000e+00 : f32
    %neg3A_57 = vector.broadcast %neg3A_56 : f32 to vector<2560x128xf32>
    %neg3A_58 = arith.subf %neg3A_57, %abs3A_55 : vector<2560x128xf32>
    %exp3A_59 = math.exp %neg3A_58 : vector<2560x128xf32>
    %log1p3A_60 = math.log1p %exp3A_59 : vector<2560x128xf32>
    %add3A_61 = arith.addf %max3A_49, %log1p3A_60 : vector<2560x128xf32>
    %select_n3A_62 = arith.select %ne3A_52, %add3A_54, %add3A_61 : vector<2560x128xi1>, vector<2560x128xf32>
    %log3A_63 = arith.constant 2.000000e+00 : f32
    %log3A_64 = math.log %log3A_63 : f32
    %sub3A_65 = vector.broadcast %log3A_64 : f32 to vector<2560x128xf32>
    %sub3A_66 = arith.subf %select_n3A_62, %sub3A_65 : vector<2560x128xf32>
    %swap3A = arith.constant 0 : index
    %swap3A_67 = arith.constant 0 : index
    %swap3A_68 = vector.load %arg8[%swap3A, %swap3A_67] : memref<2560x128xf32, #tpu.memory_space<vmem>>, vector<2560x128xf32>
    tpu.vector_store %arg8[%swap3A, %swap3A_67], %sub3A_66 {strides = array<i32>} : memref<2560x128xf32, #tpu.memory_space<vmem>>, vector<2560x128xf32>,
    return
  }
  func.func @transform_0(%arg0: i32) -> (i32, i32, i32) {
    %c0_i32 = arith.constant 0 : i32
    %c0_i32_0 = arith.constant 0 : i32
    %c0_i32_1 = arith.constant 0 : i32
    return %arg0, %c0_i32, %c0_i32_0 : i32, i32, i32
  }
  func.func @transform_1(%arg0: i32) -> (i32, i32) {
    %c0_i32 = arith.constant 0 : i32
    %c0_i32_0 = arith.constant 0 : i32
    %c0_i32_1 = arith.constant 0 : i32
    return %c0_i32, %c0_i32_0 : i32, i32
  }
  func.func @transform_2(%arg0: i32) -> (i32, i32) {
    %c0_i32 = arith.constant 0 : i32
    %c0_i32_0 = arith.constant 0 : i32
    %c0_i32_1 = arith.constant 0 : i32
    return %c0_i32, %c0_i32_0 : i32, i32
  }
  func.func @transform_3(%arg0: i32) -> (i32, i32) {
    %c0_i32 = arith.constant 0 : i32
    %c0_i32_0 = arith.constant 0 : i32
    %c0_i32_1 = arith.constant 0 : i32
    return %c0_i32, %c0_i32_0 : i32, i32
  }
  func.func @transform_4(%arg0: i32) -> (i32, i32) {
    %c0_i32 = arith.constant 0 : i32
    %c0_i32_0 = arith.constant 0 : i32
    %c0_i32_1 = arith.constant 0 : i32
    return %c0_i32, %c0_i32_0 : i32, i32
  }
  func.func @transform_5(%arg0: i32) -> (i32, i32) {
    %c0_i32 = arith.constant 0 : i32
    %c0_i32_0 = arith.constant 0 : i32
    %c0_i32_1 = arith.constant 0 : i32
    return %c0_i32, %c0_i32_0 : i32, i32
  }
  func.func @transform_6(%arg0: i32) -> (i32, i32) {
    %c0_i32 = arith.constant 0 : i32
    %c0_i32_0 = arith.constant 0 : i32
    %c0_i32_1 = arith.constant 0 : i32
    return %c0_i32, %c0_i32_0 : i32, i32
  }
  func.func @transform_7(%arg0: i32) -> (i32, i32) {
    %c0_i32 = arith.constant 0 : i32
    %c0_i32_0 = arith.constant 0 : i32
    return %arg0, %c0_i32 : i32, i32
  }
}

</mosaic_0001>

<sc_bundles>
// kernel: kernel.4.cloned.1.call-start
scs
__scs_entry_jumppad:
0x0: {  	(pc) =	sbr.rel $0x88, $3  }
0x1: {  	(tag) =	ssettag $0x0;
	lr =	simm.s32 $0x1  }
0x2: {  	[smem:$0x3F97] =	sst lr;
	_ =	strace $0xD0000000  }
0x3: {  	_ = 	snop  }
0x4: {  	_ = 	snop  }
0x5: {  	_ = 	snop  }
0x6: {  	_ = 	snop  }
0x7: {  	_ = 	snop  }
__scs_overlays_trampoline_lowered:
0x8: {  	[smem:$0x3FA6] =	sst s0  }
0x9: {  	[smem:$0x3FA7] =	sst s1  }
0xa: {  	[smem:$0x3FA8] =	sst s2  }
0xb: {  	[smem:$0x3FA9] =	sst s3  }
0xc: {  	[smem:$0x3FAA] =	sst s4  }
0xd: {  	[smem:$0x3FAB] =	sst s5  }
0xe: {  	[smem:$0x3FAC] =	sst s6  }
0xf: {  	[smem:$0x3FAD] =	sst s7  }
0x10: {  	[smem:$0x3FAE] =	sst s8  }
0x11: {  	[smem:$0x3FAF] =	sst s9;
	s0 =	simm.s32 @!p0 $0x0  }
0x12: {  	s1 =	sld [smem:$0x3F95];
	s0 =	simm.s32 @p0 $0x1  }
0x13: {  	[smem:$0x3FB0] =	sst s0;
	s0 =	simm.s32 @!p1 $0x0  }
0x14: {  	s2 =	sld [smem:$0x3F94];
	s0 =	simm.s32 @p1 $0x1  }
0x15: {  	[smem:$0x3FB1] =	sst s0;
	s0 =	simm.s32 @!p2 $0x0  }
0x16: {  	s3 =	sld [smem:$0x3FDB];
	s0 =	simm.s32 @p2 $0x1  }
0x17: {  	s4 =	simm.s32 $0x1BF5;
	[smem:$0x3FB3] =	sst s0  }
0x18: {  	s0 =	sld [smem:$0x3F96];
	_ =	swait.ge [sflag:s4], $0x0  }
0x19: {  	s7 =	sld [smem:$0x3F97]  }
0x1a: {  	s8 =	sadd.s32 $0xFFFFE003, lr  }
0x1b: {  	s9 =	sadd.s32 $0xFFFFFEF7, lr;
	s5 =	simm.s32 $0xFFFFFFFF;
	p2 =	slt.u32 s8, $0xFFFFF086  }
0x1c: {  	p1 =	slt.u32 s9, $0xF7A;
	s5 =	simm.s32 @!p2 $0x0  }
0x1d: {  	s5 =	simm.s32 @p1 $0x1;
	p0 =	seq.s32 s7, s2  }
0x1e: {  	s7 =	smul.u32 @!p0 $0xF7A, s2;
	p2 =	seq.s32 @!p0 s5, $0x0  }
0x1f: {  	s9 =	smul.u32 $0xF7A, s1;
	s8 =	simm.s32 @!p0 $0x1BF5;
	p2 =	por !p2, p0  }
0x20: {  	[sflag:s8] =	ssyncset.s32 @!p0 $0xFFFFF086;
	s6 =	sadd.s32 @!p0 s3, s7;
	s7 =	simm.s32 @!p0 $0x108  }
0x21: {  	s3 =	sadd.s32 s3, s9;
	s6 =	sadd.s32 @!p0 $0x88, s6;
	s7 =	simm.s32 @p2 $0x1082  }
0x22: {  	[simem:s7], [sflag:s8] =	dma.local @!p0 [hbm:s6], $0xF7A  }
0x23: {  	s9 =	sor.u32 $0xD0000000, s2;
	s6 =	simm.s32 $0x108;
	_ =	swait.ge @!p0 [sflag:s8], $0x0  }
0x24: {  	s3 =	sadd.s32 $0x88, s3;
	s6 =	simm.s32 @!p1 $0x1082;
	[sflag:s4] =	ssyncset.s32 $0xFFFFF086  }
0x25: {  	[simem:s6], [sflag:s4] =	dma.local [hbm:s3], $0xF7A  }
0x26: {  	[smem:$0x3F97] =	sst s1;
	(tag) =	ssettag s2;
	_ =	strace s9  }
0x27: {  	s1 =	sld [smem:$0x3FA7]  }
0x28: {  	s2 =	sld [smem:$0x3FA8]  }
0x29: {  	s4 =	sld [smem:$0x3FAA]  }
0x2a: {  	p0 =	seq.s32 s5, $0x0;
	s5 =	sld [smem:$0x3FAB]  }
0x2b: {  	s6 =	sld [smem:$0x3FAC]  }
0x2c: {  	s7 =	sld [smem:$0x3FAD]  }
0x2d: {  	s3 =	simm.s32 $0x108;
	s8 =	sld [smem:$0x3FAE]  }
0x2e: {  	s3 =	simm.s32 @!p0 $0x1082;
	s9 =	sld [smem:$0x3FAF]  }
0x2f: {  	lr =	sadd.s32 s0, s3;
	s0 =	sld [smem:$0x3FA6]  }
0x30: {  	s3 =	sld [smem:$0x3FA9]  }
0x31: {  	[smem:$0x3FB2] =	sst s10  }
0x32: {  	s10 =	sld [smem:$0x3FB0];
	_ =	sdelay $0x3  }
0x33: {  	p0 =	seq.s32 s10, $0x1;
	s10 =	sld [smem:$0x3FB2];
	_ =	sdelay $0x3  }
0x34: {  	[smem:$0x3FB2] =	sst s10  }
0x35: {  	s10 =	sld [smem:$0x3FB1];
	_ =	sdelay $0x3  }
0x36: {  	p1 =	seq.s32 s10, $0x1;
	s10 =	sld [smem:$0x3FB2];
	_ =	sdelay $0x3  }
0x37: {  	[smem:$0x3FB2] =	sst s10  }
0x38: {  	s10 =	sld [smem:$0x3FB3]  }
0x39: {  	_ = 	snop;
	(pc) =	sbr.ind lr, $3  }
0x3a: {  	_ = 	snop  }
0x3b: {  	_ = 	snop  }
0x3c: {  	p2 =	seq.s32 s10, $0x1;
	s10 =	sld [smem:$0x3FB2]  }
0x3d: {  	_ =	shalt  }
0x3e: {  	_ =	shalt  }
0x3f: {  	_ =	shalt  }
0x40: {  	_ =	shalt  }
0x41: {  	_ =	shalt  }
0x42: {  	_ =	shalt  }
0x43: {  	_ =	shalt  }
0x44: {  	_ =	shalt  }
0x45: {  	_ =	shalt  }
0x46: {  	_ =	shalt  }
0x47: {  	_ =	shalt  }
0x48: {  	_ =	shalt  }
0x49: {  	_ =	shalt  }
0x4a: {  	_ =	shalt  }
0x4b: {  	_ =	shalt  }
0x4c: {  	_ =	shalt  }
0x4d: {  	_ =	shalt  }
0x4e: {  	_ =	shalt  }
0x4f: {  	_ =	shalt  }
0x50: {  	_ =	shalt  }
0x51: {  	_ =	shalt  }
0x52: {  	_ =	shalt  }
0x53: {  	_ =	shalt  }
0x54: {  	_ =	shalt  }
0x55: {  	_ =	shalt  }
0x56: {  	_ =	shalt  }
0x57: {  	_ =	shalt  }
0x58: {  	_ =	shalt  }
0x59: {  	_ =	shalt  }
0x5a: {  	_ =	shalt  }
0x5b: {  	_ =	shalt  }
0x5c: {  	_ =	shalt  }
0x5d: {  	_ =	shalt  }
0x5e: {  	_ =	shalt  }
0x5f: {  	_ =	shalt  }
0x60: {  	_ =	shalt  }
0x61: {  	_ =	shalt  }
0x62: {  	_ =	shalt  }
0x63: {  	_ =	shalt  }
0x64: {  	_ =	shalt  }
0x65: {  	_ =	shalt  }
0x66: {  	_ =	shalt  }
0x67: {  	_ =	shalt  }
0x68: {  	_ =	shalt  }
0x69: {  	_ =	shalt  }
0x6a: {  	_ =	shalt  }
0x6b: {  	_ =	shalt  }
0x6c: {  	_ =	shalt  }
0x6d: {  	_ =	shalt  }
0x6e: {  	_ =	shalt  }
0x6f: {  	_ =	shalt  }
0x70: {  	_ =	shalt  }
0x71: {  	_ =	shalt  }
0x72: {  	_ =	shalt  }
0x73: {  	_ =	shalt  }
0x74: {  	_ =	shalt  }
0x75: {  	_ =	shalt  }
0x76: {  	_ =	shalt  }
0x77: {  	_ =	shalt  }
0x78: {  	_ =	shalt  }
0x79: {  	_ =	shalt  }
0x7a: {  	_ =	shalt  }
0x7b: {  	_ =	shalt  }
0x7c: {  	_ =	shalt  }
0x7d: {  	_ =	shalt  }
0x7e: {  	_ =	shalt  }
0x7f: {  	_ =	shalt  }
0x80: {  	_ =	shalt  }
0x81: {  	_ =	shalt  }
0x82: {  	_ =	shalt  }
0x83: {  	_ =	shalt  }
0x84: {  	_ =	shalt  }
0x85: {  	_ =	shalt  }
0x86: {  	_ =	shalt  }
0x87: {  	_ =	shalt  }
.Lfunc_end0:
.L_simem_size_0:
called_computation_lowered:
.L_overlay_start_0:
0x88: {  	s2 =	sld [smem:$0x3FD9]  }
0x89: {  	s3 =	sld [smem:$0x3FFE];
	_ =	sdelay $0x1  }
0x8a: {  	s1 =	srdreg.scid  }
0x8b: {  	s0 =	sand.u32 $0x1, s1  }
0x8c: {  	s17 =	sshll.u32 s0, $0xA;
	s2 =	sadd.s32 s3, s2  }
0x8d: {  	s2 =	sadd.s32 s2, s17  }
0x8e: {  	[smem:$0x3FBE] =	sst s2  }
0x8f: {  	_ = 	snop  }
0x90: {  	s2 =	sld [smem:$0x3FC9]  }
0x91: {  	s18 =	sld [smem:$0x3FD0];
	(tm) =	ssettm $0x1  }
0x92: {  	s4 =	sld [smem:$0x3FFB];
	_ =	sdelay $0x3  }
0x93: {  	_ =	strace s4  }
0x94: {  	s4 =	sld [smem:$0x3FFC];
	_ =	sdelay $0x3  }
0x95: {  	_ =	strace s4  }
0x96: {  	s4 =	sld [smem:$0x3FFD];
	_ =	sdelay $0x3  }
0x97: {  	_ =	strace s4  }
0x98: {  	_ =	strace $0x8FFFFFFF  }
0x99: {  	s19 =	sld [smem:$0x3FDB];
	_ =	sdelay $0x1  }
0x9a: {  	s5 =	simm.s32 $_scs_section_size  }
0x9b: {  	s6 =	simm.s32 $_size__tile_overlayer_lowered;
	s7 =	simm.s32 $_tile_overlayer_lowered  }
0x9c: {  	s22 =	simm.s32 $0x1BFF;
	s21 =	sshll.u32 s7, $0x1;
	s4 =	sadd.s32 s5, s19  }
0x9d: {  	s8 =	simm.s32 $0x0;
	s20 =	sshll.u32 s6, $0x1;
	s6 =	sadd.s32 s21, s4  }
0x9e: {  	[timem:s8], [sflag:s22] =	dma.local [hbm:s6], s20  }
0x9f: {  	_ =	swait.ge [sflag:s22], s20  }
0xa0: {  	s5 =	ssub.s32 $0x0, s20;
	[sflag:s22] =	ssyncset.done $0x0  }
0xa1: {  	[sflag:s22] =	ssyncadd.s32 s5;
	_ =	sdelay $0x1  }
0xa2: {  	s23 =	simm.s32 $0x1B8B  }
0xa3: {  	_ =	swait.ge [sflag:s23], $0x1  }
0xa4: {  	[sflag:s23] =	ssyncset.done $0x0  }
0xa5: {  	s25 =	simm.s32 $0x1B8E;
	s24 =	sld [smem:$0x3FFE];
	[sflag:s23] =	ssyncadd.s32 $0xFFFFFFFF  }
0xa6: {  	s26 =	simm.s32 $execute0_lowered;
	[smem:$0x3FD2] =	sst s25  }
0xa7: {  	s6 =	sshll.u32 s26, $0x1;
	_ =	strace $0x80000046;
	[dreg:$0x1] =	wrdreg $0xFFFFFFFF  }
0xa8: {  	s28 =	simm.s32 $_size_execute0_lowered;
	s4 =	sadd.s32 s4, s6;
	[dreg:$0x0] =	wrdreg $0x0  }
0xa9: {  	s6 =	sshll.u32 s28, $0x1;
	[dreg:$0x2] =	wrdreg s4  }
0xaa: {  	[dreg:$0x3] =	wrdreg s6  }
0xab: {  	[dreg:$0x4] =	wrdreg $0xC0  }
0xac: {  	_ =	task [dreg:s8], $0x5FFFF  }
0xad: {  	[dreg:$0x1] =	wrdreg $0xFFFFFFFF  }
0xae: {  	[dreg:$0x0] =	wrdreg $0x60  }
0xaf: {  	[dreg:$0x2] =	wrdreg s2  }
0xb0: {  	[dreg:$0x3] =	wrdreg s24  }
0xb1: {  	[dreg:$0x4] =	wrdreg s18  }
0xb2: {  	[dreg:$0x5] =	wrdreg $0x1C0000  }
0xb3: {  	[dreg:$0x6] =	wrdreg $0x9  }
0xb4: {  	_ =	task.clear_ibuf [dreg:s8], $0x7FFFF;
	_ =	strace $0x90000046  }
0xb5: {  	s29 =	simm.s32 $0x9;
	_ =	strace $0x80000048  }
0xb6: {  	_ =	swait.ge [sflag:s29], $0x1  }
0xb7: {  	[sflag:s29] =	ssyncadd.s32 $0xFFFFFFFF  }
0xb8: {  	_ =	strace $0x90000048  }
0xb9: {  	_ =	sfence  }
0xba: {  	s30 =	sld [smem:$0x0];
	_ =	sdelay $0x2  }
0xbb: {  	s31 =	sshll.u32 s1, $0xD;
	s1 =	sshrl.u32 s1, $0x2  }
0xbc: {  	s3 =	sand.u32 $0x4000, s31;
	s1 =	sadd.s32 s1, s30  }
0xbd: {  	s0 =	sor.u32 s3, s0;
	s1 =	sshll.u32 s1, $0x11  }
0xbe: {  	s0 =	sor.u32 s1, s0  }
0xbf: {  	s0 =	sadd.s32 $0x8F2B, s0  }
0xc0: {  	[sflag:s0] =	ssyncadd.remote.s32 $0x1  }
0xc1: {  	_ =	sfence.sel $0xFFFF  }
0xc2: {  	[dreg:$0x0] =	wrdreg $0xFFFFFFFF;
	(pc) =	sbr.abs _section_cstart, $3  }
0xc3: {  	[dreg:$0x1] =	wrdreg $0xFFFFFFFF  }
0xc4: {  	_ =	task.clear_ibuf [dreg:s8], $0x2FFFF;
	_ =	strace $0x9FFFFFFF  }
0xc5: {  	(tm) =	ssettm $0x7FFFFFFF  }
tec
execute0_lowered:
.L_overlay_start_1:
0x0: {  	(tag) =	ssettag $0x1  }
0x1: {  	s1 =	rddreg [dreg:$0x0]  }
0x2: {  	s0 =	rddreg [dreg:$0x1]  }
0x3: {  	s4 =	rddreg [dreg:$0x2]  }
0x4: {  	s2 =	rddreg [dreg:$0x3];
	s3 =	simm.s32 $0x0  }
0x5: {  	s5 =	srdreg.scid;
	s18 =	stileid.u32;
	s28 =	simm.s32 $0x3  }
0x6: {  	s29 =	simm.s32 $0x1B800;
	s30 =	simm.s32 $0x13800;
	s31 =	simm.s32 $0x0  }
0x7: {  	[smem:$0x7FF] =	sst s3;
	s9 =	sand.u32 $0x1, s5;
	s5 =	sadd.s32 $0x15C00, s0  }
0x8: {  	s6 =	sadd.s32 $0x2000, s0;
	s17 =	sadd.s32 $0xBE00, s0;
	s15 =	smul.u32 $0xF000, s18  }
0x9: {  	s12 =	sadd.s32 $0x1A00, s0;
	s8 =	sadd.s32 $0x4F7C00, s0;
	s23 =	smul.u32 $0x70, s18  }
0xa: {  	s25 =	smul.u32 $0xE000, s18;
	_ =	strace $0x80000047;
	[dreg:$0x5] =	wrdreg s6  }
0xb: {  	s11 =	sshll.u32 s18, $0x7;
	s10 =	smul.u32 $0x30, s9;
	[dreg:$0x6] =	wrdreg s17  }
0xc: {  	s20 =	ssub.s32 $0x2, s9;
	s14 =	sand.u32 $0x380, s11;
	s9 =	smul.u32 $0x700, s9  }
0xd: {  	s21 =	sshrl.u32 s20, $0x1;
	s24 =	sshrl.u32 s15, $0x2;
	s15 =	sshrl.u32 s25, $0x2  }
0xe: {  	s19 =	sor.u32 s18, s10;
	s10 =	ssub.s32 s20, s21;
	s26 =	sadd.s32 s24, s2  }
0xf: {  	s11 =	sadd.s32 s15, s2;
	s20 =	sadd.s32 $0x1C00, s9;
	s21 =	simm.s32 $0x2  }
0x10: {  	s0 =	sshll.u32 s19, $0x7;
	[dreg:$0x8] =	wrdreg s26;
	s26 =	smax.u32 s10, $0x1  }
0x11: {  	s13 =	sand.u32 $0x1C00, s0;
	s16 =	sadd.s32 $0x800, s0;
	s0 =	sadd.s32 $0x1000, s0  }
0x12: {  	[dreg:$0xe] =	wrdreg s26;
	s26 =	simm.s32 $0x1;
	s13 =	sor.u32 s14, s13  }
0x13: {  	s16 =	sand.u32 $0x3C00, s16;
	s0 =	sand.u32 $0x3C00, s0;
	s22 =	sshrl.u32 s13, $0x3  }
0x14: {  	s16 =	sor.u32 s14, s16;
	s0 =	sor.u32 s14, s0;
	s13 =	sadd.s32 s23, s20  }
0x15: {  	s7 =	sadd.s32 s12, s22;
	s0 =	sshrl.u32 s0, $0x3;
	s25 =	sshll.u32 s13, $0x4  }
0x16: {  	p0 =	sgt.u32 s13, $0x26A0;
	[dreg:$0x7] =	wrdreg s7;
	s7 =	sadd.s32 s23, s9  }
0x17: {  	s22 =	simm.s32 $0x4;
	s0 =	sadd.s32 s12, s0;
	s17 =	sshll.u32 s7, $0x4  }
0x18: {  	[dreg:$0xc] =	wrdreg s0;
	s0 =	sadd.s32 $0xFFFFD95F, s13;
	s15 =	sadd.s32 s4, s17  }
0x19: {  	s17 =	sadd.s32 $0xE00, s9;
	p1 =	sgt.u32 @p0 s0, $0x6E;
	[dreg:$0x9] =	wrdreg s15  }
.Ltmp0:
0x1a: {  	s15 =	sshrl.u32 s16, $0x3;
	s19 =	sadd.s32 s23, s17;
	(pc) =	sbr.rel .LBB2_1-.Ltmp0, $4  }
0x1b: {  	p1 =	por p1, !p0;
	s18 =	sadd.s32 s12, s15;
	s15 =	sshll.u32 s19, $0x4  }
0x1c: {  	s23 =	simm.s32 $0x80;
	[dreg:$0xa] =	wrdreg s18;
	s24 =	sadd.s32 s4, s15  }
0x1d: {  	s19 =	simm.s32 $0x5;
	s4 =	sadd.s32 s4, s25;
	[dreg:$0xb] =	wrdreg s24  }
0x1e: {  	v0 =	vmov s9;
	v2 =	vmov s20;
	v1 =	vmov s17;
	s25 =	simm.s32 $0x17800;
	[dreg:$0xd] =	wrdreg s4;
	s24 =	simm.s32 $0x1BC00  }
.LBB2_40:
0x1f: {  	[bflag:$0x0] =	sbarrier.arrive $0xFFFF  }
0x20: {  	s4 =	sshrl.u32 @!p1 s11, $0x3;
	s6 =	rddreg [dreg:$0xd]  }
0x21: {  	[hbm:s6], [sflag:s0] =	dma.local @!p1 [spmem:s4], $0x200  }
0x22: {  	s4 =	simm.s32 @!p1 $0x5  }
0x23: {  	_ =	swait.ge @!p1 [sflag:s4], $0x200  }
0x24: {  	[sflag:s4] =	ssyncset.done @!p1 $0x0  }
0x25: {  	[sflag:s4] =	ssyncadd.s32 @!p1 $0xFFFFFE00;
	s4 =	sshrl.u32 @!p0 s11, $0x3  }
0x26: {  	[hbm:s6], [sflag:s0] =	dma.local @!p0 [spmem:s4], $0x700  }
0x27: {  	s0 =	simm.s32 @!p0 $0x5  }
0x28: {  	_ =	swait.ge @!p0 [sflag:s0], $0x700  }
0x29: {  	s31 =	sadd.s32 $0x1, s31;
	s20 =	rddreg [dreg:$0xe]  }
0x2a: {  	p2 =	sne.s32 s31, s20  }
.Ltmp1:
0x2b: {  	_ = 	snop;
	(pc) =	sbr.rel @!p2 .LBB2_41-.Ltmp1, $3  }
0x2c: {  	_ =	sdelay $0x1  }
0x2d: {  	[sflag:s0] =	ssyncset.done @!p0 $0x0  }
0x2e: {  	[sflag:s0] =	ssyncadd.s32 @!p0 $0xFFFFF900  }
.LBB2_1:
0x2f: {  	s0 =	rddreg [dreg:$0x7];
	s4 =	simm.s32 $0x1FC00  }
0x30: {  	[tilespmem:s4], [sflag:$0x5] =	stream.linear.gather [hbm4b:s0+s3], $0x80, $0x38;
	[tilespmem:$0x1FC80] =	vst v63  }
0x31: {  	_ =	swait.ge [sflag:s19], $0x80  }
0x32: {  	[sflag:s19] =	ssyncset.done $0x0  }
0x33: {  	[sflag:s19] =	ssyncadd.s32 $0xFFFFFF80  }
0x34: {  	v3 =	vld [tilespmem:$0x1FC00];
	_ =	sdelay $0x4  }
0x35: {  	(v2sf) =	vpush v3, $0x0  }
0x36: {  	(v2sf) =	vpush v3, $0x1  }
0x37: {  	(v2sf) =	vpush v3, $0x2;
	_ =	sdelay $0xc  }
0x38: {  	s15 =	stileid.u32;
	s9 =	spop (v2sf)  }
0x39: {  	s0 =	sshll.u32 s15, $0x6;
	s16 =	rddreg [dreg:$0x8];
	s10 =	spop (v2sf)  }
0x3a: {  	s0 =	sor.u32 $0x1C05, s0;
	s4 =	sshrl.u32 s16, $0x3;
	s12 =	spop (v2sf)  }
0x3b: {  	[spmem:s4], [sflag:s0] =	dma.local [hbm:s8], $0x780  }
0x3c: {  	s13 =	sshll.u32 s9, $0x4;
	_ =	swait.ge [sflag:s19], $0x780  }
0x3d: {  	s13 =	sand.u32 $0xFFFFF80, s13;
	[sflag:s19] =	ssyncset.done $0x0;
	s6 =	rddreg [dreg:$0x5]  }
0x3e: {  	[sflag:s19] =	ssyncadd.s32 $0xFFFFF880;
	s14 =	sadd.s32 s6, s13  }
0x3f: {  	[tilespmem:s3], [sflag:$0x5] =	stream.linear.gather [hbm4b:s14+s3], $0x5C00, $0x38;
	[tilespmem:$0x1FC80] =	vst v63  }
0x40: {  	_ =	swait.ge [sflag:s19], $0x5C00  }
0x41: {  	s18 =	simm.s32 $0x5C00;
	[sflag:s19] =	ssyncset.done $0x0;
	s17 =	rddreg [dreg:$0x6]  }
0x42: {  	s20 =	ssub.s32 s12, s10;
	[sflag:s19] =	ssyncadd.s32 $0xFFFFA400;
	s13 =	sadd.s32 s17, s13  }
0x43: {  	[tilespmem:s18], [sflag:$0x5] =	stream.linear.gather [hbm4b:s13+s3], $0x5C00, $0x38;
	[tilespmem:$0x1FC80] =	vst v63  }
0x44: {  	s13 =	sadd.s32 $0x1, s20  }
0x45: {  	p2 =	slt.s32 s13, $0x1  }
.Ltmp2:
0x46: {  	_ =	swait.ge [sflag:s19], $0x5C00;
	(pc) =	sbr.rel @p2 .LBB2_14-.Ltmp2, $3  }
0x47: {  	[sflag:s19] =	ssyncset.done $0x0  }
0x48: {  	[sflag:s19] =	ssyncadd.s32 $0xFFFFA400  }
0x49: {  	[bflag:$0x0] =	sbarrier.arrive $0xFFFF;
	_ =	sdelay $0x1  }
.Ltmp3:
0x4a: {  	(pc) =	sbr.rel .LBB2_3-.Ltmp3, $2  }
0x4b: {  	_ =	sdelay $0x2  }
0x4c: {  	s14 =	sxor.u32 $0xFFFFFFFF, s9;
	s15 =	simm.s32 $0x0  }
.LBB2_11:
0x4d: {  	[tilespmem:s17+$0x13800] =	vst v15;
	v8 =	vmul.f32 v8, v13;
	v63 =	vld [tilespmem:s17+$0x13870]  }
0x4e: {  	[tilespmem:s17+$0x13810] =	vst v14;
	v7 =	vmul.f32 v7, v12  }
0x4f: {  	v6 =	vmul.f32 v6, v11;
	[tilespmem:s17+$0x13820] =	vst v8  }
0x50: {  	v5 =	vmul.f32 v5, v9;
	[tilespmem:s17+$0x13830] =	vst v7  }
0x51: {  	v4 =	vmul.f32 v4, v10;
	[tilespmem:s17+$0x13840] =	vst v6  }
0x52: {  	[tilespmem:s17+$0x13850] =	vst v5;
	v3 =	vmul.f32 v3, v63  }
0x53: {  	[tilespmem:s17+$0x13860] =	vst v4  }
0x54: {  	s16 =	simm.s32 $0x5;
	[tilespmem:s17+$0x13870] =	vst v3  }
0x55: {  	[spmem:s2] =	stream.indirect.scatter.add.f32 [tilespmem:s30], [sflag:$0x5], $0x80, s29, s23, $0xb8;
	[tilespmem:$0x1FC80] =	vst v63  }
.LBB2_12:
0x56: {  	_ =	swait.ge [sflag:s16], $0x4000  }
0x57: {  	[sflag:s16] =	ssyncset.done $0x0  }
0x58: {  	[sflag:s16] =	ssyncadd.s32 $0xFFFFC000  }
.LBB2_13:
0x59: {  	s15 =	sadd.s32 $0x1, s15  }
0x5a: {  	p2 =	sne.s32 s15, s13  }
.Ltmp4:
0x5b: {  	_ = 	snop;
	(pc) =	sbr.rel @!p2 .LBB2_14-.Ltmp4, $1  }
0x5c: {  	_ =	sdelay $0x3  }
.LBB2_3:
0x5d: {  	s17 =	sadd.s32 s10, s15  }
0x5e: {  	s16 =	sand.u32 $0x1, s17  }
0x5f: {  	p3 =	seq.s32 s16, $0x1  }
.Ltmp5:
0x60: {  	_ = 	snop;
	(pc) =	sbr.rel @p3 .LBB2_8-.Ltmp5, $3  }
0x61: {  	_ =	sdelay $0x1  }
0x62: {  	p2 =	sge.s32 s17, s12  }
0x63: {  	s16 =	ssub.s32 @!p2 s17, s9;
	s18 =	sshll.u32 @!p2 s17, $0xB  }
0x64: {  	s16 =	sshll.u32 @!p2 s16, $0x9  }
0x65: {  	s20 =	simm.s32 @!p2 $0x80;
	s6 =	simm.s32 @!p2 $0x13800;
	s16 =	sshra.s32 @!p2 s16, $0x2  }
0x66: {  	[tilespmem:s6], [sflag:$0x1] =	stream.indirect.gather @!p2 [hbm4b:s1+s20], $0x80, s16, s20, $0xb8;
	[tilespmem:$0x1FC80] =	vst v63  }
0x67: {  	s6 =	sand.u32 @!p2 $0x1FFFF000, s18  }
0x68: {  	s16 =	simm.s32 @!p2 $0x0;
	s18 =	simm.s32 @!p2 $0xB800;
	s6 =	sadd.s32 @!p2 s5, s6  }
0x69: {  	[tilespmem:s18], [sflag:$0x3] =	stream.linear.gather @!p2 [hbm4b:s6+s16], $0x4000, $0x38;
	[tilespmem:$0x1FC80] =	vst v63  }
0x6a: {  	s16 =	sadd.s32 $0xFFFFFFFF, s17  }
0x6b: {  	p2 =	slt.s32 s16, s10  }
.Ltmp6:
0x6c: {  	_ = 	snop;
	(pc) =	sbr.rel @p2 .LBB2_13-.Ltmp6, $1  }
0x6d: {  	_ =	sdelay $0x3  }
0x6e: {  	s6 =	ssub.s32 s16, s9  }
0x6f: {  	s6 =	sshll.u32 s6, $0x9  }
0x70: {  	s6 =	sshra.s32 s6, $0x2  }
0x71: {  	v3 =	vld [tilespmem:s6+$0x5C00];
	_ =	sdelay $0x4  }
0x72: {  	v3 =	vsub.s32 v3, v0  }
0x73: {  	v3 =	vmin.u32 v3, $0x700  }
0x74: {  	[tilespmem:$0x1BC00] =	vst v3  }
0x75: {  	v3 =	vld [tilespmem:s6+$0x5C10];
	_ =	sdelay $0x4  }
0x76: {  	v3 =	vsub.s32 v3, v0  }
0x77: {  	v3 =	vmin.u32 v3, $0x700  }
0x78: {  	[tilespmem:$0x1BC10] =	vst v3  }
0x79: {  	v3 =	vld [tilespmem:s6+$0x5C20];
	_ =	sdelay $0x4  }
0x7a: {  	v3 =	vsub.s32 v3, v0  }
0x7b: {  	v3 =	vmin.u32 v3, $0x700  }
0x7c: {  	[tilespmem:$0x1BC20] =	vst v3  }
0x7d: {  	v3 =	vld [tilespmem:s6+$0x5C30];
	_ =	sdelay $0x4  }
0x7e: {  	v3 =	vsub.s32 v3, v0  }
0x7f: {  	v3 =	vmin.u32 v3, $0x700  }
0x80: {  	[tilespmem:$0x1BC30] =	vst v3  }
0x81: {  	v3 =	vld [tilespmem:s6+$0x5C40];
	_ =	sdelay $0x4  }
0x82: {  	v3 =	vsub.s32 v3, v0  }
0x83: {  	v3 =	vmin.u32 v3, $0x700  }
0x84: {  	[tilespmem:$0x1BC40] =	vst v3  }
0x85: {  	v3 =	vld [tilespmem:s6+$0x5C50];
	_ =	sdelay $0x4  }
0x86: {  	v3 =	vsub.s32 v3, v0  }
0x87: {  	v3 =	vmin.u32 v3, $0x700  }
0x88: {  	[tilespmem:$0x1BC50] =	vst v3  }
0x89: {  	v3 =	vld [tilespmem:s6+$0x5C60];
	_ =	sdelay $0x4  }
0x8a: {  	v3 =	vsub.s32 v3, v0  }
0x8b: {  	v3 =	vmin.u32 v3, $0x700  }
0x8c: {  	[tilespmem:$0x1BC60] =	vst v3  }
0x8d: {  	v3 =	vld [tilespmem:s6+$0x5C70];
	_ =	sdelay $0x4  }
0x8e: {  	v3 =	vsub.s32 v3, v0  }
0x8f: {  	v3 =	vmin.u32 v3, $0x700  }
0x90: {  	[tilespmem:$0x1BC70] =	vst v3  }
0x91: {  	_ =	swait.ge [sflag:s21], $0x4000  }
0x92: {  	[sflag:s21] =	ssyncset.done $0x0  }
0x93: {  	[sflag:s21] =	ssyncadd.s32 $0xFFFFC000  }
0x94: {  	_ =	swait.ge [sflag:s22], $0x4000  }
0x95: {  	[sflag:s22] =	ssyncset.done $0x0  }
0x96: {  	s17 =	simm.s32 $0x0;
	[sflag:s22] =	ssyncadd.s32 $0xFFFFC000  }
0x97: {  	v10 =	vld [tilespmem:s17+$0xF800]  }
0x98: {  	v14 =	vld [tilespmem:s17+$0xF810]  }
0x99: {  	v8 =	vld [tilespmem:s17+$0xF820]  }
0x9a: {  	v7 =	vld [tilespmem:s17+$0xF830]  }
0x9b: {  	v6 =	vld [tilespmem:s17+$0xF840]  }
0x9c: {  	v5 =	vld [tilespmem:s17+$0xF850]  }
0x9d: {  	v4 =	vld [tilespmem:s17+$0xF860]  }
0x9e: {  	v3 =	vld [tilespmem:s17+$0xF870]  }
0x9f: {  	v15 =	vld [tilespmem:s17+$0x17800]  }
0xa0: {  	v16 =	vld [tilespmem:s17+$0x17810]  }
0xa1: {  	v13 =	vld [tilespmem:s17+$0x17820]  }
0xa2: {  	v12 =	vld [tilespmem:s17+$0x17830]  }
0xa3: {  	v11 =	vld [tilespmem:s17+$0x17840]  }
0xa4: {  	v9 =	vld [tilespmem:s17+$0x17850];
	v15 =	vmul.f32 v10, v15  }
0xa5: {  	s18 =	simm.s32 $0x200;
	v14 =	vmul.f32 v14, v16;
	v10 =	vld [tilespmem:s17+$0x17860]  }
.LBB2_6:
0xa6: {  	s6 =	sshra.s32 s18, $0x2;
	p2 =	sne.s32 s18, $0xFE00;
	[tilespmem:s17+$0x17800] =	vst v15;
	v8 =	vmul.f32 v8, v13;
	v13 =	vld [tilespmem:s17+$0x17870]  }
0xa7: {  	v15 =	vld [tilespmem:s6+$0xF800];
	[tilespmem:s17+$0x17810] =	vst v14;
	v7 =	vmul.f32 v7, v12  }
0xa8: {  	v14 =	vld [tilespmem:s6+$0xF810];
	[tilespmem:s17+$0x17820] =	vst v8;
	v6 =	vmul.f32 v6, v11  }
0xa9: {  	v8 =	vld [tilespmem:s6+$0xF820];
	[tilespmem:s17+$0x17830] =	vst v7;
	v5 =	vmul.f32 v5, v9  }
0xaa: {  	v7 =	vld [tilespmem:s6+$0xF830];
	[tilespmem:s17+$0x17840] =	vst v6;
	v4 =	vmul.f32 v4, v10  }
0xab: {  	v6 =	vld [tilespmem:s6+$0xF840];
	[tilespmem:s17+$0x17850] =	vst v5;
	v3 =	vmul.f32 v3, v13  }
0xac: {  	v5 =	vld [tilespmem:s6+$0xF850];
	[tilespmem:s17+$0x17860] =	vst v4  }
0xad: {  	v4 =	vld [tilespmem:s6+$0xF860];
	[tilespmem:s17+$0x17870] =	vst v3;
	s17 =	smov.u32 s6  }
0xae: {  	v3 =	vld [tilespmem:s17+$0xF870]  }
0xaf: {  	v9 =	vld [tilespmem:s17+$0x17800]  }
0xb0: {  	v10 =	vld [tilespmem:s17+$0x17810]  }
.Ltmp7:
0xb1: {  	v13 =	vld [tilespmem:s17+$0x17820];
	(pc) =	sbr.rel @p2 .LBB2_6-.Ltmp7, $4  }
0xb2: {  	v12 =	vld [tilespmem:s17+$0x17830]  }
0xb3: {  	v11 =	vld [tilespmem:s17+$0x17840]  }
0xb4: {  	v15 =	vmul.f32 v15, v9;
	v9 =	vld [tilespmem:s17+$0x17850]  }
0xb5: {  	s18 =	sadd.s32 $0x200, s18;
	v14 =	vmul.f32 v14, v10;
	v10 =	vld [tilespmem:s17+$0x17860]  }
0xb6: {  	[tilespmem:s17+$0x17800] =	vst v15;
	v8 =	vmul.f32 v8, v13;
	v63 =	vld [tilespmem:s17+$0x17870]  }
0xb7: {  	[tilespmem:s17+$0x17810] =	vst v14;
	v7 =	vmul.f32 v7, v12  }
0xb8: {  	[tilespmem:s17+$0x17820] =	vst v8;
	v6 =	vmul.f32 v6, v11  }
0xb9: {  	[tilespmem:s17+$0x17830] =	vst v7;
	v5 =	vmul.f32 v5, v9  }
.Ltmp8:
0xba: {  	[tilespmem:s17+$0x17840] =	vst v6;
	v4 =	vmul.f32 v4, v10;
	(pc) =	sbr.rel .LBB2_12-.Ltmp8, $4  }
0xbb: {  	[tilespmem:s17+$0x17850] =	vst v5;
	v3 =	vmul.f32 v3, v63  }
0xbc: {  	[tilespmem:s17+$0x17860] =	vst v4  }
0xbd: {  	s16 =	simm.s32 $0x6;
	[tilespmem:s17+$0x17870] =	vst v3  }
0xbe: {  	[spmem:s2] =	stream.indirect.scatter.add.f32 [tilespmem:s25], [sflag:$0x6], $0x80, s24, s23, $0xb8;
	[tilespmem:$0x1FC80] =	vst v63  }
.LBB2_8:
0xbf: {  	s6 =	sshll.u32 @!p2 s16, $0x9  }
0xc0: {  	s16 =	simm.s32 @!p2 $0x80;
	s20 =	simm.s32 @!p2 $0x17800;
	s6 =	sshra.s32 @!p2 s6, $0x2  }
0xc1: {  	[tilespmem:s20], [sflag:$0x2] =	stream.indirect.gather @!p2 [hbm4b:s1+s16], $0x80, s6, s16, $0xb8;
	[tilespmem:$0x1FC80] =	vst v63  }
0xc2: {  	s6 =	sand.u32 @!p2 $0x1FFFF800, s18  }
0xc3: {  	s16 =	simm.s32 @!p2 $0x0;
	s18 =	simm.s32 @!p2 $0xF800;
	s6 =	sadd.s32 @!p2 s5, s6  }
0xc4: {  	[tilespmem:s18], [sflag:$0x4] =	stream.linear.gather @!p2 [hbm4b:s6+s16], $0x4000, $0x38;
	[tilespmem:$0x1FC80] =	vst v63  }
0xc5: {  	p2 =	sle.s32 s17, s10  }
.Ltmp9:
0xc6: {  	_ = 	snop;
	(pc) =	sbr.rel @p2 .LBB2_13-.Ltmp9, $1  }
0xc7: {  	_ =	sdelay $0x3  }
0xc8: {  	s6 =	sadd.s32 s14, s17  }
0xc9: {  	s6 =	sshll.u32 s6, $0x9  }
0xca: {  	s6 =	sshra.s32 s6, $0x2  }
0xcb: {  	v3 =	vld [tilespmem:s6+$0x5C00];
	_ =	sdelay $0x4  }
0xcc: {  	v3 =	vsub.s32 v3, v0  }
0xcd: {  	v3 =	vmin.u32 v3, $0x700  }
0xce: {  	[tilespmem:$0x1B800] =	vst v3  }
0xcf: {  	v3 =	vld [tilespmem:s6+$0x5C10];
	_ =	sdelay $0x4  }
0xd0: {  	v3 =	vsub.s32 v3, v0  }
0xd1: {  	v3 =	vmin.u32 v3, $0x700  }
0xd2: {  	[tilespmem:$0x1B810] =	vst v3  }
0xd3: {  	v3 =	vld [tilespmem:s6+$0x5C20];
	_ =	sdelay $0x4  }
0xd4: {  	v3 =	vsub.s32 v3, v0  }
0xd5: {  	v3 =	vmin.u32 v3, $0x700  }
0xd6: {  	[tilespmem:$0x1B820] =	vst v3  }
0xd7: {  	v3 =	vld [tilespmem:s6+$0x5C30];
	_ =	sdelay $0x4  }
0xd8: {  	v3 =	vsub.s32 v3, v0  }
0xd9: {  	v3 =	vmin.u32 v3, $0x700  }
0xda: {  	[tilespmem:$0x1B830] =	vst v3  }
0xdb: {  	v3 =	vld [tilespmem:s6+$0x5C40];
	_ =	sdelay $0x4  }
0xdc: {  	v3 =	vsub.s32 v3, v0  }
0xdd: {  	v3 =	vmin.u32 v3, $0x700  }
0xde: {  	[tilespmem:$0x1B840] =	vst v3  }
0xdf: {  	v3 =	vld [tilespmem:s6+$0x5C50];
	_ =	sdelay $0x4  }
0xe0: {  	v3 =	vsub.s32 v3, v0  }
0xe1: {  	v3 =	vmin.u32 v3, $0x700  }
0xe2: {  	[tilespmem:$0x1B850] =	vst v3  }
0xe3: {  	v3 =	vld [tilespmem:s6+$0x5C60];
	_ =	sdelay $0x4  }
0xe4: {  	v3 =	vsub.s32 v3, v0  }
0xe5: {  	v3 =	vmin.u32 v3, $0x700  }
0xe6: {  	[tilespmem:$0x1B860] =	vst v3  }
0xe7: {  	v3 =	vld [tilespmem:s6+$0x5C70];
	_ =	sdelay $0x4  }
0xe8: {  	v3 =	vsub.s32 v3, v0  }
0xe9: {  	v3 =	vmin.u32 v3, $0x700  }
0xea: {  	[tilespmem:$0x1B870] =	vst v3  }
0xeb: {  	_ =	swait.ge [sflag:s26], $0x4000  }
0xec: {  	[sflag:s26] =	ssyncset.done $0x0  }
0xed: {  	[sflag:s26] =	ssyncadd.s32 $0xFFFFC000  }
0xee: {  	_ =	swait.ge [sflag:s28], $0x4000  }
0xef: {  	[sflag:s28] =	ssyncset.done $0x0  }
0xf0: {  	s17 =	simm.s32 $0x0;
	[sflag:s28] =	ssyncadd.s32 $0xFFFFC000  }
0xf1: {  	v10 =	vld [tilespmem:s17+$0xB800]  }
0xf2: {  	v14 =	vld [tilespmem:s17+$0xB810]  }
0xf3: {  	v8 =	vld [tilespmem:s17+$0xB820]  }
0xf4: {  	v7 =	vld [tilespmem:s17+$0xB830]  }
0xf5: {  	v6 =	vld [tilespmem:s17+$0xB840]  }
0xf6: {  	v5 =	vld [tilespmem:s17+$0xB850]  }
0xf7: {  	v4 =	vld [tilespmem:s17+$0xB860]  }
0xf8: {  	v3 =	vld [tilespmem:s17+$0xB870]  }
0xf9: {  	v15 =	vld [tilespmem:s17+$0x13800]  }
0xfa: {  	v16 =	vld [tilespmem:s17+$0x13810]  }
0xfb: {  	v13 =	vld [tilespmem:s17+$0x13820]  }
0xfc: {  	v12 =	vld [tilespmem:s17+$0x13830]  }
0xfd: {  	v11 =	vld [tilespmem:s17+$0x13840]  }
0xfe: {  	v9 =	vld [tilespmem:s17+$0x13850];
	v15 =	vmul.f32 v10, v15  }
0xff: {  	s18 =	simm.s32 $0x200;
	v14 =	vmul.f32 v14, v16;
	v10 =	vld [tilespmem:s17+$0x13860]  }
.LBB2_10:
0x100: {  	s6 =	sshra.s32 s18, $0x2;
	p2 =	sne.s32 s18, $0xFE00;
	[tilespmem:s17+$0x13800] =	vst v15;
	v8 =	vmul.f32 v8, v13;
	v13 =	vld [tilespmem:s17+$0x13870]  }
0x101: {  	v7 =	vmul.f32 v7, v12;
	v15 =	vld [tilespmem:s6+$0xB800];
	[tilespmem:s17+$0x13810] =	vst v14  }
0x102: {  	v6 =	vmul.f32 v6, v11;
	v14 =	vld [tilespmem:s6+$0xB810];
	[tilespmem:s17+$0x13820] =	vst v8  }
0x103: {  	v5 =	vmul.f32 v5, v9;
	v8 =	vld [tilespmem:s6+$0xB820];
	[tilespmem:s17+$0x13830] =	vst v7  }
0x104: {  	v4 =	vmul.f32 v4, v10;
	v7 =	vld [tilespmem:s6+$0xB830];
	[tilespmem:s17+$0x13840] =	vst v6  }
0x105: {  	v6 =	vld [tilespmem:s6+$0xB840];
	[tilespmem:s17+$0x13850] =	vst v5;
	v3 =	vmul.f32 v3, v13  }
0x106: {  	v5 =	vld [tilespmem:s6+$0xB850];
	[tilespmem:s17+$0x13860] =	vst v4  }
0x107: {  	v4 =	vld [tilespmem:s6+$0xB860];
	[tilespmem:s17+$0x13870] =	vst v3;
	s17 =	smov.u32 s6  }
0x108: {  	v3 =	vld [tilespmem:s17+$0xB870]  }
0x109: {  	v9 =	vld [tilespmem:s17+$0x13800]  }
0x10a: {  	v10 =	vld [tilespmem:s17+$0x13810]  }
.Ltmp10:
0x10b: {  	v13 =	vld [tilespmem:s17+$0x13820];
	(pc) =	sbr.rel @p2 .LBB2_10-.Ltmp10, $4  }
0x10c: {  	v12 =	vld [tilespmem:s17+$0x13830]  }
0x10d: {  	v11 =	vld [tilespmem:s17+$0x13840]  }
0x10e: {  	v15 =	vmul.f32 v15, v9;
	v9 =	vld [tilespmem:s17+$0x13850]  }
0x10f: {  	s18 =	sadd.s32 $0x200, s18;
	v14 =	vmul.f32 v14, v10;
	v10 =	vld [tilespmem:s17+$0x13860]  }
.Ltmp11:
0x110: {  	_ = 	snop;
	(pc) =	sbr.rel .LBB2_11-.Ltmp11, $1  }
0x111: {  	_ =	sdelay $0x3  }
.LBB2_14:
0x112: {  	[bflag:$0x0] =	sbarrier.arrive $0xFFFF  }
0x113: {  	s9 =	sshrl.u32 s11, $0x3;
	s6 =	rddreg [dreg:$0x9]  }
0x114: {  	[hbm:s6], [sflag:s0] =	dma.local [spmem:s9], $0x700  }
0x115: {  	_ =	swait.ge [sflag:s19], $0x700  }
0x116: {  	[sflag:s19] =	ssyncset.done $0x0  }
0x117: {  	[sflag:s19] =	ssyncadd.s32 $0xFFFFF900  }
0x118: {  	[bflag:$0x0] =	sbarrier.arrive $0xFFFF  }
0x119: {  	s7 =	simm.s32 $0x1FC00;
	s14 =	rddreg [dreg:$0xa]  }
0x11a: {  	[tilespmem:s7], [sflag:$0x5] =	stream.linear.gather [hbm4b:s14+s3], $0x80, $0x38;
	[tilespmem:$0x1FC80] =	vst v63  }
0x11b: {  	_ =	swait.ge [sflag:s19], $0x80  }
0x11c: {  	[sflag:s19] =	ssyncset.done $0x0  }
0x11d: {  	[sflag:s19] =	ssyncadd.s32 $0xFFFFFF80  }
0x11e: {  	v3 =	vld [tilespmem:$0x1FC00];
	_ =	sdelay $0x4  }
0x11f: {  	(v2sf) =	vpush v3, $0x0  }
0x120: {  	(v2sf) =	vpush v3, $0x1  }
0x121: {  	(v2sf) =	vpush v3, $0x2;
	_ =	sdelay $0xc  }
0x122: {  	s10 =	spop (v2sf)  }
0x123: {  	s12 =	spop (v2sf)  }
0x124: {  	s13 =	spop (v2sf)  }
0x125: {  	[spmem:s4], [sflag:s0] =	dma.local [hbm:s8], $0x780  }
0x126: {  	s15 =	sshll.u32 s10, $0x4;
	_ =	swait.ge [sflag:s19], $0x780  }
0x127: {  	s6 =	sand.u32 $0xFFFFF80, s15;
	[sflag:s19] =	ssyncset.done $0x0;
	s16 =	rddreg [dreg:$0x5]  }
0x128: {  	[sflag:s19] =	ssyncadd.s32 $0xFFFFF880;
	s14 =	sadd.s32 s16, s6  }
0x129: {  	[tilespmem:s3], [sflag:$0x5] =	stream.linear.gather [hbm4b:s14+s3], $0x5C00, $0x38;
	[tilespmem:$0x1FC80] =	vst v63  }
0x12a: {  	s18 =	simm.s32 $0x5C00;
	s20 =	ssub.s32 s13, s12;
	_ =	swait.ge [sflag:s19], $0x5C00  }
0x12b: {  	s14 =	sadd.s32 $0x1, s20;
	[sflag:s19] =	ssyncset.done $0x0;
	s17 =	rddreg [dreg:$0x6]  }
0x12c: {  	p2 =	slt.s32 s14, $0x1;
	[sflag:s19] =	ssyncadd.s32 $0xFFFFA400;
	s6 =	sadd.s32 s17, s6  }
0x12d: {  	[tilespmem:s18], [sflag:$0x5] =	stream.linear.gather [hbm4b:s6+s3], $0x5C00, $0x38;
	[tilespmem:$0x1FC80] =	vst v63  }
.Ltmp12:
0x12e: {  	_ =	swait.ge [sflag:s19], $0x5C00;
	(pc) =	sbr.rel @p2 .LBB2_27-.Ltmp12, $3  }
0x12f: {  	[sflag:s19] =	ssyncset.done $0x0  }
0x130: {  	[sflag:s19] =	ssyncadd.s32 $0xFFFFA400  }
0x131: {  	[bflag:$0x0] =	sbarrier.arrive $0xFFFF;
	_ =	sdelay $0x1  }
.Ltmp13:
0x132: {  	(pc) =	sbr.rel .LBB2_16-.Ltmp13, $2  }
0x133: {  	_ =	sdelay $0x2  }
0x134: {  	s15 =	sxor.u32 $0xFFFFFFFF, s10;
	s17 =	simm.s32 $0x0  }
.LBB2_24:
0x135: {  	[tilespmem:s18+$0x13800] =	vst v15;
	v8 =	vmul.f32 v8, v13;
	v63 =	vld [tilespmem:s18+$0x13870]  }
0x136: {  	[tilespmem:s18+$0x13810] =	vst v14;
	v7 =	vmul.f32 v7, v12  }
0x137: {  	v6 =	vmul.f32 v6, v11;
	[tilespmem:s18+$0x13820] =	vst v8  }
0x138: {  	v5 =	vmul.f32 v5, v9;
	[tilespmem:s18+$0x13830] =	vst v7  }
0x139: {  	v4 =	vmul.f32 v4, v10;
	[tilespmem:s18+$0x13840] =	vst v6  }
0x13a: {  	[tilespmem:s18+$0x13850] =	vst v5;
	v3 =	vmul.f32 v3, v63  }
0x13b: {  	[tilespmem:s18+$0x13860] =	vst v4  }
0x13c: {  	s16 =	simm.s32 $0x5;
	[tilespmem:s18+$0x13870] =	vst v3  }
0x13d: {  	[spmem:s2] =	stream.indirect.scatter.add.f32 [tilespmem:s30], [sflag:$0x5], $0x80, s29, s23, $0xb8;
	[tilespmem:$0x1FC80] =	vst v63  }
.LBB2_25:
0x13e: {  	_ =	swait.ge [sflag:s16], $0x4000  }
0x13f: {  	[sflag:s16] =	ssyncset.done $0x0  }
0x140: {  	[sflag:s16] =	ssyncadd.s32 $0xFFFFC000  }
.LBB2_26:
0x141: {  	s17 =	sadd.s32 $0x1, s17  }
0x142: {  	p2 =	sne.s32 s17, s14  }
.Ltmp14:
0x143: {  	_ = 	snop;
	(pc) =	sbr.rel @!p2 .LBB2_27-.Ltmp14, $1  }
0x144: {  	_ =	sdelay $0x3  }
.LBB2_16:
0x145: {  	s18 =	sadd.s32 s12, s17  }
0x146: {  	s6 =	sand.u32 $0x1, s18  }
0x147: {  	p3 =	seq.s32 s6, $0x1  }
.Ltmp15:
0x148: {  	_ = 	snop;
	(pc) =	sbr.rel @p3 .LBB2_21-.Ltmp15, $3  }
0x149: {  	_ =	sdelay $0x1  }
0x14a: {  	p2 =	sge.s32 s18, s13  }
0x14b: {  	s16 =	ssub.s32 @!p2 s18, s10;
	s20 =	sshll.u32 @!p2 s18, $0xB  }
0x14c: {  	s6 =	sshll.u32 @!p2 s16, $0x9  }
0x14d: {  	s16 =	simm.s32 @!p2 $0x80;
	s7 =	simm.s32 @!p2 $0x13800;
	s6 =	sshra.s32 @!p2 s6, $0x2  }
0x14e: {  	[tilespmem:s7], [sflag:$0x1] =	stream.indirect.gather @!p2 [hbm4b:s1+s16], $0x80, s6, s16, $0xb8;
	[tilespmem:$0x1FC80] =	vst v63  }
0x14f: {  	s6 =	sand.u32 @!p2 $0x1FFFF000, s20  }
0x150: {  	s7 =	simm.s32 @!p2 $0x0;
	s16 =	simm.s32 @!p2 $0xB800;
	s6 =	sadd.s32 @!p2 s5, s6  }
0x151: {  	[tilespmem:s16], [sflag:$0x3] =	stream.linear.gather @!p2 [hbm4b:s6+s7], $0x4000, $0x38;
	[tilespmem:$0x1FC80] =	vst v63  }
0x152: {  	s16 =	sadd.s32 $0xFFFFFFFF, s18  }
0x153: {  	p2 =	slt.s32 s16, s12  }
.Ltmp16:
0x154: {  	_ = 	snop;
	(pc) =	sbr.rel @p2 .LBB2_26-.Ltmp16, $1  }
0x155: {  	_ =	sdelay $0x3  }
0x156: {  	s6 =	ssub.s32 s16, s10  }
0x157: {  	s6 =	sshll.u32 s6, $0x9  }
0x158: {  	s6 =	sshra.s32 s6, $0x2  }
0x159: {  	v3 =	vld [tilespmem:s6+$0x5C00];
	_ =	sdelay $0x4  }
0x15a: {  	v3 =	vsub.s32 v3, v1  }
0x15b: {  	v3 =	vmin.u32 v3, $0x700  }
0x15c: {  	[tilespmem:$0x1BC00] =	vst v3  }
0x15d: {  	v3 =	vld [tilespmem:s6+$0x5C10];
	_ =	sdelay $0x4  }
0x15e: {  	v3 =	vsub.s32 v3, v1  }
0x15f: {  	v3 =	vmin.u32 v3, $0x700  }
0x160: {  	[tilespmem:$0x1BC10] =	vst v3  }
0x161: {  	v3 =	vld [tilespmem:s6+$0x5C20];
	_ =	sdelay $0x4  }
0x162: {  	v3 =	vsub.s32 v3, v1  }
0x163: {  	v3 =	vmin.u32 v3, $0x700  }
0x164: {  	[tilespmem:$0x1BC20] =	vst v3  }
0x165: {  	v3 =	vld [tilespmem:s6+$0x5C30];
	_ =	sdelay $0x4  }
0x166: {  	v3 =	vsub.s32 v3, v1  }
0x167: {  	v3 =	vmin.u32 v3, $0x700  }
0x168: {  	[tilespmem:$0x1BC30] =	vst v3  }
0x169: {  	v3 =	vld [tilespmem:s6+$0x5C40];
	_ =	sdelay $0x4  }
0x16a: {  	v3 =	vsub.s32 v3, v1  }
0x16b: {  	v3 =	vmin.u32 v3, $0x700  }
0x16c: {  	[tilespmem:$0x1BC40] =	vst v3  }
0x16d: {  	v3 =	vld [tilespmem:s6+$0x5C50];
	_ =	sdelay $0x4  }
0x16e: {  	v3 =	vsub.s32 v3, v1  }
0x16f: {  	v3 =	vmin.u32 v3, $0x700  }
0x170: {  	[tilespmem:$0x1BC50] =	vst v3  }
0x171: {  	v3 =	vld [tilespmem:s6+$0x5C60];
	_ =	sdelay $0x4  }
0x172: {  	v3 =	vsub.s32 v3, v1  }
0x173: {  	v3 =	vmin.u32 v3, $0x700  }
0x174: {  	[tilespmem:$0x1BC60] =	vst v3  }
0x175: {  	v3 =	vld [tilespmem:s6+$0x5C70];
	_ =	sdelay $0x4  }
0x176: {  	v3 =	vsub.s32 v3, v1  }
0x177: {  	v3 =	vmin.u32 v3, $0x700  }
0x178: {  	[tilespmem:$0x1BC70] =	vst v3  }
0x179: {  	_ =	swait.ge [sflag:s21], $0x4000  }
0x17a: {  	[sflag:s21] =	ssyncset.done $0x0  }
0x17b: {  	[sflag:s21] =	ssyncadd.s32 $0xFFFFC000  }
0x17c: {  	_ =	swait.ge [sflag:s22], $0x4000  }
0x17d: {  	[sflag:s22] =	ssyncset.done $0x0  }
0x17e: {  	s18 =	simm.s32 $0x0;
	[sflag:s22] =	ssyncadd.s32 $0xFFFFC000  }
0x17f: {  	v10 =	vld [tilespmem:s18+$0xF800]  }
0x180: {  	v14 =	vld [tilespmem:s18+$0xF810]  }
0x181: {  	v8 =	vld [tilespmem:s18+$0xF820]  }
0x182: {  	v7 =	vld [tilespmem:s18+$0xF830]  }
0x183: {  	v6 =	vld [tilespmem:s18+$0xF840]  }
0x184: {  	v5 =	vld [tilespmem:s18+$0xF850]  }
0x185: {  	v4 =	vld [tilespmem:s18+$0xF860]  }
0x186: {  	v3 =	vld [tilespmem:s18+$0xF870]  }
0x187: {  	v15 =	vld [tilespmem:s18+$0x17800]  }
0x188: {  	v16 =	vld [tilespmem:s18+$0x17810]  }
0x189: {  	v13 =	vld [tilespmem:s18+$0x17820]  }
0x18a: {  	v12 =	vld [tilespmem:s18+$0x17830]  }
0x18b: {  	v11 =	vld [tilespmem:s18+$0x17840]  }
0x18c: {  	v9 =	vld [tilespmem:s18+$0x17850];
	v15 =	vmul.f32 v10, v15  }
0x18d: {  	s20 =	simm.s32 $0x200;
	v14 =	vmul.f32 v14, v16;
	v10 =	vld [tilespmem:s18+$0x17860]  }
.LBB2_19:
0x18e: {  	s6 =	sshra.s32 s20, $0x2;
	p2 =	sne.s32 s20, $0xFE00;
	[tilespmem:s18+$0x17800] =	vst v15;
	v8 =	vmul.f32 v8, v13;
	v13 =	vld [tilespmem:s18+$0x17870]  }
0x18f: {  	v15 =	vld [tilespmem:s6+$0xF800];
	[tilespmem:s18+$0x17810] =	vst v14;
	v7 =	vmul.f32 v7, v12  }
0x190: {  	v14 =	vld [tilespmem:s6+$0xF810];
	[tilespmem:s18+$0x17820] =	vst v8;
	v6 =	vmul.f32 v6, v11  }
0x191: {  	v8 =	vld [tilespmem:s6+$0xF820];
	[tilespmem:s18+$0x17830] =	vst v7;
	v5 =	vmul.f32 v5, v9  }
0x192: {  	v7 =	vld [tilespmem:s6+$0xF830];
	[tilespmem:s18+$0x17840] =	vst v6;
	v4 =	vmul.f32 v4, v10  }
0x193: {  	v6 =	vld [tilespmem:s6+$0xF840];
	[tilespmem:s18+$0x17850] =	vst v5;
	v3 =	vmul.f32 v3, v13  }
0x194: {  	v5 =	vld [tilespmem:s6+$0xF850];
	[tilespmem:s18+$0x17860] =	vst v4  }
0x195: {  	v4 =	vld [tilespmem:s6+$0xF860];
	[tilespmem:s18+$0x17870] =	vst v3;
	s18 =	smov.u32 s6  }
0x196: {  	v3 =	vld [tilespmem:s18+$0xF870]  }
0x197: {  	v9 =	vld [tilespmem:s18+$0x17800]  }
0x198: {  	v10 =	vld [tilespmem:s18+$0x17810]  }
.Ltmp17:
0x199: {  	v13 =	vld [tilespmem:s18+$0x17820];
	(pc) =	sbr.rel @p2 .LBB2_19-.Ltmp17, $4  }
0x19a: {  	v12 =	vld [tilespmem:s18+$0x17830]  }
0x19b: {  	v11 =	vld [tilespmem:s18+$0x17840]  }
0x19c: {  	v15 =	vmul.f32 v15, v9;
	v9 =	vld [tilespmem:s18+$0x17850]  }
0x19d: {  	s20 =	sadd.s32 $0x200, s20;
	v14 =	vmul.f32 v14, v10;
	v10 =	vld [tilespmem:s18+$0x17860]  }
0x19e: {  	[tilespmem:s18+$0x17800] =	vst v15;
	v8 =	vmul.f32 v8, v13;
	v63 =	vld [tilespmem:s18+$0x17870]  }
0x19f: {  	[tilespmem:s18+$0x17810] =	vst v14;
	v7 =	vmul.f32 v7, v12  }
0x1a0: {  	[tilespmem:s18+$0x17820] =	vst v8;
	v6 =	vmul.f32 v6, v11  }
0x1a1: {  	[tilespmem:s18+$0x17830] =	vst v7;
	v5 =	vmul.f32 v5, v9  }
.Ltmp18:
0x1a2: {  	[tilespmem:s18+$0x17840] =	vst v6;
	v4 =	vmul.f32 v4, v10;
	(pc) =	sbr.rel .LBB2_25-.Ltmp18, $4  }
0x1a3: {  	[tilespmem:s18+$0x17850] =	vst v5;
	v3 =	vmul.f32 v3, v63  }
0x1a4: {  	[tilespmem:s18+$0x17860] =	vst v4  }
0x1a5: {  	s16 =	simm.s32 $0x6;
	[tilespmem:s18+$0x17870] =	vst v3  }
0x1a6: {  	[spmem:s2] =	stream.indirect.scatter.add.f32 [tilespmem:s25], [sflag:$0x6], $0x80, s24, s23, $0xb8;
	[tilespmem:$0x1FC80] =	vst v63  }
.LBB2_21:
0x1a7: {  	s6 =	sshll.u32 @!p2 s16, $0x9  }
0x1a8: {  	s7 =	simm.s32 @!p2 $0x80;
	s16 =	simm.s32 @!p2 $0x17800;
	s6 =	sshra.s32 @!p2 s6, $0x2  }
0x1a9: {  	[tilespmem:s16], [sflag:$0x2] =	stream.indirect.gather @!p2 [hbm4b:s1+s7], $0x80, s6, s7, $0xb8;
	[tilespmem:$0x1FC80] =	vst v63  }
0x1aa: {  	s6 =	sand.u32 @!p2 $0x1FFFF800, s20  }
0x1ab: {  	s7 =	simm.s32 @!p2 $0x0;
	s16 =	simm.s32 @!p2 $0xF800;
	s6 =	sadd.s32 @!p2 s5, s6  }
0x1ac: {  	[tilespmem:s16], [sflag:$0x4] =	stream.linear.gather @!p2 [hbm4b:s6+s7], $0x4000, $0x38;
	[tilespmem:$0x1FC80] =	vst v63  }
0x1ad: {  	p2 =	sle.s32 s18, s12  }
.Ltmp19:
0x1ae: {  	_ = 	snop;
	(pc) =	sbr.rel @p2 .LBB2_26-.Ltmp19, $1  }
0x1af: {  	_ =	sdelay $0x3  }
0x1b0: {  	s6 =	sadd.s32 s15, s18  }
0x1b1: {  	s6 =	sshll.u32 s6, $0x9  }
0x1b2: {  	s6 =	sshra.s32 s6, $0x2  }
0x1b3: {  	v3 =	vld [tilespmem:s6+$0x5C00];
	_ =	sdelay $0x4  }
0x1b4: {  	v3 =	vsub.s32 v3, v1  }
0x1b5: {  	v3 =	vmin.u32 v3, $0x700  }
0x1b6: {  	[tilespmem:$0x1B800] =	vst v3  }
0x1b7: {  	v3 =	vld [tilespmem:s6+$0x5C10];
	_ =	sdelay $0x4  }
0x1b8: {  	v3 =	vsub.s32 v3, v1  }
0x1b9: {  	v3 =	vmin.u32 v3, $0x700  }
0x1ba: {  	[tilespmem:$0x1B810] =	vst v3  }
0x1bb: {  	v3 =	vld [tilespmem:s6+$0x5C20];
	_ =	sdelay $0x4  }
0x1bc: {  	v3 =	vsub.s32 v3, v1  }
0x1bd: {  	v3 =	vmin.u32 v3, $0x700  }
0x1be: {  	[tilespmem:$0x1B820] =	vst v3  }
0x1bf: {  	v3 =	vld [tilespmem:s6+$0x5C30];
	_ =	sdelay $0x4  }
0x1c0: {  	v3 =	vsub.s32 v3, v1  }
0x1c1: {  	v3 =	vmin.u32 v3, $0x700  }
0x1c2: {  	[tilespmem:$0x1B830] =	vst v3  }
0x1c3: {  	v3 =	vld [tilespmem:s6+$0x5C40];
	_ =	sdelay $0x4  }
0x1c4: {  	v3 =	vsub.s32 v3, v1  }
0x1c5: {  	v3 =	vmin.u32 v3, $0x700  }
0x1c6: {  	[tilespmem:$0x1B840] =	vst v3  }
0x1c7: {  	v3 =	vld [tilespmem:s6+$0x5C50];
	_ =	sdelay $0x4  }
0x1c8: {  	v3 =	vsub.s32 v3, v1  }
0x1c9: {  	v3 =	vmin.u32 v3, $0x700  }
0x1ca: {  	[tilespmem:$0x1B850] =	vst v3  }
0x1cb: {  	v3 =	vld [tilespmem:s6+$0x5C60];
	_ =	sdelay $0x4  }
0x1cc: {  	v3 =	vsub.s32 v3, v1  }
0x1cd: {  	v3 =	vmin.u32 v3, $0x700  }
0x1ce: {  	[tilespmem:$0x1B860] =	vst v3  }
0x1cf: {  	v3 =	vld [tilespmem:s6+$0x5C70];
	_ =	sdelay $0x4  }
0x1d0: {  	v3 =	vsub.s32 v3, v1  }
0x1d1: {  	v3 =	vmin.u32 v3, $0x700  }
0x1d2: {  	[tilespmem:$0x1B870] =	vst v3  }
0x1d3: {  	_ =	swait.ge [sflag:s26], $0x4000  }
0x1d4: {  	[sflag:s26] =	ssyncset.done $0x0  }
0x1d5: {  	[sflag:s26] =	ssyncadd.s32 $0xFFFFC000  }
0x1d6: {  	_ =	swait.ge [sflag:s28], $0x4000  }
0x1d7: {  	[sflag:s28] =	ssyncset.done $0x0  }
0x1d8: {  	s18 =	simm.s32 $0x0;
	[sflag:s28] =	ssyncadd.s32 $0xFFFFC000  }
0x1d9: {  	v10 =	vld [tilespmem:s18+$0xB800]  }
0x1da: {  	v14 =	vld [tilespmem:s18+$0xB810]  }
0x1db: {  	v8 =	vld [tilespmem:s18+$0xB820]  }
0x1dc: {  	v7 =	vld [tilespmem:s18+$0xB830]  }
0x1dd: {  	v6 =	vld [tilespmem:s18+$0xB840]  }
0x1de: {  	v5 =	vld [tilespmem:s18+$0xB850]  }
0x1df: {  	v4 =	vld [tilespmem:s18+$0xB860]  }
0x1e0: {  	v3 =	vld [tilespmem:s18+$0xB870]  }
0x1e1: {  	v15 =	vld [tilespmem:s18+$0x13800]  }
0x1e2: {  	v16 =	vld [tilespmem:s18+$0x13810]  }
0x1e3: {  	v13 =	vld [tilespmem:s18+$0x13820]  }
0x1e4: {  	v12 =	vld [tilespmem:s18+$0x13830]  }
0x1e5: {  	v11 =	vld [tilespmem:s18+$0x13840]  }
0x1e6: {  	v9 =	vld [tilespmem:s18+$0x13850];
	v15 =	vmul.f32 v10, v15  }
0x1e7: {  	s20 =	simm.s32 $0x200;
	v14 =	vmul.f32 v14, v16;
	v10 =	vld [tilespmem:s18+$0x13860]  }
.LBB2_23:
0x1e8: {  	s6 =	sshra.s32 s20, $0x2;
	p2 =	sne.s32 s20, $0xFE00;
	[tilespmem:s18+$0x13800] =	vst v15;
	v8 =	vmul.f32 v8, v13;
	v13 =	vld [tilespmem:s18+$0x13870]  }
0x1e9: {  	v7 =	vmul.f32 v7, v12;
	v15 =	vld [tilespmem:s6+$0xB800];
	[tilespmem:s18+$0x13810] =	vst v14  }
0x1ea: {  	v6 =	vmul.f32 v6, v11;
	v14 =	vld [tilespmem:s6+$0xB810];
	[tilespmem:s18+$0x13820] =	vst v8  }
0x1eb: {  	v5 =	vmul.f32 v5, v9;
	v8 =	vld [tilespmem:s6+$0xB820];
	[tilespmem:s18+$0x13830] =	vst v7  }
0x1ec: {  	v4 =	vmul.f32 v4, v10;
	v7 =	vld [tilespmem:s6+$0xB830];
	[tilespmem:s18+$0x13840] =	vst v6  }
0x1ed: {  	v6 =	vld [tilespmem:s6+$0xB840];
	[tilespmem:s18+$0x13850] =	vst v5;
	v3 =	vmul.f32 v3, v13  }
0x1ee: {  	v5 =	vld [tilespmem:s6+$0xB850];
	[tilespmem:s18+$0x13860] =	vst v4  }
0x1ef: {  	v4 =	vld [tilespmem:s6+$0xB860];
	[tilespmem:s18+$0x13870] =	vst v3;
	s18 =	smov.u32 s6  }
0x1f0: {  	v3 =	vld [tilespmem:s18+$0xB870]  }
0x1f1: {  	v9 =	vld [tilespmem:s18+$0x13800]  }
0x1f2: {  	v10 =	vld [tilespmem:s18+$0x13810]  }
.Ltmp20:
0x1f3: {  	v13 =	vld [tilespmem:s18+$0x13820];
	(pc) =	sbr.rel @p2 .LBB2_23-.Ltmp20, $4  }
0x1f4: {  	v12 =	vld [tilespmem:s18+$0x13830]  }
0x1f5: {  	v11 =	vld [tilespmem:s18+$0x13840]  }
0x1f6: {  	v15 =	vmul.f32 v15, v9;
	v9 =	vld [tilespmem:s18+$0x13850]  }
0x1f7: {  	s20 =	sadd.s32 $0x200, s20;
	v14 =	vmul.f32 v14, v10;
	v10 =	vld [tilespmem:s18+$0x13860]  }
.Ltmp21:
0x1f8: {  	_ = 	snop;
	(pc) =	sbr.rel .LBB2_24-.Ltmp21, $1  }
0x1f9: {  	_ =	sdelay $0x3  }
.LBB2_27:
0x1fa: {  	[bflag:$0x0] =	sbarrier.arrive $0xFFFF  }
0x1fb: {  	s6 =	rddreg [dreg:$0xb]  }
0x1fc: {  	[hbm:s6], [sflag:s0] =	dma.local [spmem:s9], $0x700  }
0x1fd: {  	_ =	swait.ge [sflag:s19], $0x700  }
0x1fe: {  	[sflag:s19] =	ssyncset.done $0x0  }
0x1ff: {  	[sflag:s19] =	ssyncadd.s32 $0xFFFFF900  }
0x200: {  	[bflag:$0x0] =	sbarrier.arrive $0xFFFF  }
0x201: {  	s7 =	simm.s32 $0x1FC00;
	s14 =	rddreg [dreg:$0xc]  }
0x202: {  	[tilespmem:s7], [sflag:$0x5] =	stream.linear.gather [hbm4b:s14+s3], $0x80, $0x38;
	[tilespmem:$0x1FC80] =	vst v63  }
0x203: {  	_ =	swait.ge [sflag:s19], $0x80  }
0x204: {  	[sflag:s19] =	ssyncset.done $0x0  }
0x205: {  	[sflag:s19] =	ssyncadd.s32 $0xFFFFFF80  }
0x206: {  	v3 =	vld [tilespmem:$0x1FC00];
	_ =	sdelay $0x4  }
0x207: {  	(v2sf) =	vpush v3, $0x0  }
0x208: {  	(v2sf) =	vpush v3, $0x1  }
0x209: {  	(v2sf) =	vpush v3, $0x2;
	_ =	sdelay $0xc  }
0x20a: {  	s9 =	spop (v2sf)  }
0x20b: {  	s10 =	spop (v2sf)  }
0x20c: {  	s12 =	spop (v2sf)  }
0x20d: {  	[spmem:s4], [sflag:s0] =	dma.local [hbm:s8], $0x780  }
0x20e: {  	s15 =	sshll.u32 s9, $0x4;
	_ =	swait.ge [sflag:s19], $0x780  }
0x20f: {  	s4 =	sand.u32 $0xFFFFF80, s15;
	[sflag:s19] =	ssyncset.done $0x0;
	s16 =	rddreg [dreg:$0x5]  }
0x210: {  	[sflag:s19] =	ssyncadd.s32 $0xFFFFF880;
	s6 =	sadd.s32 s16, s4  }
0x211: {  	[tilespmem:s3], [sflag:$0x5] =	stream.linear.gather [hbm4b:s6+s3], $0x5C00, $0x38;
	[tilespmem:$0x1FC80] =	vst v63  }
0x212: {  	_ =	swait.ge [sflag:s19], $0x5C00  }
0x213: {  	s18 =	simm.s32 $0x5C00;
	[sflag:s19] =	ssyncset.done $0x0;
	s17 =	rddreg [dreg:$0x6]  }
0x214: {  	s20 =	ssub.s32 s12, s10;
	[sflag:s19] =	ssyncadd.s32 $0xFFFFA400;
	s4 =	sadd.s32 s17, s4  }
0x215: {  	[tilespmem:s18], [sflag:$0x5] =	stream.linear.gather [hbm4b:s4+s3], $0x5C00, $0x38;
	[tilespmem:$0x1FC80] =	vst v63  }
0x216: {  	s4 =	sadd.s32 $0x1, s20  }
0x217: {  	p2 =	slt.s32 s4, $0x1  }
.Ltmp22:
0x218: {  	_ =	swait.ge [sflag:s19], $0x5C00;
	(pc) =	sbr.rel @p2 .LBB2_40-.Ltmp22, $3  }
0x219: {  	[sflag:s19] =	ssyncset.done $0x0  }
0x21a: {  	[sflag:s19] =	ssyncadd.s32 $0xFFFFA400  }
0x21b: {  	[bflag:$0x0] =	sbarrier.arrive $0xFFFF;
	_ =	sdelay $0x1  }
.Ltmp23:
0x21c: {  	(pc) =	sbr.rel .LBB2_29-.Ltmp23, $2  }
0x21d: {  	_ =	sdelay $0x2  }
0x21e: {  	s13 =	sxor.u32 $0xFFFFFFFF, s9;
	s14 =	simm.s32 $0x0  }
.LBB2_37:
0x21f: {  	[tilespmem:s15+$0x13800] =	vst v15;
	v8 =	vmul.f32 v8, v13;
	v63 =	vld [tilespmem:s15+$0x13870]  }
0x220: {  	[tilespmem:s15+$0x13810] =	vst v14;
	v7 =	vmul.f32 v7, v12  }
0x221: {  	v6 =	vmul.f32 v6, v11;
	[tilespmem:s15+$0x13820] =	vst v8  }
0x222: {  	v5 =	vmul.f32 v5, v9;
	[tilespmem:s15+$0x13830] =	vst v7  }
0x223: {  	v4 =	vmul.f32 v4, v10;
	[tilespmem:s15+$0x13840] =	vst v6  }
0x224: {  	[tilespmem:s15+$0x13850] =	vst v5;
	v3 =	vmul.f32 v3, v63  }
0x225: {  	[tilespmem:s15+$0x13860] =	vst v4  }
0x226: {  	[tilespmem:s15+$0x13870] =	vst v3;
	s15 =	simm.s32 $0x5  }
0x227: {  	[spmem:s2] =	stream.indirect.scatter.add.f32 [tilespmem:s30], [sflag:$0x5], $0x80, s29, s23, $0xb8;
	[tilespmem:$0x1FC80] =	vst v63  }
.LBB2_38:
0x228: {  	_ =	swait.ge [sflag:s15], $0x4000  }
0x229: {  	[sflag:s15] =	ssyncset.done $0x0  }
0x22a: {  	[sflag:s15] =	ssyncadd.s32 $0xFFFFC000  }
.LBB2_39:
0x22b: {  	s14 =	sadd.s32 $0x1, s14  }
0x22c: {  	p2 =	sne.s32 s14, s4  }
.Ltmp24:
0x22d: {  	_ = 	snop;
	(pc) =	sbr.rel @!p2 .LBB2_40-.Ltmp24, $1  }
0x22e: {  	_ =	sdelay $0x3  }
.LBB2_29:
0x22f: {  	s15 =	sadd.s32 s10, s14  }
0x230: {  	s6 =	sand.u32 $0x1, s15  }
0x231: {  	p3 =	seq.s32 s6, $0x1  }
.Ltmp25:
0x232: {  	_ = 	snop;
	(pc) =	sbr.rel @p3 .LBB2_34-.Ltmp25, $3  }
0x233: {  	_ =	sdelay $0x1  }
0x234: {  	p2 =	sge.s32 s15, s12  }
0x235: {  	s18 =	ssub.s32 @!p2 s15, s9;
	s17 =	sshll.u32 @!p2 s15, $0xB  }
0x236: {  	s6 =	sshll.u32 @!p2 s18, $0x9  }
0x237: {  	s7 =	simm.s32 @!p2 $0x80;
	s16 =	simm.s32 @!p2 $0x13800;
	s6 =	sshra.s32 @!p2 s6, $0x2  }
0x238: {  	[tilespmem:s16], [sflag:$0x1] =	stream.indirect.gather @!p2 [hbm4b:s1+s7], $0x80, s6, s7, $0xb8;
	[tilespmem:$0x1FC80] =	vst v63  }
0x239: {  	s15 =	sadd.s32 $0xFFFFFFFF, s15;
	s6 =	sand.u32 @!p2 $0x1FFFF000, s17  }
0x23a: {  	s7 =	simm.s32 @!p2 $0x0;
	s16 =	simm.s32 @!p2 $0xB800;
	s6 =	sadd.s32 @!p2 s5, s6  }
0x23b: {  	[tilespmem:s16], [sflag:$0x3] =	stream.linear.gather @!p2 [hbm4b:s6+s7], $0x4000, $0x38;
	[tilespmem:$0x1FC80] =	vst v63  }
0x23c: {  	p2 =	slt.s32 s15, s10  }
.Ltmp26:
0x23d: {  	_ = 	snop;
	(pc) =	sbr.rel @p2 .LBB2_39-.Ltmp26, $1  }
0x23e: {  	_ =	sdelay $0x3  }
0x23f: {  	s6 =	ssub.s32 s15, s9  }
0x240: {  	s6 =	sshll.u32 s6, $0x9  }
0x241: {  	s6 =	sshra.s32 s6, $0x2  }
0x242: {  	v3 =	vld [tilespmem:s6+$0x5C00];
	_ =	sdelay $0x4  }
0x243: {  	v3 =	vsub.s32 v3, v2  }
0x244: {  	v3 =	vmin.u32 v3, $0x700  }
0x245: {  	[tilespmem:$0x1BC00] =	vst v3  }
0x246: {  	v3 =	vld [tilespmem:s6+$0x5C10];
	_ =	sdelay $0x4  }
0x247: {  	v3 =	vsub.s32 v3, v2  }
0x248: {  	v3 =	vmin.u32 v3, $0x700  }
0x249: {  	[tilespmem:$0x1BC10] =	vst v3  }
0x24a: {  	v3 =	vld [tilespmem:s6+$0x5C20];
	_ =	sdelay $0x4  }
0x24b: {  	v3 =	vsub.s32 v3, v2  }
0x24c: {  	v3 =	vmin.u32 v3, $0x700  }
0x24d: {  	[tilespmem:$0x1BC20] =	vst v3  }
0x24e: {  	v3 =	vld [tilespmem:s6+$0x5C30];
	_ =	sdelay $0x4  }
0x24f: {  	v3 =	vsub.s32 v3, v2  }
0x250: {  	v3 =	vmin.u32 v3, $0x700  }
0x251: {  	[tilespmem:$0x1BC30] =	vst v3  }
0x252: {  	v3 =	vld [tilespmem:s6+$0x5C40];
	_ =	sdelay $0x4  }
0x253: {  	v3 =	vsub.s32 v3, v2  }
0x254: {  	v3 =	vmin.u32 v3, $0x700  }
0x255: {  	[tilespmem:$0x1BC40] =	vst v3  }
0x256: {  	v3 =	vld [tilespmem:s6+$0x5C50];
	_ =	sdelay $0x4  }
0x257: {  	v3 =	vsub.s32 v3, v2  }
0x258: {  	v3 =	vmin.u32 v3, $0x700  }
0x259: {  	[tilespmem:$0x1BC50] =	vst v3  }
0x25a: {  	v3 =	vld [tilespmem:s6+$0x5C60];
	_ =	sdelay $0x4  }
0x25b: {  	v3 =	vsub.s32 v3, v2  }
0x25c: {  	v3 =	vmin.u32 v3, $0x700  }
0x25d: {  	[tilespmem:$0x1BC60] =	vst v3  }
0x25e: {  	v3 =	vld [tilespmem:s6+$0x5C70];
	_ =	sdelay $0x4  }
0x25f: {  	v3 =	vsub.s32 v3, v2  }
0x260: {  	v3 =	vmin.u32 v3, $0x700  }
0x261: {  	[tilespmem:$0x1BC70] =	vst v3  }
0x262: {  	_ =	swait.ge [sflag:s21], $0x4000  }
0x263: {  	[sflag:s21] =	ssyncset.done $0x0  }
0x264: {  	[sflag:s21] =	ssyncadd.s32 $0xFFFFC000  }
0x265: {  	_ =	swait.ge [sflag:s22], $0x4000  }
0x266: {  	[sflag:s22] =	ssyncset.done $0x0  }
0x267: {  	s15 =	simm.s32 $0x0;
	[sflag:s22] =	ssyncadd.s32 $0xFFFFC000  }
0x268: {  	v10 =	vld [tilespmem:s15+$0xF800]  }
0x269: {  	v14 =	vld [tilespmem:s15+$0xF810]  }
0x26a: {  	v8 =	vld [tilespmem:s15+$0xF820]  }
0x26b: {  	v7 =	vld [tilespmem:s15+$0xF830]  }
0x26c: {  	v6 =	vld [tilespmem:s15+$0xF840]  }
0x26d: {  	v5 =	vld [tilespmem:s15+$0xF850]  }
0x26e: {  	v4 =	vld [tilespmem:s15+$0xF860]  }
0x26f: {  	v3 =	vld [tilespmem:s15+$0xF870]  }
0x270: {  	v15 =	vld [tilespmem:s15+$0x17800]  }
0x271: {  	v16 =	vld [tilespmem:s15+$0x17810]  }
0x272: {  	v13 =	vld [tilespmem:s15+$0x17820]  }
0x273: {  	v12 =	vld [tilespmem:s15+$0x17830]  }
0x274: {  	v11 =	vld [tilespmem:s15+$0x17840]  }
0x275: {  	v9 =	vld [tilespmem:s15+$0x17850];
	v15 =	vmul.f32 v10, v15  }
0x276: {  	s17 =	simm.s32 $0x200;
	v14 =	vmul.f32 v14, v16;
	v10 =	vld [tilespmem:s15+$0x17860]  }
.LBB2_32:
0x277: {  	s6 =	sshra.s32 s17, $0x2;
	p2 =	sne.s32 s17, $0xFE00;
	[tilespmem:s15+$0x17800] =	vst v15;
	v8 =	vmul.f32 v8, v13;
	v13 =	vld [tilespmem:s15+$0x17870]  }
0x278: {  	v15 =	vld [tilespmem:s6+$0xF800];
	[tilespmem:s15+$0x17810] =	vst v14;
	v7 =	vmul.f32 v7, v12  }
0x279: {  	v14 =	vld [tilespmem:s6+$0xF810];
	[tilespmem:s15+$0x17820] =	vst v8;
	v6 =	vmul.f32 v6, v11  }
0x27a: {  	v8 =	vld [tilespmem:s6+$0xF820];
	[tilespmem:s15+$0x17830] =	vst v7;
	v5 =	vmul.f32 v5, v9  }
0x27b: {  	v7 =	vld [tilespmem:s6+$0xF830];
	[tilespmem:s15+$0x17840] =	vst v6;
	v4 =	vmul.f32 v4, v10  }
0x27c: {  	v6 =	vld [tilespmem:s6+$0xF840];
	[tilespmem:s15+$0x17850] =	vst v5;
	v3 =	vmul.f32 v3, v13  }
0x27d: {  	v5 =	vld [tilespmem:s6+$0xF850];
	[tilespmem:s15+$0x17860] =	vst v4  }
0x27e: {  	v4 =	vld [tilespmem:s6+$0xF860];
	[tilespmem:s15+$0x17870] =	vst v3;
	s15 =	smov.u32 s6  }
0x27f: {  	v3 =	vld [tilespmem:s15+$0xF870]  }
0x280: {  	v9 =	vld [tilespmem:s15+$0x17800]  }
0x281: {  	v10 =	vld [tilespmem:s15+$0x17810]  }
.Ltmp27:
0x282: {  	v13 =	vld [tilespmem:s15+$0x17820];
	(pc) =	sbr.rel @p2 .LBB2_32-.Ltmp27, $4  }
0x283: {  	v12 =	vld [tilespmem:s15+$0x17830]  }
0x284: {  	v11 =	vld [tilespmem:s15+$0x17840]  }
0x285: {  	v15 =	vmul.f32 v15, v9;
	v9 =	vld [tilespmem:s15+$0x17850]  }
0x286: {  	s17 =	sadd.s32 $0x200, s17;
	v14 =	vmul.f32 v14, v10;
	v10 =	vld [tilespmem:s15+$0x17860]  }
0x287: {  	[tilespmem:s15+$0x17800] =	vst v15;
	v8 =	vmul.f32 v8, v13;
	v63 =	vld [tilespmem:s15+$0x17870]  }
0x288: {  	[tilespmem:s15+$0x17810] =	vst v14;
	v7 =	vmul.f32 v7, v12  }
0x289: {  	[tilespmem:s15+$0x17820] =	vst v8;
	v6 =	vmul.f32 v6, v11  }
0x28a: {  	[tilespmem:s15+$0x17830] =	vst v7;
	v5 =	vmul.f32 v5, v9  }
.Ltmp28:
0x28b: {  	[tilespmem:s15+$0x17840] =	vst v6;
	v4 =	vmul.f32 v4, v10;
	(pc) =	sbr.rel .LBB2_38-.Ltmp28, $4  }
0x28c: {  	[tilespmem:s15+$0x17850] =	vst v5;
	v3 =	vmul.f32 v3, v63  }
0x28d: {  	[tilespmem:s15+$0x17860] =	vst v4  }
0x28e: {  	[tilespmem:s15+$0x17870] =	vst v3;
	s15 =	simm.s32 $0x6  }
0x28f: {  	[spmem:s2] =	stream.indirect.scatter.add.f32 [tilespmem:s25], [sflag:$0x6], $0x80, s24, s23, $0xb8;
	[tilespmem:$0x1FC80] =	vst v63  }
.LBB2_34:
0x290: {  	s6 =	sshll.u32 @!p2 s18, $0x9  }
0x291: {  	s7 =	simm.s32 @!p2 $0x80;
	s16 =	simm.s32 @!p2 $0x17800;
	s6 =	sshra.s32 @!p2 s6, $0x2  }
0x292: {  	[tilespmem:s16], [sflag:$0x2] =	stream.indirect.gather @!p2 [hbm4b:s1+s7], $0x80, s6, s7, $0xb8;
	[tilespmem:$0x1FC80] =	vst v63  }
0x293: {  	s6 =	sand.u32 @!p2 $0x1FFFF800, s17  }
0x294: {  	s7 =	simm.s32 @!p2 $0x0;
	s16 =	simm.s32 @!p2 $0xF800;
	s6 =	sadd.s32 @!p2 s5, s6  }
0x295: {  	[tilespmem:s16], [sflag:$0x4] =	stream.linear.gather @!p2 [hbm4b:s6+s7], $0x4000, $0x38;
	[tilespmem:$0x1FC80] =	vst v63  }
0x296: {  	p2 =	sle.s32 s15, s10  }
.Ltmp29:
0x297: {  	_ = 	snop;
	(pc) =	sbr.rel @p2 .LBB2_39-.Ltmp29, $1  }
0x298: {  	_ =	sdelay $0x3  }
0x299: {  	s6 =	sadd.s32 s13, s15  }
0x29a: {  	s6 =	sshll.u32 s6, $0x9  }
0x29b: {  	s6 =	sshra.s32 s6, $0x2  }
0x29c: {  	v3 =	vld [tilespmem:s6+$0x5C00];
	_ =	sdelay $0x4  }
0x29d: {  	v3 =	vsub.s32 v3, v2  }
0x29e: {  	v3 =	vmin.u32 v3, $0x700  }
0x29f: {  	[tilespmem:$0x1B800] =	vst v3  }
0x2a0: {  	v3 =	vld [tilespmem:s6+$0x5C10];
	_ =	sdelay $0x4  }
0x2a1: {  	v3 =	vsub.s32 v3, v2  }
0x2a2: {  	v3 =	vmin.u32 v3, $0x700  }
0x2a3: {  	[tilespmem:$0x1B810] =	vst v3  }
0x2a4: {  	v3 =	vld [tilespmem:s6+$0x5C20];
	_ =	sdelay $0x4  }
0x2a5: {  	v3 =	vsub.s32 v3, v2  }
0x2a6: {  	v3 =	vmin.u32 v3, $0x700  }
0x2a7: {  	[tilespmem:$0x1B820] =	vst v3  }
0x2a8: {  	v3 =	vld [tilespmem:s6+$0x5C30];
	_ =	sdelay $0x4  }
0x2a9: {  	v3 =	vsub.s32 v3, v2  }
0x2aa: {  	v3 =	vmin.u32 v3, $0x700  }
0x2ab: {  	[tilespmem:$0x1B830] =	vst v3  }
0x2ac: {  	v3 =	vld [tilespmem:s6+$0x5C40];
	_ =	sdelay $0x4  }
0x2ad: {  	v3 =	vsub.s32 v3, v2  }
0x2ae: {  	v3 =	vmin.u32 v3, $0x700  }
0x2af: {  	[tilespmem:$0x1B840] =	vst v3  }
0x2b0: {  	v3 =	vld [tilespmem:s6+$0x5C50];
	_ =	sdelay $0x4  }
0x2b1: {  	v3 =	vsub.s32 v3, v2  }
0x2b2: {  	v3 =	vmin.u32 v3, $0x700  }
0x2b3: {  	[tilespmem:$0x1B850] =	vst v3  }
0x2b4: {  	v3 =	vld [tilespmem:s6+$0x5C60];
	_ =	sdelay $0x4  }
0x2b5: {  	v3 =	vsub.s32 v3, v2  }
0x2b6: {  	v3 =	vmin.u32 v3, $0x700  }
0x2b7: {  	[tilespmem:$0x1B860] =	vst v3  }
0x2b8: {  	v3 =	vld [tilespmem:s6+$0x5C70];
	_ =	sdelay $0x4  }
0x2b9: {  	v3 =	vsub.s32 v3, v2  }
0x2ba: {  	v3 =	vmin.u32 v3, $0x700  }
0x2bb: {  	[tilespmem:$0x1B870] =	vst v3  }
0x2bc: {  	_ =	swait.ge [sflag:s26], $0x4000  }
0x2bd: {  	[sflag:s26] =	ssyncset.done $0x0  }
0x2be: {  	[sflag:s26] =	ssyncadd.s32 $0xFFFFC000  }
0x2bf: {  	_ =	swait.ge [sflag:s28], $0x4000  }
0x2c0: {  	[sflag:s28] =	ssyncset.done $0x0  }
0x2c1: {  	s15 =	simm.s32 $0x0;
	[sflag:s28] =	ssyncadd.s32 $0xFFFFC000  }
0x2c2: {  	v10 =	vld [tilespmem:s15+$0xB800]  }
0x2c3: {  	v14 =	vld [tilespmem:s15+$0xB810]  }
0x2c4: {  	v8 =	vld [tilespmem:s15+$0xB820]  }
0x2c5: {  	v7 =	vld [tilespmem:s15+$0xB830]  }
0x2c6: {  	v6 =	vld [tilespmem:s15+$0xB840]  }
0x2c7: {  	v5 =	vld [tilespmem:s15+$0xB850]  }
0x2c8: {  	v4 =	vld [tilespmem:s15+$0xB860]  }
0x2c9: {  	v3 =	vld [tilespmem:s15+$0xB870]  }
0x2ca: {  	v15 =	vld [tilespmem:s15+$0x13800]  }
0x2cb: {  	v16 =	vld [tilespmem:s15+$0x13810]  }
0x2cc: {  	v13 =	vld [tilespmem:s15+$0x13820]  }
0x2cd: {  	v12 =	vld [tilespmem:s15+$0x13830]  }
0x2ce: {  	v11 =	vld [tilespmem:s15+$0x13840]  }
0x2cf: {  	v9 =	vld [tilespmem:s15+$0x13850];
	v15 =	vmul.f32 v10, v15  }
0x2d0: {  	s17 =	simm.s32 $0x200;
	v14 =	vmul.f32 v14, v16;
	v10 =	vld [tilespmem:s15+$0x13860]  }
.LBB2_36:
0x2d1: {  	s6 =	sshra.s32 s17, $0x2;
	p2 =	sne.s32 s17, $0xFE00;
	[tilespmem:s15+$0x13800] =	vst v15;
	v8 =	vmul.f32 v8, v13;
	v13 =	vld [tilespmem:s15+$0x13870]  }
0x2d2: {  	v7 =	vmul.f32 v7, v12;
	v15 =	vld [tilespmem:s6+$0xB800];
	[tilespmem:s15+$0x13810] =	vst v14  }
0x2d3: {  	v6 =	vmul.f32 v6, v11;
	v14 =	vld [tilespmem:s6+$0xB810];
	[tilespmem:s15+$0x13820] =	vst v8  }
0x2d4: {  	v5 =	vmul.f32 v5, v9;
	v8 =	vld [tilespmem:s6+$0xB820];
	[tilespmem:s15+$0x13830] =	vst v7  }
0x2d5: {  	v4 =	vmul.f32 v4, v10;
	v7 =	vld [tilespmem:s6+$0xB830];
	[tilespmem:s15+$0x13840] =	vst v6  }
0x2d6: {  	v6 =	vld [tilespmem:s6+$0xB840];
	[tilespmem:s15+$0x13850] =	vst v5;
	v3 =	vmul.f32 v3, v13  }
0x2d7: {  	v5 =	vld [tilespmem:s6+$0xB850];
	[tilespmem:s15+$0x13860] =	vst v4  }
0x2d8: {  	v4 =	vld [tilespmem:s6+$0xB860];
	[tilespmem:s15+$0x13870] =	vst v3;
	s15 =	smov.u32 s6  }
0x2d9: {  	v3 =	vld [tilespmem:s15+$0xB870]  }
0x2da: {  	v9 =	vld [tilespmem:s15+$0x13800]  }
0x2db: {  	v10 =	vld [tilespmem:s15+$0x13810]  }
.Ltmp30:
0x2dc: {  	v13 =	vld [tilespmem:s15+$0x13820];
	(pc) =	sbr.rel @p2 .LBB2_36-.Ltmp30, $4  }
0x2dd: {  	v12 =	vld [tilespmem:s15+$0x13830]  }
0x2de: {  	v11 =	vld [tilespmem:s15+$0x13840]  }
0x2df: {  	v15 =	vmul.f32 v15, v9;
	v9 =	vld [tilespmem:s15+$0x13850]  }
0x2e0: {  	s17 =	sadd.s32 $0x200, s17;
	v14 =	vmul.f32 v14, v10;
	v10 =	vld [tilespmem:s15+$0x13860]  }
.Ltmp31:
0x2e1: {  	_ = 	snop;
	(pc) =	sbr.rel .LBB2_37-.Ltmp31, $1  }
0x2e2: {  	_ =	sdelay $0x3  }
.LBB2_41:
0x2e3: {  	_ =	sfence.sel $0x180000  }
0x2e4: {  	[bflag:$0x0] =	sbarrier.arrive $0xFFFF  }
0x2e5: {  	_ =	strace $0x90000047  }
0x2e6: {  	s0 =	stileid.u32;
	[bflag:$0x2] =	sbarrier.arrive $0xFFFF  }
0x2e7: {  	p0 =	sne.s32 s0, $0x0;
	s0 =	rddreg [dreg:$0x4]  }
0x2e8: {  	s0 =	sadd.s32 @!p0 $0x100000, s0  }
0x2e9: {  	[sflag:s0] =	ssyncadd.tile.s32 @!p0 $0x1;
	_ =	shalt  }
.Lfunc_end2:
_tile_overlayer_lowered:
.L_overlay_start_2:
0x2ea: {  	(tag) =	ssettag $0x2  }
0x2eb: {  	s0 =	rddreg [dreg:$0x0];
	s2 =	stileid.u32  }
0x2ec: {  	s1 =	rddreg [dreg:$0x1];
	p0 =	sne.s32 s2, $0x0  }
0x2ed: {  	s3 =	rddreg [dreg:$0x2];
	[bflag:$0x3] =	sbarrier.arrive $0xFFFF;
	s2 =	simm.s32 @!p0 $0x1C05  }
0x2ee: {  	[timem:s3], [sflag:s2] =	dma.local @!p0 [hbm:s0], s1  }
0x2ef: {  	s0 =	simm.s32 @!p0 $0x5  }
0x2f0: {  	_ =	swait.ge @!p0 [sflag:s0], s1  }
0x2f1: {  	s1 =	ssub.s32 @!p0 $0x0, s1;
	[sflag:s0] =	ssyncset.done @!p0 $0x0  }
0x2f2: {  	[sflag:s0] =	ssyncadd.s32 @!p0 s1  }
0x2f3: {  	[bflag:$0x3] =	sbarrier.arrive $0xFFFF  }
0x2f4: {  	_ =	shalt  }

</sc_bundles>
